<compile_context>
chip_gen: v7x
topology: tpu7x:2x2x1
jax: 0.10.2.dev20260603
libtpu: 0.0.44.dev20260713+nightly
codegen_flags: <defaults>
</compile_context>

<pallas_src>
import jax
import jax.numpy as jnp
from jax.experimental import pallas as pl


def _ln_relu_body(x_ref, g_ref, b_ref, o_ref):
    x = x_ref[...]
    mu = jnp.mean(x, axis=-1, keepdims=True)
    var = jnp.mean((x - mu) ** 2, axis=-1, keepdims=True)
    y = (x - mu) * jax.lax.rsqrt(var + 1e-5) * g_ref[...] + b_ref[...]
    o_ref[...] = jax.nn.relu(y)


def _ln_relu(x, g, b):
    n = x.shape[0]
    blk = 2000
    return pl.pallas_call(
        _ln_relu_body,
        out_shape=jax.ShapeDtypeStruct(x.shape, x.dtype),
        grid=(n // blk,),
        in_specs=[
            pl.BlockSpec((blk, x.shape[1]), lambda i: (i, 0)),
            pl.BlockSpec((x.shape[1],), lambda i: (0,)),
            pl.BlockSpec((x.shape[1],), lambda i: (0,)),
        ],
        out_specs=pl.BlockSpec((blk, x.shape[1]), lambda i: (i, 0)),
    )(x, g, b)


def _layer_norm(x, gamma, beta, eps=1e-5):
    mu = jnp.mean(x, axis=-1, keepdims=True)
    var = jnp.var(x, axis=-1, keepdims=True)
    return (x - mu) / jnp.sqrt(var + eps) * gamma + beta


def _gen_conv(h, edge_index, t, W1, b1, g1, be1, W2, b2, edge_attr=None):
    N = h.shape[0]
    src = edge_index[0]
    dst = edge_index[1]
    msg = h[src]
    if edge_attr is not None:
        msg = msg + edge_attr
    msg = jax.nn.relu(msg) + 1e-7
    logits = msg * t
    seg_max = jax.ops.segment_max(logits, dst, num_segments=N)
    seg_max = jnp.where(jnp.isfinite(seg_max), seg_max, 0.0)
    ex = jnp.exp(logits - seg_max[dst])
    denom = jax.ops.segment_sum(ex, dst, num_segments=N)
    alpha = ex / (denom[dst] + 1e-16)
    out = jax.ops.segment_sum(msg * alpha, dst, num_segments=N)
    out = out + h
    hh = jnp.dot(out, W1) + b1
    hh = _layer_norm(hh, g1, be1)
    hh = jax.nn.relu(hh)
    hh = jnp.dot(hh, W2) + b2
    return hh


def kernel(v_x, v_edge_index, e_x, e_edge_index, e_norm_g, e_norm_b, e_t, e_W1, e_b1, e_g1, e_be1, e_W2, e_b2, v_norm_g, v_norm_b, v_t, v_W1, v_b1, v_g1, v_be1, v_W2, v_b2):
    h_e = _ln_relu(e_x, e_norm_g, e_norm_b)
    e_out = e_x + _gen_conv(h_e, e_edge_index, e_t, e_W1, e_b1, e_g1, e_be1, e_W2, e_b2)
    h_v = _ln_relu(v_x, v_norm_g, v_norm_b)
    v_out = v_x + _gen_conv(h_v, v_edge_index, v_t, v_W1, v_b1, v_g1, v_be1, v_W2, v_b2, edge_attr=e_out)
    return (v_out, e_out)

# --- scband reference (transcript-rebuilt; emitter-appended) ---
"""Pipeline reference for scband-spdeep-genlayer-19404662243618 (READ-ONLY COPY).

The authoritative reference and input builder live on the scoring server;
editing this copy changes nothing except your own understanding.
"""

import jax, jax.numpy as jnp
import numpy as np

C = 128
H = 256
N_NODES = 10000
N_EDGES_V = 320000
N_EDGES_E = 640000

def layer_norm(x, gamma, beta, eps=1e-5):
    mu = jnp.mean(x, axis=-1, keepdims=True)
    var = jnp.var(x, axis=-1, keepdims=True)
    return (x - mu) / jnp.sqrt(var + eps) * gamma + beta

def gen_conv(x, edge_index, t, W1, b1, g1, be1, W2, b2, edge_attr=None):
    # GENConv(aggr='softmax', learn_t, num_layers=2, norm='layer'), in==out so no lin
    N = x.shape[0]
    src = edge_index[0]
    dst = edge_index[1]
    msg = x[src]
    if edge_attr is not None:
        msg = msg + edge_attr
    msg = jax.nn.relu(msg) + 1e-7
    # softmax aggregation over dst segments with temperature t
    logits = msg * t
    seg_max = jax.ops.segment_max(logits, dst, num_segments=N)
    seg_max = jnp.where(jnp.isfinite(seg_max), seg_max, 0.0)
    ex = jnp.exp(logits - seg_max[dst])
    denom = jax.ops.segment_sum(ex, dst, num_segments=N)
    alpha = ex / (denom[dst] + 1e-16)
    out = jax.ops.segment_sum(msg * alpha, dst, num_segments=N)
    out = out + x  # GENConv root/residual add before MLP
    # MLP [C -> 2C -> C] with LayerNorm+ReLU on hidden, plain last layer
    h = jnp.dot(out, W1) + b1
    h = layer_norm(h, g1, be1)
    h = jax.nn.relu(h)
    h = jnp.dot(h, W2) + b2
    return h

def deep_gcn_res_plus(x, ng, nb, conv_fn):
    # DeepGCNLayer block='res+': norm -> act -> (dropout, eval mode) -> conv -> residual
    h = layer_norm(x, ng, nb)
    h = jax.nn.relu(h)
    h = conv_fn(h)
    return x + h

def setup_inputs(seed: int = 0):
    key = jax.random.key(seed)
    ks = jax.random.split(key, 24)
    inp = {}
    inp['v_x'] = jax.random.normal(ks[0], (N_NODES, C), dtype=jnp.float32)
    inp['v_edge_index'] = jax.random.randint(ks[1], (2, N_EDGES_V), 0, N_NODES, dtype=jnp.int32)
    inp['e_x'] = jax.random.normal(ks[2], (N_EDGES_V, C), dtype=jnp.float32)
    inp['e_edge_index'] = jax.random.randint(ks[3], (2, N_EDGES_E), 0, N_EDGES_V, dtype=jnp.int32)
    def lin(k, fan_in, shape):
        return jax.random.uniform(k, shape, dtype=jnp.float32, minval=-1.0, maxval=1.0) / np.sqrt(fan_in)
    inp['e_norm_g'] = jnp.ones((C,), jnp.float32)
    inp['e_norm_b'] = jnp.zeros((C,), jnp.float32)
    inp['e_t'] = jnp.ones((), jnp.float32)
    inp['e_W1'] = lin(ks[4], C, (C, H))
    inp['e_b1'] = jnp.zeros((H,), jnp.float32)
    inp['e_g1'] = jnp.ones((H,), jnp.float32)
    inp['e_be1'] = jnp.zeros((H,), jnp.float32)
    inp['e_W2'] = lin(ks[5], H, (H, C))
    inp['e_b2'] = jnp.zeros((C,), jnp.float32)
    inp['v_norm_g'] = jnp.ones((C,), jnp.float32)
    inp['v_norm_b'] = jnp.zeros((C,), jnp.float32)
    inp['v_t'] = jnp.ones((), jnp.float32)
    inp['v_W1'] = lin(ks[6], C, (C, H))
    inp['v_b1'] = jnp.zeros((H,), jnp.float32)
    inp['v_g1'] = jnp.ones((H,), jnp.float32)
    inp['v_be1'] = jnp.zeros((H,), jnp.float32)
    inp['v_W2'] = lin(ks[7], H, (H, C))
    inp['v_b2'] = jnp.zeros((C,), jnp.float32)
    return inp

def reference(v_x, v_edge_index, e_x, e_edge_index, e_norm_g, e_norm_b, e_t, e_W1, e_b1, e_g1, e_be1, e_W2, e_b2, v_norm_g, v_norm_b, v_t, v_W1, v_b1, v_g1, v_be1, v_W2, v_b2):
    e_out = deep_gcn_res_plus(e_x, e_norm_g, e_norm_b, lambda h: gen_conv(h, e_edge_index, e_t, e_W1, e_b1, e_g1, e_be1, e_W2, e_b2))
    v_out = deep_gcn_res_plus(v_x, v_norm_g, v_norm_b, lambda h: gen_conv(h, v_edge_index, v_t, v_W1, v_b1, v_g1, v_be1, v_W2, v_b2, edge_attr=e_out))
    return (v_out, e_out)

if __name__ == "__main__":
    import jax
    _d = setup_inputs()
    print(jax.jit(kernel)(*tuple(_d.values())))

</pallas_src>

<mosaic_0001>
module attributes {stable_mosaic.version = 14 : i64} {
  func.func @_ln_relu_body(%arg0: i32, %arg1: memref<2000x128xf32, #tpu.memory_space<vmem>>, %arg2: memref<128xf32, #tpu.memory_space<vmem>>, %arg3: memref<128xf32, #tpu.memory_space<vmem>>, %arg4: memref<2000x128xf32, #tpu.memory_space<vmem>>) attributes {dimension_semantics = [#tpu.dimension_semantics<arbitrary>], iteration_bounds = array<i64: 160>, scalar_prefetch = 0 : i64, scratch_operands = 0 : i64, tpu.core_type = #tpu.core_type<tc>, window_params = [{transform_indices = @transform_0, window_bounds = array<i64: 2000, 128>}, {pipeline_mode = #tpu.pipeline_mode<synchronous>, transform_indices = @transform_1, window_bounds = array<i64: 128>}, {pipeline_mode = #tpu.pipeline_mode<synchronous>, transform_indices = @transform_2, window_bounds = array<i64: 128>}, {transform_indices = @transform_3, window_bounds = array<i64: 2000, 128>}]} {
    %get3A = arith.constant 0 : index
    %get3A_0 = arith.constant 0 : index
    %get3A_1 = vector.load %arg1[%get3A, %get3A_0] : memref<2000x128xf32, #tpu.memory_space<vmem>>, vector<2000x128xf32>
    %reduce_sum3A = arith.constant dense<0.000000e+00> : vector<2000xf32>
    %reduce_sum3A_2 = vector.multi_reduction <add>, %get3A_1, %reduce_sum3A [1] : vector<2000x128xf32> to vector<2000xf32>
    %broadcast_in_dim3A = vector.shape_cast %reduce_sum3A_2 : vector<2000xf32> to vector<2000x1xf32>
    %div3A = arith.constant 1.280000e+02 : f32
    %div3A_3 = vector.broadcast %div3A : f32 to vector<2000x1xf32>
    %div3A_4 = arith.divf %broadcast_in_dim3A, %div3A_3 : vector<2000x1xf32>
    %sub3A = vector.broadcast %div3A_4 : vector<2000x1xf32> to vector<2000x128xf32>
    %sub3A_5 = arith.subf %get3A_1, %sub3A : vector<2000x128xf32>
    %integer_pow3A = arith.mulf %sub3A_5, %sub3A_5 : vector<2000x128xf32>
    %reduce_sum3A_6 = arith.constant dense<0.000000e+00> : vector<2000xf32>
    %reduce_sum3A_7 = vector.multi_reduction <add>, %integer_pow3A, %reduce_sum3A_6 [1] : vector<2000x128xf32> to vector<2000xf32>
    %broadcast_in_dim3A_8 = vector.shape_cast %reduce_sum3A_7 : vector<2000xf32> to vector<2000x1xf32>
    %div3A_9 = arith.constant 1.280000e+02 : f32
    %div3A_10 = vector.broadcast %div3A_9 : f32 to vector<2000x1xf32>
    %div3A_11 = arith.divf %broadcast_in_dim3A_8, %div3A_10 : vector<2000x1xf32>
    %sub3A_12 = vector.broadcast %div3A_4 : vector<2000x1xf32> to vector<2000x128xf32>
    %sub3A_13 = arith.subf %get3A_1, %sub3A_12 : vector<2000x128xf32>
    %add3A = arith.constant 9.99999974E-6 : f32
    %add3A_14 = vector.broadcast %add3A : f32 to vector<2000x1xf32>
    %add3A_15 = arith.addf %div3A_11, %add3A_14 : vector<2000x1xf32>
    %rsqrt3A = math.rsqrt %add3A_15 : vector<2000x1xf32>
    %mul3A = vector.broadcast %rsqrt3A : vector<2000x1xf32> to vector<2000x128xf32>
    %mul3A_16 = arith.mulf %sub3A_13, %mul3A : vector<2000x128xf32>
    %get3A_17 = arith.constant 0 : index
    %get3A_18 = vector.load %arg2[%get3A_17] : memref<128xf32, #tpu.memory_space<vmem>>, vector<128xf32>
    %broadcast_in_dim3A_19 = vector.shape_cast %get3A_18 : vector<128xf32> to vector<1x128xf32>
    %mul3A_20 = vector.broadcast %broadcast_in_dim3A_19 : vector<1x128xf32> to vector<2000x128xf32>
    %mul3A_21 = arith.mulf %mul3A_16, %mul3A_20 : vector<2000x128xf32>
    %get3A_22 = arith.constant 0 : index
    %get3A_23 = vector.load %arg3[%get3A_22] : memref<128xf32, #tpu.memory_space<vmem>>, vector<128xf32>
    %broadcast_in_dim3A_24 = vector.shape_cast %get3A_23 : vector<128xf32> to vector<1x128xf32>
    %add3A_25 = vector.broadcast %broadcast_in_dim3A_24 : vector<1x128xf32> to vector<2000x128xf32>
    %add3A_26 = arith.addf %mul3A_21, %add3A_25 : vector<2000x128xf32>
    %max3A = arith.constant 0.000000e+00 : f32
    %max3A_27 = vector.broadcast %max3A : f32 to vector<2000x128xf32>
    %max3A_28 = arith.maximumf %add3A_26, %max3A_27 : vector<2000x128xf32>
    %swap3A = arith.constant 0 : index
    %swap3A_29 = arith.constant 0 : index
    %swap3A_30 = vector.load %arg4[%swap3A, %swap3A_29] : memref<2000x128xf32, #tpu.memory_space<vmem>>, vector<2000x128xf32>
    tpu.vector_store %arg4[%swap3A, %swap3A_29], %max3A_28 {strides = array<i32>} : memref<2000x128xf32, #tpu.memory_space<vmem>>, vector<2000x128xf32>,
    return
  }
  func.func @transform_0(%arg0: i32) -> (i32, i32) {
    %c0_i32 = arith.constant 0 : i32
    %c0_i32_0 = arith.constant 0 : i32
    return %arg0, %c0_i32 : i32, i32
  }
  func.func @transform_1(%arg0: i32) -> i32 {
    %c0_i32 = arith.constant 0 : i32
    %c0_i32_0 = arith.constant 0 : i32
    return %c0_i32 : i32
  }
  func.func @transform_2(%arg0: i32) -> i32 {
    %c0_i32 = arith.constant 0 : i32
    %c0_i32_0 = arith.constant 0 : i32
    return %c0_i32 : i32
  }
  func.func @transform_3(%arg0: i32) -> (i32, i32) {
    %c0_i32 = arith.constant 0 : i32
    %c0_i32_0 = arith.constant 0 : i32
    return %arg0, %c0_i32 : i32, i32
  }
}

module attributes {stable_mosaic.version = 14 : i64} {
  func.func @_ln_relu_body(%arg0: i32, %arg1: memref<2000x128xf32, #tpu.memory_space<vmem>>, %arg2: memref<128xf32, #tpu.memory_space<vmem>>, %arg3: memref<128xf32, #tpu.memory_space<vmem>>, %arg4: memref<2000x128xf32, #tpu.memory_space<vmem>>) attributes {dimension_semantics = [#tpu.dimension_semantics<arbitrary>], iteration_bounds = array<i64: 5>, scalar_prefetch = 0 : i64, scratch_operands = 0 : i64, tpu.core_type = #tpu.core_type<tc>, window_params = [{transform_indices = @transform_0, window_bounds = array<i64: 2000, 128>}, {pipeline_mode = #tpu.pipeline_mode<synchronous>, transform_indices = @transform_1, window_bounds = array<i64: 128>}, {pipeline_mode = #tpu.pipeline_mode<synchronous>, transform_indices = @transform_2, window_bounds = array<i64: 128>}, {transform_indices = @transform_3, window_bounds = array<i64: 2000, 128>}]} {
    %get3A = arith.constant 0 : index
    %get3A_0 = arith.constant 0 : index
    %get3A_1 = vector.load %arg1[%get3A, %get3A_0] : memref<2000x128xf32, #tpu.memory_space<vmem>>, vector<2000x128xf32>
    %reduce_sum3A = arith.constant dense<0.000000e+00> : vector<2000xf32>
    %reduce_sum3A_2 = vector.multi_reduction <add>, %get3A_1, %reduce_sum3A [1] : vector<2000x128xf32> to vector<2000xf32>
    %broadcast_in_dim3A = vector.shape_cast %reduce_sum3A_2 : vector<2000xf32> to vector<2000x1xf32>
    %div3A = arith.constant 1.280000e+02 : f32
    %div3A_3 = vector.broadcast %div3A : f32 to vector<2000x1xf32>
    %div3A_4 = arith.divf %broadcast_in_dim3A, %div3A_3 : vector<2000x1xf32>
    %sub3A = vector.broadcast %div3A_4 : vector<2000x1xf32> to vector<2000x128xf32>
    %sub3A_5 = arith.subf %get3A_1, %sub3A : vector<2000x128xf32>
    %integer_pow3A = arith.mulf %sub3A_5, %sub3A_5 : vector<2000x128xf32>
    %reduce_sum3A_6 = arith.constant dense<0.000000e+00> : vector<2000xf32>
    %reduce_sum3A_7 = vector.multi_reduction <add>, %integer_pow3A, %reduce_sum3A_6 [1] : vector<2000x128xf32> to vector<2000xf32>
    %broadcast_in_dim3A_8 = vector.shape_cast %reduce_sum3A_7 : vector<2000xf32> to vector<2000x1xf32>
    %div3A_9 = arith.constant 1.280000e+02 : f32
    %div3A_10 = vector.broadcast %div3A_9 : f32 to vector<2000x1xf32>
    %div3A_11 = arith.divf %broadcast_in_dim3A_8, %div3A_10 : vector<2000x1xf32>
    %sub3A_12 = vector.broadcast %div3A_4 : vector<2000x1xf32> to vector<2000x128xf32>
    %sub3A_13 = arith.subf %get3A_1, %sub3A_12 : vector<2000x128xf32>
    %add3A = arith.constant 9.99999974E-6 : f32
    %add3A_14 = vector.broadcast %add3A : f32 to vector<2000x1xf32>
    %add3A_15 = arith.addf %div3A_11, %add3A_14 : vector<2000x1xf32>
    %rsqrt3A = math.rsqrt %add3A_15 : vector<2000x1xf32>
    %mul3A = vector.broadcast %rsqrt3A : vector<2000x1xf32> to vector<2000x128xf32>
    %mul3A_16 = arith.mulf %sub3A_13, %mul3A : vector<2000x128xf32>
    %get3A_17 = arith.constant 0 : index
    %get3A_18 = vector.load %arg2[%get3A_17] : memref<128xf32, #tpu.memory_space<vmem>>, vector<128xf32>
    %broadcast_in_dim3A_19 = vector.shape_cast %get3A_18 : vector<128xf32> to vector<1x128xf32>
    %mul3A_20 = vector.broadcast %broadcast_in_dim3A_19 : vector<1x128xf32> to vector<2000x128xf32>
    %mul3A_21 = arith.mulf %mul3A_16, %mul3A_20 : vector<2000x128xf32>
    %get3A_22 = arith.constant 0 : index
    %get3A_23 = vector.load %arg3[%get3A_22] : memref<128xf32, #tpu.memory_space<vmem>>, vector<128xf32>
    %broadcast_in_dim3A_24 = vector.shape_cast %get3A_23 : vector<128xf32> to vector<1x128xf32>
    %add3A_25 = vector.broadcast %broadcast_in_dim3A_24 : vector<1x128xf32> to vector<2000x128xf32>
    %add3A_26 = arith.addf %mul3A_21, %add3A_25 : vector<2000x128xf32>
    %max3A = arith.constant 0.000000e+00 : f32
    %max3A_27 = vector.broadcast %max3A : f32 to vector<2000x128xf32>
    %max3A_28 = arith.maximumf %add3A_26, %max3A_27 : vector<2000x128xf32>
    %swap3A = arith.constant 0 : index
    %swap3A_29 = arith.constant 0 : index
    %swap3A_30 = vector.load %arg4[%swap3A, %swap3A_29] : memref<2000x128xf32, #tpu.memory_space<vmem>>, vector<2000x128xf32>
    tpu.vector_store %arg4[%swap3A, %swap3A_29], %max3A_28 {strides = array<i32>} : memref<2000x128xf32, #tpu.memory_space<vmem>>, vector<2000x128xf32>,
    return
  }
  func.func @transform_0(%arg0: i32) -> (i32, i32) {
    %c0_i32 = arith.constant 0 : i32
    %c0_i32_0 = arith.constant 0 : i32
    return %arg0, %c0_i32 : i32, i32
  }
  func.func @transform_1(%arg0: i32) -> i32 {
    %c0_i32 = arith.constant 0 : i32
    %c0_i32_0 = arith.constant 0 : i32
    return %c0_i32 : i32
  }
  func.func @transform_2(%arg0: i32) -> i32 {
    %c0_i32 = arith.constant 0 : i32
    %c0_i32_0 = arith.constant 0 : i32
    return %c0_i32 : i32
  }
  func.func @transform_3(%arg0: i32) -> (i32, i32) {
    %c0_i32 = arith.constant 0 : i32
    %c0_i32_0 = arith.constant 0 : i32
    return %arg0, %c0_i32 : i32, i32
  }
}

</mosaic_0001>

<sc_bundles>
// kernel: gather_offload_async_start.1
scs
__scs_entry_jumppad:
0x0: {  	(pc) =	sbr.rel $0x88, $3  }
0x1: {  	(tag) =	ssettag $0x0;
	lr =	simm.s32 $0x1  }
0x2: {  	[smem:$0x3F8B] =	sst lr;
	_ =	strace $0xD0000000  }
0x3: {  	_ = 	snop  }
0x4: {  	_ = 	snop  }
0x5: {  	_ = 	snop  }
0x6: {  	_ = 	snop  }
0x7: {  	_ = 	snop  }
__scs_overlays_trampoline_lowered:
0x8: {  	[smem:$0x3F9A] =	sst s0  }
0x9: {  	[smem:$0x3F9B] =	sst s1  }
0xa: {  	[smem:$0x3F9C] =	sst s2  }
0xb: {  	[smem:$0x3F9D] =	sst s3  }
0xc: {  	[smem:$0x3F9E] =	sst s4  }
0xd: {  	[smem:$0x3F9F] =	sst s5  }
0xe: {  	[smem:$0x3FA0] =	sst s6  }
0xf: {  	[smem:$0x3FA1] =	sst s7  }
0x10: {  	[smem:$0x3FA2] =	sst s8  }
0x11: {  	[smem:$0x3FA3] =	sst s9;
	s0 =	simm.s32 @!p0 $0x0  }
0x12: {  	s1 =	sld [smem:$0x3F89];
	s0 =	simm.s32 @p0 $0x1  }
0x13: {  	[smem:$0x3FA4] =	sst s0;
	s0 =	simm.s32 @!p1 $0x0  }
0x14: {  	s2 =	sld [smem:$0x3F88];
	s0 =	simm.s32 @p1 $0x1  }
0x15: {  	[smem:$0x3FA5] =	sst s0;
	s0 =	simm.s32 @!p2 $0x0  }
0x16: {  	s3 =	sld [smem:$0x3FDB];
	s0 =	simm.s32 @p2 $0x1  }
0x17: {  	s4 =	simm.s32 $0x1BF5;
	[smem:$0x3FA7] =	sst s0  }
0x18: {  	s0 =	sld [smem:$0x3F8A];
	_ =	swait.ge [sflag:s4], $0x0  }
0x19: {  	s7 =	sld [smem:$0x3F8B]  }
0x1a: {  	s8 =	sadd.s32 $0xFFFFE003, lr  }
0x1b: {  	s9 =	sadd.s32 $0xFFFFFEF7, lr;
	s5 =	simm.s32 $0xFFFFFFFF;
	p2 =	slt.u32 s8, $0xFFFFF086  }
0x1c: {  	p1 =	slt.u32 s9, $0xF7A;
	s5 =	simm.s32 @!p2 $0x0  }
0x1d: {  	s5 =	simm.s32 @p1 $0x1;
	p0 =	seq.s32 s7, s2  }
0x1e: {  	s7 =	smul.u32 @!p0 $0xF7A, s2;
	p2 =	seq.s32 @!p0 s5, $0x0  }
0x1f: {  	s9 =	smul.u32 $0xF7A, s1;
	s8 =	simm.s32 @!p0 $0x1BF5;
	p2 =	por !p2, p0  }
0x20: {  	[sflag:s8] =	ssyncset.s32 @!p0 $0xFFFFF086;
	s6 =	sadd.s32 @!p0 s3, s7;
	s7 =	simm.s32 @!p0 $0x108  }
0x21: {  	s3 =	sadd.s32 s3, s9;
	s6 =	sadd.s32 @!p0 $0x88, s6;
	s7 =	simm.s32 @p2 $0x1082  }
0x22: {  	[simem:s7], [sflag:s8] =	dma.local @!p0 [hbm:s6], $0xF7A  }
0x23: {  	s9 =	sor.u32 $0xD0000000, s2;
	s6 =	simm.s32 $0x108;
	_ =	swait.ge @!p0 [sflag:s8], $0x0  }
0x24: {  	s3 =	sadd.s32 $0x88, s3;
	s6 =	simm.s32 @!p1 $0x1082;
	[sflag:s4] =	ssyncset.s32 $0xFFFFF086  }
0x25: {  	[simem:s6], [sflag:s4] =	dma.local [hbm:s3], $0xF7A  }
0x26: {  	[smem:$0x3F8B] =	sst s1;
	(tag) =	ssettag s2;
	_ =	strace s9  }
0x27: {  	s1 =	sld [smem:$0x3F9B]  }
0x28: {  	s2 =	sld [smem:$0x3F9C]  }
0x29: {  	s4 =	sld [smem:$0x3F9E]  }
0x2a: {  	p0 =	seq.s32 s5, $0x0;
	s5 =	sld [smem:$0x3F9F]  }
0x2b: {  	s6 =	sld [smem:$0x3FA0]  }
0x2c: {  	s7 =	sld [smem:$0x3FA1]  }
0x2d: {  	s3 =	simm.s32 $0x108;
	s8 =	sld [smem:$0x3FA2]  }
0x2e: {  	s3 =	simm.s32 @!p0 $0x1082;
	s9 =	sld [smem:$0x3FA3]  }
0x2f: {  	lr =	sadd.s32 s0, s3;
	s0 =	sld [smem:$0x3F9A]  }
0x30: {  	s3 =	sld [smem:$0x3F9D]  }
0x31: {  	[smem:$0x3FA6] =	sst s10  }
0x32: {  	s10 =	sld [smem:$0x3FA4];
	_ =	sdelay $0x3  }
0x33: {  	p0 =	seq.s32 s10, $0x1;
	s10 =	sld [smem:$0x3FA6];
	_ =	sdelay $0x3  }
0x34: {  	[smem:$0x3FA6] =	sst s10  }
0x35: {  	s10 =	sld [smem:$0x3FA5];
	_ =	sdelay $0x3  }
0x36: {  	p1 =	seq.s32 s10, $0x1;
	s10 =	sld [smem:$0x3FA6];
	_ =	sdelay $0x3  }
0x37: {  	[smem:$0x3FA6] =	sst s10  }
0x38: {  	s10 =	sld [smem:$0x3FA7]  }
0x39: {  	_ = 	snop;
	(pc) =	sbr.ind lr, $3  }
0x3a: {  	_ = 	snop  }
0x3b: {  	_ = 	snop  }
0x3c: {  	p2 =	seq.s32 s10, $0x1;
	s10 =	sld [smem:$0x3FA6]  }
0x3d: {  	_ =	shalt  }
0x3e: {  	_ =	shalt  }
0x3f: {  	_ =	shalt  }
0x40: {  	_ =	shalt  }
0x41: {  	_ =	shalt  }
0x42: {  	_ =	shalt  }
0x43: {  	_ =	shalt  }
0x44: {  	_ =	shalt  }
0x45: {  	_ =	shalt  }
0x46: {  	_ =	shalt  }
0x47: {  	_ =	shalt  }
0x48: {  	_ =	shalt  }
0x49: {  	_ =	shalt  }
0x4a: {  	_ =	shalt  }
0x4b: {  	_ =	shalt  }
0x4c: {  	_ =	shalt  }
0x4d: {  	_ =	shalt  }
0x4e: {  	_ =	shalt  }
0x4f: {  	_ =	shalt  }
0x50: {  	_ =	shalt  }
0x51: {  	_ =	shalt  }
0x52: {  	_ =	shalt  }
0x53: {  	_ =	shalt  }
0x54: {  	_ =	shalt  }
0x55: {  	_ =	shalt  }
0x56: {  	_ =	shalt  }
0x57: {  	_ =	shalt  }
0x58: {  	_ =	shalt  }
0x59: {  	_ =	shalt  }
0x5a: {  	_ =	shalt  }
0x5b: {  	_ =	shalt  }
0x5c: {  	_ =	shalt  }
0x5d: {  	_ =	shalt  }
0x5e: {  	_ =	shalt  }
0x5f: {  	_ =	shalt  }
0x60: {  	_ =	shalt  }
0x61: {  	_ =	shalt  }
0x62: {  	_ =	shalt  }
0x63: {  	_ =	shalt  }
0x64: {  	_ =	shalt  }
0x65: {  	_ =	shalt  }
0x66: {  	_ =	shalt  }
0x67: {  	_ =	shalt  }
0x68: {  	_ =	shalt  }
0x69: {  	_ =	shalt  }
0x6a: {  	_ =	shalt  }
0x6b: {  	_ =	shalt  }
0x6c: {  	_ =	shalt  }
0x6d: {  	_ =	shalt  }
0x6e: {  	_ =	shalt  }
0x6f: {  	_ =	shalt  }
0x70: {  	_ =	shalt  }
0x71: {  	_ =	shalt  }
0x72: {  	_ =	shalt  }
0x73: {  	_ =	shalt  }
0x74: {  	_ =	shalt  }
0x75: {  	_ =	shalt  }
0x76: {  	_ =	shalt  }
0x77: {  	_ =	shalt  }
0x78: {  	_ =	shalt  }
0x79: {  	_ =	shalt  }
0x7a: {  	_ =	shalt  }
0x7b: {  	_ =	shalt  }
0x7c: {  	_ =	shalt  }
0x7d: {  	_ =	shalt  }
0x7e: {  	_ =	shalt  }
0x7f: {  	_ =	shalt  }
0x80: {  	_ =	shalt  }
0x81: {  	_ =	shalt  }
0x82: {  	_ =	shalt  }
0x83: {  	_ =	shalt  }
0x84: {  	_ =	shalt  }
0x85: {  	_ =	shalt  }
0x86: {  	_ =	shalt  }
0x87: {  	_ =	shalt  }
.Lfunc_end0:
.L_simem_size_0:
called_computation.7_lowered:
.L_overlay_start_0:
0x88: {  	s2 =	sld [smem:$0x3FD9]  }
0x89: {  	s3 =	sld [smem:$0x3FFE];
	_ =	sdelay $0x1  }
0x8a: {  	s1 =	srdreg.scid  }
0x8b: {  	s0 =	sand.u32 $0x1, s1  }
0x8c: {  	s14 =	sshll.u32 s0, $0xA;
	s2 =	sadd.s32 s3, s2  }
0x8d: {  	s2 =	sadd.s32 s2, s14  }
0x8e: {  	[smem:$0x3FB2] =	sst s2  }
0x8f: {  	_ = 	snop  }
0x90: {  	s2 =	sld [smem:$0x3FD0];
	_ =	sdelay $0x2  }
0x91: {  	s15 =	simm.s32 $0xA;
	s4 =	simm.s32 $0x10  }
0x92: {  	[smem:s4], [sflag:s15] =	dma.local [hbm:s2], $0x1  }
0x93: {  	_ =	swait.eq [sflag:s15], $0x1  }
0x94: {  	[sflag:s15] =	ssyncset.done $0x0  }
0x95: {  	[sflag:s15] =	ssyncadd.s32 $0xFFFFFFFF  }
0x96: {  	s16 =	sld [smem:$0x10];
	(tm) =	ssettm $0x1  }
0x97: {  	s17 =	sld [smem:$0x3FFB];
	_ =	sdelay $0x3  }
0x98: {  	_ =	strace s17  }
0x99: {  	s3 =	sld [smem:$0x3FFC];
	_ =	sdelay $0x3  }
0x9a: {  	_ =	strace s3  }
0x9b: {  	s3 =	sld [smem:$0x3FFD];
	_ =	sdelay $0x3  }
0x9c: {  	_ =	strace s3  }
0x9d: {  	_ =	strace $0x8FFFFFFF  }
0x9e: {  	s18 =	sld [smem:$0x3FDB];
	_ =	sdelay $0x1  }
0x9f: {  	s19 =	simm.s32 $_scs_section_size  }
0xa0: {  	s5 =	simm.s32 $_size__tile_overlayer_lowered;
	s6 =	simm.s32 $_tile_overlayer_lowered  }
0xa1: {  	s22 =	simm.s32 $0x1BFF;
	s21 =	sshll.u32 s6, $0x1;
	s3 =	sadd.s32 s19, s18  }
0xa2: {  	s7 =	simm.s32 $0x0;
	s20 =	sshll.u32 s5, $0x1;
	s5 =	sadd.s32 s21, s3  }
0xa3: {  	[timem:s7], [sflag:s22] =	dma.local [hbm:s5], s20  }
0xa4: {  	_ =	swait.ge [sflag:s22], s20  }
0xa5: {  	s4 =	ssub.s32 $0x0, s20;
	[sflag:s22] =	ssyncset.done $0x0  }
0xa6: {  	[sflag:s22] =	ssyncadd.s32 s4;
	_ =	sdelay $0x1  }
0xa7: {  	s23 =	simm.s32 $0x1B8B  }
0xa8: {  	_ =	swait.ge [sflag:s23], $0x1  }
0xa9: {  	[sflag:s23] =	ssyncset.done $0x0  }
0xaa: {  	s25 =	simm.s32 $0x1B8E;
	s24 =	sld [smem:$0x3FFE];
	[sflag:s23] =	ssyncadd.s32 $0xFFFFFFFF  }
0xab: {  	s26 =	simm.s32 $execute0_lowered;
	[smem:$0x3FD2] =	sst s25  }
0xac: {  	s5 =	sshll.u32 s26, $0x1;
	_ =	strace $0x8000004C;
	[dreg:$0x1] =	wrdreg $0xFFFFFFFF  }
0xad: {  	s28 =	simm.s32 $_size_execute0_lowered;
	s3 =	sadd.s32 s3, s5;
	[dreg:$0x0] =	wrdreg $0x0  }
0xae: {  	s5 =	sshll.u32 s28, $0x1;
	[dreg:$0x2] =	wrdreg s3  }
0xaf: {  	[dreg:$0x3] =	wrdreg s5  }
0xb0: {  	[dreg:$0x4] =	wrdreg $0xC0  }
0xb1: {  	_ =	task [dreg:s7], $0x5FFFF  }
0xb2: {  	[dreg:$0x1] =	wrdreg $0xFFFFFFFF  }
0xb3: {  	[dreg:$0x0] =	wrdreg $0x60  }
0xb4: {  	[dreg:$0x2] =	wrdreg s24  }
0xb5: {  	[dreg:$0x3] =	wrdreg s16  }
0xb6: {  	[dreg:$0x4] =	wrdreg $0x9  }
0xb7: {  	_ =	task.clear_ibuf [dreg:s7], $0x5FFFF;
	_ =	strace $0x9000004C  }
0xb8: {  	s29 =	simm.s32 $0x9;
	_ =	strace $0x8000004E  }
0xb9: {  	_ =	swait.ge [sflag:s29], $0x1  }
0xba: {  	[sflag:s29] =	ssyncadd.s32 $0xFFFFFFFF  }
0xbb: {  	_ =	strace $0x9000004E  }
0xbc: {  	_ =	sfence  }
0xbd: {  	s30 =	sld [smem:$0x0];
	_ =	sdelay $0x2  }
0xbe: {  	s31 =	sshll.u32 s1, $0xD;
	s1 =	sshrl.u32 s1, $0x2  }
0xbf: {  	s3 =	sand.u32 $0x4000, s31;
	s1 =	sadd.s32 s1, s30  }
0xc0: {  	s0 =	sor.u32 s3, s0;
	s1 =	sshll.u32 s1, $0x11  }
0xc1: {  	s0 =	sor.u32 s1, s0  }
0xc2: {  	s0 =	sadd.s32 $0x8F2B, s0  }
0xc3: {  	[sflag:s0] =	ssyncadd.remote.s32 $0x1  }
0xc4: {  	_ =	sfence.sel $0xFFFF  }
0xc5: {  	[dreg:$0x0] =	wrdreg $0xFFFFFFFF;
	(pc) =	sbr.abs _section_cstart, $3  }
0xc6: {  	[dreg:$0x1] =	wrdreg $0xFFFFFFFF  }
0xc7: {  	_ =	task.clear_ibuf [dreg:s7], $0x2FFFF;
	_ =	strace $0x9FFFFFFF  }
0xc8: {  	(tm) =	ssettm $0x7FFFFFFF  }
0xc9: {  	_ =	shalt  }
tec
execute0_lowered:
.L_overlay_start_1:
0x0: {  	(tag) =	ssettag $0x1  }
0x1: {  	s0 =	srdreg.scid  }
0x2: {  	s1 =	sshll.u32 s0, $0x4  }
0x3: {  	s0 =	stileid.u32;
	s1 =	sand.u32 $0x10, s1  }
0x4: {  	s2 =	sor.u32 s0, s1  }
0x5: {  	s3 =	smul.u32 $0x3E, s2  }
0x6: {  	s1 =	sshrl.u32 s1, $0x4;
	s2 =	smin.u32 s2, $0x10  }
0x7: {  	s1 =	sxor.u32 $0x3F, s1;
	s2 =	sadd.s32 s2, s3  }
0x8: {  	s1 =	sadd.s32 s1, s2  }
0x9: {  	s1 =	smul.u32 $0x140, s1  }
0xa: {  	s2 =	smul.u32 $0x140, s2  }
0xb: {  	s3 =	smin.u32 s1, $0x9C400  }
0xc: {  	s7 =	ssub.s32 s3, s2  }
0xd: {  	p0 =	sgt.s32 s7, $0x0  }
0xe: {  	s7 =	simm.s32 @!p0 $0x0  }
0xf: {  	s9 =	rddreg [dreg:$0x0];
	s31 =	smulhi.u32 $0x66666667, s7  }
0x10: {  	s4 =	rddreg [dreg:$0x1];
	s6 =	simm.s32 $0x1  }
0x11: {  	s11 =	simm.s32 $0x3;
	s13 =	simm.s32 $0x0;
	s8 =	sshrl.u32 s31, $0x7  }
0x12: {  	s12 =	simm.s32 $0x0;
	s5 =	sadd.s32 $0x9FEE00, s9;
	s10 =	smul.u32 $0x140, s8  }
.Ltmp0:
0x13: {  	s9 =	sadd.s32 $0xEE0E00, s9;
	s1 =	rddreg [dreg:$0x2];
	(pc) =	sbr.rel .LBB2_1-.Ltmp0, $4  }
0x14: {  	_ =	strace $0x8000004D;
	p0 =	sne.s32 s7, s10;
	s10 =	simm.s32 $0x1  }
0x15: {  	[sflag:s6] =	ssyncpa.u1 $0x0;
	s7 =	simm.s32 $0x2;
	s10 =	simm.s32 @!p0 $0x0  }
0x16: {  	[sflag:s7] =	ssyncpa.u1 $0x0;
	p0 =	por $0x0, $0x0;
	s8 =	sadd.s32 s10, s8  }
0x17: {  	vm0 =	vmmov $0xff;
	vm1 =	vcmask $0x3F20;
	[sflag:s11] =	ssyncpa.u1 $0x0;
	s11 =	smov.u32 s2;
	s10 =	sadd.s32 $0x1, s8  }
.LBB2_6:
0x18: {  	[hbm:s17] =	stream.linear.scatter [tilespmem:s14], [sflag:$0x3], $0x400, $0x38;
	[tilespmem:$0x14280] =	vst v63  }
.LBB2_7:
0x19: {  	s13 =	sadd.s32 $0x140, s11  }
0x1a: {  	s15 =	smov.u32 s2;
	p2 =	slt.s32 s13, s3  }
0x1b: {  	s15 =	smov.u32 @p2 s13;
	p2 =	sne.s32 s12, s10  }
.Ltmp1:
0x1c: {  	p1 =	slt.u32 s12, $0x2;
	(pc) =	sbr.rel @!p2 .LBB2_8-.Ltmp1, $4  }
0x1d: {  	s14 =	simm.s32 @!p1 $0x3  }
0x1e: {  	s16 =	sadd.s32 $0x1, s12;
	_ =	swait.ge @!p1 [sflag:s14], $0xA000  }
0x1f: {  	p0 =	por !p0, !p0;
	s13 =	smov.u32 s11;
	[sflag:s14] =	ssyncset.done @!p1 $0x0  }
0x20: {  	s12 =	smov.u32 s16;
	s11 =	smov.u32 s15;
	[sflag:s14] =	ssyncadd.s32 @!p1 $0xFFFF6000  }
.LBB2_1:
0x21: {  	p1 =	sge.u32 s12, s8  }
0x22: {  	s14 =	sxor.u32 @!p1 $0xFFFFFFFF, s12  }
0x23: {  	s14 =	sand.u32 @!p1 $0x1, s14  }
0x24: {  	s14 =	smul.u32 @!p1 $0x500, s14  }
0x25: {  	s31 =	sadd.s32 $0xFFFFFFFF, s12;
	s15 =	sshrl.u32 @!p1 s11, $0x3  }
0x26: {  	s16 =	sand.u32 @!p1 $0x7, s11;
	s15 =	sadd.s32 @!p1 s4, s15;
	s14 =	sshrl.u32 @!p1 s14, $0x2  }
0x27: {  	[tilespmem:s14], [sflag:$0x2] =	stream.linear.gather @!p1 [hbm4b:s15+s16], $0x140, $0x38;
	[tilespmem:$0x14280] =	vst v63  }
0x28: {  	p1 =	sge.u32 s31, s8  }
.Ltmp2:
0x29: {  	_ = 	snop;
	(pc) =	sbr.rel @p1 .LBB2_7-.Ltmp2, $1  }
0x2a: {  	_ =	sdelay $0x3  }
0x2b: {  	s14 =	simm.s32 $0x1  }
0x2c: {  	s14 =	simm.s32 @!p0 $0x0  }
0x2d: {  	s15 =	smul.u32 $0x500, s14  }
0x2e: {  	_ =	swait.ge [sflag:s7], $0x140  }
0x2f: {  	[sflag:s7] =	ssyncset.done $0x0;
	s16 =	sshrl.u32 s15, $0x2  }
0x30: {  	[sflag:s7] =	ssyncadd.s32 $0xFFFFFEC0;
	s15 =	sadd.s32 $0x0, s16  }
0x31: {  	v0 =	vld.msk [tilespmem:s15+$0x0 ss:$0x1], $0xffff;
	_ =	sdelay $0x4  }
0x32: {  	vm2 =	vgt.s32 v0, $0x0  }
0x33: {  	v0 =	vnsel vm2, $0x0, v0  }
0x34: {  	v0 =	vmin.u32 v0, $0x4E1FF  }
0x35: {  	v0 =	vshll.u32 v0, $0x4  }
0x36: {  	s14 =	smul.u32 $0x28000, s14;
	_ =	sdelay $0x1  }
0x37: {  	s14 =	sshrl.u32 s14, $0x2  }
0x38: {  	s14 =	sor.u32 $0x280, s14  }
0x39: {  	[tilespmem:s14], [sflag:$0x1] =	stream.indirect_vreg.gather [hbm:s5], $0x80, v0, vm0, $0x38;
	[tilespmem:$0x14280] =	vst v63  }
0x3a: {  	s17 =	sadd.s32 $0x10, s16;
	s15 =	sadd.s32 $0x400, s14  }
0x3b: {  	[tilespmem:s15], [sflag:$0x1] =	stream.indirect_vreg.gather [hbm:s5], $0x80, v0, vm1, $0x38;
	[tilespmem:$0x14280] =	vst v63  }
0x3c: {  	s18 =	simm.s32 $0x80;
	v0 =	vld.msk [tilespmem:s17+$0x0 ss:$0x1], $0xffff;
	s17 =	smov.u32 s14  }
.LBB2_3:
0x3d: {  	p1 =	sne.s32 s18, $0x4C0;
	_ =	sdelay $0x4  }
0x3e: {  	vm2 =	vgt.s32 v0, $0x0  }
0x3f: {  	v0 =	vnsel vm2, $0x0, v0  }
0x40: {  	v0 =	vmin.u32 v0, $0x4E1FF  }
0x41: {  	v0 =	vshll.u32 v0, $0x4;
	_ =	sdelay $0x3  }
.Ltmp3:
0x42: {  	s19 =	sshra.s32 s18, $0x2;
	s17 =	sadd.s32 $0x800, s17;
	(pc) =	sbr.rel @p1 .LBB2_3-.Ltmp3, $4  }
0x43: {  	[tilespmem:s17], [sflag:$0x1] =	stream.indirect_vreg.gather [hbm:s5], $0x80, v0, vm0, $0x38;
	[tilespmem:$0x14280] =	vst v63  }
0x44: {  	s19 =	sadd.s32 s19, s16;
	s20 =	sadd.s32 $0x400, s17  }
0x45: {  	[tilespmem:s20], [sflag:$0x1] =	stream.indirect_vreg.gather [hbm:s5], $0x80, v0, vm1, $0x38;
	[tilespmem:$0x14280] =	vst v63  }
0x46: {  	s18 =	sadd.s32 $0x40, s18;
	v0 =	vld.msk [tilespmem:s19+$0x0 ss:$0x1], $0xffff  }
0x47: {  	_ =	sdelay $0x3  }
0x48: {  	vm2 =	vgt.s32 v0, $0x0  }
0x49: {  	v0 =	vnsel vm2, $0x0, v0  }
0x4a: {  	v0 =	vmin.u32 v0, $0x4E1FF  }
0x4b: {  	v0 =	vshll.u32 v0, $0x4;
	_ =	sdelay $0x3  }
0x4c: {  	s16 =	sadd.s32 $0x800, s17  }
0x4d: {  	[tilespmem:s16], [sflag:$0x1] =	stream.indirect_vreg.gather [hbm:s5], $0x80, v0, vm0, $0x38;
	[tilespmem:$0x14280] =	vst v63  }
0x4e: {  	s16 =	sadd.s32 $0x400, s16  }
0x4f: {  	[tilespmem:s16], [sflag:$0x1] =	stream.indirect_vreg.gather [hbm:s5], $0x80, v0, vm1, $0x38;
	[tilespmem:$0x14280] =	vst v63  }
0x50: {  	s13 =	sshll.u32 s13, $0x4;
	_ =	swait.ge [sflag:s6], $0xA000  }
0x51: {  	s13 =	sadd.s32 s13, s9;
	[sflag:s6] =	ssyncset.done $0x0  }
0x52: {  	s17 =	sadd.s32 $0x0, s13;
	s16 =	simm.s32 $0x80;
	[sflag:s6] =	ssyncadd.s32 $0xFFFF6000  }
.LBB2_5:
0x53: {  	[hbm:s17] =	stream.linear.scatter [tilespmem:s14], [sflag:$0x3], $0x400, $0x38;
	[tilespmem:$0x14280] =	vst v63  }
0x54: {  	s17 =	smov.u32 s16;
	s14 =	smov.u32 s15;
	p1 =	sne.s32 s16, $0x1380  }
.Ltmp4:
0x55: {  	s16 =	sadd.s32 $0x80, s16;
	(pc) =	sbr.rel @p1 .LBB2_5-.Ltmp4, $2  }
0x56: {  	_ =	sdelay $0x2  }
0x57: {  	s15 =	sadd.s32 $0x400, s15;
	s17 =	sadd.s32 s17, s13  }
.Ltmp5:
0x58: {  	_ = 	snop;
	(pc) =	sbr.rel .LBB2_6-.Ltmp5, $1  }
0x59: {  	_ =	sdelay $0x3  }
.LBB2_8:
0x5a: {  	_ =	sfence.sel $0x180000  }
0x5b: {  	s2 =	simm.s32 $0x2;
	[bflag:$0x0] =	sbarrier.arrive $0xFFFF  }
0x5c: {  	s30 =	simm.s32 $0x3;
	[sflag:s2] =	ssyncpa.u1 $0x1  }
0x5d: {  	s31 =	simm.s32 $0x1;
	[sflag:s30] =	ssyncpa.u1 $0x1  }
0x5e: {  	[sflag:s31] =	ssyncpa.u1 $0x1  }
0x5f: {  	p0 =	sne.s32 s0, $0x0;
	_ =	strace $0x9000004D  }
0x60: {  	s0 =	sadd.s32 @!p0 $0x100000, s1;
	[bflag:$0x2] =	sbarrier.arrive $0xFFFF  }
0x61: {  	[sflag:s0] =	ssyncadd.tile.s32 @!p0 $0x1;
	_ =	shalt  }
.Lfunc_end2:
_tile_overlayer_lowered:
.L_overlay_start_2:
0x62: {  	(tag) =	ssettag $0x2  }
0x63: {  	s0 =	rddreg [dreg:$0x0];
	s2 =	stileid.u32  }
0x64: {  	s1 =	rddreg [dreg:$0x1];
	p0 =	sne.s32 s2, $0x0  }
0x65: {  	s3 =	rddreg [dreg:$0x2];
	[bflag:$0x3] =	sbarrier.arrive $0xFFFF;
	s2 =	simm.s32 @!p0 $0x1C01  }
0x66: {  	[timem:s3], [sflag:s2] =	dma.local @!p0 [hbm:s0], s1  }
0x67: {  	s0 =	simm.s32 @!p0 $0x1  }
0x68: {  	_ =	swait.ge @!p0 [sflag:s0], s1  }
0x69: {  	s1 =	ssub.s32 @!p0 $0x0, s1;
	[sflag:s0] =	ssyncset.done @!p0 $0x0  }
0x6a: {  	[sflag:s0] =	ssyncadd.s32 @!p0 s1  }
0x6b: {  	[bflag:$0x3] =	sbarrier.arrive $0xFFFF  }
0x6c: {  	_ =	shalt  }

// kernel: gather_offload_async_start.2
scs
__scs_entry_jumppad:
0x0: {  	(pc) =	sbr.rel $0x88, $3  }
0x1: {  	(tag) =	ssettag $0x0;
	lr =	simm.s32 $0x1  }
0x2: {  	[smem:$0x3F8B] =	sst lr;
	_ =	strace $0xD0000000  }
0x3: {  	_ = 	snop  }
0x4: {  	_ = 	snop  }
0x5: {  	_ = 	snop  }
0x6: {  	_ = 	snop  }
0x7: {  	_ = 	snop  }
__scs_overlays_trampoline_lowered:
0x8: {  	[smem:$0x3F9A] =	sst s0  }
0x9: {  	[smem:$0x3F9B] =	sst s1  }
0xa: {  	[smem:$0x3F9C] =	sst s2  }
0xb: {  	[smem:$0x3F9D] =	sst s3  }
0xc: {  	[smem:$0x3F9E] =	sst s4  }
0xd: {  	[smem:$0x3F9F] =	sst s5  }
0xe: {  	[smem:$0x3FA0] =	sst s6  }
0xf: {  	[smem:$0x3FA1] =	sst s7  }
0x10: {  	[smem:$0x3FA2] =	sst s8  }
0x11: {  	[smem:$0x3FA3] =	sst s9;
	s0 =	simm.s32 @!p0 $0x0  }
0x12: {  	s1 =	sld [smem:$0x3F89];
	s0 =	simm.s32 @p0 $0x1  }
0x13: {  	[smem:$0x3FA4] =	sst s0;
	s0 =	simm.s32 @!p1 $0x0  }
0x14: {  	s2 =	sld [smem:$0x3F88];
	s0 =	simm.s32 @p1 $0x1  }
0x15: {  	[smem:$0x3FA5] =	sst s0;
	s0 =	simm.s32 @!p2 $0x0  }
0x16: {  	s3 =	sld [smem:$0x3FDB];
	s0 =	simm.s32 @p2 $0x1  }
0x17: {  	s4 =	simm.s32 $0x1BF5;
	[smem:$0x3FA7] =	sst s0  }
0x18: {  	s0 =	sld [smem:$0x3F8A];
	_ =	swait.ge [sflag:s4], $0x0  }
0x19: {  	s7 =	sld [smem:$0x3F8B]  }
0x1a: {  	s8 =	sadd.s32 $0xFFFFE003, lr  }
0x1b: {  	s9 =	sadd.s32 $0xFFFFFEF7, lr;
	s5 =	simm.s32 $0xFFFFFFFF;
	p2 =	slt.u32 s8, $0xFFFFF086  }
0x1c: {  	p1 =	slt.u32 s9, $0xF7A;
	s5 =	simm.s32 @!p2 $0x0  }
0x1d: {  	s5 =	simm.s32 @p1 $0x1;
	p0 =	seq.s32 s7, s2  }
0x1e: {  	s7 =	smul.u32 @!p0 $0xF7A, s2;
	p2 =	seq.s32 @!p0 s5, $0x0  }
0x1f: {  	s9 =	smul.u32 $0xF7A, s1;
	s8 =	simm.s32 @!p0 $0x1BF5;
	p2 =	por !p2, p0  }
0x20: {  	[sflag:s8] =	ssyncset.s32 @!p0 $0xFFFFF086;
	s6 =	sadd.s32 @!p0 s3, s7;
	s7 =	simm.s32 @!p0 $0x108  }
0x21: {  	s3 =	sadd.s32 s3, s9;
	s6 =	sadd.s32 @!p0 $0x88, s6;
	s7 =	simm.s32 @p2 $0x1082  }
0x22: {  	[simem:s7], [sflag:s8] =	dma.local @!p0 [hbm:s6], $0xF7A  }
0x23: {  	s9 =	sor.u32 $0xD0000000, s2;
	s6 =	simm.s32 $0x108;
	_ =	swait.ge @!p0 [sflag:s8], $0x0  }
0x24: {  	s3 =	sadd.s32 $0x88, s3;
	s6 =	simm.s32 @!p1 $0x1082;
	[sflag:s4] =	ssyncset.s32 $0xFFFFF086  }
0x25: {  	[simem:s6], [sflag:s4] =	dma.local [hbm:s3], $0xF7A  }
0x26: {  	[smem:$0x3F8B] =	sst s1;
	(tag) =	ssettag s2;
	_ =	strace s9  }
0x27: {  	s1 =	sld [smem:$0x3F9B]  }
0x28: {  	s2 =	sld [smem:$0x3F9C]  }
0x29: {  	s4 =	sld [smem:$0x3F9E]  }
0x2a: {  	p0 =	seq.s32 s5, $0x0;
	s5 =	sld [smem:$0x3F9F]  }
0x2b: {  	s6 =	sld [smem:$0x3FA0]  }
0x2c: {  	s7 =	sld [smem:$0x3FA1]  }
0x2d: {  	s3 =	simm.s32 $0x108;
	s8 =	sld [smem:$0x3FA2]  }
0x2e: {  	s3 =	simm.s32 @!p0 $0x1082;
	s9 =	sld [smem:$0x3FA3]  }
0x2f: {  	lr =	sadd.s32 s0, s3;
	s0 =	sld [smem:$0x3F9A]  }
0x30: {  	s3 =	sld [smem:$0x3F9D]  }
0x31: {  	[smem:$0x3FA6] =	sst s10  }
0x32: {  	s10 =	sld [smem:$0x3FA4];
	_ =	sdelay $0x3  }
0x33: {  	p0 =	seq.s32 s10, $0x1;
	s10 =	sld [smem:$0x3FA6];
	_ =	sdelay $0x3  }
0x34: {  	[smem:$0x3FA6] =	sst s10  }
0x35: {  	s10 =	sld [smem:$0x3FA5];
	_ =	sdelay $0x3  }
0x36: {  	p1 =	seq.s32 s10, $0x1;
	s10 =	sld [smem:$0x3FA6];
	_ =	sdelay $0x3  }
0x37: {  	[smem:$0x3FA6] =	sst s10  }
0x38: {  	s10 =	sld [smem:$0x3FA7]  }
0x39: {  	_ = 	snop;
	(pc) =	sbr.ind lr, $3  }
0x3a: {  	_ = 	snop  }
0x3b: {  	_ = 	snop  }
0x3c: {  	p2 =	seq.s32 s10, $0x1;
	s10 =	sld [smem:$0x3FA6]  }
0x3d: {  	_ =	shalt  }
0x3e: {  	_ =	shalt  }
0x3f: {  	_ =	shalt  }
0x40: {  	_ =	shalt  }
0x41: {  	_ =	shalt  }
0x42: {  	_ =	shalt  }
0x43: {  	_ =	shalt  }
0x44: {  	_ =	shalt  }
0x45: {  	_ =	shalt  }
0x46: {  	_ =	shalt  }
0x47: {  	_ =	shalt  }
0x48: {  	_ =	shalt  }
0x49: {  	_ =	shalt  }
0x4a: {  	_ =	shalt  }
0x4b: {  	_ =	shalt  }
0x4c: {  	_ =	shalt  }
0x4d: {  	_ =	shalt  }
0x4e: {  	_ =	shalt  }
0x4f: {  	_ =	shalt  }
0x50: {  	_ =	shalt  }
0x51: {  	_ =	shalt  }
0x52: {  	_ =	shalt  }
0x53: {  	_ =	shalt  }
0x54: {  	_ =	shalt  }
0x55: {  	_ =	shalt  }
0x56: {  	_ =	shalt  }
0x57: {  	_ =	shalt  }
0x58: {  	_ =	shalt  }
0x59: {  	_ =	shalt  }
0x5a: {  	_ =	shalt  }
0x5b: {  	_ =	shalt  }
0x5c: {  	_ =	shalt  }
0x5d: {  	_ =	shalt  }
0x5e: {  	_ =	shalt  }
0x5f: {  	_ =	shalt  }
0x60: {  	_ =	shalt  }
0x61: {  	_ =	shalt  }
0x62: {  	_ =	shalt  }
0x63: {  	_ =	shalt  }
0x64: {  	_ =	shalt  }
0x65: {  	_ =	shalt  }
0x66: {  	_ =	shalt  }
0x67: {  	_ =	shalt  }
0x68: {  	_ =	shalt  }
0x69: {  	_ =	shalt  }
0x6a: {  	_ =	shalt  }
0x6b: {  	_ =	shalt  }
0x6c: {  	_ =	shalt  }
0x6d: {  	_ =	shalt  }
0x6e: {  	_ =	shalt  }
0x6f: {  	_ =	shalt  }
0x70: {  	_ =	shalt  }
0x71: {  	_ =	shalt  }
0x72: {  	_ =	shalt  }
0x73: {  	_ =	shalt  }
0x74: {  	_ =	shalt  }
0x75: {  	_ =	shalt  }
0x76: {  	_ =	shalt  }
0x77: {  	_ =	shalt  }
0x78: {  	_ =	shalt  }
0x79: {  	_ =	shalt  }
0x7a: {  	_ =	shalt  }
0x7b: {  	_ =	shalt  }
0x7c: {  	_ =	shalt  }
0x7d: {  	_ =	shalt  }
0x7e: {  	_ =	shalt  }
0x7f: {  	_ =	shalt  }
0x80: {  	_ =	shalt  }
0x81: {  	_ =	shalt  }
0x82: {  	_ =	shalt  }
0x83: {  	_ =	shalt  }
0x84: {  	_ =	shalt  }
0x85: {  	_ =	shalt  }
0x86: {  	_ =	shalt  }
0x87: {  	_ =	shalt  }
.Lfunc_end0:
.L_simem_size_0:
called_computation.8_lowered:
.L_overlay_start_0:
0x88: {  	s2 =	sld [smem:$0x3FD9]  }
0x89: {  	s3 =	sld [smem:$0x3FFE];
	_ =	sdelay $0x1  }
0x8a: {  	s1 =	srdreg.scid  }
0x8b: {  	s0 =	sand.u32 $0x1, s1  }
0x8c: {  	s14 =	sshll.u32 s0, $0xA;
	s2 =	sadd.s32 s3, s2  }
0x8d: {  	s2 =	sadd.s32 s2, s14  }
0x8e: {  	[smem:$0x3FB2] =	sst s2  }
0x8f: {  	_ = 	snop  }
0x90: {  	s2 =	sld [smem:$0x3FD0];
	_ =	sdelay $0x2  }
0x91: {  	s15 =	simm.s32 $0xA;
	s4 =	simm.s32 $0x10  }
0x92: {  	[smem:s4], [sflag:s15] =	dma.local [hbm:s2], $0x1  }
0x93: {  	_ =	swait.eq [sflag:s15], $0x1  }
0x94: {  	[sflag:s15] =	ssyncset.done $0x0  }
0x95: {  	[sflag:s15] =	ssyncadd.s32 $0xFFFFFFFF  }
0x96: {  	s16 =	sld [smem:$0x10];
	(tm) =	ssettm $0x1  }
0x97: {  	s17 =	sld [smem:$0x3FFB];
	_ =	sdelay $0x3  }
0x98: {  	_ =	strace s17  }
0x99: {  	s3 =	sld [smem:$0x3FFC];
	_ =	sdelay $0x3  }
0x9a: {  	_ =	strace s3  }
0x9b: {  	s3 =	sld [smem:$0x3FFD];
	_ =	sdelay $0x3  }
0x9c: {  	_ =	strace s3  }
0x9d: {  	_ =	strace $0x8FFFFFFF  }
0x9e: {  	s18 =	sld [smem:$0x3FDB];
	_ =	sdelay $0x1  }
0x9f: {  	s19 =	simm.s32 $_scs_section_size  }
0xa0: {  	s5 =	simm.s32 $_size__tile_overlayer_lowered;
	s6 =	simm.s32 $_tile_overlayer_lowered  }
0xa1: {  	s22 =	simm.s32 $0x1BFF;
	s21 =	sshll.u32 s6, $0x1;
	s3 =	sadd.s32 s19, s18  }
0xa2: {  	s7 =	simm.s32 $0x0;
	s20 =	sshll.u32 s5, $0x1;
	s5 =	sadd.s32 s21, s3  }
0xa3: {  	[timem:s7], [sflag:s22] =	dma.local [hbm:s5], s20  }
0xa4: {  	_ =	swait.ge [sflag:s22], s20  }
0xa5: {  	s4 =	ssub.s32 $0x0, s20;
	[sflag:s22] =	ssyncset.done $0x0  }
0xa6: {  	[sflag:s22] =	ssyncadd.s32 s4;
	_ =	sdelay $0x1  }
0xa7: {  	s23 =	simm.s32 $0x1B8B  }
0xa8: {  	_ =	swait.ge [sflag:s23], $0x1  }
0xa9: {  	[sflag:s23] =	ssyncset.done $0x0  }
0xaa: {  	s25 =	simm.s32 $0x1B8E;
	s24 =	sld [smem:$0x3FFE];
	[sflag:s23] =	ssyncadd.s32 $0xFFFFFFFF  }
0xab: {  	s26 =	simm.s32 $execute0_lowered;
	[smem:$0x3FD2] =	sst s25  }
0xac: {  	s5 =	sshll.u32 s26, $0x1;
	_ =	strace $0x80000052;
	[dreg:$0x1] =	wrdreg $0xFFFFFFFF  }
0xad: {  	s28 =	simm.s32 $_size_execute0_lowered;
	s3 =	sadd.s32 s3, s5;
	[dreg:$0x0] =	wrdreg $0x0  }
0xae: {  	s5 =	sshll.u32 s28, $0x1;
	[dreg:$0x2] =	wrdreg s3  }
0xaf: {  	[dreg:$0x3] =	wrdreg s5  }
0xb0: {  	[dreg:$0x4] =	wrdreg $0xC0  }
0xb1: {  	_ =	task [dreg:s7], $0x5FFFF  }
0xb2: {  	[dreg:$0x1] =	wrdreg $0xFFFFFFFF  }
0xb3: {  	[dreg:$0x0] =	wrdreg $0x60  }
0xb4: {  	[dreg:$0x2] =	wrdreg s24  }
0xb5: {  	[dreg:$0x3] =	wrdreg s16  }
0xb6: {  	[dreg:$0x4] =	wrdreg $0x9  }
0xb7: {  	_ =	task.clear_ibuf [dreg:s7], $0x5FFFF;
	_ =	strace $0x90000052  }
0xb8: {  	s29 =	simm.s32 $0x9;
	_ =	strace $0x80000054  }
0xb9: {  	_ =	swait.ge [sflag:s29], $0x1  }
0xba: {  	[sflag:s29] =	ssyncadd.s32 $0xFFFFFFFF  }
0xbb: {  	_ =	strace $0x90000054  }
0xbc: {  	_ =	sfence  }
0xbd: {  	s30 =	sld [smem:$0x0];
	_ =	sdelay $0x2  }
0xbe: {  	s31 =	sshll.u32 s1, $0xD;
	s1 =	sshrl.u32 s1, $0x2  }
0xbf: {  	s3 =	sand.u32 $0x4000, s31;
	s1 =	sadd.s32 s1, s30  }
0xc0: {  	s0 =	sor.u32 s3, s0;
	s1 =	sshll.u32 s1, $0x11  }
0xc1: {  	s0 =	sor.u32 s1, s0  }
0xc2: {  	s0 =	sadd.s32 $0x8F2B, s0  }
0xc3: {  	[sflag:s0] =	ssyncadd.remote.s32 $0x1  }
0xc4: {  	_ =	sfence.sel $0xFFFF  }
0xc5: {  	[dreg:$0x0] =	wrdreg $0xFFFFFFFF;
	(pc) =	sbr.abs _section_cstart, $3  }
0xc6: {  	[dreg:$0x1] =	wrdreg $0xFFFFFFFF  }
0xc7: {  	_ =	task.clear_ibuf [dreg:s7], $0x2FFFF;
	_ =	strace $0x9FFFFFFF  }
0xc8: {  	(tm) =	ssettm $0x7FFFFFFF  }
0xc9: {  	_ =	shalt  }
tec
execute0_lowered:
.L_overlay_start_1:
0x0: {  	(tag) =	ssettag $0x1  }
0x1: {  	s0 =	srdreg.scid  }
0x2: {  	s1 =	sshll.u32 s0, $0x4  }
0x3: {  	s0 =	stileid.u32;
	s1 =	sand.u32 $0x10, s1  }
0x4: {  	s2 =	sor.u32 s0, s1  }
0x5: {  	s3 =	smul.u32 $0x3E, s2  }
0x6: {  	s1 =	sshrl.u32 s1, $0x4;
	s2 =	smin.u32 s2, $0x10  }
0x7: {  	s1 =	sxor.u32 $0x3F, s1;
	s2 =	sadd.s32 s2, s3  }
0x8: {  	s1 =	sadd.s32 s1, s2  }
0x9: {  	s1 =	smul.u32 $0x140, s1  }
0xa: {  	s2 =	smul.u32 $0x140, s2  }
0xb: {  	s3 =	smin.u32 s1, $0x9C400  }
0xc: {  	s7 =	ssub.s32 s3, s2  }
0xd: {  	p0 =	sgt.s32 s7, $0x0  }
0xe: {  	s7 =	simm.s32 @!p0 $0x0  }
0xf: {  	s9 =	rddreg [dreg:$0x0];
	s31 =	smulhi.u32 $0x66666667, s7  }
0x10: {  	s4 =	rddreg [dreg:$0x1];
	s6 =	simm.s32 $0x1  }
0x11: {  	s11 =	simm.s32 $0x3;
	s13 =	simm.s32 $0x0;
	s8 =	sshrl.u32 s31, $0x7  }
0x12: {  	s12 =	simm.s32 $0x0;
	s5 =	sadd.s32 $0x9FEE00, s9;
	s10 =	smul.u32 $0x140, s8  }
.Ltmp0:
0x13: {  	s9 =	sadd.s32 $0xEE0E00, s9;
	s1 =	rddreg [dreg:$0x2];
	(pc) =	sbr.rel .LBB2_1-.Ltmp0, $4  }
0x14: {  	_ =	strace $0x80000053;
	p0 =	sne.s32 s7, s10;
	s10 =	simm.s32 $0x1  }
0x15: {  	[sflag:s6] =	ssyncpa.u1 $0x0;
	s7 =	simm.s32 $0x2;
	s10 =	simm.s32 @!p0 $0x0  }
0x16: {  	[sflag:s7] =	ssyncpa.u1 $0x0;
	p0 =	por $0x0, $0x0;
	s8 =	sadd.s32 s10, s8  }
0x17: {  	vm0 =	vmmov $0xff;
	vm1 =	vcmask $0x3F20;
	[sflag:s11] =	ssyncpa.u1 $0x0;
	s11 =	smov.u32 s2;
	s10 =	sadd.s32 $0x1, s8  }
.LBB2_6:
0x18: {  	[hbm:s17] =	stream.linear.scatter [tilespmem:s14], [sflag:$0x3], $0x400, $0x38;
	[tilespmem:$0x14280] =	vst v63  }
.LBB2_7:
0x19: {  	s13 =	sadd.s32 $0x140, s11  }
0x1a: {  	s15 =	smov.u32 s2;
	p2 =	slt.s32 s13, s3  }
0x1b: {  	s15 =	smov.u32 @p2 s13;
	p2 =	sne.s32 s12, s10  }
.Ltmp1:
0x1c: {  	p1 =	slt.u32 s12, $0x2;
	(pc) =	sbr.rel @!p2 .LBB2_8-.Ltmp1, $4  }
0x1d: {  	s14 =	simm.s32 @!p1 $0x3  }
0x1e: {  	s16 =	sadd.s32 $0x1, s12;
	_ =	swait.ge @!p1 [sflag:s14], $0xA000  }
0x1f: {  	p0 =	por !p0, !p0;
	s13 =	smov.u32 s11;
	[sflag:s14] =	ssyncset.done @!p1 $0x0  }
0x20: {  	s12 =	smov.u32 s16;
	s11 =	smov.u32 s15;
	[sflag:s14] =	ssyncadd.s32 @!p1 $0xFFFF6000  }
.LBB2_1:
0x21: {  	p1 =	sge.u32 s12, s8  }
0x22: {  	s14 =	sxor.u32 @!p1 $0xFFFFFFFF, s12  }
0x23: {  	s14 =	sand.u32 @!p1 $0x1, s14  }
0x24: {  	s14 =	smul.u32 @!p1 $0x500, s14  }
0x25: {  	s31 =	sadd.s32 $0xFFFFFFFF, s12;
	s15 =	sshrl.u32 @!p1 s11, $0x3  }
0x26: {  	s16 =	sand.u32 @!p1 $0x7, s11;
	s15 =	sadd.s32 @!p1 s4, s15;
	s14 =	sshrl.u32 @!p1 s14, $0x2  }
0x27: {  	[tilespmem:s14], [sflag:$0x2] =	stream.linear.gather @!p1 [hbm4b:s15+s16], $0x140, $0x38;
	[tilespmem:$0x14280] =	vst v63  }
0x28: {  	p1 =	sge.u32 s31, s8  }
.Ltmp2:
0x29: {  	_ = 	snop;
	(pc) =	sbr.rel @p1 .LBB2_7-.Ltmp2, $1  }
0x2a: {  	_ =	sdelay $0x3  }
0x2b: {  	s14 =	simm.s32 $0x1  }
0x2c: {  	s14 =	simm.s32 @!p0 $0x0  }
0x2d: {  	s15 =	smul.u32 $0x500, s14  }
0x2e: {  	_ =	swait.ge [sflag:s7], $0x140  }
0x2f: {  	[sflag:s7] =	ssyncset.done $0x0;
	s16 =	sshrl.u32 s15, $0x2  }
0x30: {  	[sflag:s7] =	ssyncadd.s32 $0xFFFFFEC0;
	s15 =	sadd.s32 $0x0, s16  }
0x31: {  	v0 =	vld.msk [tilespmem:s15+$0x0 ss:$0x1], $0xffff;
	_ =	sdelay $0x4  }
0x32: {  	vm2 =	vgt.s32 v0, $0x0  }
0x33: {  	v0 =	vnsel vm2, $0x0, v0  }
0x34: {  	v0 =	vmin.u32 v0, $0x4E1FF  }
0x35: {  	v0 =	vshll.u32 v0, $0x4  }
0x36: {  	s14 =	smul.u32 $0x28000, s14;
	_ =	sdelay $0x1  }
0x37: {  	s14 =	sshrl.u32 s14, $0x2  }
0x38: {  	s14 =	sor.u32 $0x280, s14  }
0x39: {  	[tilespmem:s14], [sflag:$0x1] =	stream.indirect_vreg.gather [hbm:s5], $0x80, v0, vm0, $0x38;
	[tilespmem:$0x14280] =	vst v63  }
0x3a: {  	s17 =	sadd.s32 $0x10, s16;
	s15 =	sadd.s32 $0x400, s14  }
0x3b: {  	[tilespmem:s15], [sflag:$0x1] =	stream.indirect_vreg.gather [hbm:s5], $0x80, v0, vm1, $0x38;
	[tilespmem:$0x14280] =	vst v63  }
0x3c: {  	s18 =	simm.s32 $0x80;
	v0 =	vld.msk [tilespmem:s17+$0x0 ss:$0x1], $0xffff;
	s17 =	smov.u32 s14  }
.LBB2_3:
0x3d: {  	p1 =	sne.s32 s18, $0x4C0;
	_ =	sdelay $0x4  }
0x3e: {  	vm2 =	vgt.s32 v0, $0x0  }
0x3f: {  	v0 =	vnsel vm2, $0x0, v0  }
0x40: {  	v0 =	vmin.u32 v0, $0x4E1FF  }
0x41: {  	v0 =	vshll.u32 v0, $0x4;
	_ =	sdelay $0x3  }
.Ltmp3:
0x42: {  	s19 =	sshra.s32 s18, $0x2;
	s17 =	sadd.s32 $0x800, s17;
	(pc) =	sbr.rel @p1 .LBB2_3-.Ltmp3, $4  }
0x43: {  	[tilespmem:s17], [sflag:$0x1] =	stream.indirect_vreg.gather [hbm:s5], $0x80, v0, vm0, $0x38;
	[tilespmem:$0x14280] =	vst v63  }
0x44: {  	s19 =	sadd.s32 s19, s16;
	s20 =	sadd.s32 $0x400, s17  }
0x45: {  	[tilespmem:s20], [sflag:$0x1] =	stream.indirect_vreg.gather [hbm:s5], $0x80, v0, vm1, $0x38;
	[tilespmem:$0x14280] =	vst v63  }
0x46: {  	s18 =	sadd.s32 $0x40, s18;
	v0 =	vld.msk [tilespmem:s19+$0x0 ss:$0x1], $0xffff  }
0x47: {  	_ =	sdelay $0x3  }
0x48: {  	vm2 =	vgt.s32 v0, $0x0  }
0x49: {  	v0 =	vnsel vm2, $0x0, v0  }
0x4a: {  	v0 =	vmin.u32 v0, $0x4E1FF  }
0x4b: {  	v0 =	vshll.u32 v0, $0x4;
	_ =	sdelay $0x3  }
0x4c: {  	s16 =	sadd.s32 $0x800, s17  }
0x4d: {  	[tilespmem:s16], [sflag:$0x1] =	stream.indirect_vreg.gather [hbm:s5], $0x80, v0, vm0, $0x38;
	[tilespmem:$0x14280] =	vst v63  }
0x4e: {  	s16 =	sadd.s32 $0x400, s16  }
0x4f: {  	[tilespmem:s16], [sflag:$0x1] =	stream.indirect_vreg.gather [hbm:s5], $0x80, v0, vm1, $0x38;
	[tilespmem:$0x14280] =	vst v63  }
0x50: {  	s13 =	sshll.u32 s13, $0x4;
	_ =	swait.ge [sflag:s6], $0xA000  }
0x51: {  	s13 =	sadd.s32 s13, s9;
	[sflag:s6] =	ssyncset.done $0x0  }
0x52: {  	s17 =	sadd.s32 $0x0, s13;
	s16 =	simm.s32 $0x80;
	[sflag:s6] =	ssyncadd.s32 $0xFFFF6000  }
.LBB2_5:
0x53: {  	[hbm:s17] =	stream.linear.scatter [tilespmem:s14], [sflag:$0x3], $0x400, $0x38;
	[tilespmem:$0x14280] =	vst v63  }
0x54: {  	s17 =	smov.u32 s16;
	s14 =	smov.u32 s15;
	p1 =	sne.s32 s16, $0x1380  }
.Ltmp4:
0x55: {  	s16 =	sadd.s32 $0x80, s16;
	(pc) =	sbr.rel @p1 .LBB2_5-.Ltmp4, $2  }
0x56: {  	_ =	sdelay $0x2  }
0x57: {  	s15 =	sadd.s32 $0x400, s15;
	s17 =	sadd.s32 s17, s13  }
.Ltmp5:
0x58: {  	_ = 	snop;
	(pc) =	sbr.rel .LBB2_6-.Ltmp5, $1  }
0x59: {  	_ =	sdelay $0x3  }
.LBB2_8:
0x5a: {  	_ =	sfence.sel $0x180000  }
0x5b: {  	s2 =	simm.s32 $0x2;
	[bflag:$0x0] =	sbarrier.arrive $0xFFFF  }
0x5c: {  	s30 =	simm.s32 $0x3;
	[sflag:s2] =	ssyncpa.u1 $0x1  }
0x5d: {  	s31 =	simm.s32 $0x1;
	[sflag:s30] =	ssyncpa.u1 $0x1  }
0x5e: {  	[sflag:s31] =	ssyncpa.u1 $0x1  }
0x5f: {  	p0 =	sne.s32 s0, $0x0;
	_ =	strace $0x90000053  }
0x60: {  	s0 =	sadd.s32 @!p0 $0x100000, s1;
	[bflag:$0x2] =	sbarrier.arrive $0xFFFF  }
0x61: {  	[sflag:s0] =	ssyncadd.tile.s32 @!p0 $0x1;
	_ =	shalt  }
.Lfunc_end2:
_tile_overlayer_lowered:
.L_overlay_start_2:
0x62: {  	(tag) =	ssettag $0x2  }
0x63: {  	s0 =	rddreg [dreg:$0x0];
	s2 =	stileid.u32  }
0x64: {  	s1 =	rddreg [dreg:$0x1];
	p0 =	sne.s32 s2, $0x0  }
0x65: {  	s3 =	rddreg [dreg:$0x2];
	[bflag:$0x3] =	sbarrier.arrive $0xFFFF;
	s2 =	simm.s32 @!p0 $0x1C01  }
0x66: {  	[timem:s3], [sflag:s2] =	dma.local @!p0 [hbm:s0], s1  }
0x67: {  	s0 =	simm.s32 @!p0 $0x1  }
0x68: {  	_ =	swait.ge @!p0 [sflag:s0], s1  }
0x69: {  	s1 =	ssub.s32 @!p0 $0x0, s1;
	[sflag:s0] =	ssyncset.done @!p0 $0x0  }
0x6a: {  	[sflag:s0] =	ssyncadd.s32 @!p0 s1  }
0x6b: {  	[bflag:$0x3] =	sbarrier.arrive $0xFFFF  }
0x6c: {  	_ =	shalt  }

// kernel: gather_offload_async_start
scs
__scs_entry_jumppad:
0x0: {  	(pc) =	sbr.rel $0x88, $3  }
0x1: {  	(tag) =	ssettag $0x0;
	lr =	simm.s32 $0x1  }
0x2: {  	[smem:$0x3F8B] =	sst lr;
	_ =	strace $0xD0000000  }
0x3: {  	_ = 	snop  }
0x4: {  	_ = 	snop  }
0x5: {  	_ = 	snop  }
0x6: {  	_ = 	snop  }
0x7: {  	_ = 	snop  }
__scs_overlays_trampoline_lowered:
0x8: {  	[smem:$0x3F9A] =	sst s0  }
0x9: {  	[smem:$0x3F9B] =	sst s1  }
0xa: {  	[smem:$0x3F9C] =	sst s2  }
0xb: {  	[smem:$0x3F9D] =	sst s3  }
0xc: {  	[smem:$0x3F9E] =	sst s4  }
0xd: {  	[smem:$0x3F9F] =	sst s5  }
0xe: {  	[smem:$0x3FA0] =	sst s6  }
0xf: {  	[smem:$0x3FA1] =	sst s7  }
0x10: {  	[smem:$0x3FA2] =	sst s8  }
0x11: {  	[smem:$0x3FA3] =	sst s9;
	s0 =	simm.s32 @!p0 $0x0  }
0x12: {  	s1 =	sld [smem:$0x3F89];
	s0 =	simm.s32 @p0 $0x1  }
0x13: {  	[smem:$0x3FA4] =	sst s0;
	s0 =	simm.s32 @!p1 $0x0  }
0x14: {  	s2 =	sld [smem:$0x3F88];
	s0 =	simm.s32 @p1 $0x1  }
0x15: {  	[smem:$0x3FA5] =	sst s0;
	s0 =	simm.s32 @!p2 $0x0  }
0x16: {  	s3 =	sld [smem:$0x3FDB];
	s0 =	simm.s32 @p2 $0x1  }
0x17: {  	s4 =	simm.s32 $0x1BF5;
	[smem:$0x3FA7] =	sst s0  }
0x18: {  	s0 =	sld [smem:$0x3F8A];
	_ =	swait.ge [sflag:s4], $0x0  }
0x19: {  	s7 =	sld [smem:$0x3F8B]  }
0x1a: {  	s8 =	sadd.s32 $0xFFFFE003, lr  }
0x1b: {  	s9 =	sadd.s32 $0xFFFFFEF7, lr;
	s5 =	simm.s32 $0xFFFFFFFF;
	p2 =	slt.u32 s8, $0xFFFFF086  }
0x1c: {  	p1 =	slt.u32 s9, $0xF7A;
	s5 =	simm.s32 @!p2 $0x0  }
0x1d: {  	s5 =	simm.s32 @p1 $0x1;
	p0 =	seq.s32 s7, s2  }
0x1e: {  	s7 =	smul.u32 @!p0 $0xF7A, s2;
	p2 =	seq.s32 @!p0 s5, $0x0  }
0x1f: {  	s9 =	smul.u32 $0xF7A, s1;
	s8 =	simm.s32 @!p0 $0x1BF5;
	p2 =	por !p2, p0  }
0x20: {  	[sflag:s8] =	ssyncset.s32 @!p0 $0xFFFFF086;
	s6 =	sadd.s32 @!p0 s3, s7;
	s7 =	simm.s32 @!p0 $0x108  }
0x21: {  	s3 =	sadd.s32 s3, s9;
	s6 =	sadd.s32 @!p0 $0x88, s6;
	s7 =	simm.s32 @p2 $0x1082  }
0x22: {  	[simem:s7], [sflag:s8] =	dma.local @!p0 [hbm:s6], $0xF7A  }
0x23: {  	s9 =	sor.u32 $0xD0000000, s2;
	s6 =	simm.s32 $0x108;
	_ =	swait.ge @!p0 [sflag:s8], $0x0  }
0x24: {  	s3 =	sadd.s32 $0x88, s3;
	s6 =	simm.s32 @!p1 $0x1082;
	[sflag:s4] =	ssyncset.s32 $0xFFFFF086  }
0x25: {  	[simem:s6], [sflag:s4] =	dma.local [hbm:s3], $0xF7A  }
0x26: {  	[smem:$0x3F8B] =	sst s1;
	(tag) =	ssettag s2;
	_ =	strace s9  }
0x27: {  	s1 =	sld [smem:$0x3F9B]  }
0x28: {  	s2 =	sld [smem:$0x3F9C]  }
0x29: {  	s4 =	sld [smem:$0x3F9E]  }
0x2a: {  	p0 =	seq.s32 s5, $0x0;
	s5 =	sld [smem:$0x3F9F]  }
0x2b: {  	s6 =	sld [smem:$0x3FA0]  }
0x2c: {  	s7 =	sld [smem:$0x3FA1]  }
0x2d: {  	s3 =	simm.s32 $0x108;
	s8 =	sld [smem:$0x3FA2]  }
0x2e: {  	s3 =	simm.s32 @!p0 $0x1082;
	s9 =	sld [smem:$0x3FA3]  }
0x2f: {  	lr =	sadd.s32 s0, s3;
	s0 =	sld [smem:$0x3F9A]  }
0x30: {  	s3 =	sld [smem:$0x3F9D]  }
0x31: {  	[smem:$0x3FA6] =	sst s10  }
0x32: {  	s10 =	sld [smem:$0x3FA4];
	_ =	sdelay $0x3  }
0x33: {  	p0 =	seq.s32 s10, $0x1;
	s10 =	sld [smem:$0x3FA6];
	_ =	sdelay $0x3  }
0x34: {  	[smem:$0x3FA6] =	sst s10  }
0x35: {  	s10 =	sld [smem:$0x3FA5];
	_ =	sdelay $0x3  }
0x36: {  	p1 =	seq.s32 s10, $0x1;
	s10 =	sld [smem:$0x3FA6];
	_ =	sdelay $0x3  }
0x37: {  	[smem:$0x3FA6] =	sst s10  }
0x38: {  	s10 =	sld [smem:$0x3FA7]  }
0x39: {  	_ = 	snop;
	(pc) =	sbr.ind lr, $3  }
0x3a: {  	_ = 	snop  }
0x3b: {  	_ = 	snop  }
0x3c: {  	p2 =	seq.s32 s10, $0x1;
	s10 =	sld [smem:$0x3FA6]  }
0x3d: {  	_ =	shalt  }
0x3e: {  	_ =	shalt  }
0x3f: {  	_ =	shalt  }
0x40: {  	_ =	shalt  }
0x41: {  	_ =	shalt  }
0x42: {  	_ =	shalt  }
0x43: {  	_ =	shalt  }
0x44: {  	_ =	shalt  }
0x45: {  	_ =	shalt  }
0x46: {  	_ =	shalt  }
0x47: {  	_ =	shalt  }
0x48: {  	_ =	shalt  }
0x49: {  	_ =	shalt  }
0x4a: {  	_ =	shalt  }
0x4b: {  	_ =	shalt  }
0x4c: {  	_ =	shalt  }
0x4d: {  	_ =	shalt  }
0x4e: {  	_ =	shalt  }
0x4f: {  	_ =	shalt  }
0x50: {  	_ =	shalt  }
0x51: {  	_ =	shalt  }
0x52: {  	_ =	shalt  }
0x53: {  	_ =	shalt  }
0x54: {  	_ =	shalt  }
0x55: {  	_ =	shalt  }
0x56: {  	_ =	shalt  }
0x57: {  	_ =	shalt  }
0x58: {  	_ =	shalt  }
0x59: {  	_ =	shalt  }
0x5a: {  	_ =	shalt  }
0x5b: {  	_ =	shalt  }
0x5c: {  	_ =	shalt  }
0x5d: {  	_ =	shalt  }
0x5e: {  	_ =	shalt  }
0x5f: {  	_ =	shalt  }
0x60: {  	_ =	shalt  }
0x61: {  	_ =	shalt  }
0x62: {  	_ =	shalt  }
0x63: {  	_ =	shalt  }
0x64: {  	_ =	shalt  }
0x65: {  	_ =	shalt  }
0x66: {  	_ =	shalt  }
0x67: {  	_ =	shalt  }
0x68: {  	_ =	shalt  }
0x69: {  	_ =	shalt  }
0x6a: {  	_ =	shalt  }
0x6b: {  	_ =	shalt  }
0x6c: {  	_ =	shalt  }
0x6d: {  	_ =	shalt  }
0x6e: {  	_ =	shalt  }
0x6f: {  	_ =	shalt  }
0x70: {  	_ =	shalt  }
0x71: {  	_ =	shalt  }
0x72: {  	_ =	shalt  }
0x73: {  	_ =	shalt  }
0x74: {  	_ =	shalt  }
0x75: {  	_ =	shalt  }
0x76: {  	_ =	shalt  }
0x77: {  	_ =	shalt  }
0x78: {  	_ =	shalt  }
0x79: {  	_ =	shalt  }
0x7a: {  	_ =	shalt  }
0x7b: {  	_ =	shalt  }
0x7c: {  	_ =	shalt  }
0x7d: {  	_ =	shalt  }
0x7e: {  	_ =	shalt  }
0x7f: {  	_ =	shalt  }
0x80: {  	_ =	shalt  }
0x81: {  	_ =	shalt  }
0x82: {  	_ =	shalt  }
0x83: {  	_ =	shalt  }
0x84: {  	_ =	shalt  }
0x85: {  	_ =	shalt  }
0x86: {  	_ =	shalt  }
0x87: {  	_ =	shalt  }
.Lfunc_end0:
.L_simem_size_0:
called_computation.6_lowered:
.L_overlay_start_0:
0x88: {  	s2 =	sld [smem:$0x3FD9]  }
0x89: {  	s3 =	sld [smem:$0x3FFE];
	_ =	sdelay $0x1  }
0x8a: {  	s1 =	srdreg.scid  }
0x8b: {  	s0 =	sand.u32 $0x1, s1  }
0x8c: {  	s14 =	sshll.u32 s0, $0xA;
	s2 =	sadd.s32 s3, s2  }
0x8d: {  	s2 =	sadd.s32 s2, s14  }
0x8e: {  	[smem:$0x3FB2] =	sst s2  }
0x8f: {  	_ = 	snop  }
0x90: {  	s2 =	sld [smem:$0x3FD0];
	_ =	sdelay $0x2  }
0x91: {  	s15 =	simm.s32 $0xA;
	s4 =	simm.s32 $0x10  }
0x92: {  	[smem:s4], [sflag:s15] =	dma.local [hbm:s2], $0x1  }
0x93: {  	_ =	swait.eq [sflag:s15], $0x1  }
0x94: {  	[sflag:s15] =	ssyncset.done $0x0  }
0x95: {  	[sflag:s15] =	ssyncadd.s32 $0xFFFFFFFF  }
0x96: {  	s16 =	sld [smem:$0x11];
	(tm) =	ssettm $0x1  }
0x97: {  	s17 =	sld [smem:$0x3FFB];
	_ =	sdelay $0x3  }
0x98: {  	_ =	strace s17  }
0x99: {  	s3 =	sld [smem:$0x3FFC];
	_ =	sdelay $0x3  }
0x9a: {  	_ =	strace s3  }
0x9b: {  	s3 =	sld [smem:$0x3FFD];
	_ =	sdelay $0x3  }
0x9c: {  	_ =	strace s3  }
0x9d: {  	_ =	strace $0x8FFFFFFF  }
0x9e: {  	s18 =	sld [smem:$0x3FDB];
	_ =	sdelay $0x1  }
0x9f: {  	s19 =	simm.s32 $_scs_section_size  }
0xa0: {  	s5 =	simm.s32 $_size__tile_overlayer_lowered;
	s6 =	simm.s32 $_tile_overlayer_lowered  }
0xa1: {  	s22 =	simm.s32 $0x1BFF;
	s21 =	sshll.u32 s6, $0x1;
	s3 =	sadd.s32 s19, s18  }
0xa2: {  	s7 =	simm.s32 $0x0;
	s20 =	sshll.u32 s5, $0x1;
	s5 =	sadd.s32 s21, s3  }
0xa3: {  	[timem:s7], [sflag:s22] =	dma.local [hbm:s5], s20  }
0xa4: {  	_ =	swait.ge [sflag:s22], s20  }
0xa5: {  	s4 =	ssub.s32 $0x0, s20;
	[sflag:s22] =	ssyncset.done $0x0  }
0xa6: {  	[sflag:s22] =	ssyncadd.s32 s4;
	_ =	sdelay $0x1  }
0xa7: {  	s23 =	simm.s32 $0x1B8B  }
0xa8: {  	_ =	swait.ge [sflag:s23], $0x1  }
0xa9: {  	[sflag:s23] =	ssyncset.done $0x0  }
0xaa: {  	s25 =	simm.s32 $0x1B8E;
	s24 =	sld [smem:$0x3FFE];
	[sflag:s23] =	ssyncadd.s32 $0xFFFFFFFF  }
0xab: {  	s26 =	simm.s32 $execute0_lowered;
	[smem:$0x3FD2] =	sst s25  }
0xac: {  	s5 =	sshll.u32 s26, $0x1;
	_ =	strace $0x80000046;
	[dreg:$0x1] =	wrdreg $0xFFFFFFFF  }
0xad: {  	s28 =	simm.s32 $_size_execute0_lowered;
	s3 =	sadd.s32 s3, s5;
	[dreg:$0x0] =	wrdreg $0x0  }
0xae: {  	s5 =	sshll.u32 s28, $0x1;
	[dreg:$0x2] =	wrdreg s3  }
0xaf: {  	[dreg:$0x3] =	wrdreg s5  }
0xb0: {  	[dreg:$0x4] =	wrdreg $0xC0  }
0xb1: {  	_ =	task [dreg:s7], $0x5FFFF  }
0xb2: {  	[dreg:$0x1] =	wrdreg $0xFFFFFFFF  }
0xb3: {  	[dreg:$0x0] =	wrdreg $0x60  }
0xb4: {  	[dreg:$0x2] =	wrdreg s16  }
0xb5: {  	[dreg:$0x3] =	wrdreg s24  }
0xb6: {  	[dreg:$0x4] =	wrdreg $0x9  }
0xb7: {  	_ =	task.clear_ibuf [dreg:s7], $0x5FFFF;
	_ =	strace $0x90000046  }
0xb8: {  	s29 =	simm.s32 $0x9;
	_ =	strace $0x80000048  }
0xb9: {  	_ =	swait.ge [sflag:s29], $0x1  }
0xba: {  	[sflag:s29] =	ssyncadd.s32 $0xFFFFFFFF  }
0xbb: {  	_ =	strace $0x90000048  }
0xbc: {  	_ =	sfence  }
0xbd: {  	s30 =	sld [smem:$0x0];
	_ =	sdelay $0x2  }
0xbe: {  	s31 =	sshll.u32 s1, $0xD;
	s1 =	sshrl.u32 s1, $0x2  }
0xbf: {  	s3 =	sand.u32 $0x4000, s31;
	s1 =	sadd.s32 s1, s30  }
0xc0: {  	s0 =	sor.u32 s3, s0;
	s1 =	sshll.u32 s1, $0x11  }
0xc1: {  	s0 =	sor.u32 s1, s0  }
0xc2: {  	s0 =	sadd.s32 $0x8F2B, s0  }
0xc3: {  	[sflag:s0] =	ssyncadd.remote.s32 $0x1  }
0xc4: {  	_ =	sfence.sel $0xFFFF  }
0xc5: {  	[dreg:$0x0] =	wrdreg $0xFFFFFFFF;
	(pc) =	sbr.abs _section_cstart, $3  }
0xc6: {  	[dreg:$0x1] =	wrdreg $0xFFFFFFFF  }
0xc7: {  	_ =	task.clear_ibuf [dreg:s7], $0x2FFFF;
	_ =	strace $0x9FFFFFFF  }
0xc8: {  	(tm) =	ssettm $0x7FFFFFFF  }
0xc9: {  	_ =	shalt  }
tec
execute0_lowered:
.L_overlay_start_1:
0x0: {  	(tag) =	ssettag $0x1  }
0x1: {  	s0 =	srdreg.scid  }
0x2: {  	s1 =	sshll.u32 s0, $0x4  }
0x3: {  	s0 =	stileid.u32;
	s1 =	sand.u32 $0x10, s1  }
0x4: {  	s2 =	sor.u32 s0, s1  }
0x5: {  	s3 =	smul.u32 $0x3E, s2  }
0x6: {  	s1 =	sshrl.u32 s1, $0x4;
	s2 =	smin.u32 s2, $0x10  }
0x7: {  	s1 =	sxor.u32 $0x3F, s1;
	s2 =	sadd.s32 s2, s3  }
0x8: {  	s1 =	sadd.s32 s1, s2  }
0x9: {  	s1 =	smul.u32 $0x140, s1  }
0xa: {  	s2 =	smul.u32 $0x140, s2  }
0xb: {  	s3 =	smin.u32 s1, $0x9C400  }
0xc: {  	s7 =	ssub.s32 s3, s2  }
0xd: {  	p0 =	sgt.s32 s7, $0x0  }
0xe: {  	s7 =	simm.s32 @!p0 $0x0  }
0xf: {  	s4 =	rddreg [dreg:$0x0];
	s31 =	smulhi.u32 $0x66666667, s7  }
0x10: {  	s5 =	rddreg [dreg:$0x1]  }
0x11: {  	s6 =	simm.s32 $0x1;
	s10 =	simm.s32 $0x3;
	s8 =	sshrl.u32 s31, $0x7  }
0x12: {  	s13 =	simm.s32 $0x0;
	s12 =	simm.s32 $0x0;
	s9 =	smul.u32 $0x140, s8  }
.Ltmp0:
0x13: {  	s11 =	smov.u32 s2;
	s1 =	rddreg [dreg:$0x2];
	(pc) =	sbr.rel .LBB2_1-.Ltmp0, $4  }
0x14: {  	_ =	strace $0x80000047;
	p0 =	sne.s32 s7, s9;
	s9 =	simm.s32 $0x1  }
0x15: {  	[sflag:s6] =	ssyncpa.u1 $0x0;
	s7 =	simm.s32 $0x2;
	s9 =	simm.s32 @!p0 $0x0  }
0x16: {  	[sflag:s7] =	ssyncpa.u1 $0x0;
	p0 =	por $0x0, $0x0;
	s8 =	sadd.s32 s9, s8  }
0x17: {  	vm0 =	vmmov $0xff;
	vm1 =	vcmask $0x3F20;
	s9 =	sadd.s32 $0x13A00, s5;
	[sflag:s10] =	ssyncpa.u1 $0x0;
	s10 =	sadd.s32 $0x1, s8  }
.LBB2_6:
0x18: {  	[hbm:s17] =	stream.linear.scatter [tilespmem:s14], [sflag:$0x3], $0x400, $0x38;
	[tilespmem:$0x14280] =	vst v63  }
.LBB2_7:
0x19: {  	s13 =	sadd.s32 $0x140, s11  }
0x1a: {  	s15 =	smov.u32 s2;
	p2 =	slt.s32 s13, s3  }
0x1b: {  	s15 =	smov.u32 @p2 s13;
	p2 =	sne.s32 s12, s10  }
.Ltmp1:
0x1c: {  	p1 =	slt.u32 s12, $0x2;
	(pc) =	sbr.rel @!p2 .LBB2_8-.Ltmp1, $4  }
0x1d: {  	s14 =	simm.s32 @!p1 $0x3  }
0x1e: {  	s16 =	sadd.s32 $0x1, s12;
	_ =	swait.ge @!p1 [sflag:s14], $0xA000  }
0x1f: {  	p0 =	por !p0, !p0;
	s13 =	smov.u32 s11;
	[sflag:s14] =	ssyncset.done @!p1 $0x0  }
0x20: {  	s12 =	smov.u32 s16;
	s11 =	smov.u32 s15;
	[sflag:s14] =	ssyncadd.s32 @!p1 $0xFFFF6000  }
.LBB2_1:
0x21: {  	p1 =	sge.u32 s12, s8  }
0x22: {  	s14 =	sxor.u32 @!p1 $0xFFFFFFFF, s12  }
0x23: {  	s14 =	sand.u32 @!p1 $0x1, s14  }
0x24: {  	s14 =	smul.u32 @!p1 $0x500, s14  }
0x25: {  	s31 =	sadd.s32 $0xFFFFFFFF, s12;
	s15 =	sshrl.u32 @!p1 s11, $0x3  }
0x26: {  	s16 =	sand.u32 @!p1 $0x7, s11;
	s15 =	sadd.s32 @!p1 s5, s15;
	s14 =	sshrl.u32 @!p1 s14, $0x2  }
0x27: {  	[tilespmem:s14], [sflag:$0x2] =	stream.linear.gather @!p1 [hbm4b:s15+s16], $0x140, $0x38;
	[tilespmem:$0x14280] =	vst v63  }
0x28: {  	p1 =	sge.u32 s31, s8  }
.Ltmp2:
0x29: {  	_ = 	snop;
	(pc) =	sbr.rel @p1 .LBB2_7-.Ltmp2, $1  }
0x2a: {  	_ =	sdelay $0x3  }
0x2b: {  	s14 =	simm.s32 $0x1  }
0x2c: {  	s14 =	simm.s32 @!p0 $0x0  }
0x2d: {  	s15 =	smul.u32 $0x500, s14  }
0x2e: {  	_ =	swait.ge [sflag:s7], $0x140  }
0x2f: {  	[sflag:s7] =	ssyncset.done $0x0;
	s16 =	sshrl.u32 s15, $0x2  }
0x30: {  	[sflag:s7] =	ssyncadd.s32 $0xFFFFFEC0;
	s15 =	sadd.s32 $0x0, s16  }
0x31: {  	v0 =	vld.msk [tilespmem:s15+$0x0 ss:$0x1], $0xffff;
	_ =	sdelay $0x4  }
0x32: {  	vm2 =	vgt.s32 v0, $0x0  }
0x33: {  	v0 =	vnsel vm2, $0x0, v0  }
0x34: {  	v0 =	vmin.u32 v0, $0x4E1FF  }
0x35: {  	v0 =	vshll.u32 v0, $0x4  }
0x36: {  	s14 =	smul.u32 $0x28000, s14;
	_ =	sdelay $0x1  }
0x37: {  	s14 =	sshrl.u32 s14, $0x2  }
0x38: {  	s14 =	sor.u32 $0x280, s14  }
0x39: {  	[tilespmem:s14], [sflag:$0x1] =	stream.indirect_vreg.gather [hbm:s4], $0x80, v0, vm0, $0x38;
	[tilespmem:$0x14280] =	vst v63  }
0x3a: {  	s17 =	sadd.s32 $0x10, s16;
	s15 =	sadd.s32 $0x400, s14  }
0x3b: {  	[tilespmem:s15], [sflag:$0x1] =	stream.indirect_vreg.gather [hbm:s4], $0x80, v0, vm1, $0x38;
	[tilespmem:$0x14280] =	vst v63  }
0x3c: {  	s18 =	simm.s32 $0x80;
	v0 =	vld.msk [tilespmem:s17+$0x0 ss:$0x1], $0xffff;
	s17 =	smov.u32 s14  }
.LBB2_3:
0x3d: {  	p1 =	sne.s32 s18, $0x4C0;
	_ =	sdelay $0x4  }
0x3e: {  	vm2 =	vgt.s32 v0, $0x0  }
0x3f: {  	v0 =	vnsel vm2, $0x0, v0  }
0x40: {  	v0 =	vmin.u32 v0, $0x4E1FF  }
0x41: {  	v0 =	vshll.u32 v0, $0x4;
	_ =	sdelay $0x3  }
.Ltmp3:
0x42: {  	s19 =	sshra.s32 s18, $0x2;
	s17 =	sadd.s32 $0x800, s17;
	(pc) =	sbr.rel @p1 .LBB2_3-.Ltmp3, $4  }
0x43: {  	[tilespmem:s17], [sflag:$0x1] =	stream.indirect_vreg.gather [hbm:s4], $0x80, v0, vm0, $0x38;
	[tilespmem:$0x14280] =	vst v63  }
0x44: {  	s19 =	sadd.s32 s19, s16;
	s20 =	sadd.s32 $0x400, s17  }
0x45: {  	[tilespmem:s20], [sflag:$0x1] =	stream.indirect_vreg.gather [hbm:s4], $0x80, v0, vm1, $0x38;
	[tilespmem:$0x14280] =	vst v63  }
0x46: {  	s18 =	sadd.s32 $0x40, s18;
	v0 =	vld.msk [tilespmem:s19+$0x0 ss:$0x1], $0xffff  }
0x47: {  	_ =	sdelay $0x3  }
0x48: {  	vm2 =	vgt.s32 v0, $0x0  }
0x49: {  	v0 =	vnsel vm2, $0x0, v0  }
0x4a: {  	v0 =	vmin.u32 v0, $0x4E1FF  }
0x4b: {  	v0 =	vshll.u32 v0, $0x4;
	_ =	sdelay $0x3  }
0x4c: {  	s16 =	sadd.s32 $0x800, s17  }
0x4d: {  	[tilespmem:s16], [sflag:$0x1] =	stream.indirect_vreg.gather [hbm:s4], $0x80, v0, vm0, $0x38;
	[tilespmem:$0x14280] =	vst v63  }
0x4e: {  	s16 =	sadd.s32 $0x400, s16  }
0x4f: {  	[tilespmem:s16], [sflag:$0x1] =	stream.indirect_vreg.gather [hbm:s4], $0x80, v0, vm1, $0x38;
	[tilespmem:$0x14280] =	vst v63  }
0x50: {  	s13 =	sshll.u32 s13, $0x4;
	_ =	swait.ge [sflag:s6], $0xA000  }
0x51: {  	s13 =	sadd.s32 s13, s9;
	[sflag:s6] =	ssyncset.done $0x0  }
0x52: {  	s17 =	sadd.s32 $0x0, s13;
	s16 =	simm.s32 $0x80;
	[sflag:s6] =	ssyncadd.s32 $0xFFFF6000  }
.LBB2_5:
0x53: {  	[hbm:s17] =	stream.linear.scatter [tilespmem:s14], [sflag:$0x3], $0x400, $0x38;
	[tilespmem:$0x14280] =	vst v63  }
0x54: {  	s17 =	smov.u32 s16;
	s14 =	smov.u32 s15;
	p1 =	sne.s32 s16, $0x1380  }
.Ltmp4:
0x55: {  	s16 =	sadd.s32 $0x80, s16;
	(pc) =	sbr.rel @p1 .LBB2_5-.Ltmp4, $2  }
0x56: {  	_ =	sdelay $0x2  }
0x57: {  	s15 =	sadd.s32 $0x400, s15;
	s17 =	sadd.s32 s17, s13  }
.Ltmp5:
0x58: {  	_ = 	snop;
	(pc) =	sbr.rel .LBB2_6-.Ltmp5, $1  }
0x59: {  	_ =	sdelay $0x3  }
.LBB2_8:
0x5a: {  	_ =	sfence.sel $0x180000  }
0x5b: {  	s2 =	simm.s32 $0x2;
	[bflag:$0x0] =	sbarrier.arrive $0xFFFF  }
0x5c: {  	s30 =	simm.s32 $0x3;
	[sflag:s2] =	ssyncpa.u1 $0x1  }
0x5d: {  	s31 =	simm.s32 $0x1;
	[sflag:s30] =	ssyncpa.u1 $0x1  }
0x5e: {  	[sflag:s31] =	ssyncpa.u1 $0x1  }
0x5f: {  	p0 =	sne.s32 s0, $0x0;
	_ =	strace $0x90000047  }
0x60: {  	s0 =	sadd.s32 @!p0 $0x100000, s1;
	[bflag:$0x2] =	sbarrier.arrive $0xFFFF  }
0x61: {  	[sflag:s0] =	ssyncadd.tile.s32 @!p0 $0x1;
	_ =	shalt  }
.Lfunc_end2:
_tile_overlayer_lowered:
.L_overlay_start_2:
0x62: {  	(tag) =	ssettag $0x2  }
0x63: {  	s0 =	rddreg [dreg:$0x0];
	s2 =	stileid.u32  }
0x64: {  	s1 =	rddreg [dreg:$0x1];
	p0 =	sne.s32 s2, $0x0  }
0x65: {  	s3 =	rddreg [dreg:$0x2];
	[bflag:$0x3] =	sbarrier.arrive $0xFFFF;
	s2 =	simm.s32 @!p0 $0x1C01  }
0x66: {  	[timem:s3], [sflag:s2] =	dma.local @!p0 [hbm:s0], s1  }
0x67: {  	s0 =	simm.s32 @!p0 $0x1  }
0x68: {  	_ =	swait.ge @!p0 [sflag:s0], s1  }
0x69: {  	s1 =	ssub.s32 @!p0 $0x0, s1;
	[sflag:s0] =	ssyncset.done @!p0 $0x0  }
0x6a: {  	[sflag:s0] =	ssyncadd.s32 @!p0 s1  }
0x6b: {  	[bflag:$0x3] =	sbarrier.arrive $0xFFFF  }
0x6c: {  	_ =	shalt  }

// kernel: scatter_offload_async_start.1
scs
__scs_entry_jumppad:
0x0: {  	(pc) =	sbr.rel $0x88, $3  }
0x1: {  	(tag) =	ssettag $0x0;
	lr =	simm.s32 $0x1  }
0x2: {  	[smem:$0x3F8B] =	sst lr;
	_ =	strace $0xD0000000  }
0x3: {  	_ = 	snop  }
0x4: {  	_ = 	snop  }
0x5: {  	_ = 	snop  }
0x6: {  	_ = 	snop  }
0x7: {  	_ = 	snop  }
__scs_overlays_trampoline_lowered:
0x8: {  	[smem:$0x3F9A] =	sst s0  }
0x9: {  	[smem:$0x3F9B] =	sst s1  }
0xa: {  	[smem:$0x3F9C] =	sst s2  }
0xb: {  	[smem:$0x3F9D] =	sst s3  }
0xc: {  	[smem:$0x3F9E] =	sst s4  }
0xd: {  	[smem:$0x3F9F] =	sst s5  }
0xe: {  	[smem:$0x3FA0] =	sst s6  }
0xf: {  	[smem:$0x3FA1] =	sst s7  }
0x10: {  	[smem:$0x3FA2] =	sst s8  }
0x11: {  	[smem:$0x3FA3] =	sst s9;
	s0 =	simm.s32 @!p0 $0x0  }
0x12: {  	s1 =	sld [smem:$0x3F89];
	s0 =	simm.s32 @p0 $0x1  }
0x13: {  	[smem:$0x3FA4] =	sst s0;
	s0 =	simm.s32 @!p1 $0x0  }
0x14: {  	s2 =	sld [smem:$0x3F88];
	s0 =	simm.s32 @p1 $0x1  }
0x15: {  	[smem:$0x3FA5] =	sst s0;
	s0 =	simm.s32 @!p2 $0x0  }
0x16: {  	s3 =	sld [smem:$0x3FDB];
	s0 =	simm.s32 @p2 $0x1  }
0x17: {  	s4 =	simm.s32 $0x1BF5;
	[smem:$0x3FA7] =	sst s0  }
0x18: {  	s0 =	sld [smem:$0x3F8A];
	_ =	swait.ge [sflag:s4], $0x0  }
0x19: {  	s7 =	sld [smem:$0x3F8B]  }
0x1a: {  	s8 =	sadd.s32 $0xFFFFE003, lr  }
0x1b: {  	s9 =	sadd.s32 $0xFFFFFEF7, lr;
	s5 =	simm.s32 $0xFFFFFFFF;
	p2 =	slt.u32 s8, $0xFFFFF086  }
0x1c: {  	p1 =	slt.u32 s9, $0xF7A;
	s5 =	simm.s32 @!p2 $0x0  }
0x1d: {  	s5 =	simm.s32 @p1 $0x1;
	p0 =	seq.s32 s7, s2  }
0x1e: {  	s7 =	smul.u32 @!p0 $0xF7A, s2;
	p2 =	seq.s32 @!p0 s5, $0x0  }
0x1f: {  	s9 =	smul.u32 $0xF7A, s1;
	s8 =	simm.s32 @!p0 $0x1BF5;
	p2 =	por !p2, p0  }
0x20: {  	[sflag:s8] =	ssyncset.s32 @!p0 $0xFFFFF086;
	s6 =	sadd.s32 @!p0 s3, s7;
	s7 =	simm.s32 @!p0 $0x108  }
0x21: {  	s3 =	sadd.s32 s3, s9;
	s6 =	sadd.s32 @!p0 $0x88, s6;
	s7 =	simm.s32 @p2 $0x1082  }
0x22: {  	[simem:s7], [sflag:s8] =	dma.local @!p0 [hbm:s6], $0xF7A  }
0x23: {  	s9 =	sor.u32 $0xD0000000, s2;
	s6 =	simm.s32 $0x108;
	_ =	swait.ge @!p0 [sflag:s8], $0x0  }
0x24: {  	s3 =	sadd.s32 $0x88, s3;
	s6 =	simm.s32 @!p1 $0x1082;
	[sflag:s4] =	ssyncset.s32 $0xFFFFF086  }
0x25: {  	[simem:s6], [sflag:s4] =	dma.local [hbm:s3], $0xF7A  }
0x26: {  	[smem:$0x3F8B] =	sst s1;
	(tag) =	ssettag s2;
	_ =	strace s9  }
0x27: {  	s1 =	sld [smem:$0x3F9B]  }
0x28: {  	s2 =	sld [smem:$0x3F9C]  }
0x29: {  	s4 =	sld [smem:$0x3F9E]  }
0x2a: {  	p0 =	seq.s32 s5, $0x0;
	s5 =	sld [smem:$0x3F9F]  }
0x2b: {  	s6 =	sld [smem:$0x3FA0]  }
0x2c: {  	s7 =	sld [smem:$0x3FA1]  }
0x2d: {  	s3 =	simm.s32 $0x108;
	s8 =	sld [smem:$0x3FA2]  }
0x2e: {  	s3 =	simm.s32 @!p0 $0x1082;
	s9 =	sld [smem:$0x3FA3]  }
0x2f: {  	lr =	sadd.s32 s0, s3;
	s0 =	sld [smem:$0x3F9A]  }
0x30: {  	s3 =	sld [smem:$0x3F9D]  }
0x31: {  	[smem:$0x3FA6] =	sst s10  }
0x32: {  	s10 =	sld [smem:$0x3FA4];
	_ =	sdelay $0x3  }
0x33: {  	p0 =	seq.s32 s10, $0x1;
	s10 =	sld [smem:$0x3FA6];
	_ =	sdelay $0x3  }
0x34: {  	[smem:$0x3FA6] =	sst s10  }
0x35: {  	s10 =	sld [smem:$0x3FA5];
	_ =	sdelay $0x3  }
0x36: {  	p1 =	seq.s32 s10, $0x1;
	s10 =	sld [smem:$0x3FA6];
	_ =	sdelay $0x3  }
0x37: {  	[smem:$0x3FA6] =	sst s10  }
0x38: {  	s10 =	sld [smem:$0x3FA7]  }
0x39: {  	_ = 	snop;
	(pc) =	sbr.ind lr, $3  }
0x3a: {  	_ = 	snop  }
0x3b: {  	_ = 	snop  }
0x3c: {  	p2 =	seq.s32 s10, $0x1;
	s10 =	sld [smem:$0x3FA6]  }
0x3d: {  	_ =	shalt  }
0x3e: {  	_ =	shalt  }
0x3f: {  	_ =	shalt  }
0x40: {  	_ =	shalt  }
0x41: {  	_ =	shalt  }
0x42: {  	_ =	shalt  }
0x43: {  	_ =	shalt  }
0x44: {  	_ =	shalt  }
0x45: {  	_ =	shalt  }
0x46: {  	_ =	shalt  }
0x47: {  	_ =	shalt  }
0x48: {  	_ =	shalt  }
0x49: {  	_ =	shalt  }
0x4a: {  	_ =	shalt  }
0x4b: {  	_ =	shalt  }
0x4c: {  	_ =	shalt  }
0x4d: {  	_ =	shalt  }
0x4e: {  	_ =	shalt  }
0x4f: {  	_ =	shalt  }
0x50: {  	_ =	shalt  }
0x51: {  	_ =	shalt  }
0x52: {  	_ =	shalt  }
0x53: {  	_ =	shalt  }
0x54: {  	_ =	shalt  }
0x55: {  	_ =	shalt  }
0x56: {  	_ =	shalt  }
0x57: {  	_ =	shalt  }
0x58: {  	_ =	shalt  }
0x59: {  	_ =	shalt  }
0x5a: {  	_ =	shalt  }
0x5b: {  	_ =	shalt  }
0x5c: {  	_ =	shalt  }
0x5d: {  	_ =	shalt  }
0x5e: {  	_ =	shalt  }
0x5f: {  	_ =	shalt  }
0x60: {  	_ =	shalt  }
0x61: {  	_ =	shalt  }
0x62: {  	_ =	shalt  }
0x63: {  	_ =	shalt  }
0x64: {  	_ =	shalt  }
0x65: {  	_ =	shalt  }
0x66: {  	_ =	shalt  }
0x67: {  	_ =	shalt  }
0x68: {  	_ =	shalt  }
0x69: {  	_ =	shalt  }
0x6a: {  	_ =	shalt  }
0x6b: {  	_ =	shalt  }
0x6c: {  	_ =	shalt  }
0x6d: {  	_ =	shalt  }
0x6e: {  	_ =	shalt  }
0x6f: {  	_ =	shalt  }
0x70: {  	_ =	shalt  }
0x71: {  	_ =	shalt  }
0x72: {  	_ =	shalt  }
0x73: {  	_ =	shalt  }
0x74: {  	_ =	shalt  }
0x75: {  	_ =	shalt  }
0x76: {  	_ =	shalt  }
0x77: {  	_ =	shalt  }
0x78: {  	_ =	shalt  }
0x79: {  	_ =	shalt  }
0x7a: {  	_ =	shalt  }
0x7b: {  	_ =	shalt  }
0x7c: {  	_ =	shalt  }
0x7d: {  	_ =	shalt  }
0x7e: {  	_ =	shalt  }
0x7f: {  	_ =	shalt  }
0x80: {  	_ =	shalt  }
0x81: {  	_ =	shalt  }
0x82: {  	_ =	shalt  }
0x83: {  	_ =	shalt  }
0x84: {  	_ =	shalt  }
0x85: {  	_ =	shalt  }
0x86: {  	_ =	shalt  }
0x87: {  	_ =	shalt  }
.Lfunc_end0:
.L_simem_size_0:
called_computation.1_lowered:
.L_overlay_start_0:
0x88: {  	s2 =	sld [smem:$0x3FD9]  }
0x89: {  	s3 =	sld [smem:$0x3FFE];
	_ =	sdelay $0x1  }
0x8a: {  	s1 =	srdreg.scid  }
0x8b: {  	s0 =	sand.u32 $0x1, s1  }
0x8c: {  	s15 =	sshll.u32 s0, $0xA;
	s2 =	sadd.s32 s3, s2  }
0x8d: {  	s2 =	sadd.s32 s2, s15  }
0x8e: {  	[smem:$0x3FB2] =	sst s2  }
0x8f: {  	_ = 	snop  }
0x90: {  	(tm) =	ssettm $0x1  }
0x91: {  	s16 =	sld [smem:$0x3FFB];
	_ =	sdelay $0x3  }
0x92: {  	_ =	strace s16  }
0x93: {  	s2 =	sld [smem:$0x3FFC];
	_ =	sdelay $0x3  }
0x94: {  	_ =	strace s2  }
0x95: {  	s2 =	sld [smem:$0x3FFD];
	_ =	sdelay $0x3  }
0x96: {  	_ =	strace s2  }
0x97: {  	_ =	strace $0x8FFFFFFF  }
0x98: {  	s17 =	sld [smem:$0x3FDB];
	_ =	sdelay $0x1  }
0x99: {  	s18 =	simm.s32 $_scs_section_size  }
0x9a: {  	s4 =	simm.s32 $_size__tile_overlayer_lowered;
	s5 =	simm.s32 $_tile_overlayer_lowered  }
0x9b: {  	s21 =	simm.s32 $0x1BFF;
	s20 =	sshll.u32 s5, $0x1;
	s2 =	sadd.s32 s18, s17  }
0x9c: {  	s6 =	simm.s32 $0x0;
	s19 =	sshll.u32 s4, $0x1;
	s4 =	sadd.s32 s20, s2  }
0x9d: {  	[timem:s6], [sflag:s21] =	dma.local [hbm:s4], s19  }
0x9e: {  	_ =	swait.ge [sflag:s21], s19  }
0x9f: {  	s3 =	ssub.s32 $0x0, s19;
	[sflag:s21] =	ssyncset.done $0x0  }
0xa0: {  	[sflag:s21] =	ssyncadd.s32 s3;
	_ =	sdelay $0x1  }
0xa1: {  	s22 =	simm.s32 $0x1B8B  }
0xa2: {  	_ =	swait.ge [sflag:s22], $0x1  }
0xa3: {  	[sflag:s22] =	ssyncset.done $0x0  }
0xa4: {  	s23 =	sld [smem:$0x3FFE];
	[sflag:s22] =	ssyncadd.s32 $0xFFFFFFFF  }
0xa5: {  	s25 =	simm.s32 $0x1B8E;
	s24 =	sld [smem:$0x0]  }
0xa6: {  	s26 =	simm.s32 $execute0_lowered;
	[smem:$0x3FD2] =	sst s25  }
0xa7: {  	s5 =	sshll.u32 s26, $0x1;
	_ =	strace $0x8000004F;
	[dreg:$0x1] =	wrdreg $0xFFFFFFFF  }
0xa8: {  	s28 =	simm.s32 $_size_execute0_lowered;
	s2 =	sadd.s32 s2, s5;
	[dreg:$0x0] =	wrdreg $0x0  }
0xa9: {  	s5 =	sshll.u32 s28, $0x1;
	[dreg:$0x2] =	wrdreg s2  }
0xaa: {  	[dreg:$0x3] =	wrdreg s5  }
0xab: {  	[dreg:$0x4] =	wrdreg $0xC0  }
0xac: {  	_ =	task [dreg:s6], $0x5FFFF  }
0xad: {  	[dreg:$0x1] =	wrdreg $0xFFFFFFFF  }
0xae: {  	[dreg:$0x0] =	wrdreg $0x60  }
0xaf: {  	[dreg:$0x2] =	wrdreg s23  }
0xb0: {  	[dreg:$0x3] =	wrdreg s1  }
0xb1: {  	[dreg:$0x4] =	wrdreg s24  }
0xb2: {  	[dreg:$0x5] =	wrdreg $0x9  }
0xb3: {  	_ =	task.clear_ibuf [dreg:s6], $0x6FFFF;
	_ =	strace $0x9000004F  }
0xb4: {  	s29 =	simm.s32 $0x9;
	_ =	strace $0x80000051  }
0xb5: {  	_ =	swait.ge [sflag:s29], $0x1  }
0xb6: {  	[sflag:s29] =	ssyncadd.s32 $0xFFFFFFFF  }
0xb7: {  	_ =	strace $0x90000051  }
0xb8: {  	_ =	sfence  }
0xb9: {  	s30 =	sld [smem:$0x0];
	_ =	sdelay $0x2  }
0xba: {  	s31 =	sshll.u32 s1, $0xD;
	s1 =	sshrl.u32 s1, $0x2  }
0xbb: {  	s3 =	sand.u32 $0x4000, s31;
	s1 =	sadd.s32 s1, s30  }
0xbc: {  	s0 =	sor.u32 s3, s0;
	s1 =	sshll.u32 s1, $0x11  }
0xbd: {  	s0 =	sor.u32 s1, s0  }
0xbe: {  	s0 =	sadd.s32 $0x8F2B, s0  }
0xbf: {  	[sflag:s0] =	ssyncadd.remote.s32 $0x1  }
0xc0: {  	_ =	sfence.sel $0xFFFF  }
0xc1: {  	[dreg:$0x0] =	wrdreg $0xFFFFFFFF;
	(pc) =	sbr.abs _section_cstart, $3  }
0xc2: {  	[dreg:$0x1] =	wrdreg $0xFFFFFFFF  }
0xc3: {  	_ =	task.clear_ibuf [dreg:s6], $0x2FFFF;
	_ =	strace $0x9FFFFFFF  }
0xc4: {  	(tm) =	ssettm $0x7FFFFFFF  }
0xc5: {  	_ =	shalt  }
tec
execute0_lowered:
.L_overlay_start_1:
0x0: {  	(tag) =	ssettag $0x1  }
0x1: {  	s2 =	rddreg [dreg:$0x0]  }
0x2: {  	s3 =	rddreg [dreg:$0x1];
	_ =	strace $0x80000050;
	s0 =	simm.s32 $0x1  }
0x3: {  	v0 =	vimm.s32 $0x0;
	[sflag:s0] =	ssyncpa.u1 $0x0;
	s0 =	simm.s32 $0x108  }
0x4: {  	[tilespmem:s0+$0x70] =	vst v0  }
0x5: {  	[tilespmem:s0+$0x60] =	vst v0  }
0x6: {  	[tilespmem:s0+$0x50] =	vst v0  }
0x7: {  	[tilespmem:s0+$0x40] =	vst v0  }
0x8: {  	s1 =	sadd.s32 $0x9FEE00, s2;
	[tilespmem:s0+$0x30] =	vst v0  }
0x9: {  	s15 =	sadd.s32 $0x9D7A00, s2;
	s6 =	sadd.s32 $0x18A4E00, s2;
	[tilespmem:s0+$0x20] =	vst v0  }
0xa: {  	s14 =	sadd.s32 $0x9EB400, s2;
	s5 =	sand.u32 $0x1, s3;
	s3 =	simm.s32 $0x40;
	[tilespmem:s0+$0x10] =	vst v0  }
.LBB2_1:
0xb: {  	s3 =	sadd.s32 $0x40, s3;
	[tilespmem:s0+$0x0] =	vst v0;
	s0 =	sadd.s32 $0x80, s0  }
0xc: {  	p0 =	slt.u32 s3, $0x3C40;
	[tilespmem:s0+$0x70] =	vst v0  }
0xd: {  	[tilespmem:s0+$0x60] =	vst v0  }
.Ltmp0:
0xe: {  	[tilespmem:s0+$0x50] =	vst v0;
	(pc) =	sbr.rel @p0 .LBB2_1-.Ltmp0, $4  }
0xf: {  	[tilespmem:s0+$0x40] =	vst v0  }
0x10: {  	[tilespmem:s0+$0x30] =	vst v0  }
0x11: {  	[tilespmem:s0+$0x20] =	vst v0  }
0x12: {  	[tilespmem:s0+$0x10] =	vst v0  }
0x13: {  	s9 =	stileid.u32  }
0x14: {  	s2 =	smul.u32 $0x53, s9  }
0x15: {  	s3 =	smin.u32 s9, $0x6  }
0x16: {  	s2 =	sadd.s32 s3, s2  }
0x17: {  	p0 =	slt.u32 s9, $0x6;
	s7 =	smul.u32 $0xF0, s2;
	s2 =	simm.s32 $0x4EC0  }
0x18: {  	s2 =	simm.s32 @!p0 $0x4DD0  }
0x19: {  	s2 =	sadd.s32 s2, s7  }
0x1a: {  	s8 =	smin.u32 s2, $0x4E200  }
0x1b: {  	s2 =	ssub.s32 s8, s7  }
0x1c: {  	p0 =	sgt.s32 s2, $0x0  }
0x1d: {  	s29 =	simm.s32 $0x2;
	s10 =	simm.s32 $0x9;
	s2 =	simm.s32 @!p0 $0x0  }
0x1e: {  	s4 =	simm.s32 $0xA;
	s11 =	simm.s32 $0xB;
	s28 =	smulhi.u32 $0x88888889, s2  }
0x1f: {  	[dreg:$0x4] =	wrdreg s5;
	s31 =	smul.u32 $0x9C40, s5;
	s12 =	simm.s32 $0x1  }
0x20: {  	s22 =	simm.s32 $0x0;
	s18 =	simm.s32 $0xC;
	s30 =	sshrl.u32 s28, $0x7  }
0x21: {  	s20 =	simm.s32 $0x0;
	s21 =	simm.s32 $0x0;
	s3 =	smul.u32 $0xF0, s30  }
.Ltmp1:
0x22: {  	[tilespmem:s0+$0x0] =	vst v0;
	v0 =	vimm.s32 $0xFFFFFFFF;
	[sflag:s29] =	ssyncpa.u1 $0x0;
	s16 =	sshll.u32 s9, $0x8;
	(pc) =	sbr.rel .LBB2_3-.Ltmp1, $4  }
0x23: {  	[tilespmem:$0xF208] =	vst v0;
	[sflag:s10] =	ssyncpa.u1 $0x0;
	p0 =	sne.s32 s2, s3;
	s2 =	simm.s32 $0x1  }
0x24: {  	s14 =	sadd.s32 s31, s14;
	[sflag:s4] =	ssyncpa.u1 $0x0;
	s2 =	simm.s32 @!p0 $0x0  }
0x25: {  	s15 =	sadd.s32 s31, s15;
	[sflag:s11] =	ssyncpa.u1 $0x0;
	s13 =	sadd.s32 s2, s30  }
0x26: {  	v0 =	vlaneseq.u32;
	s19 =	smov.u32 s7;
	p0 =	por $0x0, $0x0;
	s17 =	sadd.s32 $0x1, s13  }
.LBB2_18:
0x27: {  	s0 =	sshrl.u32 s31, $0x2  }
.LBB2_20:
0x28: {  	_ =	swait.ge [sflag:s18], s0  }
0x29: {  	s31 =	ssub.s32 $0x0, s0;
	v1 =	vmov s24;
	vm0 =	veq.s32 v0, $0x0;
	[sflag:s18] =	ssyncset.done $0x0  }
0x2a: {  	vm15 =	veq.s32 v0, $0x2;
	v1 =	vsel vm0, s30, v1;
	[sflag:s18] =	ssyncadd.s32 s31  }
0x2b: {  	v1 =	vsel vm15, s22, v1;
	[sflag:s18] =	ssyncpa.u1 $0x1  }
0x2c: {  	[tilespmem:$0xF208] =	vst v1  }
.LBB2_21:
0x2d: {  	s0 =	sadd.s32 $0xF0, s19  }
0x2e: {  	s2 =	smov.u32 s7;
	p1 =	slt.s32 s0, s8  }
0x2f: {  	s2 =	smov.u32 @p1 s0;
	p1 =	sne.s32 s21, s17  }
.Ltmp2:
0x30: {  	_ = 	snop;
	(pc) =	sbr.rel @!p1 .LBB2_22-.Ltmp2, $3  }
0x31: {  	_ =	sdelay $0x1  }
0x32: {  	s22 =	smov.u32 s20;
	s31 =	sadd.s32 $0x1, s21;
	s20 =	smov.u32 s19  }
0x33: {  	p0 =	por !p0, !p0;
	s21 =	smov.u32 s31;
	s19 =	smov.u32 s2  }
.LBB2_3:
0x34: {  	p1 =	sge.u32 s21, s13  }
0x35: {  	s0 =	smulhi.u32 @!p1 $0xAAAAAAAB, s21  }
0x36: {  	s2 =	smov.u32 s19;
	p2 =	sgt.s32 @!p1 s19, $0x4E110  }
0x37: {  	s3 =	sshra.s32 @!p1 s19, $0x1F;
	p2 =	por !p2, p1;
	s0 =	sshrl.u32 @!p1 s0, $0x1  }
0x38: {  	s3 =	sand.u32 @!p1 s3, s19;
	s2 =	simm.s32 @p2 $0x4E110;
	s0 =	smul.u32 @!p1 $0x3, s0  }
0x39: {  	s2 =	ssub.s32 @!p1 s2, s3  }
0x3a: {  	s2 =	sadd.s32 @!p1 $0xFFFB1EF0, s2;
	s0 =	ssub.s32 @!p1 s21, s0  }
0x3b: {  	s3 =	sshll.u32 @!p1 s2, $0x2;
	p2 =	sgt.s32 @!p1 s2, $0xEF;
	s0 =	smul.u32 @!p1 $0x3C0, s0  }
0x3c: {  	s4 =	sand.u32 @!p1 $0x7, s19;
	s2 =	ssub.s32 @!p1 $0x3C0, s3;
	p2 =	por !p2, p1  }
0x3d: {  	s3 =	sshrl.u32 @!p1 s19, $0x3;
	s2 =	sshrl.u32 @!p1 s2, $0x2;
	s0 =	sshrl.u32 @!p1 s0, $0x2  }
0x3e: {  	s3 =	sadd.s32 @!p1 s3, s14;
	s2 =	simm.s32 @!p2 $0x0;
	s0 =	sadd.s32 @!p1 $0x10248, s0  }
0x3f: {  	[tilespmem:s0], [sflag:$0xA] =	stream.linear.gather @!p1 [hbm4b:s3+s4], s2, $0x38;
	[tilespmem:$0x1F6F8] =	vst v63  }
0x40: {  	s0 =	sadd.s32 $0xFFFFFFFF, s21  }
0x41: {  	p1 =	sge.u32 s0, s13  }
0x42: {  	p2 =	sgt.s32 @!p1 s20, $0x4E110  }
0x43: {  	s2 =	smov.u32 s20;
	s3 =	sshra.s32 @!p1 s20, $0x1F;
	p2 =	por !p2, p1  }
0x44: {  	s3 =	sand.u32 @!p1 s3, s20;
	s2 =	simm.s32 @p2 $0x4E110  }
0x45: {  	s2 =	ssub.s32 @!p1 s2, s3  }
0x46: {  	s2 =	sadd.s32 @!p1 $0xFFFB1EF0, s2  }
0x47: {  	s4 =	sand.u32 @!p1 $0x1, s0;
	s3 =	sshll.u32 @!p1 s2, $0x2  }
0x48: {  	p2 =	sgt.s32 @!p1 s2, $0xEF;
	s2 =	ssub.s32 @!p1 $0x3C0, s3;
	s3 =	smulhi.u32 @!p1 $0xAAAAAAAB, s0  }
0x49: {  	s23 =	smul.u32 @!p1 $0x3C0, s4;
	p2 =	por !p2, p1;
	s2 =	sshrl.u32 @!p1 s2, $0x2  }
0x4a: {  	s5 =	simm.s32 @!p1 $0xA;
	s2 =	simm.s32 @!p2 $0x0;
	s3 =	sshrl.u32 @!p1 s3, $0x1  }
0x4b: {  	s23 =	sshrl.u32 @!p1 s23, $0x2;
	_ =	swait.ge @!p1 [sflag:s5], s2;
	s3 =	smul.u32 @!p1 $0x3, s3  }
0x4c: {  	s23 =	sadd.s32 @!p1 $0x10518, s23;
	s24 =	ssub.s32 @!p1 $0x0, s2;
	[sflag:s5] =	ssyncset.done @!p1 $0x0  }
0x4d: {  	[sflag:s5] =	ssyncadd.s32 @!p1 s24;
	s5 =	sshrl.u32 @!p1 s20, $0x3;
	s0 =	ssub.s32 @!p1 s0, s3  }
0x4e: {  	s24 =	sand.u32 @!p1 $0x7, s20;
	s5 =	sadd.s32 @!p1 s5, s15;
	s0 =	smul.u32 @!p1 $0x3C0, s0  }
0x4f: {  	[tilespmem:s23], [sflag:$0xB] =	stream.linear.gather @!p1 [hbm4b:s5+s24], s2, $0x38;
	[tilespmem:$0x1F6F8] =	vst v63  }
0x50: {  	s3 =	ssub.s32 @!p1 $0x4E200, s20;
	s2 =	smul.u32 @!p1 $0x1E000, s4  }
0x51: {  	p2 =	slt.s32 @!p1 s3, $0xF0  }
0x52: {  	p2 =	por !p2, p1;
	s0 =	sshrl.u32 @!p1 s0, $0x2;
	s2 =	sshrl.u32 @!p1 s2, $0x2  }
0x53: {  	s3 =	simm.s32 @p2 $0xF0;
	s0 =	sadd.s32 @!p1 $0x10248, s0;
	s2 =	sor.u32 @!p1 $0x106F8, s2  }
0x54: {  	[tilespmem:s2], [sflag:$0x9] =	stream.indirect.gather @!p1 [hbm4b:s6+s3], $0x80, s0, s3, $0xb8;
	[tilespmem:$0x1F6F8] =	vst v63  }
0x55: {  	p1 =	slt.u32 s21, $0x2  }
.Ltmp3:
0x56: {  	_ = 	snop;
	(pc) =	sbr.rel @p1 .LBB2_21-.Ltmp3, $1  }
0x57: {  	_ =	sdelay $0x3  }
0x58: {  	p1 =	sgt.s32 s22, $0x4E110  }
0x59: {  	s0 =	smov.u32 s22;
	s2 =	sshra.s32 s22, $0x1F;
	s3 =	ssub.s32 $0x4E200, s22  }
0x5a: {  	s0 =	simm.s32 @!p1 $0x4E110;
	s2 =	sand.u32 s2, s22;
	p1 =	slt.s32 s3, $0xF0  }
0x5b: {  	s0 =	ssub.s32 s0, s2;
	s3 =	simm.s32 @!p1 $0xF0  }
0x5c: {  	s0 =	sadd.s32 $0xFFFB1EF0, s0;
	s25 =	sshll.u32 s3, $0x7  }
0x5d: {  	s26 =	sshll.u32 s0, $0x2;
	s2 =	sand.u32 $0x3FFFFF80, s25  }
0x5e: {  	p1 =	sgt.s32 s0, $0xEF;
	s29 =	ssub.s32 $0x3C0, s26;
	_ =	swait.ge [sflag:s10], s2  }
0x5f: {  	s2 =	ssub.s32 $0x0, s2;
	[sflag:s10] =	ssyncset.done $0x0;
	s0 =	sshrl.u32 s29, $0x2  }
0x60: {  	[sflag:s10] =	ssyncadd.s32 s2;
	s0 =	simm.s32 @p1 $0x0  }
0x61: {  	_ =	swait.ge [sflag:s11], s0  }
0x62: {  	s0 =	ssub.s32 $0x0, s0;
	[sflag:s11] =	ssyncset.done $0x0  }
0x63: {  	[sflag:s11] =	ssyncadd.s32 s0  }
0x64: {  	v1 =	vld [tilespmem:$0xF208];
	_ =	sdelay $0x4  }
0x65: {  	(v2sf) =	vpush v1, $0x0  }
0x66: {  	(v2sf) =	vpush v1, $0x1  }
0x67: {  	(v2sf) =	vpush v1, $0x2;
	_ =	sdelay $0x3  }
0x68: {  	s0 =	sadd.s32 $0xF0, s22  }
0x69: {  	s2 =	ssub.s32 $0x9C400, s22;
	p1 =	slt.s32 s8, s0  }
0x6a: {  	s0 =	smov.u32 @p1 s8;
	p1 =	sgt.s32 s2, $0x0  }
0x6b: {  	s26 =	ssub.s32 s0, s22;
	s2 =	simm.s32 @!p1 $0x0  }
0x6c: {  	p1 =	slt.s32 s2, s26  }
0x6d: {  	s26 =	smov.u32 @p1 s2  }
0x6e: {  	s25 =	simm.s32 $0x1;
	p1 =	slt.s32 s26, $0x1  }
.Ltmp4:
0x6f: {  	s25 =	simm.s32 @!p0 $0x0;
	(pc) =	sbr.rel @p1 .LBB2_8-.Ltmp4, $4  }
0x70: {  	s31 =	smul.u32 $0x3C0, s25  }
0x71: {  	s28 =	spop (v2sf)  }
0x72: {  	s0 =	sshrl.u32 s31, $0x2;
	s30 =	spop (v2sf)  }
0x73: {  	s23 =	sadd.s32 $0x10518, s0;
	s22 =	spop (v2sf)  }
0x74: {  	s0 =	smin.u32 s26, $0x10  }
0x75: {  	v1 =	vmov s0  }
0x76: {  	p2 =	sgt.s32 s26, $0x10;
	vm1 =	vgt.u32 v1, v0  }
.Ltmp5:
0x77: {  	_ = 	snop;
	(pc) =	sbr.rel @!p2 .LBB2_7-.Ltmp5, $2  }
0x78: {  	_ =	sdelay $0x2  }
0x79: {  	s4 =	simm.s32 $0x10;
	s24 =	sadd.s32 $0xFFFFFFF0, s26;
	s0 =	smov.u32 s23;
	vm0 =	vmmov vm1  }
.LBB2_6:
0x7a: {  	s2 =	smin.u32 s24, $0x10;
	s4 =	sadd.s32 $0x10, s4;
	v1 =	vld.msk [tilespmem:s0+$0x0 ss:$0x1], vm1  }
0x7b: {  	v2 =	vmov s2;
	p2 =	slt.s32 s4, s26  }
0x7c: {  	vm1 =	vgt.u32 v2, v0  }
.Ltmp6:
0x7d: {  	(pc) =	sbr.rel @p2 .LBB2_6-.Ltmp6, $3  }
0x7e: {  	_ =	sdelay $0x1  }
0x7f: {  	v1 =	vshll.u32 v1, $0x4  }
0x80: {  	s24 =	sadd.s32 $0xFFFFFFF0, s24;
	[tilespmem:s0+$0x0] =	vst.msk vm0, v1;
	s0 =	sadd.s32 $0x10, s0;
	vm0 =	vmmov vm1  }
.LBB2_7:
0x81: {  	_ =	sdelay $0x4  }
0x82: {  	v1 =	vld.msk [tilespmem:s0+$0x0 ss:$0x1], vm1;
	_ =	sdelay $0x4  }
0x83: {  	v1 =	vshll.u32 v1, $0x4  }
0x84: {  	[tilespmem:s0+$0x0] =	vst.msk vm0, v1  }
.LBB2_8:
0x85: {  	s0 =	sand.u32 $0x1, s21  }
0x86: {  	s0 =	smul.u32 $0xF0, s0  }
0x87: {  	p2 =	sne.s32 s30, $0xFFFFFFFF  }
0x88: {  	v1 =	vld.msk @!p2 [tilespmem:s0+$0x10518], $0x1;
	_ =	sdelay $0x4  }
0x89: {  	(v2sf) =	vpush @!p2 v1, $0x0;
	_ =	sdelay $0xc  }
.Ltmp7:
0x8a: {  	_ = 	snop;
	(pc) =	sbr.rel @p1 .LBB2_19-.Ltmp7, $4  }
0x8b: {  	_ = 	snop  }
0x8c: {  	s29 =	spop @!p2 (v2sf)  }
0x8d: {  	s22 =	simm.s32 @!p2 $0x0;
	s24 =	smov.u32 s29  }
0x8e: {  	[sflag:s18] =	ssyncpa.u1 $0x0;
	s29 =	smov.u32 @p2 s28;
	s24 =	smov.u32 @p2 s30  }
0x8f: {  	v1 =	vld.msk [tilespmem:s23+$0x0], $0x1;
	_ =	sdelay $0x4  }
0x90: {  	(v2sf) =	vpush v1, $0x0;
	_ =	sdelay $0xe  }
0x91: {  	s2 =	smul.u32 $0x1E000, s25;
	s0 =	spop (v2sf)  }
0x92: {  	s26 =	ssub.s32 $0x0, s26;
	p1 =	seq.s32 s29, s0  }
0x93: {  	s30 =	sadd.s32 $0x1, s26;
	s2 =	sshrl.u32 s2, $0x2;
	p2 =	sgt.s32 @!p1 s29, $0x0  }
0x94: {  	s25 =	sor.u32 $0x10738, s2;
	s2 =	smov.u32 s29;
	p2 =	por !p2, p1  }
0x95: {  	s2 =	simm.s32 @p2 $0x0;
	p2 =	seq.s32 s30, $0x0  }
.Ltmp8:
0x96: {  	_ = 	snop;
	(pc) =	sbr.rel @p2 .LBB2_11-.Ltmp8, $4  }
0x97: {  	_ = 	snop  }
0x98: {  	s28 =	simm.s32 $0x0;
	s31 =	sadd.s32 $0x1, s23;
	s2 =	smin.u32 @!p1 s2, $0x4E1FF0  }
0x99: {  	s4 =	simm.s32 @!p1 $0x1;
	s5 =	simm.s32 @!p1 $0x7988;
	s3 =	sand.u32 @!p1 $0x7FFFF8, s2  }
0x9a: {  	s4 =	smov.u32 @p1 s28;
	s2 =	sand.u32 @!p1 $0x7, s2;
	s3 =	sadd.s32 @!p1 s1, s3  }
.LBB2_10:
0x9b: {  	s9 =	smov.u32 s4  }
0x9c: {  	[tilespmem:s5], [sflag:$0x2] =	stream.linear.gather @!p1 [hbm4b:s3+s2], $0x80, $0x38;
	[tilespmem:$0x1F6F8] =	vst v63  }
0x9d: {  	s30 =	sadd.s32 $0x1, s30;
	s2 =	smov.u32 s0;
	v1 =	vld.msk [tilespmem:s31+$0x0], $0x1  }
0x9e: {  	p2 =	seq.s32 s30, $0x0;
	_ =	sdelay $0x3  }
0x9f: {  	(v2sf) =	vpush v1, $0x0;
	_ =	sdelay $0xe  }
0xa0: {  	s0 =	spop (v2sf)  }
0xa1: {  	p1 =	seq.s32 s2, s0  }
0xa2: {  	p3 =	sgt.s32 @!p1 s2, $0x0;
	s3 =	sshll.u32 @!p1 s4, $0x9;
	s4 =	sadd.s32 @!p1 $0x1, s4  }
.Ltmp9:
0xa3: {  	p3 =	por !p3, p1;
	s3 =	sshra.s32 @!p1 s3, $0x2;
	(pc) =	sbr.rel @!p2 .LBB2_10-.Ltmp9, $4  }
0xa4: {  	s4 =	smov.u32 @p1 s9;
	s2 =	simm.s32 @p3 $0x0;
	s5 =	sadd.s32 @!p1 $0x7988, s3  }
0xa5: {  	s2 =	smin.u32 @!p1 s2, $0x4E1FF0  }
0xa6: {  	s3 =	sand.u32 @!p1 $0x7FFFF8, s2;
	s2 =	sand.u32 @!p1 $0x7, s2  }
0xa7: {  	s31 =	sadd.s32 $0x1, s31;
	s3 =	sadd.s32 @!p1 s1, s3  }
.LBB2_11:
0xa8: {  	[tilespmem:s5], [sflag:$0x2] =	stream.linear.gather @!p1 [hbm4b:s3+s2], $0x80, $0x38;
	[tilespmem:$0x1F6F8] =	vst v63  }
.Ltmp10:
0xa9: {  	s0 =	sshll.u32 s4, $0x7;
	(pc) =	sbr.rel .LBB2_12-.Ltmp10, $4  }
0xaa: {  	s30 =	simm.s32 $0x2;
	s0 =	sand.u32 $0x3FFFFF80, s0  }
0xab: {  	_ =	swait.ge [sflag:s30], s0  }
0xac: {  	s0 =	ssub.s32 $0x0, s0;
	[sflag:s30] =	ssyncset.done $0x0  }
0xad: {  	s31 =	simm.s32 $0x0;
	[sflag:s30] =	ssyncadd.s32 s0  }
.LBB2_13:
0xae: {  	v1 =	vld [tilespmem:s25+$0xFFFFFFC0];
	_ =	sdelay $0x3  }
0xaf: {  	s0 =	sshra.s32 s0, $0x2  }
0xb0: {  	[tilespmem:s0+$0x108] =	vst.add.f32.msk $0xffff, v1  }
0xb1: {  	v1 =	vld [tilespmem:s25+$0xFFFFFFD0];
	_ =	sdelay $0x4  }
0xb2: {  	[tilespmem:s0+$0x118] =	vst.add.f32.msk $0xffff, v1  }
0xb3: {  	v1 =	vld [tilespmem:s25+$0xFFFFFFE0];
	_ =	sdelay $0x4  }
0xb4: {  	[tilespmem:s0+$0x128] =	vst.add.f32.msk $0xffff, v1  }
0xb5: {  	v1 =	vld [tilespmem:s25+$0xFFFFFFF0];
	_ =	sdelay $0x4  }
0xb6: {  	[tilespmem:s0+$0x138] =	vst.add.f32.msk $0xffff, v1  }
0xb7: {  	v1 =	vld [tilespmem:s25+$0x0];
	_ =	sdelay $0x4  }
0xb8: {  	[tilespmem:s0+$0x148] =	vst.add.f32.msk $0xffff, v1  }
0xb9: {  	v1 =	vld [tilespmem:s25+$0x10];
	_ =	sdelay $0x4  }
0xba: {  	[tilespmem:s0+$0x158] =	vst.add.f32.msk $0xffff, v1  }
0xbb: {  	v1 =	vld [tilespmem:s25+$0x20];
	_ =	sdelay $0x4  }
0xbc: {  	[tilespmem:s0+$0x168] =	vst.add.f32.msk $0xffff, v1  }
0xbd: {  	v1 =	vld [tilespmem:s25+$0x30];
	_ =	sdelay $0x4  }
0xbe: {  	[tilespmem:s0+$0x178] =	vst.add.f32.msk $0xffff, v1  }
.LBB2_17:
0xbf: {  	s26 =	sadd.s32 $0x1, s26  }
0xc0: {  	p1 =	seq.s32 s26, $0x0  }
.Ltmp11:
0xc1: {  	_ = 	snop;
	(pc) =	sbr.rel @p1 .LBB2_18-.Ltmp11, $2  }
0xc2: {  	_ =	sdelay $0x2  }
0xc3: {  	s23 =	sadd.s32 $0x1, s23;
	s25 =	sadd.s32 $0x80, s25;
	s29 =	smov.u32 s30  }
.LBB2_12:
0xc4: {  	v1 =	vld.msk [tilespmem:s23+$0x0], $0x1;
	_ =	sdelay $0x4  }
0xc5: {  	(v2sf) =	vpush v1, $0x0;
	_ =	sdelay $0xe  }
0xc6: {  	s30 =	spop (v2sf)  }
0xc7: {  	p1 =	sne.s32 s29, s30  }
.Ltmp12:
0xc8: {  	_ = 	snop;
	(pc) =	sbr.rel @!p1 .LBB2_13-.Ltmp12, $2  }
0xc9: {  	_ =	sdelay $0x2  }
0xca: {  	s0 =	sshll.u32 s22, $0x9  }
0xcb: {  	p1 =	seq.s32 s29, s24  }
.Ltmp13:
0xcc: {  	_ = 	snop;
	(pc) =	sbr.rel @!p1 .LBB2_15-.Ltmp13, $1  }
0xcd: {  	_ =	sdelay $0x3  }
0xce: {  	s0 =	sshra.s32 s0, $0x2  }
.Ltmp14:
0xcf: {  	s0 =	sadd.s32 $0x108, s0;
	(pc) =	sbr.rel .LBB2_16-.Ltmp14, $4  }
0xd0: {  	[spmem:s16] =	stream.linear.scatter [tilespmem:s0], [sflag:$0x1], $0x80, $0x38;
	[tilespmem:$0x1F6F8] =	vst v63  }
0xd1: {  	_ =	swait.ge [sflag:s12], $0x80  }
0xd2: {  	[sflag:s12] =	ssyncset.done $0x0  }
0xd3: {  	[sflag:s12] =	ssyncadd.s32 $0xFFFFFF80  }
.LBB2_15:
0xd4: {  	s2 =	sshll.u32 s28, $0x9  }
0xd5: {  	s2 =	sshra.s32 s2, $0x2  }
0xd6: {  	v1 =	vld [tilespmem:s2+$0x7988];
	_ =	sdelay $0x3  }
0xd7: {  	s0 =	sshra.s32 s0, $0x2  }
0xd8: {  	[tilespmem:s0+$0x108] =	vst.add.f32.msk $0xffff, v1  }
0xd9: {  	v1 =	vld [tilespmem:s2+$0x7998];
	_ =	sdelay $0x4  }
0xda: {  	[tilespmem:s0+$0x118] =	vst.add.f32.msk $0xffff, v1  }
0xdb: {  	v1 =	vld [tilespmem:s2+$0x79A8];
	_ =	sdelay $0x4  }
0xdc: {  	[tilespmem:s0+$0x128] =	vst.add.f32.msk $0xffff, v1  }
0xdd: {  	v1 =	vld [tilespmem:s2+$0x79B8];
	_ =	sdelay $0x4  }
0xde: {  	[tilespmem:s0+$0x138] =	vst.add.f32.msk $0xffff, v1  }
0xdf: {  	v1 =	vld [tilespmem:s2+$0x79C8];
	_ =	sdelay $0x4  }
0xe0: {  	[tilespmem:s0+$0x148] =	vst.add.f32.msk $0xffff, v1  }
0xe1: {  	v1 =	vld [tilespmem:s2+$0x79D8];
	_ =	sdelay $0x4  }
0xe2: {  	[tilespmem:s0+$0x158] =	vst.add.f32.msk $0xffff, v1  }
0xe3: {  	v1 =	vld [tilespmem:s2+$0x79E8];
	_ =	sdelay $0x4  }
0xe4: {  	[tilespmem:s0+$0x168] =	vst.add.f32.msk $0xffff, v1  }
0xe5: {  	v1 =	vld [tilespmem:s2+$0x79F8];
	_ =	sdelay $0x2  }
0xe6: {  	p1 =	sgt.u32 s29, $0x4E1FF0  }
0xe7: {  	s2 =	sand.u32 @!p1 $0x7FFFF8, s29  }
0xe8: {  	s3 =	sadd.s32 $0x108, s0;
	[tilespmem:s0+$0x178] =	vst.add.f32.msk $0xffff, v1;
	s0 =	sadd.s32 @!p1 s1, s2;
	s2 =	sand.u32 @!p1 $0x7, s29  }
0xe9: {  	[hbm4b:s0+s2] =	stream.linear.scatter @!p1 [tilespmem:s3], [sflag:$0xC], $0x80, $0x38;
	[tilespmem:$0x1F6F8] =	vst v63  }
0xea: {  	s0 =	simm.s32 $0x0  }
0xeb: {  	s0 =	simm.s32 @!p1 $0x200  }
0xec: {  	s31 =	sadd.s32 s0, s31  }
.LBB2_16:
0xed: {  	s0 =	sadd.s32 $0x1, s22  }
0xee: {  	s2 =	smulhi.u32 $0x88888889, s0;
	_ =	sdelay $0x1  }
0xef: {  	v1 =	vld [tilespmem:s25+$0xFFFFFFC0];
	s2 =	sshrl.u32 s2, $0x7  }
0xf0: {  	s2 =	smul.u32 $0xF0, s2;
	_ =	sdelay $0x1  }
0xf1: {  	s22 =	ssub.s32 s0, s2  }
0xf2: {  	s0 =	sshll.u32 s22, $0x7  }
0xf3: {  	[tilespmem:s0+$0x108] =	vst v1  }
0xf4: {  	v1 =	vld [tilespmem:s25+$0xFFFFFFD0];
	_ =	sdelay $0x4  }
0xf5: {  	[tilespmem:s0+$0x118] =	vst v1  }
0xf6: {  	v1 =	vld [tilespmem:s25+$0xFFFFFFE0];
	_ =	sdelay $0x4  }
0xf7: {  	[tilespmem:s0+$0x128] =	vst v1  }
0xf8: {  	v1 =	vld [tilespmem:s25+$0xFFFFFFF0];
	_ =	sdelay $0x4  }
0xf9: {  	[tilespmem:s0+$0x138] =	vst v1  }
0xfa: {  	v1 =	vld [tilespmem:s25+$0x0];
	_ =	sdelay $0x4  }
0xfb: {  	[tilespmem:s0+$0x148] =	vst v1  }
0xfc: {  	v1 =	vld [tilespmem:s25+$0x10];
	_ =	sdelay $0x4  }
0xfd: {  	[tilespmem:s0+$0x158] =	vst v1  }
0xfe: {  	v1 =	vld [tilespmem:s25+$0x20];
	_ =	sdelay $0x4  }
0xff: {  	[tilespmem:s0+$0x168] =	vst v1  }
0x100: {  	v1 =	vld [tilespmem:s25+$0x30]  }
.Ltmp15:
0x101: {  	_ = 	snop;
	(pc) =	sbr.rel .LBB2_17-.Ltmp15, $2  }
0x102: {  	_ =	sdelay $0x2  }
0x103: {  	s28 =	sadd.s32 $0x1, s28;
	[tilespmem:s0+$0x178] =	vst v1  }
.LBB2_19:
.Ltmp16:
0x104: {  	(pc) =	sbr.rel .LBB2_20-.Ltmp16, $4  }
0x105: {  	_ = 	snop  }
0x106: {  	s0 =	simm.s32 $0x2  }
0x107: {  	_ =	swait.ge [sflag:s0], $0x0  }
0x108: {  	s30 =	smov.u32 s29;
	[sflag:s0] =	ssyncset.done $0x0;
	s0 =	simm.s32 $0x0  }
.LBB2_22:
0x109: {  	_ =	sfence.sel $0x180000  }
0x10a: {  	s0 =	simm.s32 $0x9;
	[bflag:$0x0] =	sbarrier.arrive $0xFFFF  }
0x10b: {  	s24 =	simm.s32 $0xA;
	[sflag:s0] =	ssyncpa.u1 $0x1  }
0x10c: {  	s25 =	simm.s32 $0xB;
	[sflag:s24] =	ssyncpa.u1 $0x1  }
0x10d: {  	s26 =	simm.s32 $0x2;
	[sflag:s25] =	ssyncpa.u1 $0x1  }
0x10e: {  	[sflag:s26] =	ssyncpa.u1 $0x1  }
0x10f: {  	v0 =	vld [tilespmem:$0xF208];
	_ =	sdelay $0x4  }
0x110: {  	(v2sf) =	vpush v0, $0x0  }
0x111: {  	(v2sf) =	vpush v0, $0x1;
	_ =	sdelay $0x1  }
0x112: {  	(v2sf) =	vpush v0, $0x2;
	_ =	sdelay $0xb  }
0x113: {  	s0 =	spop (v2sf)  }
0x114: {  	s2 =	spop (v2sf)  }
0x115: {  	s3 =	smov.u32 s0;
	p0 =	sne.s32 s0, s2  }
0x116: {  	s4 =	spop (v2sf);
	s3 =	simm.s32 @!p0 $0xFFFFFFFF  }
0x117: {  	v2 =	vimm.s32 $0x1;
	v3 =	vlaneseq.u32;
	p0 =	seq.s32 s4, $0xFFFFFFFF;
	v1 =	vmov s3  }
0x118: {  	s16 =	stileid.u32;
	v0 =	vperm.xlane v0, v2;
	p1 =	sne.s32 @!p0 s0, s2;
	v1 =	vperm.xlane v1, v3  }
0x119: {  	vm0 =	vcmask $0x3F04;
	s6 =	simm.s32 $0xF208;
	s0 =	simm.s32 @!p0 $0x1;
	p1 =	por !p1, p0  }
0x11a: {  	s3 =	sshll.u32 s16, $0x1;
	s2 =	sshll.u32 @!p0 s4, $0x9;
	s0 =	simm.s32 @p1 $0x0;
	v0 =	vsel vm0, v1, v0  }
0x11b: {  	s5 =	sor.u32 $0x1000, s3;
	s2 =	sshra.s32 @!p0 s2, $0x2;
	s0 =	sor.u32 @!p0 s0, s3;
	[tilespmem:$0xF208] =	vst v0  }
0x11c: {  	[spmem:s5] =	stream.linear.scatter [tilespmem:s6], [sflag:$0x1], $0x2, $0x38;
	[tilespmem:$0x1F6F8] =	vst v63  }
0x11d: {  	s2 =	sadd.s32 @!p0 $0x108, s2;
	s0 =	sshll.u32 @!p0 s0, $0x7  }
0x11e: {  	[spmem:s0] =	stream.linear.scatter @!p0 [tilespmem:s2], [sflag:$0x1], $0x80, $0x38;
	[tilespmem:$0x1F6F8] =	vst v63  }
0x11f: {  	s0 =	simm.s32 @!p0 $0x82  }
0x120: {  	s28 =	simm.s32 $0x1;
	s0 =	simm.s32 @p0 $0x2  }
0x121: {  	_ =	swait.ge [sflag:s28], s0  }
0x122: {  	s0 =	ssub.s32 $0x0, s0;
	[sflag:s28] =	ssyncset.done $0x0  }
0x123: {  	p0 =	sne.s32 s16, $0x0;
	[sflag:s28] =	ssyncadd.s32 s0  }
.Ltmp17:
0x124: {  	_ =	sfence.stream.spmem;
	(pc) =	sbr.rel @p0 .LBB2_39-.Ltmp17, $4  }
0x125: {  	s29 =	simm.s32 $0x3;
	[bflag:$0x0] =	sbarrier.arrive $0xFFFF  }
0x126: {  	s30 =	simm.s32 $0x4;
	[sflag:s29] =	ssyncpa.u1 $0x1  }
0x127: {  	s31 =	simm.s32 $0x3C;
	[sflag:s30] =	ssyncpa.u1 $0x1  }
0x128: {  	s15 =	rddreg [dreg:$0x4];
	[sflag:s31] =	ssyncpa.u1 $0x1  }
0x129: {  	_ =	sfence.stream.spmem;
	s0 =	simm.s32 $0x5  }
0x12a: {  	s2 =	simm.s32 $0x1000;
	s3 =	simm.s32 $0xF218;
	[sflag:s0] =	ssyncpa.u1 $0x0  }
0x12b: {  	[tilespmem:s3], [sflag:$0x5] =	stream.linear.gather [spmem:s2], $0x20, $0x38;
	[tilespmem:$0x1F6F8] =	vst v63  }
0x12c: {  	s26 =	simm.s32 $0x0;
	s28 =	simm.s32 $0xF238  }
0x12d: {  	[tilespmem:s28], [sflag:$0x5] =	stream.linear.gather [spmem:s26], $0x1000, $0x38;
	[tilespmem:$0x1F6F8] =	vst v63  }
0x12e: {  	_ =	swait.ge [sflag:s0], $0x1020  }
0x12f: {  	[sflag:s0] =	ssyncset.done $0x0  }
0x130: {  	s29 =	simm.s32 $0x0;
	[sflag:s0] =	ssyncadd.s32 $0xFFFFEFE0  }
0x131: {  	v0 =	vld.msk [tilespmem:s29+$0xF218], $0x1;
	_ =	sdelay $0x1  }
0x132: {  	s30 =	simm.s32 $0x1  }
0x133: {  	v1 =	vld.msk [tilespmem:s30+$0xF218], $0x1;
	_ =	sdelay $0x1  }
0x134: {  	(v2sf) =	vpush v0, $0x0;
	_ =	sdelay $0x2  }
0x135: {  	(v2sf) =	vpush v1, $0x0;
	_ =	sdelay $0x2  }
0x136: {  	s31 =	simm.s32 $0x2  }
0x137: {  	v0 =	vld.msk [tilespmem:s31+$0xF218], $0x1;
	_ =	sdelay $0x2  }
0x138: {  	s4 =	simm.s32 $0xFFFFFFFF;
	s5 =	simm.s32 $0xFFFFFFFF;
	s0 =	simm.s32 $0xC  }
.LBB2_24:
0x139: {  	s2 =	smov.u32 s5;
	s3 =	smov.u32 s4  }
0x13a: {  	s4 =	sshra.s32 s0, $0x2;
	p1 =	sne.s32 s0, $0x7C;
	s0 =	sadd.s32 $0x4, s0;
	(v2sf) =	vpush v0, $0x0  }
0x13b: {  	v0 =	vld.msk [tilespmem:s4+$0xF218], $0x1  }
.Ltmp18:
0x13c: {  	(pc) =	sbr.rel @p1 .LBB2_24-.Ltmp18, $4  }
0x13d: {  	s5 =	spop (v2sf)  }
0x13e: {  	p2 =	sne.s32 s3, $0xFFFFFFFF;
	s4 =	smov.u32 s5  }
0x13f: {  	p3 =	seq.s32 s5, $0xFFFFFFFF;
	s4 =	smov.u32 @p2 s3  }
0x140: {  	s5 =	smov.u32 @p3 s2;
	s4 =	smov.u32 @p3 s3  }
0x141: {  	(v2sf) =	vpush v0, $0x0;
	_ =	sdelay $0x8  }
0x142: {  	s0 =	spop (v2sf)  }
0x143: {  	p1 =	sne.s32 s4, $0xFFFFFFFF;
	s2 =	smov.u32 s0  }
0x144: {  	s9 =	simm.s32 $0x6;
	p2 =	seq.s32 s0, $0xFFFFFFFF;
	s2 =	smov.u32 @p1 s4  }
0x145: {  	s6 =	simm.s32 $0x0;
	s2 =	smov.u32 @p2 s4;
	s3 =	spop (v2sf)  }
0x146: {  	s0 =	smov.u32 @p2 s5;
	p1 =	sne.s32 s2, $0xFFFFFFFF;
	s4 =	smov.u32 s3  }
.Ltmp19:
0x147: {  	p2 =	seq.s32 s3, $0xFFFFFFFF;
	s4 =	smov.u32 @p1 s2;
	(pc) =	sbr.rel .LBB2_26-.Ltmp19, $4  }
0x148: {  	s10 =	simm.s32 $0xF188;
	s4 =	smov.u32 @p2 s2;
	s7 =	spop (v2sf)  }
0x149: {  	s11 =	simm.s32 $0x0;
	p1 =	sne.s32 s4, $0xFFFFFFFF;
	s8 =	smov.u32 s7  }
0x14a: {  	s3 =	smov.u32 @p2 s0;
	p2 =	seq.s32 s7, $0xFFFFFFFF;
	s8 =	smov.u32 @p1 s4  }
0x14b: {  	[sflag:s9] =	ssyncpa.u1 $0x0;
	s7 =	smov.u32 @p2 s3;
	s8 =	smov.u32 @p2 s4  }
.LBB2_32:
0x14c: {  	p1 =	sgt.u32 s12, $0x4E1FF0  }
0x14d: {  	p2 =	seq.s32 @!p1 s12, s8  }
0x14e: {  	p1 =	por p1, p2  }
0x14f: {  	p2 =	sne.s32 @!p1 s12, s7  }
0x150: {  	p1 =	por p1, !p2  }
0x151: {  	s0 =	sshll.u32 @p1 s11, $0x9  }
0x152: {  	s0 =	sand.u32 @!p1 $0x7FFFF8, s12  }
0x153: {  	s2 =	sand.u32 @!p1 $0x7, s12;
	s0 =	sadd.s32 @!p1 s1, s0  }
0x154: {  	[tilespmem:s10], [sflag:$0x6] =	stream.linear.gather @!p1 [hbm4b:s0+s2], $0x80, $0x38;
	[tilespmem:$0x1F6F8] =	vst v63  }
0x155: {  	_ =	swait.ge @!p1 [sflag:s9], $0x80  }
0x156: {  	[sflag:s9] =	ssyncset.done @!p1 $0x0  }
0x157: {  	[sflag:s9] =	ssyncadd.s32 @!p1 $0xFFFFFF80  }
0x158: {  	v1 =	vld @!p1 [tilespmem:$0xF188];
	_ =	sdelay $0x2  }
0x159: {  	s0 =	sshll.u32 @!p1 s11, $0x9  }
0x15a: {  	s2 =	sshrl.u32 @!p1 s0, $0x2  }
0x15b: {  	[tilespmem:s2+$0xF238] =	vst.add.f32.msk @!p1 $0xffff, v1  }
0x15c: {  	v1 =	vld @!p1 [tilespmem:$0xF198];
	_ =	sdelay $0x4  }
0x15d: {  	[tilespmem:s2+$0xF248] =	vst.add.f32.msk @!p1 $0xffff, v1  }
0x15e: {  	v1 =	vld @!p1 [tilespmem:$0xF1A8];
	_ =	sdelay $0x4  }
0x15f: {  	[tilespmem:s2+$0xF258] =	vst.add.f32.msk @!p1 $0xffff, v1  }
0x160: {  	v1 =	vld @!p1 [tilespmem:$0xF1B8];
	_ =	sdelay $0x4  }
0x161: {  	[tilespmem:s2+$0xF268] =	vst.add.f32.msk @!p1 $0xffff, v1  }
0x162: {  	v1 =	vld @!p1 [tilespmem:$0xF1C8];
	_ =	sdelay $0x4  }
0x163: {  	[tilespmem:s2+$0xF278] =	vst.add.f32.msk @!p1 $0xffff, v1  }
0x164: {  	v1 =	vld @!p1 [tilespmem:$0xF1D8];
	_ =	sdelay $0x4  }
0x165: {  	[tilespmem:s2+$0xF288] =	vst.add.f32.msk @!p1 $0xffff, v1  }
0x166: {  	v1 =	vld @!p1 [tilespmem:$0xF1E8];
	_ =	sdelay $0x4  }
0x167: {  	[tilespmem:s2+$0xF298] =	vst.add.f32.msk @!p1 $0xffff, v1  }
0x168: {  	v1 =	vld @!p1 [tilespmem:$0xF1F8];
	_ =	sdelay $0x4  }
0x169: {  	[tilespmem:s2+$0xF2A8] =	vst.add.f32.msk @!p1 $0xffff, v1  }
0x16a: {  	s0 =	sshrl.u32 s0, $0x2;
	[tilespmem:s6+$0xF218] =	vst.msk $0x1, v0  }
0x16b: {  	v0 =	vld [tilespmem:s0+$0xF238];
	_ =	sdelay $0x2  }
0x16c: {  	s31 =	sshll.u32 s6, $0x9  }
0x16d: {  	s2 =	sshra.s32 s31, $0x2  }
0x16e: {  	[tilespmem:s2+$0xF238] =	vst v0  }
0x16f: {  	v0 =	vld [tilespmem:s0+$0xF248];
	_ =	sdelay $0x4  }
0x170: {  	[tilespmem:s2+$0xF248] =	vst v0  }
0x171: {  	v0 =	vld [tilespmem:s0+$0xF258];
	_ =	sdelay $0x4  }
0x172: {  	[tilespmem:s2+$0xF258] =	vst v0  }
0x173: {  	v0 =	vld [tilespmem:s0+$0xF268];
	_ =	sdelay $0x4  }
0x174: {  	[tilespmem:s2+$0xF268] =	vst v0  }
0x175: {  	v0 =	vld [tilespmem:s0+$0xF278];
	_ =	sdelay $0x4  }
0x176: {  	[tilespmem:s2+$0xF278] =	vst v0  }
0x177: {  	v0 =	vld [tilespmem:s0+$0xF288];
	_ =	sdelay $0x4  }
0x178: {  	[tilespmem:s2+$0xF288] =	vst v0  }
0x179: {  	v0 =	vld [tilespmem:s0+$0xF298];
	_ =	sdelay $0x4  }
0x17a: {  	[tilespmem:s2+$0xF298] =	vst v0  }
0x17b: {  	v0 =	vld [tilespmem:s0+$0xF2A8];
	_ =	sdelay $0x4  }
0x17c: {  	s6 =	sadd.s32 $0x1, s6;
	[tilespmem:s2+$0xF2A8] =	vst v0  }
.LBB2_33:
0x17d: {  	s11 =	sadd.s32 $0x1, s11  }
0x17e: {  	p1 =	sne.s32 s11, $0x20  }
.Ltmp20:
0x17f: {  	_ = 	snop;
	(pc) =	sbr.rel @!p1 .LBB2_34-.Ltmp20, $1  }
0x180: {  	_ =	sdelay $0x3  }
.LBB2_26:
0x181: {  	v0 =	vld.msk [tilespmem:s11+$0xF218], $0x1;
	_ =	sdelay $0x4  }
0x182: {  	(v2sf) =	vpush v0, $0x0;
	_ =	sdelay $0xe  }
0x183: {  	s12 =	spop (v2sf)  }
0x184: {  	p1 =	seq.s32 s12, $0xFFFFFFFF  }
.Ltmp21:
0x185: {  	_ = 	snop;
	(pc) =	sbr.rel @p1 .LBB2_33-.Ltmp21, $1  }
0x186: {  	_ =	sdelay $0x3  }
0x187: {  	p1 =	slt.s32 s6, $0x1  }
.Ltmp22:
0x188: {  	_ = 	snop;
	(pc) =	sbr.rel @p1 .LBB2_32-.Ltmp22, $1  }
0x189: {  	_ =	sdelay $0x3  }
0x18a: {  	s13 =	simm.s32 $0xF218;
	p1 =	por $0x0, $0x0  }
0x18b: {  	v1 =	vld.msk @!p1 [tilespmem:s13+$0x0], $0x1;
	_ =	sdelay $0x4  }
0x18c: {  	(v2sf) =	vpush @!p1 v1, $0x0;
	_ =	sdelay $0xd  }
0x18d: {  	p3 =	sne.s32 s6, $0x1  }
.Ltmp23:
0x18e: {  	s0 =	spop @!p1 (v2sf);
	(pc) =	sbr.rel @!p3 .LBB2_30-.Ltmp23, $4  }
0x18f: {  	p2 =	seq.s32 @!p1 s12, s0  }
0x190: {  	s14 =	simm.s32 $0x0;
	p2 =	por !p2, p1  }
0x191: {  	s2 =	simm.s32 $0xFFFFFFFF;
	s14 =	simm.s32 @p2 $0xFFFFFFFF  }
0x192: {  	s0 =	simm.s32 $0x1;
	s14 =	smov.u32 @p1 s2  }
.LBB2_29:
0x193: {  	s2 =	smov.u32 s14;
	p1 =	sne.s32 s14, $0xFFFFFFFF  }
0x194: {  	s13 =	sadd.s32 $0x1, s13;
	s14 =	smov.u32 s0;
	s0 =	sadd.s32 $0x1, s0  }
0x195: {  	p2 =	sne.s32 s6, s0;
	v1 =	vld.msk @!p1 [tilespmem:s13+$0x0], $0x1;
	_ =	sdelay $0x4  }
0x196: {  	(v2sf) =	vpush @!p1 v1, $0x0;
	_ =	sdelay $0xe  }
.Ltmp24:
0x197: {  	s3 =	spop @!p1 (v2sf);
	(pc) =	sbr.rel @p2 .LBB2_29-.Ltmp24, $4  }
0x198: {  	p3 =	seq.s32 @!p1 s12, s3  }
0x199: {  	p3 =	por !p3, p1  }
0x19a: {  	s14 =	simm.s32 @p3 $0xFFFFFFFF  }
0x19b: {  	s14 =	smov.u32 @p1 s2  }
.LBB2_30:
0x19c: {  	p1 =	seq.s32 s14, $0xFFFFFFFF  }
.Ltmp25:
0x19d: {  	_ = 	snop;
	(pc) =	sbr.rel @p1 .LBB2_32-.Ltmp25, $1  }
0x19e: {  	_ =	sdelay $0x3  }
0x19f: {  	s0 =	sshll.u32 s11, $0x7  }
0x1a0: {  	s0 =	sand.u32 $0x3FFFFF80, s0  }
0x1a1: {  	v0 =	vld [tilespmem:s0+$0xF238];
	_ =	sdelay $0x2  }
0x1a2: {  	s2 =	sshll.u32 s14, $0x9  }
0x1a3: {  	s2 =	sshra.s32 s2, $0x2  }
0x1a4: {  	[tilespmem:s2+$0xF238] =	vst.add.f32.msk $0xffff, v0  }
0x1a5: {  	v0 =	vld [tilespmem:s0+$0xF248];
	_ =	sdelay $0x4  }
0x1a6: {  	[tilespmem:s2+$0xF248] =	vst.add.f32.msk $0xffff, v0  }
0x1a7: {  	v0 =	vld [tilespmem:s0+$0xF258];
	_ =	sdelay $0x4  }
0x1a8: {  	[tilespmem:s2+$0xF258] =	vst.add.f32.msk $0xffff, v0  }
0x1a9: {  	v0 =	vld [tilespmem:s0+$0xF268];
	_ =	sdelay $0x4  }
0x1aa: {  	[tilespmem:s2+$0xF268] =	vst.add.f32.msk $0xffff, v0  }
0x1ab: {  	v0 =	vld [tilespmem:s0+$0xF278];
	_ =	sdelay $0x4  }
0x1ac: {  	[tilespmem:s2+$0xF278] =	vst.add.f32.msk $0xffff, v0  }
0x1ad: {  	v0 =	vld [tilespmem:s0+$0xF288];
	_ =	sdelay $0x4  }
0x1ae: {  	[tilespmem:s2+$0xF288] =	vst.add.f32.msk $0xffff, v0  }
0x1af: {  	v0 =	vld [tilespmem:s0+$0xF298];
	_ =	sdelay $0x4  }
0x1b0: {  	[tilespmem:s2+$0xF298] =	vst.add.f32.msk $0xffff, v0  }
0x1b1: {  	v0 =	vld [tilespmem:s0+$0xF2A8]  }
.Ltmp26:
0x1b2: {  	_ = 	snop;
	(pc) =	sbr.rel .LBB2_33-.Ltmp26, $2  }
0x1b3: {  	_ =	sdelay $0x2  }
0x1b4: {  	[tilespmem:s2+$0xF2A8] =	vst.add.f32.msk $0xffff, v0  }
.LBB2_34:
0x1b5: {  	s0 =	simm.s32 $0x6;
	p1 =	seq.s32 s6, $0x0  }
0x1b6: {  	[sflag:s0] =	ssyncpa.u1 $0x1;
	v0 =	vimm.s32 @p1 $0xFFFFFFFF  }
0x1b7: {  	s9 =	sadd.s32 $0xFFFFFFFF, s6;
	[tilespmem:$0x10238] =	vst @p1 v0  }
0x1b8: {  	v0 =	vld.msk @!p1 [tilespmem:s9+$0xF218], $0x1;
	_ =	sdelay $0x1  }
0x1b9: {  	v1 =	vld.msk @!p1 [tilespmem:$0xF218], $0x1;
	_ =	sdelay $0x2  }
0x1ba: {  	p2 =	seq.s32 @!p1 s9, $0x0;
	v0 =	vbroadcast @!p1 v0, $0x0  }
0x1bb: {  	vm0 =	vmmov @!p1 $0x1;
	p2 =	por !p2, p1  }
0x1bc: {  	v1 =	vnsel @!p1 vm0, $0xFFFFFFFF, v1;
	vm0 =	vcmask @!p1 $0x308;
	v0 =	vpsel !p2, $0xFFFFFFFF, v0  }
0x1bd: {  	p2 =	sne.s32 @!p1 s8, s7;
	v0 =	vsel @!p1 vm0, v1, v0  }
0x1be: {  	s0 =	simm.s32 @!p1 $0xF238;
	s2 =	simm.s32 @!p1 $0x0;
	p3 =	por !p2, p1;
	[tilespmem:$0x10238] =	vst @!p1 v0  }
0x1bf: {  	[spmem:s2] =	stream.linear.scatter @!p1 [tilespmem:s0], [sflag:$0x1], $0x80, $0x38;
	[tilespmem:$0x1F6F8] =	vst v63  }
0x1c0: {  	s0 =	sshll.u32 @!p3 s9, $0x9  }
0x1c1: {  	s0 =	sshra.s32 @!p3 s0, $0x2  }
0x1c2: {  	s2 =	simm.s32 @!p3 $0x80;
	s0 =	sadd.s32 @!p3 $0xF238, s0  }
0x1c3: {  	[spmem:s2] =	stream.linear.scatter @!p3 [tilespmem:s0], [sflag:$0x1], $0x80, $0x38;
	[tilespmem:$0x1F6F8] =	vst v63  }
0x1c4: {  	s0 =	simm.s32 @!p3 $0x1  }
0x1c5: {  	_ =	swait.ge @!p3 [sflag:s0], $0x100  }
0x1c6: {  	p1 =	por p2, p1;
	[sflag:s0] =	ssyncset.done @!p3 $0x0  }
0x1c7: {  	[sflag:s0] =	ssyncadd.s32 @!p3 $0xFFFFFF00;
	s0 =	simm.s32 @!p1 $0x1  }
0x1c8: {  	_ =	swait.ge @!p1 [sflag:s0], $0x80  }
0x1c9: {  	s29 =	simm.s32 $0x10238;
	[sflag:s0] =	ssyncset.done @!p1 $0x0  }
0x1ca: {  	s30 =	simm.s32 $0x1000;
	s31 =	simm.s32 $0x1;
	[sflag:s0] =	ssyncadd.s32 @!p1 $0xFFFFFF80  }
0x1cb: {  	[spmem:s30] =	stream.linear.scatter [tilespmem:s29], [sflag:$0x1], $0x10, $0x38;
	[tilespmem:$0x1F6F8] =	vst v63  }
0x1cc: {  	_ =	swait.ge [sflag:s31], $0x10  }
0x1cd: {  	[sflag:s31] =	ssyncset.done $0x0  }
0x1ce: {  	p1 =	seq.s32 s15, $0x0;
	s8 =	rddreg [dreg:$0x1];
	[sflag:s31] =	ssyncadd.s32 $0xFFFFFFF0  }
0x1cf: {  	s2 =	sshll.u32 @p1 s8, $0xE;
	s7 =	rddreg [dreg:$0x2]  }
0x1d0: {  	s0 =	sadd.s32 @p1 $0x15C3C, s2;
	s2 =	sshll.u32 @p1 s7, $0x11  }
0x1d1: {  	_ =	sfence.stream.spmem;
	s0 =	sor.u32 @p1 s2, s0  }
0x1d2: {  	[sflag:s0] =	ssyncadd.remote.s32 @p1 $0x1;
	s0 =	simm.s32 @p1 $0x4  }
0x1d3: {  	s3 =	simm.s32 @!p1 $0x3C;
	s2 =	sand.u32 $0xFFFFFFFE, s8;
	_ =	swait.ge @p1 [sflag:s0], $0x22  }
0x1d4: {  	s4 =	simm.s32 @!p1 $0x0;
	s2 =	sadd.s32 @!p1 $0x4, s2;
	[sflag:s0] =	ssyncset.done @p1 $0x0  }
0x1d5: {  	s5 =	simm.s32 @!p1 $0x100;
	[sflag:s0] =	ssyncadd.s32 @p1 $0xFFFFFFDE;
	s0 =	sshll.u32 @!p1 s2, $0x1A  }
0x1d6: {  	s2 =	sshll.u32 @!p1 s2, $0xD;
	s0 =	sor.u32 @!p1 s0, s7;
	_ =	swait.eq @!p1 [sflag:s3], $0x1  }
0x1d7: {  	s2 =	sor.u32 @!p1 $0x1C04, s2;
	s3 =	simm.s32 @!p1 $0x1C03;
	s0 =	sor.u32 @!p1 $0x80004000, s0  }
0x1d8: {  	[spmem:s5], [sflag:s2] =	dma.general @!p1 [spmem:s4], [sflag:s3], length:$0x20, [dreg:$0x0], stride_count:$0x0, ici_dest:s0, dma_misc:DstOpCode:WRITE  }
0x1d9: {  	p2 =	slt.s32 s9, $0x2;
	s4 =	simm.s32 @!p1 $0x200;
	s5 =	simm.s32 @!p1 $0x202  }
0x1da: {  	[spmem:s5], [sflag:s2] =	dma.general @!p1 [spmem:s4], [sflag:s3], length:$0x2, [dreg:$0x0], stride_count:$0x0, ici_dest:s0, dma_misc:DstOpCode:WRITE  }
.Ltmp27:
0x1db: {  	s0 =	simm.s32 @!p1 $0x3;
	(pc) =	sbr.rel @p2 .LBB2_38-.Ltmp27, $4  }
0x1dc: {  	s2 =	sshll.u32 @!p1 s8, $0xE;
	_ =	swait.ge @!p1 [sflag:s0], $0x22  }
0x1dd: {  	s3 =	sshll.u32 @!p1 s7, $0x11;
	s2 =	sadd.s32 @!p1 $0x11C3C, s2;
	[sflag:s0] =	ssyncset.done @!p1 $0x0  }
0x1de: {  	[sflag:s0] =	ssyncadd.s32 @!p1 $0xFFFFFFDE;
	s0 =	sor.u32 @!p1 s3, s2  }
0x1df: {  	[sflag:s0] =	ssyncadd.remote.s32 @!p1 $0xFFFFFFFF;
	s0 =	simm.s32 $0x0  }
0x1e0: {  	s0 =	simm.s32 $0xF219  }
0x1e1: {  	v0 =	vld.msk [tilespmem:s0+$0x0], $0x1;
	_ =	sdelay $0x4  }
0x1e2: {  	(v2sf) =	vpush v0, $0x0;
	_ =	sdelay $0xb  }
0x1e3: {  	s31 =	sadd.s32 $0xFFFFFFFE, s6  }
0x1e4: {  	s0 =	sadd.s32 $0xFFFFFFFF, s31  }
0x1e5: {  	p2 =	sne.s32 s0, $0x0  }
.Ltmp28:
0x1e6: {  	s2 =	spop (v2sf);
	(pc) =	sbr.rel @!p2 .LBB2_37-.Ltmp28, $4  }
0x1e7: {  	s4 =	simm.s32 $0xF2B8;
	s7 =	simm.s32 $0x0;
	p1 =	sgt.u32 s2, $0x4E1FF0  }
0x1e8: {  	s5 =	simm.s32 $0x0;
	s6 =	simm.s32 $0xF21A;
	s3 =	sand.u32 @!p1 $0x7FFFF8, s2  }
0x1e9: {  	s2 =	sand.u32 @!p1 $0x7, s2;
	s7 =	simm.s32 @!p1 $0x200;
	s3 =	sadd.s32 @!p1 s1, s3  }
0x1ea: {  	[hbm4b:s3+s2] =	stream.linear.scatter @!p1 [tilespmem:s4], [sflag:$0x5], $0x80, $0x38;
	[tilespmem:$0x1F6F8] =	vst v63  }
.LBB2_36:
0x1eb: {  	v0 =	vld.msk [tilespmem:s6+$0x0], $0x1;
	s0 =	sadd.s32 $0xFFFFFFFF, s0;
	s5 =	sadd.s32 s5, s7  }
0x1ec: {  	p1 =	sne.s32 s0, $0x0;
	_ =	sdelay $0x3  }
0x1ed: {  	(v2sf) =	vpush v0, $0x0;
	_ =	sdelay $0xe  }
.Ltmp29:
0x1ee: {  	s2 =	spop (v2sf);
	(pc) =	sbr.rel @p1 .LBB2_36-.Ltmp29, $4  }
0x1ef: {  	s7 =	simm.s32 $0x0;
	p2 =	sgt.u32 s2, $0x4E1FF0  }
0x1f0: {  	s4 =	sadd.s32 $0x80, s4;
	s7 =	simm.s32 @!p2 $0x200;
	s3 =	sand.u32 @!p2 $0x7FFFF8, s2  }
0x1f1: {  	s6 =	sadd.s32 $0x1, s6;
	s2 =	sand.u32 @!p2 $0x7, s2;
	s3 =	sadd.s32 @!p2 s1, s3  }
0x1f2: {  	[hbm4b:s3+s2] =	stream.linear.scatter @!p2 [tilespmem:s4], [sflag:$0x5], $0x80, $0x38;
	[tilespmem:$0x1F6F8] =	vst v63  }
.LBB2_37:
0x1f3: {  	s0 =	sadd.s32 s5, s7  }
0x1f4: {  	s0 =	sshrl.u32 s0, $0x2  }
.LBB2_38:
0x1f5: {  	s2 =	simm.s32 $0x5  }
0x1f6: {  	_ =	swait.ge [sflag:s2], s0  }
0x1f7: {  	s31 =	ssub.s32 $0x0, s0;
	[sflag:s2] =	ssyncset.done $0x0  }
0x1f8: {  	[sflag:s2] =	ssyncadd.s32 s31  }
0x1f9: {  	[sflag:s2] =	ssyncpa.u1 $0x1  }
.LBB2_39:
0x1fa: {  	s0 =	sor.u32 s15, s16  }
0x1fb: {  	p1 =	sne.s32 s0, $0x0  }
.Ltmp30:
0x1fc: {  	_ = 	snop;
	(pc) =	sbr.rel @p1 .LBB2_54-.Ltmp30, $3  }
0x1fd: {  	_ =	sdelay $0x1  }
0x1fe: {  	[bflag:$0x0] =	sbarrier.arrive $0xFFFF  }
0x1ff: {  	_ =	sfence  }
0x200: {  	s0 =	simm.s32 $0x7  }
0x201: {  	s2 =	simm.s32 $0x1000;
	s3 =	simm.s32 $0xF218;
	[sflag:s0] =	ssyncpa.u1 $0x0  }
0x202: {  	[tilespmem:s3], [sflag:$0x7] =	stream.linear.gather [spmem:s2], $0x20, $0x38;
	[tilespmem:$0x1F6F8] =	vst v63  }
0x203: {  	s30 =	simm.s32 $0xF238;
	s2 =	simm.s32 $0x0  }
0x204: {  	[tilespmem:s30], [sflag:$0x7] =	stream.linear.gather [spmem:s2], $0x1000, $0x38;
	[tilespmem:$0x1F6F8] =	vst v63  }
.Ltmp31:
0x205: {  	_ = 	snop;
	(pc) =	sbr.rel .LBB2_41-.Ltmp31, $4  }
0x206: {  	_ =	swait.ge [sflag:s0], $0x1020  }
0x207: {  	[sflag:s0] =	ssyncset.done $0x0  }
0x208: {  	s31 =	simm.s32 $0x8;
	[sflag:s0] =	ssyncadd.s32 $0xFFFFEFE0  }
0x209: {  	s3 =	simm.s32 $0x0;
	[sflag:s31] =	ssyncpa.u1 $0x0  }
.LBB2_47:
0x20a: {  	p1 =	slt.u32 s4, $0x4E1FF1  }
0x20b: {  	s0 =	sand.u32 @p1 $0x7FFFF8, s4  }
0x20c: {  	s4 =	sand.u32 @p1 $0x7, s4;
	s5 =	simm.s32 @p1 $0xF188;
	s0 =	sadd.s32 @p1 s1, s0  }
0x20d: {  	[tilespmem:s5], [sflag:$0x8] =	stream.linear.gather @p1 [hbm4b:s0+s4], $0x80, $0x38;
	[tilespmem:$0x1F6F8] =	vst v63  }
0x20e: {  	s0 =	simm.s32 @p1 $0x8  }
0x20f: {  	_ =	swait.ge @p1 [sflag:s0], $0x80  }
0x210: {  	[sflag:s0] =	ssyncset.done @p1 $0x0  }
0x211: {  	[sflag:s0] =	ssyncadd.s32 @p1 $0xFFFFFF80  }
0x212: {  	v1 =	vld @p1 [tilespmem:$0xF188];
	_ =	sdelay $0x2  }
0x213: {  	s0 =	sshll.u32 @p1 s3, $0x9  }
0x214: {  	s4 =	sshrl.u32 @p1 s0, $0x2  }
0x215: {  	[tilespmem:s4+$0xF238] =	vst.add.f32.msk @p1 $0xffff, v1  }
0x216: {  	v1 =	vld @p1 [tilespmem:$0xF198];
	_ =	sdelay $0x4  }
0x217: {  	[tilespmem:s4+$0xF248] =	vst.add.f32.msk @p1 $0xffff, v1  }
0x218: {  	v1 =	vld @p1 [tilespmem:$0xF1A8];
	_ =	sdelay $0x4  }
0x219: {  	[tilespmem:s4+$0xF258] =	vst.add.f32.msk @p1 $0xffff, v1  }
0x21a: {  	v1 =	vld @p1 [tilespmem:$0xF1B8];
	_ =	sdelay $0x4  }
0x21b: {  	[tilespmem:s4+$0xF268] =	vst.add.f32.msk @p1 $0xffff, v1  }
0x21c: {  	v1 =	vld @p1 [tilespmem:$0xF1C8];
	_ =	sdelay $0x4  }
0x21d: {  	[tilespmem:s4+$0xF278] =	vst.add.f32.msk @p1 $0xffff, v1  }
0x21e: {  	v1 =	vld @p1 [tilespmem:$0xF1D8];
	_ =	sdelay $0x4  }
0x21f: {  	[tilespmem:s4+$0xF288] =	vst.add.f32.msk @p1 $0xffff, v1  }
0x220: {  	v1 =	vld @p1 [tilespmem:$0xF1E8];
	_ =	sdelay $0x4  }
0x221: {  	[tilespmem:s4+$0xF298] =	vst.add.f32.msk @p1 $0xffff, v1  }
0x222: {  	v1 =	vld @p1 [tilespmem:$0xF1F8];
	_ =	sdelay $0x3  }
0x223: {  	s5 =	sshll.u32 @!p1 s3, $0x9  }
0x224: {  	s5 =	smov.u32 @p1 s0;
	[tilespmem:s4+$0xF2A8] =	vst.add.f32.msk @p1 $0xffff, v1  }
0x225: {  	s0 =	sshrl.u32 s5, $0x2;
	[tilespmem:s2+$0xF218] =	vst.msk $0x1, v0  }
0x226: {  	v0 =	vld [tilespmem:s0+$0xF238];
	_ =	sdelay $0x2  }
0x227: {  	s31 =	sshll.u32 s2, $0x9  }
0x228: {  	s4 =	sshra.s32 s31, $0x2  }
0x229: {  	[tilespmem:s4+$0xF238] =	vst v0  }
0x22a: {  	v0 =	vld [tilespmem:s0+$0xF248];
	_ =	sdelay $0x4  }
0x22b: {  	[tilespmem:s4+$0xF248] =	vst v0  }
0x22c: {  	v0 =	vld [tilespmem:s0+$0xF258];
	_ =	sdelay $0x4  }
0x22d: {  	[tilespmem:s4+$0xF258] =	vst v0  }
0x22e: {  	v0 =	vld [tilespmem:s0+$0xF268];
	_ =	sdelay $0x4  }
0x22f: {  	[tilespmem:s4+$0xF268] =	vst v0  }
0x230: {  	v0 =	vld [tilespmem:s0+$0xF278];
	_ =	sdelay $0x4  }
0x231: {  	[tilespmem:s4+$0xF278] =	vst v0  }
0x232: {  	v0 =	vld [tilespmem:s0+$0xF288];
	_ =	sdelay $0x4  }
0x233: {  	[tilespmem:s4+$0xF288] =	vst v0  }
0x234: {  	v0 =	vld [tilespmem:s0+$0xF298];
	_ =	sdelay $0x4  }
0x235: {  	[tilespmem:s4+$0xF298] =	vst v0  }
0x236: {  	v0 =	vld [tilespmem:s0+$0xF2A8];
	_ =	sdelay $0x4  }
0x237: {  	s2 =	sadd.s32 $0x1, s2;
	[tilespmem:s4+$0xF2A8] =	vst v0  }
.LBB2_48:
0x238: {  	s3 =	sadd.s32 $0x1, s3  }
0x239: {  	p1 =	sne.s32 s3, $0x20  }
.Ltmp32:
0x23a: {  	_ = 	snop;
	(pc) =	sbr.rel @!p1 .LBB2_49-.Ltmp32, $1  }
0x23b: {  	_ =	sdelay $0x3  }
.LBB2_41:
0x23c: {  	v0 =	vld.msk [tilespmem:s3+$0xF218], $0x1;
	_ =	sdelay $0x4  }
0x23d: {  	(v2sf) =	vpush v0, $0x0;
	_ =	sdelay $0xe  }
0x23e: {  	s4 =	spop (v2sf)  }
0x23f: {  	p1 =	seq.s32 s4, $0xFFFFFFFF  }
.Ltmp33:
0x240: {  	_ = 	snop;
	(pc) =	sbr.rel @p1 .LBB2_48-.Ltmp33, $1  }
0x241: {  	_ =	sdelay $0x3  }
0x242: {  	p1 =	slt.s32 s2, $0x1  }
.Ltmp34:
0x243: {  	_ = 	snop;
	(pc) =	sbr.rel @p1 .LBB2_47-.Ltmp34, $1  }
0x244: {  	_ =	sdelay $0x3  }
0x245: {  	s5 =	simm.s32 $0xF218;
	p1 =	por $0x0, $0x0  }
0x246: {  	v1 =	vld.msk @!p1 [tilespmem:s5+$0x0], $0x1;
	_ =	sdelay $0x4  }
0x247: {  	(v2sf) =	vpush @!p1 v1, $0x0;
	_ =	sdelay $0xd  }
0x248: {  	p3 =	sne.s32 s2, $0x1  }
.Ltmp35:
0x249: {  	s0 =	spop @!p1 (v2sf);
	(pc) =	sbr.rel @!p3 .LBB2_45-.Ltmp35, $4  }
0x24a: {  	p2 =	seq.s32 @!p1 s4, s0  }
0x24b: {  	s6 =	simm.s32 $0x0;
	p2 =	por !p2, p1  }
0x24c: {  	s7 =	simm.s32 $0xFFFFFFFF;
	s6 =	simm.s32 @p2 $0xFFFFFFFF  }
0x24d: {  	s0 =	simm.s32 $0x1;
	s6 =	smov.u32 @p1 s7  }
.LBB2_44:
0x24e: {  	s7 =	smov.u32 s6;
	p1 =	sne.s32 s6, $0xFFFFFFFF  }
0x24f: {  	s5 =	sadd.s32 $0x1, s5;
	s6 =	smov.u32 s0;
	s0 =	sadd.s32 $0x1, s0  }
0x250: {  	p2 =	sne.s32 s2, s0;
	v1 =	vld.msk @!p1 [tilespmem:s5+$0x0], $0x1;
	_ =	sdelay $0x4  }
0x251: {  	(v2sf) =	vpush @!p1 v1, $0x0;
	_ =	sdelay $0xe  }
.Ltmp36:
0x252: {  	s8 =	spop @!p1 (v2sf);
	(pc) =	sbr.rel @p2 .LBB2_44-.Ltmp36, $4  }
0x253: {  	p3 =	seq.s32 @!p1 s4, s8  }
0x254: {  	p3 =	por !p3, p1  }
0x255: {  	s6 =	simm.s32 @p3 $0xFFFFFFFF  }
0x256: {  	s6 =	smov.u32 @p1 s7  }
.LBB2_45:
0x257: {  	p1 =	seq.s32 s6, $0xFFFFFFFF  }
.Ltmp37:
0x258: {  	_ = 	snop;
	(pc) =	sbr.rel @p1 .LBB2_47-.Ltmp37, $1  }
0x259: {  	_ =	sdelay $0x3  }
0x25a: {  	s0 =	sshll.u32 s3, $0x7  }
0x25b: {  	s0 =	sand.u32 $0x3FFFFF80, s0  }
0x25c: {  	v0 =	vld [tilespmem:s0+$0xF238];
	_ =	sdelay $0x2  }
0x25d: {  	s4 =	sshll.u32 s6, $0x9  }
0x25e: {  	s4 =	sshra.s32 s4, $0x2  }
0x25f: {  	[tilespmem:s4+$0xF238] =	vst.add.f32.msk $0xffff, v0  }
0x260: {  	v0 =	vld [tilespmem:s0+$0xF248];
	_ =	sdelay $0x4  }
0x261: {  	[tilespmem:s4+$0xF248] =	vst.add.f32.msk $0xffff, v0  }
0x262: {  	v0 =	vld [tilespmem:s0+$0xF258];
	_ =	sdelay $0x4  }
0x263: {  	[tilespmem:s4+$0xF258] =	vst.add.f32.msk $0xffff, v0  }
0x264: {  	v0 =	vld [tilespmem:s0+$0xF268];
	_ =	sdelay $0x4  }
0x265: {  	[tilespmem:s4+$0xF268] =	vst.add.f32.msk $0xffff, v0  }
0x266: {  	v0 =	vld [tilespmem:s0+$0xF278];
	_ =	sdelay $0x4  }
0x267: {  	[tilespmem:s4+$0xF278] =	vst.add.f32.msk $0xffff, v0  }
0x268: {  	v0 =	vld [tilespmem:s0+$0xF288];
	_ =	sdelay $0x4  }
0x269: {  	[tilespmem:s4+$0xF288] =	vst.add.f32.msk $0xffff, v0  }
0x26a: {  	v0 =	vld [tilespmem:s0+$0xF298];
	_ =	sdelay $0x4  }
0x26b: {  	[tilespmem:s4+$0xF298] =	vst.add.f32.msk $0xffff, v0  }
0x26c: {  	v0 =	vld [tilespmem:s0+$0xF2A8]  }
.Ltmp38:
0x26d: {  	_ = 	snop;
	(pc) =	sbr.rel .LBB2_48-.Ltmp38, $2  }
0x26e: {  	_ =	sdelay $0x2  }
0x26f: {  	[tilespmem:s4+$0xF2A8] =	vst.add.f32.msk $0xffff, v0  }
.LBB2_49:
0x270: {  	p1 =	slt.s32 s2, $0x1  }
.Ltmp39:
0x271: {  	_ = 	snop;
	(pc) =	sbr.rel @p1 .LBB2_53-.Ltmp39, $3  }
0x272: {  	_ =	sdelay $0x1  }
0x273: {  	s0 =	simm.s32 $0x8  }
0x274: {  	s3 =	simm.s32 $0x0;
	[sflag:s0] =	ssyncpa.u1 $0x1  }
0x275: {  	s0 =	simm.s32 $0xF218  }
0x276: {  	v0 =	vld.msk [tilespmem:s0+$0x0], $0x1;
	_ =	sdelay $0x4  }
0x277: {  	(v2sf) =	vpush v0, $0x0;
	_ =	sdelay $0xe  }
0x278: {  	s0 =	sadd.s32 $0xFFFFFFFF, s2;
	s5 =	spop (v2sf)  }
0x279: {  	p2 =	sne.s32 s0, $0x0;
	p1 =	sgt.u32 s5, $0x4E1FF0  }
.Ltmp40:
0x27a: {  	s6 =	sand.u32 @!p1 $0x7FFFF8, s5;
	(pc) =	sbr.rel @!p2 .LBB2_52-.Ltmp40, $4  }
0x27b: {  	s4 =	simm.s32 $0xF238;
	s5 =	sand.u32 @!p1 $0x7, s5;
	s2 =	sadd.s32 @!p1 s1, s6  }
0x27c: {  	[hbm4b:s2+s5] =	stream.linear.scatter @!p1 [tilespmem:s4], [sflag:$0x7], $0x80, $0x38;
	[tilespmem:$0x1F6F8] =	vst v63  }
0x27d: {  	s5 =	simm.s32 $0x0  }
0x27e: {  	s2 =	simm.s32 $0xF219;
	s5 =	simm.s32 @!p1 $0x200  }
.LBB2_51:
0x27f: {  	v0 =	vld.msk [tilespmem:s2+$0x0], $0x1;
	s0 =	sadd.s32 $0xFFFFFFFF, s0;
	s3 =	sadd.s32 s3, s5  }
0x280: {  	p1 =	sne.s32 s0, $0x0;
	_ =	sdelay $0x3  }
0x281: {  	(v2sf) =	vpush v0, $0x0;
	_ =	sdelay $0xe  }
.Ltmp41:
0x282: {  	s6 =	spop (v2sf);
	(pc) =	sbr.rel @p1 .LBB2_51-.Ltmp41, $4  }
0x283: {  	s5 =	simm.s32 $0x0;
	p2 =	sgt.u32 s6, $0x4E1FF0  }
0x284: {  	s4 =	sadd.s32 $0x80, s4;
	s5 =	simm.s32 @!p2 $0x200;
	s7 =	sand.u32 @!p2 $0x7FFFF8, s6  }
0x285: {  	s2 =	sadd.s32 $0x1, s2;
	s6 =	sand.u32 @!p2 $0x7, s6;
	s7 =	sadd.s32 @!p2 s1, s7  }
0x286: {  	[hbm4b:s7+s6] =	stream.linear.scatter @!p2 [tilespmem:s4], [sflag:$0x7], $0x80, $0x38;
	[tilespmem:$0x1F6F8] =	vst v63  }
.LBB2_52:
0x287: {  	s0 =	sadd.s32 s3, s5  }
0x288: {  	s3 =	sshrl.u32 s0, $0x2  }
.LBB2_53:
0x289: {  	s0 =	simm.s32 $0x7  }
0x28a: {  	_ =	swait.ge [sflag:s0], s3  }
0x28b: {  	s1 =	ssub.s32 $0x0, s3;
	[sflag:s0] =	ssyncset.done $0x0  }
0x28c: {  	[sflag:s0] =	ssyncadd.s32 s1  }
0x28d: {  	[sflag:s0] =	ssyncpa.u1 $0x1  }
.LBB2_54:
0x28e: {  	_ =	sfence;
	s0 =	simm.s32 $0x1  }
0x28f: {  	[sflag:s0] =	ssyncpa.u1 $0x1  }
0x290: {  	_ =	strace $0x90000050  }
0x291: {  	[bflag:$0x2] =	sbarrier.arrive $0xFFFF  }
0x292: {  	s0 =	rddreg [dreg:$0x3]  }
0x293: {  	s0 =	sadd.s32 @!p0 $0x100000, s0  }
0x294: {  	[sflag:s0] =	ssyncadd.tile.s32 @!p0 $0x1;
	_ =	shalt  }
.Lfunc_end2:
_tile_overlayer_lowered:
.L_overlay_start_2:
0x295: {  	(tag) =	ssettag $0x2  }
0x296: {  	s0 =	rddreg [dreg:$0x0];
	s2 =	stileid.u32  }
0x297: {  	s1 =	rddreg [dreg:$0x1];
	p0 =	sne.s32 s2, $0x0  }
0x298: {  	s3 =	rddreg [dreg:$0x2];
	[bflag:$0x3] =	sbarrier.arrive $0xFFFF;
	s2 =	simm.s32 @!p0 $0x1C01  }
0x299: {  	[timem:s3], [sflag:s2] =	dma.local @!p0 [hbm:s0], s1  }
0x29a: {  	s0 =	simm.s32 @!p0 $0x1  }
0x29b: {  	_ =	swait.ge @!p0 [sflag:s0], s1  }
0x29c: {  	s1 =	ssub.s32 @!p0 $0x0, s1;
	[sflag:s0] =	ssyncset.done @!p0 $0x0  }
0x29d: {  	[sflag:s0] =	ssyncadd.s32 @!p0 s1  }
0x29e: {  	[bflag:$0x3] =	sbarrier.arrive $0xFFFF  }
0x29f: {  	_ =	shalt  }

// kernel: scatter_offload_async_start.2
scs
__scs_entry_jumppad:
0x0: {  	(pc) =	sbr.rel $0x88, $3  }
0x1: {  	(tag) =	ssettag $0x0;
	lr =	simm.s32 $0x1  }
0x2: {  	[smem:$0x3F8B] =	sst lr;
	_ =	strace $0xD0000000  }
0x3: {  	_ = 	snop  }
0x4: {  	_ = 	snop  }
0x5: {  	_ = 	snop  }
0x6: {  	_ = 	snop  }
0x7: {  	_ = 	snop  }
__scs_overlays_trampoline_lowered:
0x8: {  	[smem:$0x3F9A] =	sst s0  }
0x9: {  	[smem:$0x3F9B] =	sst s1  }
0xa: {  	[smem:$0x3F9C] =	sst s2  }
0xb: {  	[smem:$0x3F9D] =	sst s3  }
0xc: {  	[smem:$0x3F9E] =	sst s4  }
0xd: {  	[smem:$0x3F9F] =	sst s5  }
0xe: {  	[smem:$0x3FA0] =	sst s6  }
0xf: {  	[smem:$0x3FA1] =	sst s7  }
0x10: {  	[smem:$0x3FA2] =	sst s8  }
0x11: {  	[smem:$0x3FA3] =	sst s9;
	s0 =	simm.s32 @!p0 $0x0  }
0x12: {  	s1 =	sld [smem:$0x3F89];
	s0 =	simm.s32 @p0 $0x1  }
0x13: {  	[smem:$0x3FA4] =	sst s0;
	s0 =	simm.s32 @!p1 $0x0  }
0x14: {  	s2 =	sld [smem:$0x3F88];
	s0 =	simm.s32 @p1 $0x1  }
0x15: {  	[smem:$0x3FA5] =	sst s0;
	s0 =	simm.s32 @!p2 $0x0  }
0x16: {  	s3 =	sld [smem:$0x3FDB];
	s0 =	simm.s32 @p2 $0x1  }
0x17: {  	s4 =	simm.s32 $0x1BF5;
	[smem:$0x3FA7] =	sst s0  }
0x18: {  	s0 =	sld [smem:$0x3F8A];
	_ =	swait.ge [sflag:s4], $0x0  }
0x19: {  	s7 =	sld [smem:$0x3F8B]  }
0x1a: {  	s8 =	sadd.s32 $0xFFFFE003, lr  }
0x1b: {  	s9 =	sadd.s32 $0xFFFFFEF7, lr;
	s5 =	simm.s32 $0xFFFFFFFF;
	p2 =	slt.u32 s8, $0xFFFFF086  }
0x1c: {  	p1 =	slt.u32 s9, $0xF7A;
	s5 =	simm.s32 @!p2 $0x0  }
0x1d: {  	s5 =	simm.s32 @p1 $0x1;
	p0 =	seq.s32 s7, s2  }
0x1e: {  	s7 =	smul.u32 @!p0 $0xF7A, s2;
	p2 =	seq.s32 @!p0 s5, $0x0  }
0x1f: {  	s9 =	smul.u32 $0xF7A, s1;
	s8 =	simm.s32 @!p0 $0x1BF5;
	p2 =	por !p2, p0  }
0x20: {  	[sflag:s8] =	ssyncset.s32 @!p0 $0xFFFFF086;
	s6 =	sadd.s32 @!p0 s3, s7;
	s7 =	simm.s32 @!p0 $0x108  }
0x21: {  	s3 =	sadd.s32 s3, s9;
	s6 =	sadd.s32 @!p0 $0x88, s6;
	s7 =	simm.s32 @p2 $0x1082  }
0x22: {  	[simem:s7], [sflag:s8] =	dma.local @!p0 [hbm:s6], $0xF7A  }
0x23: {  	s9 =	sor.u32 $0xD0000000, s2;
	s6 =	simm.s32 $0x108;
	_ =	swait.ge @!p0 [sflag:s8], $0x0  }
0x24: {  	s3 =	sadd.s32 $0x88, s3;
	s6 =	simm.s32 @!p1 $0x1082;
	[sflag:s4] =	ssyncset.s32 $0xFFFFF086  }
0x25: {  	[simem:s6], [sflag:s4] =	dma.local [hbm:s3], $0xF7A  }
0x26: {  	[smem:$0x3F8B] =	sst s1;
	(tag) =	ssettag s2;
	_ =	strace s9  }
0x27: {  	s1 =	sld [smem:$0x3F9B]  }
0x28: {  	s2 =	sld [smem:$0x3F9C]  }
0x29: {  	s4 =	sld [smem:$0x3F9E]  }
0x2a: {  	p0 =	seq.s32 s5, $0x0;
	s5 =	sld [smem:$0x3F9F]  }
0x2b: {  	s6 =	sld [smem:$0x3FA0]  }
0x2c: {  	s7 =	sld [smem:$0x3FA1]  }
0x2d: {  	s3 =	simm.s32 $0x108;
	s8 =	sld [smem:$0x3FA2]  }
0x2e: {  	s3 =	simm.s32 @!p0 $0x1082;
	s9 =	sld [smem:$0x3FA3]  }
0x2f: {  	lr =	sadd.s32 s0, s3;
	s0 =	sld [smem:$0x3F9A]  }
0x30: {  	s3 =	sld [smem:$0x3F9D]  }
0x31: {  	[smem:$0x3FA6] =	sst s10  }
0x32: {  	s10 =	sld [smem:$0x3FA4];
	_ =	sdelay $0x3  }
0x33: {  	p0 =	seq.s32 s10, $0x1;
	s10 =	sld [smem:$0x3FA6];
	_ =	sdelay $0x3  }
0x34: {  	[smem:$0x3FA6] =	sst s10  }
0x35: {  	s10 =	sld [smem:$0x3FA5];
	_ =	sdelay $0x3  }
0x36: {  	p1 =	seq.s32 s10, $0x1;
	s10 =	sld [smem:$0x3FA6];
	_ =	sdelay $0x3  }
0x37: {  	[smem:$0x3FA6] =	sst s10  }
0x38: {  	s10 =	sld [smem:$0x3FA7]  }
0x39: {  	_ = 	snop;
	(pc) =	sbr.ind lr, $3  }
0x3a: {  	_ = 	snop  }
0x3b: {  	_ = 	snop  }
0x3c: {  	p2 =	seq.s32 s10, $0x1;
	s10 =	sld [smem:$0x3FA6]  }
0x3d: {  	_ =	shalt  }
0x3e: {  	_ =	shalt  }
0x3f: {  	_ =	shalt  }
0x40: {  	_ =	shalt  }
0x41: {  	_ =	shalt  }
0x42: {  	_ =	shalt  }
0x43: {  	_ =	shalt  }
0x44: {  	_ =	shalt  }
0x45: {  	_ =	shalt  }
0x46: {  	_ =	shalt  }
0x47: {  	_ =	shalt  }
0x48: {  	_ =	shalt  }
0x49: {  	_ =	shalt  }
0x4a: {  	_ =	shalt  }
0x4b: {  	_ =	shalt  }
0x4c: {  	_ =	shalt  }
0x4d: {  	_ =	shalt  }
0x4e: {  	_ =	shalt  }
0x4f: {  	_ =	shalt  }
0x50: {  	_ =	shalt  }
0x51: {  	_ =	shalt  }
0x52: {  	_ =	shalt  }
0x53: {  	_ =	shalt  }
0x54: {  	_ =	shalt  }
0x55: {  	_ =	shalt  }
0x56: {  	_ =	shalt  }
0x57: {  	_ =	shalt  }
0x58: {  	_ =	shalt  }
0x59: {  	_ =	shalt  }
0x5a: {  	_ =	shalt  }
0x5b: {  	_ =	shalt  }
0x5c: {  	_ =	shalt  }
0x5d: {  	_ =	shalt  }
0x5e: {  	_ =	shalt  }
0x5f: {  	_ =	shalt  }
0x60: {  	_ =	shalt  }
0x61: {  	_ =	shalt  }
0x62: {  	_ =	shalt  }
0x63: {  	_ =	shalt  }
0x64: {  	_ =	shalt  }
0x65: {  	_ =	shalt  }
0x66: {  	_ =	shalt  }
0x67: {  	_ =	shalt  }
0x68: {  	_ =	shalt  }
0x69: {  	_ =	shalt  }
0x6a: {  	_ =	shalt  }
0x6b: {  	_ =	shalt  }
0x6c: {  	_ =	shalt  }
0x6d: {  	_ =	shalt  }
0x6e: {  	_ =	shalt  }
0x6f: {  	_ =	shalt  }
0x70: {  	_ =	shalt  }
0x71: {  	_ =	shalt  }
0x72: {  	_ =	shalt  }
0x73: {  	_ =	shalt  }
0x74: {  	_ =	shalt  }
0x75: {  	_ =	shalt  }
0x76: {  	_ =	shalt  }
0x77: {  	_ =	shalt  }
0x78: {  	_ =	shalt  }
0x79: {  	_ =	shalt  }
0x7a: {  	_ =	shalt  }
0x7b: {  	_ =	shalt  }
0x7c: {  	_ =	shalt  }
0x7d: {  	_ =	shalt  }
0x7e: {  	_ =	shalt  }
0x7f: {  	_ =	shalt  }
0x80: {  	_ =	shalt  }
0x81: {  	_ =	shalt  }
0x82: {  	_ =	shalt  }
0x83: {  	_ =	shalt  }
0x84: {  	_ =	shalt  }
0x85: {  	_ =	shalt  }
0x86: {  	_ =	shalt  }
0x87: {  	_ =	shalt  }
.Lfunc_end0:
.L_simem_size_0:
called_computation.2_lowered:
.L_overlay_start_0:
0x88: {  	s2 =	sld [smem:$0x3FD9]  }
0x89: {  	s3 =	sld [smem:$0x3FFE];
	_ =	sdelay $0x1  }
0x8a: {  	s1 =	srdreg.scid  }
0x8b: {  	s0 =	sand.u32 $0x1, s1  }
0x8c: {  	s13 =	sshll.u32 s0, $0xA;
	s2 =	sadd.s32 s3, s2  }
0x8d: {  	s2 =	sadd.s32 s2, s13  }
0x8e: {  	[smem:$0x3FB2] =	sst s2  }
0x8f: {  	_ = 	snop  }
0x90: {  	s2 =	sld [smem:$0x3FD0];
	_ =	sdelay $0x2  }
0x91: {  	s14 =	simm.s32 $0xA;
	s4 =	simm.s32 $0x10  }
0x92: {  	[smem:s4], [sflag:s14] =	dma.local [hbm:s2], $0x1  }
0x93: {  	_ =	swait.eq [sflag:s14], $0x1  }
0x94: {  	[sflag:s14] =	ssyncset.done $0x0  }
0x95: {  	[sflag:s14] =	ssyncadd.s32 $0xFFFFFFFF  }
0x96: {  	s15 =	sld [smem:$0x11];
	(tm) =	ssettm $0x1  }
0x97: {  	s16 =	sld [smem:$0x3FFB];
	_ =	sdelay $0x3  }
0x98: {  	_ =	strace s16  }
0x99: {  	s3 =	sld [smem:$0x3FFC];
	_ =	sdelay $0x3  }
0x9a: {  	_ =	strace s3  }
0x9b: {  	s3 =	sld [smem:$0x3FFD];
	_ =	sdelay $0x3  }
0x9c: {  	_ =	strace s3  }
0x9d: {  	_ =	strace $0x8FFFFFFF  }
0x9e: {  	s17 =	sld [smem:$0x3FDB];
	_ =	sdelay $0x1  }
0x9f: {  	s18 =	simm.s32 $_scs_section_size  }
0xa0: {  	s5 =	simm.s32 $_size__tile_overlayer_lowered;
	s6 =	simm.s32 $_tile_overlayer_lowered  }
0xa1: {  	s21 =	simm.s32 $0x1BFF;
	s20 =	sshll.u32 s6, $0x1;
	s3 =	sadd.s32 s18, s17  }
0xa2: {  	s7 =	simm.s32 $0x0;
	s19 =	sshll.u32 s5, $0x1;
	s5 =	sadd.s32 s20, s3  }
0xa3: {  	[timem:s7], [sflag:s21] =	dma.local [hbm:s5], s19  }
0xa4: {  	_ =	swait.ge [sflag:s21], s19  }
0xa5: {  	s4 =	ssub.s32 $0x0, s19;
	[sflag:s21] =	ssyncset.done $0x0  }
0xa6: {  	[sflag:s21] =	ssyncadd.s32 s4;
	_ =	sdelay $0x1  }
0xa7: {  	s22 =	simm.s32 $0x1B8B  }
0xa8: {  	_ =	swait.ge [sflag:s22], $0x1  }
0xa9: {  	[sflag:s22] =	ssyncset.done $0x0  }
0xaa: {  	s23 =	sld [smem:$0x3FFE];
	[sflag:s22] =	ssyncadd.s32 $0xFFFFFFFF  }
0xab: {  	s25 =	simm.s32 $0x1B8E;
	s24 =	sld [smem:$0x0]  }
0xac: {  	s26 =	simm.s32 $execute0_lowered;
	[smem:$0x3FD2] =	sst s25  }
0xad: {  	s6 =	sshll.u32 s26, $0x1;
	_ =	strace $0x80000055;
	[dreg:$0x1] =	wrdreg $0xFFFFFFFF  }
0xae: {  	s28 =	simm.s32 $_size_execute0_lowered;
	s3 =	sadd.s32 s3, s6;
	[dreg:$0x0] =	wrdreg $0x0  }
0xaf: {  	s6 =	sshll.u32 s28, $0x1;
	[dreg:$0x2] =	wrdreg s3  }
0xb0: {  	[dreg:$0x3] =	wrdreg s6  }
0xb1: {  	[dreg:$0x4] =	wrdreg $0xC0  }
0xb2: {  	_ =	task [dreg:s7], $0x5FFFF  }
0xb3: {  	[dreg:$0x1] =	wrdreg $0xFFFFFFFF  }
0xb4: {  	[dreg:$0x0] =	wrdreg $0x60  }
0xb5: {  	[dreg:$0x2] =	wrdreg s15  }
0xb6: {  	[dreg:$0x3] =	wrdreg s23  }
0xb7: {  	[dreg:$0x4] =	wrdreg s1  }
0xb8: {  	[dreg:$0x5] =	wrdreg s24  }
0xb9: {  	[dreg:$0x6] =	wrdreg $0x9  }
0xba: {  	_ =	task.clear_ibuf [dreg:s7], $0x7FFFF;
	_ =	strace $0x90000055  }
0xbb: {  	s29 =	simm.s32 $0x9;
	_ =	strace $0x80000057  }
0xbc: {  	_ =	swait.ge [sflag:s29], $0x1  }
0xbd: {  	[sflag:s29] =	ssyncadd.s32 $0xFFFFFFFF  }
0xbe: {  	_ =	strace $0x90000057  }
0xbf: {  	_ =	sfence  }
0xc0: {  	s30 =	sld [smem:$0x0];
	_ =	sdelay $0x2  }
0xc1: {  	s31 =	sshll.u32 s1, $0xD;
	s1 =	sshrl.u32 s1, $0x2  }
0xc2: {  	s3 =	sand.u32 $0x4000, s31;
	s1 =	sadd.s32 s1, s30  }
0xc3: {  	s0 =	sor.u32 s3, s0;
	s1 =	sshll.u32 s1, $0x11  }
0xc4: {  	s0 =	sor.u32 s1, s0  }
0xc5: {  	s0 =	sadd.s32 $0x8F2B, s0  }
0xc6: {  	[sflag:s0] =	ssyncadd.remote.s32 $0x1  }
0xc7: {  	_ =	sfence.sel $0xFFFF  }
0xc8: {  	[dreg:$0x0] =	wrdreg $0xFFFFFFFF;
	(pc) =	sbr.abs _section_cstart, $3  }
0xc9: {  	[dreg:$0x1] =	wrdreg $0xFFFFFFFF  }
0xca: {  	_ =	task.clear_ibuf [dreg:s7], $0x2FFFF;
	_ =	strace $0x9FFFFFFF  }
0xcb: {  	(tm) =	ssettm $0x7FFFFFFF  }
tec
execute0_lowered:
.L_overlay_start_1:
0x0: {  	(tag) =	ssettag $0x1  }
0x1: {  	s1 =	rddreg [dreg:$0x0]  }
0x2: {  	s2 =	rddreg [dreg:$0x1]  }
0x3: {  	s3 =	rddreg [dreg:$0x2];
	_ =	strace $0x80000056;
	s0 =	simm.s32 $0x1  }
0x4: {  	v0 =	vimm.s32 $0x0;
	[sflag:s0] =	ssyncpa.u1 $0x0;
	s0 =	simm.s32 $0x108  }
0x5: {  	[tilespmem:s0+$0x70] =	vst v0  }
0x6: {  	[tilespmem:s0+$0x60] =	vst v0  }
0x7: {  	[tilespmem:s0+$0x50] =	vst v0  }
0x8: {  	[tilespmem:s0+$0x40] =	vst v0  }
0x9: {  	[tilespmem:s0+$0x30] =	vst v0  }
0xa: {  	s15 =	sadd.s32 $0x9D7A00, s2;
	s6 =	sadd.s32 $0x18A4E00, s2;
	[tilespmem:s0+$0x20] =	vst v0  }
0xb: {  	s14 =	sadd.s32 $0x9EB400, s2;
	s5 =	sand.u32 $0x1, s3;
	s3 =	simm.s32 $0x40;
	[tilespmem:s0+$0x10] =	vst v0  }
.LBB2_1:
0xc: {  	s3 =	sadd.s32 $0x40, s3;
	[tilespmem:s0+$0x0] =	vst v0;
	s0 =	sadd.s32 $0x80, s0  }
0xd: {  	p0 =	slt.u32 s3, $0x3C40;
	[tilespmem:s0+$0x70] =	vst v0  }
0xe: {  	[tilespmem:s0+$0x60] =	vst v0  }
.Ltmp0:
0xf: {  	[tilespmem:s0+$0x50] =	vst v0;
	(pc) =	sbr.rel @p0 .LBB2_1-.Ltmp0, $4  }
0x10: {  	[tilespmem:s0+$0x40] =	vst v0  }
0x11: {  	[tilespmem:s0+$0x30] =	vst v0  }
0x12: {  	[tilespmem:s0+$0x20] =	vst v0  }
0x13: {  	[tilespmem:s0+$0x10] =	vst v0  }
0x14: {  	s9 =	stileid.u32  }
0x15: {  	s2 =	smul.u32 $0x53, s9  }
0x16: {  	s3 =	smin.u32 s9, $0x6  }
0x17: {  	s2 =	sadd.s32 s3, s2  }
0x18: {  	p0 =	slt.u32 s9, $0x6;
	s7 =	smul.u32 $0xF0, s2;
	s2 =	simm.s32 $0x4EC0  }
0x19: {  	s2 =	simm.s32 @!p0 $0x4DD0  }
0x1a: {  	s2 =	sadd.s32 s2, s7  }
0x1b: {  	s8 =	smin.u32 s2, $0x4E200  }
0x1c: {  	s2 =	ssub.s32 s8, s7  }
0x1d: {  	p0 =	sgt.s32 s2, $0x0  }
0x1e: {  	s29 =	simm.s32 $0x2;
	s10 =	simm.s32 $0x9;
	s2 =	simm.s32 @!p0 $0x0  }
0x1f: {  	s4 =	simm.s32 $0xA;
	s11 =	simm.s32 $0xB;
	s28 =	smulhi.u32 $0x88888889, s2  }
0x20: {  	[dreg:$0x5] =	wrdreg s5;
	s31 =	smul.u32 $0x9C40, s5;
	s12 =	simm.s32 $0x1  }
0x21: {  	s22 =	simm.s32 $0x0;
	s18 =	simm.s32 $0xC;
	s30 =	sshrl.u32 s28, $0x7  }
0x22: {  	s20 =	simm.s32 $0x0;
	s21 =	simm.s32 $0x0;
	s3 =	smul.u32 $0xF0, s30  }
.Ltmp1:
0x23: {  	[tilespmem:s0+$0x0] =	vst v0;
	v0 =	vimm.s32 $0xFFFFFFFF;
	[sflag:s29] =	ssyncpa.u1 $0x0;
	s16 =	sshll.u32 s9, $0x8;
	(pc) =	sbr.rel .LBB2_3-.Ltmp1, $4  }
0x24: {  	[tilespmem:$0xF208] =	vst v0;
	[sflag:s10] =	ssyncpa.u1 $0x0;
	p0 =	sne.s32 s2, s3;
	s2 =	simm.s32 $0x1  }
0x25: {  	s14 =	sadd.s32 s31, s14;
	[sflag:s4] =	ssyncpa.u1 $0x0;
	s2 =	simm.s32 @!p0 $0x0  }
0x26: {  	s15 =	sadd.s32 s31, s15;
	[sflag:s11] =	ssyncpa.u1 $0x0;
	s13 =	sadd.s32 s2, s30  }
0x27: {  	v0 =	vlaneseq.u32;
	s19 =	smov.u32 s7;
	p0 =	por $0x0, $0x0;
	s17 =	sadd.s32 $0x1, s13  }
.LBB2_18:
0x28: {  	s0 =	sshrl.u32 s31, $0x2  }
.LBB2_20:
0x29: {  	_ =	swait.ge [sflag:s18], s0  }
0x2a: {  	s31 =	ssub.s32 $0x0, s0;
	v1 =	vmov s24;
	vm0 =	veq.s32 v0, $0x0;
	[sflag:s18] =	ssyncset.done $0x0  }
0x2b: {  	vm15 =	veq.s32 v0, $0x2;
	v1 =	vsel vm0, s30, v1;
	[sflag:s18] =	ssyncadd.s32 s31  }
0x2c: {  	v1 =	vsel vm15, s22, v1;
	[sflag:s18] =	ssyncpa.u1 $0x1  }
0x2d: {  	[tilespmem:$0xF208] =	vst v1  }
.LBB2_21:
0x2e: {  	s0 =	sadd.s32 $0xF0, s19  }
0x2f: {  	s2 =	smov.u32 s7;
	p1 =	slt.s32 s0, s8  }
0x30: {  	s2 =	smov.u32 @p1 s0;
	p1 =	sne.s32 s21, s17  }
.Ltmp2:
0x31: {  	_ = 	snop;
	(pc) =	sbr.rel @!p1 .LBB2_22-.Ltmp2, $3  }
0x32: {  	_ =	sdelay $0x1  }
0x33: {  	s22 =	smov.u32 s20;
	s31 =	sadd.s32 $0x1, s21;
	s20 =	smov.u32 s19  }
0x34: {  	p0 =	por !p0, !p0;
	s21 =	smov.u32 s31;
	s19 =	smov.u32 s2  }
.LBB2_3:
0x35: {  	p1 =	sge.u32 s21, s13  }
0x36: {  	s0 =	smulhi.u32 @!p1 $0xAAAAAAAB, s21  }
0x37: {  	s2 =	smov.u32 s19;
	p2 =	sgt.s32 @!p1 s19, $0x4E110  }
0x38: {  	s3 =	sshra.s32 @!p1 s19, $0x1F;
	p2 =	por !p2, p1;
	s0 =	sshrl.u32 @!p1 s0, $0x1  }
0x39: {  	s3 =	sand.u32 @!p1 s3, s19;
	s2 =	simm.s32 @p2 $0x4E110;
	s0 =	smul.u32 @!p1 $0x3, s0  }
0x3a: {  	s2 =	ssub.s32 @!p1 s2, s3  }
0x3b: {  	s2 =	sadd.s32 @!p1 $0xFFFB1EF0, s2;
	s0 =	ssub.s32 @!p1 s21, s0  }
0x3c: {  	s3 =	sshll.u32 @!p1 s2, $0x2;
	p2 =	sgt.s32 @!p1 s2, $0xEF;
	s0 =	smul.u32 @!p1 $0x3C0, s0  }
0x3d: {  	s4 =	sand.u32 @!p1 $0x7, s19;
	s2 =	ssub.s32 @!p1 $0x3C0, s3;
	p2 =	por !p2, p1  }
0x3e: {  	s3 =	sshrl.u32 @!p1 s19, $0x3;
	s2 =	sshrl.u32 @!p1 s2, $0x2;
	s0 =	sshrl.u32 @!p1 s0, $0x2  }
0x3f: {  	s3 =	sadd.s32 @!p1 s3, s14;
	s2 =	simm.s32 @!p2 $0x0;
	s0 =	sadd.s32 @!p1 $0x10248, s0  }
0x40: {  	[tilespmem:s0], [sflag:$0xA] =	stream.linear.gather @!p1 [hbm4b:s3+s4], s2, $0x38;
	[tilespmem:$0x1F6F8] =	vst v63  }
0x41: {  	s0 =	sadd.s32 $0xFFFFFFFF, s21  }
0x42: {  	p1 =	sge.u32 s0, s13  }
0x43: {  	p2 =	sgt.s32 @!p1 s20, $0x4E110  }
0x44: {  	s2 =	smov.u32 s20;
	s3 =	sshra.s32 @!p1 s20, $0x1F;
	p2 =	por !p2, p1  }
0x45: {  	s3 =	sand.u32 @!p1 s3, s20;
	s2 =	simm.s32 @p2 $0x4E110  }
0x46: {  	s2 =	ssub.s32 @!p1 s2, s3  }
0x47: {  	s2 =	sadd.s32 @!p1 $0xFFFB1EF0, s2  }
0x48: {  	s4 =	sand.u32 @!p1 $0x1, s0;
	s3 =	sshll.u32 @!p1 s2, $0x2  }
0x49: {  	p2 =	sgt.s32 @!p1 s2, $0xEF;
	s2 =	ssub.s32 @!p1 $0x3C0, s3;
	s3 =	smulhi.u32 @!p1 $0xAAAAAAAB, s0  }
0x4a: {  	s23 =	smul.u32 @!p1 $0x3C0, s4;
	p2 =	por !p2, p1;
	s2 =	sshrl.u32 @!p1 s2, $0x2  }
0x4b: {  	s5 =	simm.s32 @!p1 $0xA;
	s2 =	simm.s32 @!p2 $0x0;
	s3 =	sshrl.u32 @!p1 s3, $0x1  }
0x4c: {  	s23 =	sshrl.u32 @!p1 s23, $0x2;
	_ =	swait.ge @!p1 [sflag:s5], s2;
	s3 =	smul.u32 @!p1 $0x3, s3  }
0x4d: {  	s23 =	sadd.s32 @!p1 $0x10518, s23;
	s24 =	ssub.s32 @!p1 $0x0, s2;
	[sflag:s5] =	ssyncset.done @!p1 $0x0  }
0x4e: {  	[sflag:s5] =	ssyncadd.s32 @!p1 s24;
	s5 =	sshrl.u32 @!p1 s20, $0x3;
	s0 =	ssub.s32 @!p1 s0, s3  }
0x4f: {  	s24 =	sand.u32 @!p1 $0x7, s20;
	s5 =	sadd.s32 @!p1 s5, s15;
	s0 =	smul.u32 @!p1 $0x3C0, s0  }
0x50: {  	[tilespmem:s23], [sflag:$0xB] =	stream.linear.gather @!p1 [hbm4b:s5+s24], s2, $0x38;
	[tilespmem:$0x1F6F8] =	vst v63  }
0x51: {  	s3 =	ssub.s32 @!p1 $0x4E200, s20;
	s2 =	smul.u32 @!p1 $0x1E000, s4  }
0x52: {  	p2 =	slt.s32 @!p1 s3, $0xF0  }
0x53: {  	p2 =	por !p2, p1;
	s0 =	sshrl.u32 @!p1 s0, $0x2;
	s2 =	sshrl.u32 @!p1 s2, $0x2  }
0x54: {  	s3 =	simm.s32 @p2 $0xF0;
	s0 =	sadd.s32 @!p1 $0x10248, s0;
	s2 =	sor.u32 @!p1 $0x106F8, s2  }
0x55: {  	[tilespmem:s2], [sflag:$0x9] =	stream.indirect.gather @!p1 [hbm4b:s6+s3], $0x80, s0, s3, $0xb8;
	[tilespmem:$0x1F6F8] =	vst v63  }
0x56: {  	p1 =	slt.u32 s21, $0x2  }
.Ltmp3:
0x57: {  	_ = 	snop;
	(pc) =	sbr.rel @p1 .LBB2_21-.Ltmp3, $1  }
0x58: {  	_ =	sdelay $0x3  }
0x59: {  	p1 =	sgt.s32 s22, $0x4E110  }
0x5a: {  	s0 =	smov.u32 s22;
	s2 =	sshra.s32 s22, $0x1F;
	s3 =	ssub.s32 $0x4E200, s22  }
0x5b: {  	s0 =	simm.s32 @!p1 $0x4E110;
	s2 =	sand.u32 s2, s22;
	p1 =	slt.s32 s3, $0xF0  }
0x5c: {  	s0 =	ssub.s32 s0, s2;
	s3 =	simm.s32 @!p1 $0xF0  }
0x5d: {  	s0 =	sadd.s32 $0xFFFB1EF0, s0;
	s25 =	sshll.u32 s3, $0x7  }
0x5e: {  	s26 =	sshll.u32 s0, $0x2;
	s2 =	sand.u32 $0x3FFFFF80, s25  }
0x5f: {  	p1 =	sgt.s32 s0, $0xEF;
	s29 =	ssub.s32 $0x3C0, s26;
	_ =	swait.ge [sflag:s10], s2  }
0x60: {  	s2 =	ssub.s32 $0x0, s2;
	[sflag:s10] =	ssyncset.done $0x0;
	s0 =	sshrl.u32 s29, $0x2  }
0x61: {  	[sflag:s10] =	ssyncadd.s32 s2;
	s0 =	simm.s32 @p1 $0x0  }
0x62: {  	_ =	swait.ge [sflag:s11], s0  }
0x63: {  	s0 =	ssub.s32 $0x0, s0;
	[sflag:s11] =	ssyncset.done $0x0  }
0x64: {  	[sflag:s11] =	ssyncadd.s32 s0  }
0x65: {  	v1 =	vld [tilespmem:$0xF208];
	_ =	sdelay $0x4  }
0x66: {  	(v2sf) =	vpush v1, $0x0  }
0x67: {  	(v2sf) =	vpush v1, $0x1  }
0x68: {  	(v2sf) =	vpush v1, $0x2;
	_ =	sdelay $0x3  }
0x69: {  	s0 =	sadd.s32 $0xF0, s22  }
0x6a: {  	s2 =	ssub.s32 $0x9C400, s22;
	p1 =	slt.s32 s8, s0  }
0x6b: {  	s0 =	smov.u32 @p1 s8;
	p1 =	sgt.s32 s2, $0x0  }
0x6c: {  	s26 =	ssub.s32 s0, s22;
	s2 =	simm.s32 @!p1 $0x0  }
0x6d: {  	p1 =	slt.s32 s2, s26  }
0x6e: {  	s26 =	smov.u32 @p1 s2  }
0x6f: {  	s25 =	simm.s32 $0x1;
	p1 =	slt.s32 s26, $0x1  }
.Ltmp4:
0x70: {  	s25 =	simm.s32 @!p0 $0x0;
	(pc) =	sbr.rel @p1 .LBB2_8-.Ltmp4, $4  }
0x71: {  	s31 =	smul.u32 $0x3C0, s25  }
0x72: {  	s28 =	spop (v2sf)  }
0x73: {  	s0 =	sshrl.u32 s31, $0x2;
	s30 =	spop (v2sf)  }
0x74: {  	s23 =	sadd.s32 $0x10518, s0;
	s22 =	spop (v2sf)  }
0x75: {  	s0 =	smin.u32 s26, $0x10  }
0x76: {  	v1 =	vmov s0  }
0x77: {  	p2 =	sgt.s32 s26, $0x10;
	vm1 =	vgt.u32 v1, v0  }
.Ltmp5:
0x78: {  	_ = 	snop;
	(pc) =	sbr.rel @!p2 .LBB2_7-.Ltmp5, $2  }
0x79: {  	_ =	sdelay $0x2  }
0x7a: {  	s4 =	simm.s32 $0x10;
	s24 =	sadd.s32 $0xFFFFFFF0, s26;
	s0 =	smov.u32 s23;
	vm0 =	vmmov vm1  }
.LBB2_6:
0x7b: {  	s2 =	smin.u32 s24, $0x10;
	s4 =	sadd.s32 $0x10, s4;
	v1 =	vld.msk [tilespmem:s0+$0x0 ss:$0x1], vm1  }
0x7c: {  	v2 =	vmov s2;
	p2 =	slt.s32 s4, s26  }
0x7d: {  	vm1 =	vgt.u32 v2, v0  }
.Ltmp6:
0x7e: {  	(pc) =	sbr.rel @p2 .LBB2_6-.Ltmp6, $3  }
0x7f: {  	_ =	sdelay $0x1  }
0x80: {  	v1 =	vshll.u32 v1, $0x4  }
0x81: {  	s24 =	sadd.s32 $0xFFFFFFF0, s24;
	[tilespmem:s0+$0x0] =	vst.msk vm0, v1;
	s0 =	sadd.s32 $0x10, s0;
	vm0 =	vmmov vm1  }
.LBB2_7:
0x82: {  	_ =	sdelay $0x4  }
0x83: {  	v1 =	vld.msk [tilespmem:s0+$0x0 ss:$0x1], vm1;
	_ =	sdelay $0x4  }
0x84: {  	v1 =	vshll.u32 v1, $0x4  }
0x85: {  	[tilespmem:s0+$0x0] =	vst.msk vm0, v1  }
.LBB2_8:
0x86: {  	s0 =	sand.u32 $0x1, s21  }
0x87: {  	s0 =	smul.u32 $0xF0, s0  }
0x88: {  	p2 =	sne.s32 s30, $0xFFFFFFFF  }
0x89: {  	v1 =	vld.msk @!p2 [tilespmem:s0+$0x10518], $0x1;
	_ =	sdelay $0x4  }
0x8a: {  	(v2sf) =	vpush @!p2 v1, $0x0;
	_ =	sdelay $0xc  }
.Ltmp7:
0x8b: {  	_ = 	snop;
	(pc) =	sbr.rel @p1 .LBB2_19-.Ltmp7, $4  }
0x8c: {  	_ = 	snop  }
0x8d: {  	s29 =	spop @!p2 (v2sf)  }
0x8e: {  	s22 =	simm.s32 @!p2 $0x0;
	s24 =	smov.u32 s29  }
0x8f: {  	[sflag:s18] =	ssyncpa.u1 $0x0;
	s29 =	smov.u32 @p2 s28;
	s24 =	smov.u32 @p2 s30  }
0x90: {  	v1 =	vld.msk [tilespmem:s23+$0x0], $0x1;
	_ =	sdelay $0x4  }
0x91: {  	(v2sf) =	vpush v1, $0x0;
	_ =	sdelay $0xe  }
0x92: {  	s2 =	smul.u32 $0x1E000, s25;
	s0 =	spop (v2sf)  }
0x93: {  	s26 =	ssub.s32 $0x0, s26;
	p1 =	seq.s32 s29, s0  }
0x94: {  	s30 =	sadd.s32 $0x1, s26;
	s2 =	sshrl.u32 s2, $0x2;
	p2 =	sgt.s32 @!p1 s29, $0x0  }
0x95: {  	s25 =	sor.u32 $0x10738, s2;
	s2 =	smov.u32 s29;
	p2 =	por !p2, p1  }
0x96: {  	s2 =	simm.s32 @p2 $0x0;
	p2 =	seq.s32 s30, $0x0  }
.Ltmp8:
0x97: {  	_ = 	snop;
	(pc) =	sbr.rel @p2 .LBB2_11-.Ltmp8, $4  }
0x98: {  	_ = 	snop  }
0x99: {  	s28 =	simm.s32 $0x0;
	s31 =	sadd.s32 $0x1, s23;
	s2 =	smin.u32 @!p1 s2, $0x4E1FF0  }
0x9a: {  	s4 =	simm.s32 @!p1 $0x1;
	s5 =	simm.s32 @!p1 $0x7988;
	s3 =	sand.u32 @!p1 $0x7FFFF8, s2  }
0x9b: {  	s4 =	smov.u32 @p1 s28;
	s2 =	sand.u32 @!p1 $0x7, s2;
	s3 =	sadd.s32 @!p1 s1, s3  }
.LBB2_10:
0x9c: {  	s9 =	smov.u32 s4  }
0x9d: {  	[tilespmem:s5], [sflag:$0x2] =	stream.linear.gather @!p1 [hbm4b:s3+s2], $0x80, $0x38;
	[tilespmem:$0x1F6F8] =	vst v63  }
0x9e: {  	s30 =	sadd.s32 $0x1, s30;
	s2 =	smov.u32 s0;
	v1 =	vld.msk [tilespmem:s31+$0x0], $0x1  }
0x9f: {  	p2 =	seq.s32 s30, $0x0;
	_ =	sdelay $0x3  }
0xa0: {  	(v2sf) =	vpush v1, $0x0;
	_ =	sdelay $0xe  }
0xa1: {  	s0 =	spop (v2sf)  }
0xa2: {  	p1 =	seq.s32 s2, s0  }
0xa3: {  	p3 =	sgt.s32 @!p1 s2, $0x0;
	s3 =	sshll.u32 @!p1 s4, $0x9;
	s4 =	sadd.s32 @!p1 $0x1, s4  }
.Ltmp9:
0xa4: {  	p3 =	por !p3, p1;
	s3 =	sshra.s32 @!p1 s3, $0x2;
	(pc) =	sbr.rel @!p2 .LBB2_10-.Ltmp9, $4  }
0xa5: {  	s4 =	smov.u32 @p1 s9;
	s2 =	simm.s32 @p3 $0x0;
	s5 =	sadd.s32 @!p1 $0x7988, s3  }
0xa6: {  	s2 =	smin.u32 @!p1 s2, $0x4E1FF0  }
0xa7: {  	s3 =	sand.u32 @!p1 $0x7FFFF8, s2;
	s2 =	sand.u32 @!p1 $0x7, s2  }
0xa8: {  	s31 =	sadd.s32 $0x1, s31;
	s3 =	sadd.s32 @!p1 s1, s3  }
.LBB2_11:
0xa9: {  	[tilespmem:s5], [sflag:$0x2] =	stream.linear.gather @!p1 [hbm4b:s3+s2], $0x80, $0x38;
	[tilespmem:$0x1F6F8] =	vst v63  }
.Ltmp10:
0xaa: {  	s0 =	sshll.u32 s4, $0x7;
	(pc) =	sbr.rel .LBB2_12-.Ltmp10, $4  }
0xab: {  	s30 =	simm.s32 $0x2;
	s0 =	sand.u32 $0x3FFFFF80, s0  }
0xac: {  	_ =	swait.ge [sflag:s30], s0  }
0xad: {  	s0 =	ssub.s32 $0x0, s0;
	[sflag:s30] =	ssyncset.done $0x0  }
0xae: {  	s31 =	simm.s32 $0x0;
	[sflag:s30] =	ssyncadd.s32 s0  }
.LBB2_13:
0xaf: {  	v1 =	vld [tilespmem:s25+$0xFFFFFFC0];
	_ =	sdelay $0x3  }
0xb0: {  	s0 =	sshra.s32 s0, $0x2  }
0xb1: {  	[tilespmem:s0+$0x108] =	vst.add.f32.msk $0xffff, v1  }
0xb2: {  	v1 =	vld [tilespmem:s25+$0xFFFFFFD0];
	_ =	sdelay $0x4  }
0xb3: {  	[tilespmem:s0+$0x118] =	vst.add.f32.msk $0xffff, v1  }
0xb4: {  	v1 =	vld [tilespmem:s25+$0xFFFFFFE0];
	_ =	sdelay $0x4  }
0xb5: {  	[tilespmem:s0+$0x128] =	vst.add.f32.msk $0xffff, v1  }
0xb6: {  	v1 =	vld [tilespmem:s25+$0xFFFFFFF0];
	_ =	sdelay $0x4  }
0xb7: {  	[tilespmem:s0+$0x138] =	vst.add.f32.msk $0xffff, v1  }
0xb8: {  	v1 =	vld [tilespmem:s25+$0x0];
	_ =	sdelay $0x4  }
0xb9: {  	[tilespmem:s0+$0x148] =	vst.add.f32.msk $0xffff, v1  }
0xba: {  	v1 =	vld [tilespmem:s25+$0x10];
	_ =	sdelay $0x4  }
0xbb: {  	[tilespmem:s0+$0x158] =	vst.add.f32.msk $0xffff, v1  }
0xbc: {  	v1 =	vld [tilespmem:s25+$0x20];
	_ =	sdelay $0x4  }
0xbd: {  	[tilespmem:s0+$0x168] =	vst.add.f32.msk $0xffff, v1  }
0xbe: {  	v1 =	vld [tilespmem:s25+$0x30];
	_ =	sdelay $0x4  }
0xbf: {  	[tilespmem:s0+$0x178] =	vst.add.f32.msk $0xffff, v1  }
.LBB2_17:
0xc0: {  	s26 =	sadd.s32 $0x1, s26  }
0xc1: {  	p1 =	seq.s32 s26, $0x0  }
.Ltmp11:
0xc2: {  	_ = 	snop;
	(pc) =	sbr.rel @p1 .LBB2_18-.Ltmp11, $2  }
0xc3: {  	_ =	sdelay $0x2  }
0xc4: {  	s23 =	sadd.s32 $0x1, s23;
	s25 =	sadd.s32 $0x80, s25;
	s29 =	smov.u32 s30  }
.LBB2_12:
0xc5: {  	v1 =	vld.msk [tilespmem:s23+$0x0], $0x1;
	_ =	sdelay $0x4  }
0xc6: {  	(v2sf) =	vpush v1, $0x0;
	_ =	sdelay $0xe  }
0xc7: {  	s30 =	spop (v2sf)  }
0xc8: {  	p1 =	sne.s32 s29, s30  }
.Ltmp12:
0xc9: {  	_ = 	snop;
	(pc) =	sbr.rel @!p1 .LBB2_13-.Ltmp12, $2  }
0xca: {  	_ =	sdelay $0x2  }
0xcb: {  	s0 =	sshll.u32 s22, $0x9  }
0xcc: {  	p1 =	seq.s32 s29, s24  }
.Ltmp13:
0xcd: {  	_ = 	snop;
	(pc) =	sbr.rel @!p1 .LBB2_15-.Ltmp13, $1  }
0xce: {  	_ =	sdelay $0x3  }
0xcf: {  	s0 =	sshra.s32 s0, $0x2  }
.Ltmp14:
0xd0: {  	s0 =	sadd.s32 $0x108, s0;
	(pc) =	sbr.rel .LBB2_16-.Ltmp14, $4  }
0xd1: {  	[spmem:s16] =	stream.linear.scatter [tilespmem:s0], [sflag:$0x1], $0x80, $0x38;
	[tilespmem:$0x1F6F8] =	vst v63  }
0xd2: {  	_ =	swait.ge [sflag:s12], $0x80  }
0xd3: {  	[sflag:s12] =	ssyncset.done $0x0  }
0xd4: {  	[sflag:s12] =	ssyncadd.s32 $0xFFFFFF80  }
.LBB2_15:
0xd5: {  	s2 =	sshll.u32 s28, $0x9  }
0xd6: {  	s2 =	sshra.s32 s2, $0x2  }
0xd7: {  	v1 =	vld [tilespmem:s2+$0x7988];
	_ =	sdelay $0x3  }
0xd8: {  	s0 =	sshra.s32 s0, $0x2  }
0xd9: {  	[tilespmem:s0+$0x108] =	vst.add.f32.msk $0xffff, v1  }
0xda: {  	v1 =	vld [tilespmem:s2+$0x7998];
	_ =	sdelay $0x4  }
0xdb: {  	[tilespmem:s0+$0x118] =	vst.add.f32.msk $0xffff, v1  }
0xdc: {  	v1 =	vld [tilespmem:s2+$0x79A8];
	_ =	sdelay $0x4  }
0xdd: {  	[tilespmem:s0+$0x128] =	vst.add.f32.msk $0xffff, v1  }
0xde: {  	v1 =	vld [tilespmem:s2+$0x79B8];
	_ =	sdelay $0x4  }
0xdf: {  	[tilespmem:s0+$0x138] =	vst.add.f32.msk $0xffff, v1  }
0xe0: {  	v1 =	vld [tilespmem:s2+$0x79C8];
	_ =	sdelay $0x4  }
0xe1: {  	[tilespmem:s0+$0x148] =	vst.add.f32.msk $0xffff, v1  }
0xe2: {  	v1 =	vld [tilespmem:s2+$0x79D8];
	_ =	sdelay $0x4  }
0xe3: {  	[tilespmem:s0+$0x158] =	vst.add.f32.msk $0xffff, v1  }
0xe4: {  	v1 =	vld [tilespmem:s2+$0x79E8];
	_ =	sdelay $0x4  }
0xe5: {  	[tilespmem:s0+$0x168] =	vst.add.f32.msk $0xffff, v1  }
0xe6: {  	v1 =	vld [tilespmem:s2+$0x79F8];
	_ =	sdelay $0x2  }
0xe7: {  	p1 =	sgt.u32 s29, $0x4E1FF0  }
0xe8: {  	s2 =	sand.u32 @!p1 $0x7FFFF8, s29  }
0xe9: {  	s3 =	sadd.s32 $0x108, s0;
	[tilespmem:s0+$0x178] =	vst.add.f32.msk $0xffff, v1;
	s0 =	sadd.s32 @!p1 s1, s2;
	s2 =	sand.u32 @!p1 $0x7, s29  }
0xea: {  	[hbm4b:s0+s2] =	stream.linear.scatter @!p1 [tilespmem:s3], [sflag:$0xC], $0x80, $0x38;
	[tilespmem:$0x1F6F8] =	vst v63  }
0xeb: {  	s0 =	simm.s32 $0x0  }
0xec: {  	s0 =	simm.s32 @!p1 $0x200  }
0xed: {  	s31 =	sadd.s32 s0, s31  }
.LBB2_16:
0xee: {  	s0 =	sadd.s32 $0x1, s22  }
0xef: {  	s2 =	smulhi.u32 $0x88888889, s0;
	_ =	sdelay $0x1  }
0xf0: {  	v1 =	vld [tilespmem:s25+$0xFFFFFFC0];
	s2 =	sshrl.u32 s2, $0x7  }
0xf1: {  	s2 =	smul.u32 $0xF0, s2;
	_ =	sdelay $0x1  }
0xf2: {  	s22 =	ssub.s32 s0, s2  }
0xf3: {  	s0 =	sshll.u32 s22, $0x7  }
0xf4: {  	[tilespmem:s0+$0x108] =	vst v1  }
0xf5: {  	v1 =	vld [tilespmem:s25+$0xFFFFFFD0];
	_ =	sdelay $0x4  }
0xf6: {  	[tilespmem:s0+$0x118] =	vst v1  }
0xf7: {  	v1 =	vld [tilespmem:s25+$0xFFFFFFE0];
	_ =	sdelay $0x4  }
0xf8: {  	[tilespmem:s0+$0x128] =	vst v1  }
0xf9: {  	v1 =	vld [tilespmem:s25+$0xFFFFFFF0];
	_ =	sdelay $0x4  }
0xfa: {  	[tilespmem:s0+$0x138] =	vst v1  }
0xfb: {  	v1 =	vld [tilespmem:s25+$0x0];
	_ =	sdelay $0x4  }
0xfc: {  	[tilespmem:s0+$0x148] =	vst v1  }
0xfd: {  	v1 =	vld [tilespmem:s25+$0x10];
	_ =	sdelay $0x4  }
0xfe: {  	[tilespmem:s0+$0x158] =	vst v1  }
0xff: {  	v1 =	vld [tilespmem:s25+$0x20];
	_ =	sdelay $0x4  }
0x100: {  	[tilespmem:s0+$0x168] =	vst v1  }
0x101: {  	v1 =	vld [tilespmem:s25+$0x30]  }
.Ltmp15:
0x102: {  	_ = 	snop;
	(pc) =	sbr.rel .LBB2_17-.Ltmp15, $2  }
0x103: {  	_ =	sdelay $0x2  }
0x104: {  	s28 =	sadd.s32 $0x1, s28;
	[tilespmem:s0+$0x178] =	vst v1  }
.LBB2_19:
.Ltmp16:
0x105: {  	(pc) =	sbr.rel .LBB2_20-.Ltmp16, $4  }
0x106: {  	_ = 	snop  }
0x107: {  	s0 =	simm.s32 $0x2  }
0x108: {  	_ =	swait.ge [sflag:s0], $0x0  }
0x109: {  	s30 =	smov.u32 s29;
	[sflag:s0] =	ssyncset.done $0x0;
	s0 =	simm.s32 $0x0  }
.LBB2_22:
0x10a: {  	_ =	sfence.sel $0x180000  }
0x10b: {  	s0 =	simm.s32 $0x9;
	[bflag:$0x0] =	sbarrier.arrive $0xFFFF  }
0x10c: {  	s24 =	simm.s32 $0xA;
	[sflag:s0] =	ssyncpa.u1 $0x1  }
0x10d: {  	s25 =	simm.s32 $0xB;
	[sflag:s24] =	ssyncpa.u1 $0x1  }
0x10e: {  	s26 =	simm.s32 $0x2;
	[sflag:s25] =	ssyncpa.u1 $0x1  }
0x10f: {  	[sflag:s26] =	ssyncpa.u1 $0x1  }
0x110: {  	v0 =	vld [tilespmem:$0xF208];
	_ =	sdelay $0x4  }
0x111: {  	(v2sf) =	vpush v0, $0x0  }
0x112: {  	(v2sf) =	vpush v0, $0x1;
	_ =	sdelay $0x1  }
0x113: {  	(v2sf) =	vpush v0, $0x2;
	_ =	sdelay $0xb  }
0x114: {  	s0 =	spop (v2sf)  }
0x115: {  	s2 =	spop (v2sf)  }
0x116: {  	s3 =	smov.u32 s0;
	p0 =	sne.s32 s0, s2  }
0x117: {  	s4 =	spop (v2sf);
	s3 =	simm.s32 @!p0 $0xFFFFFFFF  }
0x118: {  	v2 =	vimm.s32 $0x1;
	v3 =	vlaneseq.u32;
	p0 =	seq.s32 s4, $0xFFFFFFFF;
	v1 =	vmov s3  }
0x119: {  	s16 =	stileid.u32;
	v0 =	vperm.xlane v0, v2;
	p1 =	sne.s32 @!p0 s0, s2;
	v1 =	vperm.xlane v1, v3  }
0x11a: {  	vm0 =	vcmask $0x3F04;
	s6 =	simm.s32 $0xF208;
	s0 =	simm.s32 @!p0 $0x1;
	p1 =	por !p1, p0  }
0x11b: {  	s3 =	sshll.u32 s16, $0x1;
	s2 =	sshll.u32 @!p0 s4, $0x9;
	s0 =	simm.s32 @p1 $0x0;
	v0 =	vsel vm0, v1, v0  }
0x11c: {  	s5 =	sor.u32 $0x1000, s3;
	s2 =	sshra.s32 @!p0 s2, $0x2;
	s0 =	sor.u32 @!p0 s0, s3;
	[tilespmem:$0xF208] =	vst v0  }
0x11d: {  	[spmem:s5] =	stream.linear.scatter [tilespmem:s6], [sflag:$0x1], $0x2, $0x38;
	[tilespmem:$0x1F6F8] =	vst v63  }
0x11e: {  	s2 =	sadd.s32 @!p0 $0x108, s2;
	s0 =	sshll.u32 @!p0 s0, $0x7  }
0x11f: {  	[spmem:s0] =	stream.linear.scatter @!p0 [tilespmem:s2], [sflag:$0x1], $0x80, $0x38;
	[tilespmem:$0x1F6F8] =	vst v63  }
0x120: {  	s0 =	simm.s32 @!p0 $0x82  }
0x121: {  	s28 =	simm.s32 $0x1;
	s0 =	simm.s32 @p0 $0x2  }
0x122: {  	_ =	swait.ge [sflag:s28], s0  }
0x123: {  	s0 =	ssub.s32 $0x0, s0;
	[sflag:s28] =	ssyncset.done $0x0  }
0x124: {  	p0 =	sne.s32 s16, $0x0;
	[sflag:s28] =	ssyncadd.s32 s0  }
.Ltmp17:
0x125: {  	_ =	sfence.stream.spmem;
	(pc) =	sbr.rel @p0 .LBB2_39-.Ltmp17, $4  }
0x126: {  	s29 =	simm.s32 $0x3;
	[bflag:$0x0] =	sbarrier.arrive $0xFFFF  }
0x127: {  	s30 =	simm.s32 $0x4;
	[sflag:s29] =	ssyncpa.u1 $0x1  }
0x128: {  	s31 =	simm.s32 $0x3C;
	[sflag:s30] =	ssyncpa.u1 $0x1  }
0x129: {  	s15 =	rddreg [dreg:$0x5];
	[sflag:s31] =	ssyncpa.u1 $0x1  }
0x12a: {  	_ =	sfence.stream.spmem;
	s0 =	simm.s32 $0x5  }
0x12b: {  	s2 =	simm.s32 $0x1000;
	s3 =	simm.s32 $0xF218;
	[sflag:s0] =	ssyncpa.u1 $0x0  }
0x12c: {  	[tilespmem:s3], [sflag:$0x5] =	stream.linear.gather [spmem:s2], $0x20, $0x38;
	[tilespmem:$0x1F6F8] =	vst v63  }
0x12d: {  	s26 =	simm.s32 $0x0;
	s28 =	simm.s32 $0xF238  }
0x12e: {  	[tilespmem:s28], [sflag:$0x5] =	stream.linear.gather [spmem:s26], $0x1000, $0x38;
	[tilespmem:$0x1F6F8] =	vst v63  }
0x12f: {  	_ =	swait.ge [sflag:s0], $0x1020  }
0x130: {  	[sflag:s0] =	ssyncset.done $0x0  }
0x131: {  	s29 =	simm.s32 $0x0;
	[sflag:s0] =	ssyncadd.s32 $0xFFFFEFE0  }
0x132: {  	v0 =	vld.msk [tilespmem:s29+$0xF218], $0x1;
	_ =	sdelay $0x1  }
0x133: {  	s30 =	simm.s32 $0x1  }
0x134: {  	v1 =	vld.msk [tilespmem:s30+$0xF218], $0x1;
	_ =	sdelay $0x1  }
0x135: {  	(v2sf) =	vpush v0, $0x0;
	_ =	sdelay $0x2  }
0x136: {  	(v2sf) =	vpush v1, $0x0;
	_ =	sdelay $0x2  }
0x137: {  	s31 =	simm.s32 $0x2  }
0x138: {  	v0 =	vld.msk [tilespmem:s31+$0xF218], $0x1;
	_ =	sdelay $0x2  }
0x139: {  	s4 =	simm.s32 $0xFFFFFFFF;
	s5 =	simm.s32 $0xFFFFFFFF;
	s0 =	simm.s32 $0xC  }
.LBB2_24:
0x13a: {  	s2 =	smov.u32 s5;
	s3 =	smov.u32 s4  }
0x13b: {  	s4 =	sshra.s32 s0, $0x2;
	p1 =	sne.s32 s0, $0x7C;
	s0 =	sadd.s32 $0x4, s0;
	(v2sf) =	vpush v0, $0x0  }
0x13c: {  	v0 =	vld.msk [tilespmem:s4+$0xF218], $0x1  }
.Ltmp18:
0x13d: {  	(pc) =	sbr.rel @p1 .LBB2_24-.Ltmp18, $4  }
0x13e: {  	s5 =	spop (v2sf)  }
0x13f: {  	p2 =	sne.s32 s3, $0xFFFFFFFF;
	s4 =	smov.u32 s5  }
0x140: {  	p3 =	seq.s32 s5, $0xFFFFFFFF;
	s4 =	smov.u32 @p2 s3  }
0x141: {  	s5 =	smov.u32 @p3 s2;
	s4 =	smov.u32 @p3 s3  }
0x142: {  	(v2sf) =	vpush v0, $0x0;
	_ =	sdelay $0x8  }
0x143: {  	s0 =	spop (v2sf)  }
0x144: {  	p1 =	sne.s32 s4, $0xFFFFFFFF;
	s2 =	smov.u32 s0  }
0x145: {  	s9 =	simm.s32 $0x6;
	p2 =	seq.s32 s0, $0xFFFFFFFF;
	s2 =	smov.u32 @p1 s4  }
0x146: {  	s6 =	simm.s32 $0x0;
	s2 =	smov.u32 @p2 s4;
	s3 =	spop (v2sf)  }
0x147: {  	s0 =	smov.u32 @p2 s5;
	p1 =	sne.s32 s2, $0xFFFFFFFF;
	s4 =	smov.u32 s3  }
.Ltmp19:
0x148: {  	p2 =	seq.s32 s3, $0xFFFFFFFF;
	s4 =	smov.u32 @p1 s2;
	(pc) =	sbr.rel .LBB2_26-.Ltmp19, $4  }
0x149: {  	s10 =	simm.s32 $0xF188;
	s4 =	smov.u32 @p2 s2;
	s7 =	spop (v2sf)  }
0x14a: {  	s11 =	simm.s32 $0x0;
	p1 =	sne.s32 s4, $0xFFFFFFFF;
	s8 =	smov.u32 s7  }
0x14b: {  	s3 =	smov.u32 @p2 s0;
	p2 =	seq.s32 s7, $0xFFFFFFFF;
	s8 =	smov.u32 @p1 s4  }
0x14c: {  	[sflag:s9] =	ssyncpa.u1 $0x0;
	s7 =	smov.u32 @p2 s3;
	s8 =	smov.u32 @p2 s4  }
.LBB2_32:
0x14d: {  	p1 =	sgt.u32 s12, $0x4E1FF0  }
0x14e: {  	p2 =	seq.s32 @!p1 s12, s8  }
0x14f: {  	p1 =	por p1, p2  }
0x150: {  	p2 =	sne.s32 @!p1 s12, s7  }
0x151: {  	p1 =	por p1, !p2  }
0x152: {  	s0 =	sshll.u32 @p1 s11, $0x9  }
0x153: {  	s0 =	sand.u32 @!p1 $0x7FFFF8, s12  }
0x154: {  	s2 =	sand.u32 @!p1 $0x7, s12;
	s0 =	sadd.s32 @!p1 s1, s0  }
0x155: {  	[tilespmem:s10], [sflag:$0x6] =	stream.linear.gather @!p1 [hbm4b:s0+s2], $0x80, $0x38;
	[tilespmem:$0x1F6F8] =	vst v63  }
0x156: {  	_ =	swait.ge @!p1 [sflag:s9], $0x80  }
0x157: {  	[sflag:s9] =	ssyncset.done @!p1 $0x0  }
0x158: {  	[sflag:s9] =	ssyncadd.s32 @!p1 $0xFFFFFF80  }
0x159: {  	v1 =	vld @!p1 [tilespmem:$0xF188];
	_ =	sdelay $0x2  }
0x15a: {  	s0 =	sshll.u32 @!p1 s11, $0x9  }
0x15b: {  	s2 =	sshrl.u32 @!p1 s0, $0x2  }
0x15c: {  	[tilespmem:s2+$0xF238] =	vst.add.f32.msk @!p1 $0xffff, v1  }
0x15d: {  	v1 =	vld @!p1 [tilespmem:$0xF198];
	_ =	sdelay $0x4  }
0x15e: {  	[tilespmem:s2+$0xF248] =	vst.add.f32.msk @!p1 $0xffff, v1  }
0x15f: {  	v1 =	vld @!p1 [tilespmem:$0xF1A8];
	_ =	sdelay $0x4  }
0x160: {  	[tilespmem:s2+$0xF258] =	vst.add.f32.msk @!p1 $0xffff, v1  }
0x161: {  	v1 =	vld @!p1 [tilespmem:$0xF1B8];
	_ =	sdelay $0x4  }
0x162: {  	[tilespmem:s2+$0xF268] =	vst.add.f32.msk @!p1 $0xffff, v1  }
0x163: {  	v1 =	vld @!p1 [tilespmem:$0xF1C8];
	_ =	sdelay $0x4  }
0x164: {  	[tilespmem:s2+$0xF278] =	vst.add.f32.msk @!p1 $0xffff, v1  }
0x165: {  	v1 =	vld @!p1 [tilespmem:$0xF1D8];
	_ =	sdelay $0x4  }
0x166: {  	[tilespmem:s2+$0xF288] =	vst.add.f32.msk @!p1 $0xffff, v1  }
0x167: {  	v1 =	vld @!p1 [tilespmem:$0xF1E8];
	_ =	sdelay $0x4  }
0x168: {  	[tilespmem:s2+$0xF298] =	vst.add.f32.msk @!p1 $0xffff, v1  }
0x169: {  	v1 =	vld @!p1 [tilespmem:$0xF1F8];
	_ =	sdelay $0x4  }
0x16a: {  	[tilespmem:s2+$0xF2A8] =	vst.add.f32.msk @!p1 $0xffff, v1  }
0x16b: {  	s0 =	sshrl.u32 s0, $0x2;
	[tilespmem:s6+$0xF218] =	vst.msk $0x1, v0  }
0x16c: {  	v0 =	vld [tilespmem:s0+$0xF238];
	_ =	sdelay $0x2  }
0x16d: {  	s31 =	sshll.u32 s6, $0x9  }
0x16e: {  	s2 =	sshra.s32 s31, $0x2  }
0x16f: {  	[tilespmem:s2+$0xF238] =	vst v0  }
0x170: {  	v0 =	vld [tilespmem:s0+$0xF248];
	_ =	sdelay $0x4  }
0x171: {  	[tilespmem:s2+$0xF248] =	vst v0  }
0x172: {  	v0 =	vld [tilespmem:s0+$0xF258];
	_ =	sdelay $0x4  }
0x173: {  	[tilespmem:s2+$0xF258] =	vst v0  }
0x174: {  	v0 =	vld [tilespmem:s0+$0xF268];
	_ =	sdelay $0x4  }
0x175: {  	[tilespmem:s2+$0xF268] =	vst v0  }
0x176: {  	v0 =	vld [tilespmem:s0+$0xF278];
	_ =	sdelay $0x4  }
0x177: {  	[tilespmem:s2+$0xF278] =	vst v0  }
0x178: {  	v0 =	vld [tilespmem:s0+$0xF288];
	_ =	sdelay $0x4  }
0x179: {  	[tilespmem:s2+$0xF288] =	vst v0  }
0x17a: {  	v0 =	vld [tilespmem:s0+$0xF298];
	_ =	sdelay $0x4  }
0x17b: {  	[tilespmem:s2+$0xF298] =	vst v0  }
0x17c: {  	v0 =	vld [tilespmem:s0+$0xF2A8];
	_ =	sdelay $0x4  }
0x17d: {  	s6 =	sadd.s32 $0x1, s6;
	[tilespmem:s2+$0xF2A8] =	vst v0  }
.LBB2_33:
0x17e: {  	s11 =	sadd.s32 $0x1, s11  }
0x17f: {  	p1 =	sne.s32 s11, $0x20  }
.Ltmp20:
0x180: {  	_ = 	snop;
	(pc) =	sbr.rel @!p1 .LBB2_34-.Ltmp20, $1  }
0x181: {  	_ =	sdelay $0x3  }
.LBB2_26:
0x182: {  	v0 =	vld.msk [tilespmem:s11+$0xF218], $0x1;
	_ =	sdelay $0x4  }
0x183: {  	(v2sf) =	vpush v0, $0x0;
	_ =	sdelay $0xe  }
0x184: {  	s12 =	spop (v2sf)  }
0x185: {  	p1 =	seq.s32 s12, $0xFFFFFFFF  }
.Ltmp21:
0x186: {  	_ = 	snop;
	(pc) =	sbr.rel @p1 .LBB2_33-.Ltmp21, $1  }
0x187: {  	_ =	sdelay $0x3  }
0x188: {  	p1 =	slt.s32 s6, $0x1  }
.Ltmp22:
0x189: {  	_ = 	snop;
	(pc) =	sbr.rel @p1 .LBB2_32-.Ltmp22, $1  }
0x18a: {  	_ =	sdelay $0x3  }
0x18b: {  	s13 =	simm.s32 $0xF218;
	p1 =	por $0x0, $0x0  }
0x18c: {  	v1 =	vld.msk @!p1 [tilespmem:s13+$0x0], $0x1;
	_ =	sdelay $0x4  }
0x18d: {  	(v2sf) =	vpush @!p1 v1, $0x0;
	_ =	sdelay $0xd  }
0x18e: {  	p3 =	sne.s32 s6, $0x1  }
.Ltmp23:
0x18f: {  	s0 =	spop @!p1 (v2sf);
	(pc) =	sbr.rel @!p3 .LBB2_30-.Ltmp23, $4  }
0x190: {  	p2 =	seq.s32 @!p1 s12, s0  }
0x191: {  	s14 =	simm.s32 $0x0;
	p2 =	por !p2, p1  }
0x192: {  	s2 =	simm.s32 $0xFFFFFFFF;
	s14 =	simm.s32 @p2 $0xFFFFFFFF  }
0x193: {  	s0 =	simm.s32 $0x1;
	s14 =	smov.u32 @p1 s2  }
.LBB2_29:
0x194: {  	s2 =	smov.u32 s14;
	p1 =	sne.s32 s14, $0xFFFFFFFF  }
0x195: {  	s13 =	sadd.s32 $0x1, s13;
	s14 =	smov.u32 s0;
	s0 =	sadd.s32 $0x1, s0  }
0x196: {  	p2 =	sne.s32 s6, s0;
	v1 =	vld.msk @!p1 [tilespmem:s13+$0x0], $0x1;
	_ =	sdelay $0x4  }
0x197: {  	(v2sf) =	vpush @!p1 v1, $0x0;
	_ =	sdelay $0xe  }
.Ltmp24:
0x198: {  	s3 =	spop @!p1 (v2sf);
	(pc) =	sbr.rel @p2 .LBB2_29-.Ltmp24, $4  }
0x199: {  	p3 =	seq.s32 @!p1 s12, s3  }
0x19a: {  	p3 =	por !p3, p1  }
0x19b: {  	s14 =	simm.s32 @p3 $0xFFFFFFFF  }
0x19c: {  	s14 =	smov.u32 @p1 s2  }
.LBB2_30:
0x19d: {  	p1 =	seq.s32 s14, $0xFFFFFFFF  }
.Ltmp25:
0x19e: {  	_ = 	snop;
	(pc) =	sbr.rel @p1 .LBB2_32-.Ltmp25, $1  }
0x19f: {  	_ =	sdelay $0x3  }
0x1a0: {  	s0 =	sshll.u32 s11, $0x7  }
0x1a1: {  	s0 =	sand.u32 $0x3FFFFF80, s0  }
0x1a2: {  	v0 =	vld [tilespmem:s0+$0xF238];
	_ =	sdelay $0x2  }
0x1a3: {  	s2 =	sshll.u32 s14, $0x9  }
0x1a4: {  	s2 =	sshra.s32 s2, $0x2  }
0x1a5: {  	[tilespmem:s2+$0xF238] =	vst.add.f32.msk $0xffff, v0  }
0x1a6: {  	v0 =	vld [tilespmem:s0+$0xF248];
	_ =	sdelay $0x4  }
0x1a7: {  	[tilespmem:s2+$0xF248] =	vst.add.f32.msk $0xffff, v0  }
0x1a8: {  	v0 =	vld [tilespmem:s0+$0xF258];
	_ =	sdelay $0x4  }
0x1a9: {  	[tilespmem:s2+$0xF258] =	vst.add.f32.msk $0xffff, v0  }
0x1aa: {  	v0 =	vld [tilespmem:s0+$0xF268];
	_ =	sdelay $0x4  }
0x1ab: {  	[tilespmem:s2+$0xF268] =	vst.add.f32.msk $0xffff, v0  }
0x1ac: {  	v0 =	vld [tilespmem:s0+$0xF278];
	_ =	sdelay $0x4  }
0x1ad: {  	[tilespmem:s2+$0xF278] =	vst.add.f32.msk $0xffff, v0  }
0x1ae: {  	v0 =	vld [tilespmem:s0+$0xF288];
	_ =	sdelay $0x4  }
0x1af: {  	[tilespmem:s2+$0xF288] =	vst.add.f32.msk $0xffff, v0  }
0x1b0: {  	v0 =	vld [tilespmem:s0+$0xF298];
	_ =	sdelay $0x4  }
0x1b1: {  	[tilespmem:s2+$0xF298] =	vst.add.f32.msk $0xffff, v0  }
0x1b2: {  	v0 =	vld [tilespmem:s0+$0xF2A8]  }
.Ltmp26:
0x1b3: {  	_ = 	snop;
	(pc) =	sbr.rel .LBB2_33-.Ltmp26, $2  }
0x1b4: {  	_ =	sdelay $0x2  }
0x1b5: {  	[tilespmem:s2+$0xF2A8] =	vst.add.f32.msk $0xffff, v0  }
.LBB2_34:
0x1b6: {  	s0 =	simm.s32 $0x6;
	p1 =	seq.s32 s6, $0x0  }
0x1b7: {  	[sflag:s0] =	ssyncpa.u1 $0x1;
	v0 =	vimm.s32 @p1 $0xFFFFFFFF  }
0x1b8: {  	s9 =	sadd.s32 $0xFFFFFFFF, s6;
	[tilespmem:$0x10238] =	vst @p1 v0  }
0x1b9: {  	v0 =	vld.msk @!p1 [tilespmem:s9+$0xF218], $0x1;
	_ =	sdelay $0x1  }
0x1ba: {  	v1 =	vld.msk @!p1 [tilespmem:$0xF218], $0x1;
	_ =	sdelay $0x2  }
0x1bb: {  	p2 =	seq.s32 @!p1 s9, $0x0;
	v0 =	vbroadcast @!p1 v0, $0x0  }
0x1bc: {  	vm0 =	vmmov @!p1 $0x1;
	p2 =	por !p2, p1  }
0x1bd: {  	v1 =	vnsel @!p1 vm0, $0xFFFFFFFF, v1;
	vm0 =	vcmask @!p1 $0x308;
	v0 =	vpsel !p2, $0xFFFFFFFF, v0  }
0x1be: {  	p2 =	sne.s32 @!p1 s8, s7;
	v0 =	vsel @!p1 vm0, v1, v0  }
0x1bf: {  	s0 =	simm.s32 @!p1 $0xF238;
	s2 =	simm.s32 @!p1 $0x0;
	p3 =	por !p2, p1;
	[tilespmem:$0x10238] =	vst @!p1 v0  }
0x1c0: {  	[spmem:s2] =	stream.linear.scatter @!p1 [tilespmem:s0], [sflag:$0x1], $0x80, $0x38;
	[tilespmem:$0x1F6F8] =	vst v63  }
0x1c1: {  	s0 =	sshll.u32 @!p3 s9, $0x9  }
0x1c2: {  	s0 =	sshra.s32 @!p3 s0, $0x2  }
0x1c3: {  	s2 =	simm.s32 @!p3 $0x80;
	s0 =	sadd.s32 @!p3 $0xF238, s0  }
0x1c4: {  	[spmem:s2] =	stream.linear.scatter @!p3 [tilespmem:s0], [sflag:$0x1], $0x80, $0x38;
	[tilespmem:$0x1F6F8] =	vst v63  }
0x1c5: {  	s0 =	simm.s32 @!p3 $0x1  }
0x1c6: {  	_ =	swait.ge @!p3 [sflag:s0], $0x100  }
0x1c7: {  	p1 =	por p2, p1;
	[sflag:s0] =	ssyncset.done @!p3 $0x0  }
0x1c8: {  	[sflag:s0] =	ssyncadd.s32 @!p3 $0xFFFFFF00;
	s0 =	simm.s32 @!p1 $0x1  }
0x1c9: {  	_ =	swait.ge @!p1 [sflag:s0], $0x80  }
0x1ca: {  	s29 =	simm.s32 $0x10238;
	[sflag:s0] =	ssyncset.done @!p1 $0x0  }
0x1cb: {  	s30 =	simm.s32 $0x1000;
	s31 =	simm.s32 $0x1;
	[sflag:s0] =	ssyncadd.s32 @!p1 $0xFFFFFF80  }
0x1cc: {  	[spmem:s30] =	stream.linear.scatter [tilespmem:s29], [sflag:$0x1], $0x10, $0x38;
	[tilespmem:$0x1F6F8] =	vst v63  }
0x1cd: {  	_ =	swait.ge [sflag:s31], $0x10  }
0x1ce: {  	[sflag:s31] =	ssyncset.done $0x0  }
0x1cf: {  	p1 =	seq.s32 s15, $0x0;
	s8 =	rddreg [dreg:$0x2];
	[sflag:s31] =	ssyncadd.s32 $0xFFFFFFF0  }
0x1d0: {  	s2 =	sshll.u32 @p1 s8, $0xE;
	s7 =	rddreg [dreg:$0x3]  }
0x1d1: {  	s0 =	sadd.s32 @p1 $0x15C3C, s2;
	s2 =	sshll.u32 @p1 s7, $0x11  }
0x1d2: {  	_ =	sfence.stream.spmem;
	s0 =	sor.u32 @p1 s2, s0  }
0x1d3: {  	[sflag:s0] =	ssyncadd.remote.s32 @p1 $0x1;
	s0 =	simm.s32 @p1 $0x4  }
0x1d4: {  	s3 =	simm.s32 @!p1 $0x3C;
	s2 =	sand.u32 $0xFFFFFFFE, s8;
	_ =	swait.ge @p1 [sflag:s0], $0x22  }
0x1d5: {  	s4 =	simm.s32 @!p1 $0x0;
	s2 =	sadd.s32 @!p1 $0x4, s2;
	[sflag:s0] =	ssyncset.done @p1 $0x0  }
0x1d6: {  	s5 =	simm.s32 @!p1 $0x100;
	[sflag:s0] =	ssyncadd.s32 @p1 $0xFFFFFFDE;
	s0 =	sshll.u32 @!p1 s2, $0x1A  }
0x1d7: {  	s2 =	sshll.u32 @!p1 s2, $0xD;
	s0 =	sor.u32 @!p1 s0, s7;
	_ =	swait.eq @!p1 [sflag:s3], $0x1  }
0x1d8: {  	s2 =	sor.u32 @!p1 $0x1C04, s2;
	s3 =	simm.s32 @!p1 $0x1C03;
	s0 =	sor.u32 @!p1 $0x80004000, s0  }
0x1d9: {  	[spmem:s5], [sflag:s2] =	dma.general @!p1 [spmem:s4], [sflag:s3], length:$0x20, [dreg:$0x0], stride_count:$0x0, ici_dest:s0, dma_misc:DstOpCode:WRITE  }
0x1da: {  	p2 =	slt.s32 s9, $0x2;
	s4 =	simm.s32 @!p1 $0x200;
	s5 =	simm.s32 @!p1 $0x202  }
0x1db: {  	[spmem:s5], [sflag:s2] =	dma.general @!p1 [spmem:s4], [sflag:s3], length:$0x2, [dreg:$0x0], stride_count:$0x0, ici_dest:s0, dma_misc:DstOpCode:WRITE  }
.Ltmp27:
0x1dc: {  	s0 =	simm.s32 @!p1 $0x3;
	(pc) =	sbr.rel @p2 .LBB2_38-.Ltmp27, $4  }
0x1dd: {  	s2 =	sshll.u32 @!p1 s8, $0xE;
	_ =	swait.ge @!p1 [sflag:s0], $0x22  }
0x1de: {  	s3 =	sshll.u32 @!p1 s7, $0x11;
	s2 =	sadd.s32 @!p1 $0x11C3C, s2;
	[sflag:s0] =	ssyncset.done @!p1 $0x0  }
0x1df: {  	[sflag:s0] =	ssyncadd.s32 @!p1 $0xFFFFFFDE;
	s0 =	sor.u32 @!p1 s3, s2  }
0x1e0: {  	[sflag:s0] =	ssyncadd.remote.s32 @!p1 $0xFFFFFFFF;
	s0 =	simm.s32 $0x0  }
0x1e1: {  	s0 =	simm.s32 $0xF219  }
0x1e2: {  	v0 =	vld.msk [tilespmem:s0+$0x0], $0x1;
	_ =	sdelay $0x4  }
0x1e3: {  	(v2sf) =	vpush v0, $0x0;
	_ =	sdelay $0xb  }
0x1e4: {  	s31 =	sadd.s32 $0xFFFFFFFE, s6  }
0x1e5: {  	s0 =	sadd.s32 $0xFFFFFFFF, s31  }
0x1e6: {  	p2 =	sne.s32 s0, $0x0  }
.Ltmp28:
0x1e7: {  	s2 =	spop (v2sf);
	(pc) =	sbr.rel @!p2 .LBB2_37-.Ltmp28, $4  }
0x1e8: {  	s4 =	simm.s32 $0xF2B8;
	s7 =	simm.s32 $0x0;
	p1 =	sgt.u32 s2, $0x4E1FF0  }
0x1e9: {  	s5 =	simm.s32 $0x0;
	s6 =	simm.s32 $0xF21A;
	s3 =	sand.u32 @!p1 $0x7FFFF8, s2  }
0x1ea: {  	s2 =	sand.u32 @!p1 $0x7, s2;
	s7 =	simm.s32 @!p1 $0x200;
	s3 =	sadd.s32 @!p1 s1, s3  }
0x1eb: {  	[hbm4b:s3+s2] =	stream.linear.scatter @!p1 [tilespmem:s4], [sflag:$0x5], $0x80, $0x38;
	[tilespmem:$0x1F6F8] =	vst v63  }
.LBB2_36:
0x1ec: {  	v0 =	vld.msk [tilespmem:s6+$0x0], $0x1;
	s0 =	sadd.s32 $0xFFFFFFFF, s0;
	s5 =	sadd.s32 s5, s7  }
0x1ed: {  	p1 =	sne.s32 s0, $0x0;
	_ =	sdelay $0x3  }
0x1ee: {  	(v2sf) =	vpush v0, $0x0;
	_ =	sdelay $0xe  }
.Ltmp29:
0x1ef: {  	s2 =	spop (v2sf);
	(pc) =	sbr.rel @p1 .LBB2_36-.Ltmp29, $4  }
0x1f0: {  	s7 =	simm.s32 $0x0;
	p2 =	sgt.u32 s2, $0x4E1FF0  }
0x1f1: {  	s4 =	sadd.s32 $0x80, s4;
	s7 =	simm.s32 @!p2 $0x200;
	s3 =	sand.u32 @!p2 $0x7FFFF8, s2  }
0x1f2: {  	s6 =	sadd.s32 $0x1, s6;
	s2 =	sand.u32 @!p2 $0x7, s2;
	s3 =	sadd.s32 @!p2 s1, s3  }
0x1f3: {  	[hbm4b:s3+s2] =	stream.linear.scatter @!p2 [tilespmem:s4], [sflag:$0x5], $0x80, $0x38;
	[tilespmem:$0x1F6F8] =	vst v63  }
.LBB2_37:
0x1f4: {  	s0 =	sadd.s32 s5, s7  }
0x1f5: {  	s0 =	sshrl.u32 s0, $0x2  }
.LBB2_38:
0x1f6: {  	s2 =	simm.s32 $0x5  }
0x1f7: {  	_ =	swait.ge [sflag:s2], s0  }
0x1f8: {  	s31 =	ssub.s32 $0x0, s0;
	[sflag:s2] =	ssyncset.done $0x0  }
0x1f9: {  	[sflag:s2] =	ssyncadd.s32 s31  }
0x1fa: {  	[sflag:s2] =	ssyncpa.u1 $0x1  }
.LBB2_39:
0x1fb: {  	s0 =	sor.u32 s15, s16  }
0x1fc: {  	p1 =	sne.s32 s0, $0x0  }
.Ltmp30:
0x1fd: {  	_ = 	snop;
	(pc) =	sbr.rel @p1 .LBB2_54-.Ltmp30, $3  }
0x1fe: {  	_ =	sdelay $0x1  }
0x1ff: {  	[bflag:$0x0] =	sbarrier.arrive $0xFFFF  }
0x200: {  	_ =	sfence  }
0x201: {  	s0 =	simm.s32 $0x7  }
0x202: {  	s2 =	simm.s32 $0x1000;
	s3 =	simm.s32 $0xF218;
	[sflag:s0] =	ssyncpa.u1 $0x0  }
0x203: {  	[tilespmem:s3], [sflag:$0x7] =	stream.linear.gather [spmem:s2], $0x20, $0x38;
	[tilespmem:$0x1F6F8] =	vst v63  }
0x204: {  	s30 =	simm.s32 $0xF238;
	s2 =	simm.s32 $0x0  }
0x205: {  	[tilespmem:s30], [sflag:$0x7] =	stream.linear.gather [spmem:s2], $0x1000, $0x38;
	[tilespmem:$0x1F6F8] =	vst v63  }
.Ltmp31:
0x206: {  	_ = 	snop;
	(pc) =	sbr.rel .LBB2_41-.Ltmp31, $4  }
0x207: {  	_ =	swait.ge [sflag:s0], $0x1020  }
0x208: {  	[sflag:s0] =	ssyncset.done $0x0  }
0x209: {  	s31 =	simm.s32 $0x8;
	[sflag:s0] =	ssyncadd.s32 $0xFFFFEFE0  }
0x20a: {  	s3 =	simm.s32 $0x0;
	[sflag:s31] =	ssyncpa.u1 $0x0  }
.LBB2_47:
0x20b: {  	p1 =	slt.u32 s4, $0x4E1FF1  }
0x20c: {  	s0 =	sand.u32 @p1 $0x7FFFF8, s4  }
0x20d: {  	s4 =	sand.u32 @p1 $0x7, s4;
	s5 =	simm.s32 @p1 $0xF188;
	s0 =	sadd.s32 @p1 s1, s0  }
0x20e: {  	[tilespmem:s5], [sflag:$0x8] =	stream.linear.gather @p1 [hbm4b:s0+s4], $0x80, $0x38;
	[tilespmem:$0x1F6F8] =	vst v63  }
0x20f: {  	s0 =	simm.s32 @p1 $0x8  }
0x210: {  	_ =	swait.ge @p1 [sflag:s0], $0x80  }
0x211: {  	[sflag:s0] =	ssyncset.done @p1 $0x0  }
0x212: {  	[sflag:s0] =	ssyncadd.s32 @p1 $0xFFFFFF80  }
0x213: {  	v1 =	vld @p1 [tilespmem:$0xF188];
	_ =	sdelay $0x2  }
0x214: {  	s0 =	sshll.u32 @p1 s3, $0x9  }
0x215: {  	s4 =	sshrl.u32 @p1 s0, $0x2  }
0x216: {  	[tilespmem:s4+$0xF238] =	vst.add.f32.msk @p1 $0xffff, v1  }
0x217: {  	v1 =	vld @p1 [tilespmem:$0xF198];
	_ =	sdelay $0x4  }
0x218: {  	[tilespmem:s4+$0xF248] =	vst.add.f32.msk @p1 $0xffff, v1  }
0x219: {  	v1 =	vld @p1 [tilespmem:$0xF1A8];
	_ =	sdelay $0x4  }
0x21a: {  	[tilespmem:s4+$0xF258] =	vst.add.f32.msk @p1 $0xffff, v1  }
0x21b: {  	v1 =	vld @p1 [tilespmem:$0xF1B8];
	_ =	sdelay $0x4  }
0x21c: {  	[tilespmem:s4+$0xF268] =	vst.add.f32.msk @p1 $0xffff, v1  }
0x21d: {  	v1 =	vld @p1 [tilespmem:$0xF1C8];
	_ =	sdelay $0x4  }
0x21e: {  	[tilespmem:s4+$0xF278] =	vst.add.f32.msk @p1 $0xffff, v1  }
0x21f: {  	v1 =	vld @p1 [tilespmem:$0xF1D8];
	_ =	sdelay $0x4  }
0x220: {  	[tilespmem:s4+$0xF288] =	vst.add.f32.msk @p1 $0xffff, v1  }
0x221: {  	v1 =	vld @p1 [tilespmem:$0xF1E8];
	_ =	sdelay $0x4  }
0x222: {  	[tilespmem:s4+$0xF298] =	vst.add.f32.msk @p1 $0xffff, v1  }
0x223: {  	v1 =	vld @p1 [tilespmem:$0xF1F8];
	_ =	sdelay $0x3  }
0x224: {  	s5 =	sshll.u32 @!p1 s3, $0x9  }
0x225: {  	s5 =	smov.u32 @p1 s0;
	[tilespmem:s4+$0xF2A8] =	vst.add.f32.msk @p1 $0xffff, v1  }
0x226: {  	s0 =	sshrl.u32 s5, $0x2;
	[tilespmem:s2+$0xF218] =	vst.msk $0x1, v0  }
0x227: {  	v0 =	vld [tilespmem:s0+$0xF238];
	_ =	sdelay $0x2  }
0x228: {  	s31 =	sshll.u32 s2, $0x9  }
0x229: {  	s4 =	sshra.s32 s31, $0x2  }
0x22a: {  	[tilespmem:s4+$0xF238] =	vst v0  }
0x22b: {  	v0 =	vld [tilespmem:s0+$0xF248];
	_ =	sdelay $0x4  }
0x22c: {  	[tilespmem:s4+$0xF248] =	vst v0  }
0x22d: {  	v0 =	vld [tilespmem:s0+$0xF258];
	_ =	sdelay $0x4  }
0x22e: {  	[tilespmem:s4+$0xF258] =	vst v0  }
0x22f: {  	v0 =	vld [tilespmem:s0+$0xF268];
	_ =	sdelay $0x4  }
0x230: {  	[tilespmem:s4+$0xF268] =	vst v0  }
0x231: {  	v0 =	vld [tilespmem:s0+$0xF278];
	_ =	sdelay $0x4  }
0x232: {  	[tilespmem:s4+$0xF278] =	vst v0  }
0x233: {  	v0 =	vld [tilespmem:s0+$0xF288];
	_ =	sdelay $0x4  }
0x234: {  	[tilespmem:s4+$0xF288] =	vst v0  }
0x235: {  	v0 =	vld [tilespmem:s0+$0xF298];
	_ =	sdelay $0x4  }
0x236: {  	[tilespmem:s4+$0xF298] =	vst v0  }
0x237: {  	v0 =	vld [tilespmem:s0+$0xF2A8];
	_ =	sdelay $0x4  }
0x238: {  	s2 =	sadd.s32 $0x1, s2;
	[tilespmem:s4+$0xF2A8] =	vst v0  }
.LBB2_48:
0x239: {  	s3 =	sadd.s32 $0x1, s3  }
0x23a: {  	p1 =	sne.s32 s3, $0x20  }
.Ltmp32:
0x23b: {  	_ = 	snop;
	(pc) =	sbr.rel @!p1 .LBB2_49-.Ltmp32, $1  }
0x23c: {  	_ =	sdelay $0x3  }
.LBB2_41:
0x23d: {  	v0 =	vld.msk [tilespmem:s3+$0xF218], $0x1;
	_ =	sdelay $0x4  }
0x23e: {  	(v2sf) =	vpush v0, $0x0;
	_ =	sdelay $0xe  }
0x23f: {  	s4 =	spop (v2sf)  }
0x240: {  	p1 =	seq.s32 s4, $0xFFFFFFFF  }
.Ltmp33:
0x241: {  	_ = 	snop;
	(pc) =	sbr.rel @p1 .LBB2_48-.Ltmp33, $1  }
0x242: {  	_ =	sdelay $0x3  }
0x243: {  	p1 =	slt.s32 s2, $0x1  }
.Ltmp34:
0x244: {  	_ = 	snop;
	(pc) =	sbr.rel @p1 .LBB2_47-.Ltmp34, $1  }
0x245: {  	_ =	sdelay $0x3  }
0x246: {  	s5 =	simm.s32 $0xF218;
	p1 =	por $0x0, $0x0  }
0x247: {  	v1 =	vld.msk @!p1 [tilespmem:s5+$0x0], $0x1;
	_ =	sdelay $0x4  }
0x248: {  	(v2sf) =	vpush @!p1 v1, $0x0;
	_ =	sdelay $0xd  }
0x249: {  	p3 =	sne.s32 s2, $0x1  }
.Ltmp35:
0x24a: {  	s0 =	spop @!p1 (v2sf);
	(pc) =	sbr.rel @!p3 .LBB2_45-.Ltmp35, $4  }
0x24b: {  	p2 =	seq.s32 @!p1 s4, s0  }
0x24c: {  	s6 =	simm.s32 $0x0;
	p2 =	por !p2, p1  }
0x24d: {  	s7 =	simm.s32 $0xFFFFFFFF;
	s6 =	simm.s32 @p2 $0xFFFFFFFF  }
0x24e: {  	s0 =	simm.s32 $0x1;
	s6 =	smov.u32 @p1 s7  }
.LBB2_44:
0x24f: {  	s7 =	smov.u32 s6;
	p1 =	sne.s32 s6, $0xFFFFFFFF  }
0x250: {  	s5 =	sadd.s32 $0x1, s5;
	s6 =	smov.u32 s0;
	s0 =	sadd.s32 $0x1, s0  }
0x251: {  	p2 =	sne.s32 s2, s0;
	v1 =	vld.msk @!p1 [tilespmem:s5+$0x0], $0x1;
	_ =	sdelay $0x4  }
0x252: {  	(v2sf) =	vpush @!p1 v1, $0x0;
	_ =	sdelay $0xe  }
.Ltmp36:
0x253: {  	s8 =	spop @!p1 (v2sf);
	(pc) =	sbr.rel @p2 .LBB2_44-.Ltmp36, $4  }
0x254: {  	p3 =	seq.s32 @!p1 s4, s8  }
0x255: {  	p3 =	por !p3, p1  }
0x256: {  	s6 =	simm.s32 @p3 $0xFFFFFFFF  }
0x257: {  	s6 =	smov.u32 @p1 s7  }
.LBB2_45:
0x258: {  	p1 =	seq.s32 s6, $0xFFFFFFFF  }
.Ltmp37:
0x259: {  	_ = 	snop;
	(pc) =	sbr.rel @p1 .LBB2_47-.Ltmp37, $1  }
0x25a: {  	_ =	sdelay $0x3  }
0x25b: {  	s0 =	sshll.u32 s3, $0x7  }
0x25c: {  	s0 =	sand.u32 $0x3FFFFF80, s0  }
0x25d: {  	v0 =	vld [tilespmem:s0+$0xF238];
	_ =	sdelay $0x2  }
0x25e: {  	s4 =	sshll.u32 s6, $0x9  }
0x25f: {  	s4 =	sshra.s32 s4, $0x2  }
0x260: {  	[tilespmem:s4+$0xF238] =	vst.add.f32.msk $0xffff, v0  }
0x261: {  	v0 =	vld [tilespmem:s0+$0xF248];
	_ =	sdelay $0x4  }
0x262: {  	[tilespmem:s4+$0xF248] =	vst.add.f32.msk $0xffff, v0  }
0x263: {  	v0 =	vld [tilespmem:s0+$0xF258];
	_ =	sdelay $0x4  }
0x264: {  	[tilespmem:s4+$0xF258] =	vst.add.f32.msk $0xffff, v0  }
0x265: {  	v0 =	vld [tilespmem:s0+$0xF268];
	_ =	sdelay $0x4  }
0x266: {  	[tilespmem:s4+$0xF268] =	vst.add.f32.msk $0xffff, v0  }
0x267: {  	v0 =	vld [tilespmem:s0+$0xF278];
	_ =	sdelay $0x4  }
0x268: {  	[tilespmem:s4+$0xF278] =	vst.add.f32.msk $0xffff, v0  }
0x269: {  	v0 =	vld [tilespmem:s0+$0xF288];
	_ =	sdelay $0x4  }
0x26a: {  	[tilespmem:s4+$0xF288] =	vst.add.f32.msk $0xffff, v0  }
0x26b: {  	v0 =	vld [tilespmem:s0+$0xF298];
	_ =	sdelay $0x4  }
0x26c: {  	[tilespmem:s4+$0xF298] =	vst.add.f32.msk $0xffff, v0  }
0x26d: {  	v0 =	vld [tilespmem:s0+$0xF2A8]  }
.Ltmp38:
0x26e: {  	_ = 	snop;
	(pc) =	sbr.rel .LBB2_48-.Ltmp38, $2  }
0x26f: {  	_ =	sdelay $0x2  }
0x270: {  	[tilespmem:s4+$0xF2A8] =	vst.add.f32.msk $0xffff, v0  }
.LBB2_49:
0x271: {  	p1 =	slt.s32 s2, $0x1  }
.Ltmp39:
0x272: {  	_ = 	snop;
	(pc) =	sbr.rel @p1 .LBB2_53-.Ltmp39, $3  }
0x273: {  	_ =	sdelay $0x1  }
0x274: {  	s0 =	simm.s32 $0x8  }
0x275: {  	s3 =	simm.s32 $0x0;
	[sflag:s0] =	ssyncpa.u1 $0x1  }
0x276: {  	s0 =	simm.s32 $0xF218  }
0x277: {  	v0 =	vld.msk [tilespmem:s0+$0x0], $0x1;
	_ =	sdelay $0x4  }
0x278: {  	(v2sf) =	vpush v0, $0x0;
	_ =	sdelay $0xe  }
0x279: {  	s0 =	sadd.s32 $0xFFFFFFFF, s2;
	s5 =	spop (v2sf)  }
0x27a: {  	p2 =	sne.s32 s0, $0x0;
	p1 =	sgt.u32 s5, $0x4E1FF0  }
.Ltmp40:
0x27b: {  	s6 =	sand.u32 @!p1 $0x7FFFF8, s5;
	(pc) =	sbr.rel @!p2 .LBB2_52-.Ltmp40, $4  }
0x27c: {  	s4 =	simm.s32 $0xF238;
	s5 =	sand.u32 @!p1 $0x7, s5;
	s2 =	sadd.s32 @!p1 s1, s6  }
0x27d: {  	[hbm4b:s2+s5] =	stream.linear.scatter @!p1 [tilespmem:s4], [sflag:$0x7], $0x80, $0x38;
	[tilespmem:$0x1F6F8] =	vst v63  }
0x27e: {  	s5 =	simm.s32 $0x0  }
0x27f: {  	s2 =	simm.s32 $0xF219;
	s5 =	simm.s32 @!p1 $0x200  }
.LBB2_51:
0x280: {  	v0 =	vld.msk [tilespmem:s2+$0x0], $0x1;
	s0 =	sadd.s32 $0xFFFFFFFF, s0;
	s3 =	sadd.s32 s3, s5  }
0x281: {  	p1 =	sne.s32 s0, $0x0;
	_ =	sdelay $0x3  }
0x282: {  	(v2sf) =	vpush v0, $0x0;
	_ =	sdelay $0xe  }
.Ltmp41:
0x283: {  	s6 =	spop (v2sf);
	(pc) =	sbr.rel @p1 .LBB2_51-.Ltmp41, $4  }
0x284: {  	s5 =	simm.s32 $0x0;
	p2 =	sgt.u32 s6, $0x4E1FF0  }
0x285: {  	s4 =	sadd.s32 $0x80, s4;
	s5 =	simm.s32 @!p2 $0x200;
	s7 =	sand.u32 @!p2 $0x7FFFF8, s6  }
0x286: {  	s2 =	sadd.s32 $0x1, s2;
	s6 =	sand.u32 @!p2 $0x7, s6;
	s7 =	sadd.s32 @!p2 s1, s7  }
0x287: {  	[hbm4b:s7+s6] =	stream.linear.scatter @!p2 [tilespmem:s4], [sflag:$0x7], $0x80, $0x38;
	[tilespmem:$0x1F6F8] =	vst v63  }
.LBB2_52:
0x288: {  	s0 =	sadd.s32 s3, s5  }
0x289: {  	s3 =	sshrl.u32 s0, $0x2  }
.LBB2_53:
0x28a: {  	s0 =	simm.s32 $0x7  }
0x28b: {  	_ =	swait.ge [sflag:s0], s3  }
0x28c: {  	s1 =	ssub.s32 $0x0, s3;
	[sflag:s0] =	ssyncset.done $0x0  }
0x28d: {  	[sflag:s0] =	ssyncadd.s32 s1  }
0x28e: {  	[sflag:s0] =	ssyncpa.u1 $0x1  }
.LBB2_54:
0x28f: {  	_ =	sfence;
	s0 =	simm.s32 $0x1  }
0x290: {  	[sflag:s0] =	ssyncpa.u1 $0x1  }
0x291: {  	_ =	strace $0x90000056  }
0x292: {  	[bflag:$0x2] =	sbarrier.arrive $0xFFFF  }
0x293: {  	s0 =	rddreg [dreg:$0x4]  }
0x294: {  	s0 =	sadd.s32 @!p0 $0x100000, s0  }
0x295: {  	[sflag:s0] =	ssyncadd.tile.s32 @!p0 $0x1;
	_ =	shalt  }
.Lfunc_end2:
_tile_overlayer_lowered:
.L_overlay_start_2:
0x296: {  	(tag) =	ssettag $0x2  }
0x297: {  	s0 =	rddreg [dreg:$0x0];
	s2 =	stileid.u32  }
0x298: {  	s1 =	rddreg [dreg:$0x1];
	p0 =	sne.s32 s2, $0x0  }
0x299: {  	s3 =	rddreg [dreg:$0x2];
	[bflag:$0x3] =	sbarrier.arrive $0xFFFF;
	s2 =	simm.s32 @!p0 $0x1C01  }
0x29a: {  	[timem:s3], [sflag:s2] =	dma.local @!p0 [hbm:s0], s1  }
0x29b: {  	s0 =	simm.s32 @!p0 $0x1  }
0x29c: {  	_ =	swait.ge @!p0 [sflag:s0], s1  }
0x29d: {  	s1 =	ssub.s32 @!p0 $0x0, s1;
	[sflag:s0] =	ssyncset.done @!p0 $0x0  }
0x29e: {  	[sflag:s0] =	ssyncadd.s32 @!p0 s1  }
0x29f: {  	[bflag:$0x3] =	sbarrier.arrive $0xFFFF  }
0x2a0: {  	_ =	shalt  }

// kernel: scatter_offload_async_start.3
scs
__scs_entry_jumppad:
0x0: {  	(pc) =	sbr.rel $0x88, $3  }
0x1: {  	(tag) =	ssettag $0x0;
	lr =	simm.s32 $0x1  }
0x2: {  	[smem:$0x3F8B] =	sst lr;
	_ =	strace $0xD0000000  }
0x3: {  	_ = 	snop  }
0x4: {  	_ = 	snop  }
0x5: {  	_ = 	snop  }
0x6: {  	_ = 	snop  }
0x7: {  	_ = 	snop  }
__scs_overlays_trampoline_lowered:
0x8: {  	[smem:$0x3F9A] =	sst s0  }
0x9: {  	[smem:$0x3F9B] =	sst s1  }
0xa: {  	[smem:$0x3F9C] =	sst s2  }
0xb: {  	[smem:$0x3F9D] =	sst s3  }
0xc: {  	[smem:$0x3F9E] =	sst s4  }
0xd: {  	[smem:$0x3F9F] =	sst s5  }
0xe: {  	[smem:$0x3FA0] =	sst s6  }
0xf: {  	[smem:$0x3FA1] =	sst s7  }
0x10: {  	[smem:$0x3FA2] =	sst s8  }
0x11: {  	[smem:$0x3FA3] =	sst s9;
	s0 =	simm.s32 @!p0 $0x0  }
0x12: {  	s1 =	sld [smem:$0x3F89];
	s0 =	simm.s32 @p0 $0x1  }
0x13: {  	[smem:$0x3FA4] =	sst s0;
	s0 =	simm.s32 @!p1 $0x0  }
0x14: {  	s2 =	sld [smem:$0x3F88];
	s0 =	simm.s32 @p1 $0x1  }
0x15: {  	[smem:$0x3FA5] =	sst s0;
	s0 =	simm.s32 @!p2 $0x0  }
0x16: {  	s3 =	sld [smem:$0x3FDB];
	s0 =	simm.s32 @p2 $0x1  }
0x17: {  	s4 =	simm.s32 $0x1BF5;
	[smem:$0x3FA7] =	sst s0  }
0x18: {  	s0 =	sld [smem:$0x3F8A];
	_ =	swait.ge [sflag:s4], $0x0  }
0x19: {  	s7 =	sld [smem:$0x3F8B]  }
0x1a: {  	s8 =	sadd.s32 $0xFFFFE003, lr  }
0x1b: {  	s9 =	sadd.s32 $0xFFFFFEF7, lr;
	s5 =	simm.s32 $0xFFFFFFFF;
	p2 =	slt.u32 s8, $0xFFFFF086  }
0x1c: {  	p1 =	slt.u32 s9, $0xF7A;
	s5 =	simm.s32 @!p2 $0x0  }
0x1d: {  	s5 =	simm.s32 @p1 $0x1;
	p0 =	seq.s32 s7, s2  }
0x1e: {  	s7 =	smul.u32 @!p0 $0xF7A, s2;
	p2 =	seq.s32 @!p0 s5, $0x0  }
0x1f: {  	s9 =	smul.u32 $0xF7A, s1;
	s8 =	simm.s32 @!p0 $0x1BF5;
	p2 =	por !p2, p0  }
0x20: {  	[sflag:s8] =	ssyncset.s32 @!p0 $0xFFFFF086;
	s6 =	sadd.s32 @!p0 s3, s7;
	s7 =	simm.s32 @!p0 $0x108  }
0x21: {  	s3 =	sadd.s32 s3, s9;
	s6 =	sadd.s32 @!p0 $0x88, s6;
	s7 =	simm.s32 @p2 $0x1082  }
0x22: {  	[simem:s7], [sflag:s8] =	dma.local @!p0 [hbm:s6], $0xF7A  }
0x23: {  	s9 =	sor.u32 $0xD0000000, s2;
	s6 =	simm.s32 $0x108;
	_ =	swait.ge @!p0 [sflag:s8], $0x0  }
0x24: {  	s3 =	sadd.s32 $0x88, s3;
	s6 =	simm.s32 @!p1 $0x1082;
	[sflag:s4] =	ssyncset.s32 $0xFFFFF086  }
0x25: {  	[simem:s6], [sflag:s4] =	dma.local [hbm:s3], $0xF7A  }
0x26: {  	[smem:$0x3F8B] =	sst s1;
	(tag) =	ssettag s2;
	_ =	strace s9  }
0x27: {  	s1 =	sld [smem:$0x3F9B]  }
0x28: {  	s2 =	sld [smem:$0x3F9C]  }
0x29: {  	s4 =	sld [smem:$0x3F9E]  }
0x2a: {  	p0 =	seq.s32 s5, $0x0;
	s5 =	sld [smem:$0x3F9F]  }
0x2b: {  	s6 =	sld [smem:$0x3FA0]  }
0x2c: {  	s7 =	sld [smem:$0x3FA1]  }
0x2d: {  	s3 =	simm.s32 $0x108;
	s8 =	sld [smem:$0x3FA2]  }
0x2e: {  	s3 =	simm.s32 @!p0 $0x1082;
	s9 =	sld [smem:$0x3FA3]  }
0x2f: {  	lr =	sadd.s32 s0, s3;
	s0 =	sld [smem:$0x3F9A]  }
0x30: {  	s3 =	sld [smem:$0x3F9D]  }
0x31: {  	[smem:$0x3FA6] =	sst s10  }
0x32: {  	s10 =	sld [smem:$0x3FA4];
	_ =	sdelay $0x3  }
0x33: {  	p0 =	seq.s32 s10, $0x1;
	s10 =	sld [smem:$0x3FA6];
	_ =	sdelay $0x3  }
0x34: {  	[smem:$0x3FA6] =	sst s10  }
0x35: {  	s10 =	sld [smem:$0x3FA5];
	_ =	sdelay $0x3  }
0x36: {  	p1 =	seq.s32 s10, $0x1;
	s10 =	sld [smem:$0x3FA6];
	_ =	sdelay $0x3  }
0x37: {  	[smem:$0x3FA6] =	sst s10  }
0x38: {  	s10 =	sld [smem:$0x3FA7]  }
0x39: {  	_ = 	snop;
	(pc) =	sbr.ind lr, $3  }
0x3a: {  	_ = 	snop  }
0x3b: {  	_ = 	snop  }
0x3c: {  	p2 =	seq.s32 s10, $0x1;
	s10 =	sld [smem:$0x3FA6]  }
0x3d: {  	_ =	shalt  }
0x3e: {  	_ =	shalt  }
0x3f: {  	_ =	shalt  }
0x40: {  	_ =	shalt  }
0x41: {  	_ =	shalt  }
0x42: {  	_ =	shalt  }
0x43: {  	_ =	shalt  }
0x44: {  	_ =	shalt  }
0x45: {  	_ =	shalt  }
0x46: {  	_ =	shalt  }
0x47: {  	_ =	shalt  }
0x48: {  	_ =	shalt  }
0x49: {  	_ =	shalt  }
0x4a: {  	_ =	shalt  }
0x4b: {  	_ =	shalt  }
0x4c: {  	_ =	shalt  }
0x4d: {  	_ =	shalt  }
0x4e: {  	_ =	shalt  }
0x4f: {  	_ =	shalt  }
0x50: {  	_ =	shalt  }
0x51: {  	_ =	shalt  }
0x52: {  	_ =	shalt  }
0x53: {  	_ =	shalt  }
0x54: {  	_ =	shalt  }
0x55: {  	_ =	shalt  }
0x56: {  	_ =	shalt  }
0x57: {  	_ =	shalt  }
0x58: {  	_ =	shalt  }
0x59: {  	_ =	shalt  }
0x5a: {  	_ =	shalt  }
0x5b: {  	_ =	shalt  }
0x5c: {  	_ =	shalt  }
0x5d: {  	_ =	shalt  }
0x5e: {  	_ =	shalt  }
0x5f: {  	_ =	shalt  }
0x60: {  	_ =	shalt  }
0x61: {  	_ =	shalt  }
0x62: {  	_ =	shalt  }
0x63: {  	_ =	shalt  }
0x64: {  	_ =	shalt  }
0x65: {  	_ =	shalt  }
0x66: {  	_ =	shalt  }
0x67: {  	_ =	shalt  }
0x68: {  	_ =	shalt  }
0x69: {  	_ =	shalt  }
0x6a: {  	_ =	shalt  }
0x6b: {  	_ =	shalt  }
0x6c: {  	_ =	shalt  }
0x6d: {  	_ =	shalt  }
0x6e: {  	_ =	shalt  }
0x6f: {  	_ =	shalt  }
0x70: {  	_ =	shalt  }
0x71: {  	_ =	shalt  }
0x72: {  	_ =	shalt  }
0x73: {  	_ =	shalt  }
0x74: {  	_ =	shalt  }
0x75: {  	_ =	shalt  }
0x76: {  	_ =	shalt  }
0x77: {  	_ =	shalt  }
0x78: {  	_ =	shalt  }
0x79: {  	_ =	shalt  }
0x7a: {  	_ =	shalt  }
0x7b: {  	_ =	shalt  }
0x7c: {  	_ =	shalt  }
0x7d: {  	_ =	shalt  }
0x7e: {  	_ =	shalt  }
0x7f: {  	_ =	shalt  }
0x80: {  	_ =	shalt  }
0x81: {  	_ =	shalt  }
0x82: {  	_ =	shalt  }
0x83: {  	_ =	shalt  }
0x84: {  	_ =	shalt  }
0x85: {  	_ =	shalt  }
0x86: {  	_ =	shalt  }
0x87: {  	_ =	shalt  }
.Lfunc_end0:
.L_simem_size_0:
called_computation.3_lowered:
.L_overlay_start_0:
0x88: {  	s2 =	sld [smem:$0x3FD9]  }
0x89: {  	s3 =	sld [smem:$0x3FFE];
	_ =	sdelay $0x1  }
0x8a: {  	s1 =	srdreg.scid  }
0x8b: {  	s0 =	sand.u32 $0x1, s1  }
0x8c: {  	s15 =	sshll.u32 s0, $0xA;
	s2 =	sadd.s32 s3, s2  }
0x8d: {  	s2 =	sadd.s32 s2, s15  }
0x8e: {  	[smem:$0x3FB2] =	sst s2  }
0x8f: {  	_ = 	snop  }
0x90: {  	(tm) =	ssettm $0x1  }
0x91: {  	s16 =	sld [smem:$0x3FFB];
	_ =	sdelay $0x3  }
0x92: {  	_ =	strace s16  }
0x93: {  	s2 =	sld [smem:$0x3FFC];
	_ =	sdelay $0x3  }
0x94: {  	_ =	strace s2  }
0x95: {  	s2 =	sld [smem:$0x3FFD];
	_ =	sdelay $0x3  }
0x96: {  	_ =	strace s2  }
0x97: {  	_ =	strace $0x8FFFFFFF  }
0x98: {  	s17 =	sld [smem:$0x3FDB];
	_ =	sdelay $0x1  }
0x99: {  	s18 =	simm.s32 $_scs_section_size  }
0x9a: {  	s4 =	simm.s32 $_size__tile_overlayer_lowered;
	s5 =	simm.s32 $_tile_overlayer_lowered  }
0x9b: {  	s21 =	simm.s32 $0x1BFF;
	s20 =	sshll.u32 s5, $0x1;
	s2 =	sadd.s32 s18, s17  }
0x9c: {  	s6 =	simm.s32 $0x0;
	s19 =	sshll.u32 s4, $0x1;
	s4 =	sadd.s32 s20, s2  }
0x9d: {  	[timem:s6], [sflag:s21] =	dma.local [hbm:s4], s19  }
0x9e: {  	_ =	swait.ge [sflag:s21], s19  }
0x9f: {  	s3 =	ssub.s32 $0x0, s19;
	[sflag:s21] =	ssyncset.done $0x0  }
0xa0: {  	[sflag:s21] =	ssyncadd.s32 s3;
	_ =	sdelay $0x1  }
0xa1: {  	s22 =	simm.s32 $0x1B8B  }
0xa2: {  	_ =	swait.ge [sflag:s22], $0x1  }
0xa3: {  	[sflag:s22] =	ssyncset.done $0x0  }
0xa4: {  	s23 =	sld [smem:$0x3FFE];
	[sflag:s22] =	ssyncadd.s32 $0xFFFFFFFF  }
0xa5: {  	s25 =	simm.s32 $0x1B8E;
	s24 =	sld [smem:$0x0]  }
0xa6: {  	s26 =	simm.s32 $execute0_lowered;
	[smem:$0x3FD2] =	sst s25  }
0xa7: {  	s5 =	sshll.u32 s26, $0x1;
	_ =	strace $0x80000058;
	[dreg:$0x1] =	wrdreg $0xFFFFFFFF  }
0xa8: {  	s28 =	simm.s32 $_size_execute0_lowered;
	s2 =	sadd.s32 s2, s5;
	[dreg:$0x0] =	wrdreg $0x0  }
0xa9: {  	s5 =	sshll.u32 s28, $0x1;
	[dreg:$0x2] =	wrdreg s2  }
0xaa: {  	[dreg:$0x3] =	wrdreg s5  }
0xab: {  	[dreg:$0x4] =	wrdreg $0xC0  }
0xac: {  	_ =	task [dreg:s6], $0x5FFFF  }
0xad: {  	[dreg:$0x1] =	wrdreg $0xFFFFFFFF  }
0xae: {  	[dreg:$0x0] =	wrdreg $0x60  }
0xaf: {  	[dreg:$0x2] =	wrdreg s23  }
0xb0: {  	[dreg:$0x3] =	wrdreg s1  }
0xb1: {  	[dreg:$0x4] =	wrdreg s24  }
0xb2: {  	[dreg:$0x5] =	wrdreg $0x9  }
0xb3: {  	_ =	task.clear_ibuf [dreg:s6], $0x6FFFF;
	_ =	strace $0x90000058  }
0xb4: {  	s29 =	simm.s32 $0x9;
	_ =	strace $0x8000005A  }
0xb5: {  	_ =	swait.ge [sflag:s29], $0x1  }
0xb6: {  	[sflag:s29] =	ssyncadd.s32 $0xFFFFFFFF  }
0xb7: {  	_ =	strace $0x9000005A  }
0xb8: {  	_ =	sfence  }
0xb9: {  	s30 =	sld [smem:$0x0];
	_ =	sdelay $0x2  }
0xba: {  	s31 =	sshll.u32 s1, $0xD;
	s1 =	sshrl.u32 s1, $0x2  }
0xbb: {  	s3 =	sand.u32 $0x4000, s31;
	s1 =	sadd.s32 s1, s30  }
0xbc: {  	s0 =	sor.u32 s3, s0;
	s1 =	sshll.u32 s1, $0x11  }
0xbd: {  	s0 =	sor.u32 s1, s0  }
0xbe: {  	s0 =	sadd.s32 $0x8F2B, s0  }
0xbf: {  	[sflag:s0] =	ssyncadd.remote.s32 $0x1  }
0xc0: {  	_ =	sfence.sel $0xFFFF  }
0xc1: {  	[dreg:$0x0] =	wrdreg $0xFFFFFFFF;
	(pc) =	sbr.abs _section_cstart, $3  }
0xc2: {  	[dreg:$0x1] =	wrdreg $0xFFFFFFFF  }
0xc3: {  	_ =	task.clear_ibuf [dreg:s6], $0x2FFFF;
	_ =	strace $0x9FFFFFFF  }
0xc4: {  	(tm) =	ssettm $0x7FFFFFFF  }
0xc5: {  	_ =	shalt  }
tec
execute0_lowered:
.L_overlay_start_1:
0x0: {  	(tag) =	ssettag $0x1  }
0x1: {  	s2 =	rddreg [dreg:$0x0]  }
0x2: {  	s3 =	rddreg [dreg:$0x1];
	_ =	strace $0x80000059;
	s0 =	simm.s32 $0x1  }
0x3: {  	v0 =	vimm.s32 $0x0;
	[sflag:s0] =	ssyncpa.u1 $0x0;
	s0 =	simm.s32 $0x108  }
0x4: {  	[tilespmem:s0+$0x70] =	vst v0  }
0x5: {  	[tilespmem:s0+$0x60] =	vst v0  }
0x6: {  	[tilespmem:s0+$0x50] =	vst v0  }
0x7: {  	[tilespmem:s0+$0x40] =	vst v0  }
0x8: {  	s1 =	sadd.s32 $0x4FFA00, s2;
	[tilespmem:s0+$0x30] =	vst v0  }
0x9: {  	s15 =	sadd.s32 $0x4EBE00, s2;
	s6 =	sadd.s32 $0xEC3A00, s2;
	[tilespmem:s0+$0x20] =	vst v0  }
0xa: {  	s14 =	sadd.s32 $0x4F5C00, s2;
	s5 =	sand.u32 $0x1, s3;
	s3 =	simm.s32 $0x40;
	[tilespmem:s0+$0x10] =	vst v0  }
.LBB2_1:
0xb: {  	s3 =	sadd.s32 $0x40, s3;
	[tilespmem:s0+$0x0] =	vst v0;
	s0 =	sadd.s32 $0x80, s0  }
0xc: {  	p0 =	slt.u32 s3, $0x3C40;
	[tilespmem:s0+$0x70] =	vst v0  }
0xd: {  	[tilespmem:s0+$0x60] =	vst v0  }
.Ltmp0:
0xe: {  	[tilespmem:s0+$0x50] =	vst v0;
	(pc) =	sbr.rel @p0 .LBB2_1-.Ltmp0, $4  }
0xf: {  	[tilespmem:s0+$0x40] =	vst v0  }
0x10: {  	[tilespmem:s0+$0x30] =	vst v0  }
0x11: {  	[tilespmem:s0+$0x20] =	vst v0  }
0x12: {  	[tilespmem:s0+$0x10] =	vst v0  }
0x13: {  	s9 =	stileid.u32  }
0x14: {  	s2 =	smul.u32 $0x29, s9  }
0x15: {  	s3 =	smin.u32 s9, $0xB  }
0x16: {  	s2 =	sadd.s32 s3, s2  }
0x17: {  	p0 =	slt.u32 s9, $0xB;
	s7 =	smul.u32 $0xF0, s2;
	s2 =	simm.s32 $0x2760  }
0x18: {  	s2 =	simm.s32 @!p0 $0x2670  }
0x19: {  	s2 =	sadd.s32 s2, s7  }
0x1a: {  	s8 =	smin.u32 s2, $0x27100  }
0x1b: {  	s2 =	ssub.s32 s8, s7  }
0x1c: {  	p0 =	sgt.s32 s2, $0x0  }
0x1d: {  	s29 =	simm.s32 $0x2;
	s10 =	simm.s32 $0x9;
	s2 =	simm.s32 @!p0 $0x0  }
0x1e: {  	s4 =	simm.s32 $0xA;
	s11 =	simm.s32 $0xB;
	s28 =	smulhi.u32 $0x88888889, s2  }
0x1f: {  	[dreg:$0x4] =	wrdreg s5;
	s31 =	smul.u32 $0x4E20, s5;
	s12 =	simm.s32 $0x1  }
0x20: {  	s22 =	simm.s32 $0x0;
	s18 =	simm.s32 $0xC;
	s30 =	sshrl.u32 s28, $0x7  }
0x21: {  	s20 =	simm.s32 $0x0;
	s21 =	simm.s32 $0x0;
	s3 =	smul.u32 $0xF0, s30  }
.Ltmp1:
0x22: {  	[tilespmem:s0+$0x0] =	vst v0;
	v0 =	vimm.s32 $0xFFFFFFFF;
	[sflag:s29] =	ssyncpa.u1 $0x0;
	s16 =	sshll.u32 s9, $0x8;
	(pc) =	sbr.rel .LBB2_3-.Ltmp1, $4  }
0x23: {  	[tilespmem:$0xF208] =	vst v0;
	[sflag:s10] =	ssyncpa.u1 $0x0;
	p0 =	sne.s32 s2, s3;
	s2 =	simm.s32 $0x1  }
0x24: {  	s14 =	sadd.s32 s31, s14;
	[sflag:s4] =	ssyncpa.u1 $0x0;
	s2 =	simm.s32 @!p0 $0x0  }
0x25: {  	s15 =	sadd.s32 s31, s15;
	[sflag:s11] =	ssyncpa.u1 $0x0;
	s13 =	sadd.s32 s2, s30  }
0x26: {  	v0 =	vlaneseq.u32;
	s19 =	smov.u32 s7;
	p0 =	por $0x0, $0x0;
	s17 =	sadd.s32 $0x1, s13  }
.LBB2_18:
0x27: {  	s0 =	sshrl.u32 s31, $0x2  }
.LBB2_20:
0x28: {  	_ =	swait.ge [sflag:s18], s0  }
0x29: {  	s31 =	ssub.s32 $0x0, s0;
	v1 =	vmov s24;
	vm0 =	veq.s32 v0, $0x0;
	[sflag:s18] =	ssyncset.done $0x0  }
0x2a: {  	vm15 =	veq.s32 v0, $0x2;
	v1 =	vsel vm0, s30, v1;
	[sflag:s18] =	ssyncadd.s32 s31  }
0x2b: {  	v1 =	vsel vm15, s22, v1;
	[sflag:s18] =	ssyncpa.u1 $0x1  }
0x2c: {  	[tilespmem:$0xF208] =	vst v1  }
.LBB2_21:
0x2d: {  	s0 =	sadd.s32 $0xF0, s19  }
0x2e: {  	s2 =	smov.u32 s7;
	p1 =	slt.s32 s0, s8  }
0x2f: {  	s2 =	smov.u32 @p1 s0;
	p1 =	sne.s32 s21, s17  }
.Ltmp2:
0x30: {  	_ = 	snop;
	(pc) =	sbr.rel @!p1 .LBB2_22-.Ltmp2, $3  }
0x31: {  	_ =	sdelay $0x1  }
0x32: {  	s22 =	smov.u32 s20;
	s31 =	sadd.s32 $0x1, s21;
	s20 =	smov.u32 s19  }
0x33: {  	p0 =	por !p0, !p0;
	s21 =	smov.u32 s31;
	s19 =	smov.u32 s2  }
.LBB2_3:
0x34: {  	p1 =	sge.u32 s21, s13  }
0x35: {  	s0 =	smulhi.u32 @!p1 $0xAAAAAAAB, s21  }
0x36: {  	s2 =	smov.u32 s19;
	p2 =	sgt.s32 @!p1 s19, $0x27010  }
0x37: {  	s3 =	sshra.s32 @!p1 s19, $0x1F;
	p2 =	por !p2, p1;
	s0 =	sshrl.u32 @!p1 s0, $0x1  }
0x38: {  	s3 =	sand.u32 @!p1 s3, s19;
	s2 =	simm.s32 @p2 $0x27010;
	s0 =	smul.u32 @!p1 $0x3, s0  }
0x39: {  	s2 =	ssub.s32 @!p1 s2, s3  }
0x3a: {  	s2 =	sadd.s32 @!p1 $0xFFFD8FF0, s2;
	s0 =	ssub.s32 @!p1 s21, s0  }
0x3b: {  	s3 =	sshll.u32 @!p1 s2, $0x2;
	p2 =	sgt.s32 @!p1 s2, $0xEF;
	s0 =	smul.u32 @!p1 $0x3C0, s0  }
0x3c: {  	s4 =	sand.u32 @!p1 $0x7, s19;
	s2 =	ssub.s32 @!p1 $0x3C0, s3;
	p2 =	por !p2, p1  }
0x3d: {  	s3 =	sshrl.u32 @!p1 s19, $0x3;
	s2 =	sshrl.u32 @!p1 s2, $0x2;
	s0 =	sshrl.u32 @!p1 s0, $0x2  }
0x3e: {  	s3 =	sadd.s32 @!p1 s3, s14;
	s2 =	simm.s32 @!p2 $0x0;
	s0 =	sadd.s32 @!p1 $0x10248, s0  }
0x3f: {  	[tilespmem:s0], [sflag:$0xA] =	stream.linear.gather @!p1 [hbm4b:s3+s4], s2, $0x38;
	[tilespmem:$0x1F6F8] =	vst v63  }
0x40: {  	s0 =	sadd.s32 $0xFFFFFFFF, s21  }
0x41: {  	p1 =	sge.u32 s0, s13  }
0x42: {  	p2 =	sgt.s32 @!p1 s20, $0x27010  }
0x43: {  	s2 =	smov.u32 s20;
	s3 =	sshra.s32 @!p1 s20, $0x1F;
	p2 =	por !p2, p1  }
0x44: {  	s3 =	sand.u32 @!p1 s3, s20;
	s2 =	simm.s32 @p2 $0x27010  }
0x45: {  	s2 =	ssub.s32 @!p1 s2, s3  }
0x46: {  	s2 =	sadd.s32 @!p1 $0xFFFD8FF0, s2  }
0x47: {  	s4 =	sand.u32 @!p1 $0x1, s0;
	s3 =	sshll.u32 @!p1 s2, $0x2  }
0x48: {  	p2 =	sgt.s32 @!p1 s2, $0xEF;
	s2 =	ssub.s32 @!p1 $0x3C0, s3;
	s3 =	smulhi.u32 @!p1 $0xAAAAAAAB, s0  }
0x49: {  	s23 =	smul.u32 @!p1 $0x3C0, s4;
	p2 =	por !p2, p1;
	s2 =	sshrl.u32 @!p1 s2, $0x2  }
0x4a: {  	s5 =	simm.s32 @!p1 $0xA;
	s2 =	simm.s32 @!p2 $0x0;
	s3 =	sshrl.u32 @!p1 s3, $0x1  }
0x4b: {  	s23 =	sshrl.u32 @!p1 s23, $0x2;
	_ =	swait.ge @!p1 [sflag:s5], s2;
	s3 =	smul.u32 @!p1 $0x3, s3  }
0x4c: {  	s23 =	sadd.s32 @!p1 $0x10518, s23;
	s24 =	ssub.s32 @!p1 $0x0, s2;
	[sflag:s5] =	ssyncset.done @!p1 $0x0  }
0x4d: {  	[sflag:s5] =	ssyncadd.s32 @!p1 s24;
	s5 =	sshrl.u32 @!p1 s20, $0x3;
	s0 =	ssub.s32 @!p1 s0, s3  }
0x4e: {  	s24 =	sand.u32 @!p1 $0x7, s20;
	s5 =	sadd.s32 @!p1 s5, s15;
	s0 =	smul.u32 @!p1 $0x3C0, s0  }
0x4f: {  	[tilespmem:s23], [sflag:$0xB] =	stream.linear.gather @!p1 [hbm4b:s5+s24], s2, $0x38;
	[tilespmem:$0x1F6F8] =	vst v63  }
0x50: {  	s3 =	ssub.s32 @!p1 $0x27100, s20;
	s2 =	smul.u32 @!p1 $0x1E000, s4  }
0x51: {  	p2 =	slt.s32 @!p1 s3, $0xF0  }
0x52: {  	p2 =	por !p2, p1;
	s0 =	sshrl.u32 @!p1 s0, $0x2;
	s2 =	sshrl.u32 @!p1 s2, $0x2  }
0x53: {  	s3 =	simm.s32 @p2 $0xF0;
	s0 =	sadd.s32 @!p1 $0x10248, s0;
	s2 =	sor.u32 @!p1 $0x106F8, s2  }
0x54: {  	[tilespmem:s2], [sflag:$0x9] =	stream.indirect.gather @!p1 [hbm4b:s6+s3], $0x80, s0, s3, $0xb8;
	[tilespmem:$0x1F6F8] =	vst v63  }
0x55: {  	p1 =	slt.u32 s21, $0x2  }
.Ltmp3:
0x56: {  	_ = 	snop;
	(pc) =	sbr.rel @p1 .LBB2_21-.Ltmp3, $1  }
0x57: {  	_ =	sdelay $0x3  }
0x58: {  	p1 =	sgt.s32 s22, $0x27010  }
0x59: {  	s0 =	smov.u32 s22;
	s2 =	sshra.s32 s22, $0x1F;
	s3 =	ssub.s32 $0x27100, s22  }
0x5a: {  	s0 =	simm.s32 @!p1 $0x27010;
	s2 =	sand.u32 s2, s22;
	p1 =	slt.s32 s3, $0xF0  }
0x5b: {  	s0 =	ssub.s32 s0, s2;
	s3 =	simm.s32 @!p1 $0xF0  }
0x5c: {  	s0 =	sadd.s32 $0xFFFD8FF0, s0;
	s25 =	sshll.u32 s3, $0x7  }
0x5d: {  	s26 =	sshll.u32 s0, $0x2;
	s2 =	sand.u32 $0x3FFFFF80, s25  }
0x5e: {  	p1 =	sgt.s32 s0, $0xEF;
	s29 =	ssub.s32 $0x3C0, s26;
	_ =	swait.ge [sflag:s10], s2  }
0x5f: {  	s2 =	ssub.s32 $0x0, s2;
	[sflag:s10] =	ssyncset.done $0x0;
	s0 =	sshrl.u32 s29, $0x2  }
0x60: {  	[sflag:s10] =	ssyncadd.s32 s2;
	s0 =	simm.s32 @p1 $0x0  }
0x61: {  	_ =	swait.ge [sflag:s11], s0  }
0x62: {  	s0 =	ssub.s32 $0x0, s0;
	[sflag:s11] =	ssyncset.done $0x0  }
0x63: {  	[sflag:s11] =	ssyncadd.s32 s0  }
0x64: {  	v1 =	vld [tilespmem:$0xF208];
	_ =	sdelay $0x4  }
0x65: {  	(v2sf) =	vpush v1, $0x0  }
0x66: {  	(v2sf) =	vpush v1, $0x1  }
0x67: {  	(v2sf) =	vpush v1, $0x2;
	_ =	sdelay $0x3  }
0x68: {  	s0 =	sadd.s32 $0xF0, s22  }
0x69: {  	s2 =	ssub.s32 $0x4E200, s22;
	p1 =	slt.s32 s8, s0  }
0x6a: {  	s0 =	smov.u32 @p1 s8;
	p1 =	sgt.s32 s2, $0x0  }
0x6b: {  	s26 =	ssub.s32 s0, s22;
	s2 =	simm.s32 @!p1 $0x0  }
0x6c: {  	p1 =	slt.s32 s2, s26  }
0x6d: {  	s26 =	smov.u32 @p1 s2  }
0x6e: {  	s25 =	simm.s32 $0x1;
	p1 =	slt.s32 s26, $0x1  }
.Ltmp4:
0x6f: {  	s25 =	simm.s32 @!p0 $0x0;
	(pc) =	sbr.rel @p1 .LBB2_8-.Ltmp4, $4  }
0x70: {  	s31 =	smul.u32 $0x3C0, s25  }
0x71: {  	s28 =	spop (v2sf)  }
0x72: {  	s0 =	sshrl.u32 s31, $0x2;
	s30 =	spop (v2sf)  }
0x73: {  	s23 =	sadd.s32 $0x10518, s0;
	s22 =	spop (v2sf)  }
0x74: {  	s0 =	smin.u32 s26, $0x10  }
0x75: {  	v1 =	vmov s0  }
0x76: {  	p2 =	sgt.s32 s26, $0x10;
	vm1 =	vgt.u32 v1, v0  }
.Ltmp5:
0x77: {  	_ = 	snop;
	(pc) =	sbr.rel @!p2 .LBB2_7-.Ltmp5, $2  }
0x78: {  	_ =	sdelay $0x2  }
0x79: {  	s4 =	simm.s32 $0x10;
	s24 =	sadd.s32 $0xFFFFFFF0, s26;
	s0 =	smov.u32 s23;
	vm0 =	vmmov vm1  }
.LBB2_6:
0x7a: {  	s2 =	smin.u32 s24, $0x10;
	s4 =	sadd.s32 $0x10, s4;
	v1 =	vld.msk [tilespmem:s0+$0x0 ss:$0x1], vm1  }
0x7b: {  	v2 =	vmov s2;
	p2 =	slt.s32 s4, s26  }
0x7c: {  	vm1 =	vgt.u32 v2, v0  }
.Ltmp6:
0x7d: {  	(pc) =	sbr.rel @p2 .LBB2_6-.Ltmp6, $3  }
0x7e: {  	_ =	sdelay $0x1  }
0x7f: {  	v1 =	vshll.u32 v1, $0x4  }
0x80: {  	s24 =	sadd.s32 $0xFFFFFFF0, s24;
	[tilespmem:s0+$0x0] =	vst.msk vm0, v1;
	s0 =	sadd.s32 $0x10, s0;
	vm0 =	vmmov vm1  }
.LBB2_7:
0x81: {  	_ =	sdelay $0x4  }
0x82: {  	v1 =	vld.msk [tilespmem:s0+$0x0 ss:$0x1], vm1;
	_ =	sdelay $0x4  }
0x83: {  	v1 =	vshll.u32 v1, $0x4  }
0x84: {  	[tilespmem:s0+$0x0] =	vst.msk vm0, v1  }
.LBB2_8:
0x85: {  	s0 =	sand.u32 $0x1, s21  }
0x86: {  	s2 =	smul.u32 $0x7800, s0  }
0x87: {  	p2 =	sne.s32 s30, $0xFFFFFFFF  }
0x88: {  	v1 =	vld @!p2 [tilespmem:s2+$0x106F8];
	_ =	sdelay $0x2  }
0x89: {  	s0 =	smul.u32 $0xF0, s0;
	_ =	sdelay $0x1  }
0x8a: {  	v2 =	vld.msk @!p2 [tilespmem:s0+$0x10518], $0x1;
	[tilespmem:$0x108] =	vst @!p2 v1  }
0x8b: {  	v1 =	vld @!p2 [tilespmem:s2+$0x10708];
	_ =	sdelay $0x4  }
0x8c: {  	[tilespmem:$0x118] =	vst @!p2 v1  }
0x8d: {  	v1 =	vld @!p2 [tilespmem:s2+$0x10718];
	_ =	sdelay $0x4  }
0x8e: {  	[tilespmem:$0x128] =	vst @!p2 v1  }
0x8f: {  	v1 =	vld @!p2 [tilespmem:s2+$0x10728];
	_ =	sdelay $0x4  }
0x90: {  	[tilespmem:$0x138] =	vst @!p2 v1  }
0x91: {  	v1 =	vld @!p2 [tilespmem:s2+$0x10738];
	_ =	sdelay $0x4  }
0x92: {  	[tilespmem:$0x148] =	vst @!p2 v1  }
0x93: {  	(v2sf) =	vpush @!p2 v2, $0x0;
	v1 =	vld @!p2 [tilespmem:s2+$0x10748];
	_ =	sdelay $0x4  }
0x94: {  	[tilespmem:$0x158] =	vst @!p2 v1  }
0x95: {  	v1 =	vld @!p2 [tilespmem:s2+$0x10758];
	_ =	sdelay $0x4  }
0x96: {  	[tilespmem:$0x168] =	vst @!p2 v1  }
0x97: {  	v1 =	vld @!p2 [tilespmem:s2+$0x10768]  }
.Ltmp7:
0x98: {  	_ = 	snop;
	(pc) =	sbr.rel @p1 .LBB2_19-.Ltmp7, $4  }
0x99: {  	_ = 	snop  }
0x9a: {  	s29 =	spop @!p2 (v2sf)  }
0x9b: {  	s22 =	simm.s32 @!p2 $0x0;
	s24 =	smov.u32 s29  }
0x9c: {  	s29 =	smov.u32 @p2 s28;
	s24 =	smov.u32 @p2 s30;
	[tilespmem:$0x178] =	vst @!p2 v1;
	[sflag:s18] =	ssyncpa.u1 $0x0  }
0x9d: {  	v1 =	vld.msk [tilespmem:s23+$0x0], $0x1;
	_ =	sdelay $0x4  }
0x9e: {  	(v2sf) =	vpush v1, $0x0;
	_ =	sdelay $0xe  }
0x9f: {  	s2 =	smul.u32 $0x1E000, s25;
	s0 =	spop (v2sf)  }
0xa0: {  	s26 =	ssub.s32 $0x0, s26;
	p1 =	seq.s32 s29, s0  }
0xa1: {  	s30 =	sadd.s32 $0x1, s26;
	s2 =	sshrl.u32 s2, $0x2;
	p2 =	sgt.s32 @!p1 s29, $0x0  }
0xa2: {  	s25 =	sor.u32 $0x10738, s2;
	s2 =	smov.u32 s29;
	p2 =	por !p2, p1  }
0xa3: {  	s2 =	simm.s32 @p2 $0x0;
	p2 =	seq.s32 s30, $0x0  }
.Ltmp8:
0xa4: {  	_ = 	snop;
	(pc) =	sbr.rel @p2 .LBB2_11-.Ltmp8, $4  }
0xa5: {  	_ = 	snop  }
0xa6: {  	s28 =	simm.s32 $0x0;
	s31 =	sadd.s32 $0x1, s23;
	s2 =	smin.u32 @!p1 s2, $0x270F0  }
0xa7: {  	s4 =	simm.s32 @!p1 $0x1;
	s5 =	simm.s32 @!p1 $0x7988;
	s3 =	sand.u32 @!p1 $0x3FFF8, s2  }
0xa8: {  	s4 =	smov.u32 @p1 s28;
	s2 =	sand.u32 @!p1 $0x7, s2;
	s3 =	sadd.s32 @!p1 s1, s3  }
.LBB2_10:
0xa9: {  	s9 =	smov.u32 s4  }
0xaa: {  	[tilespmem:s5], [sflag:$0x2] =	stream.linear.gather @!p1 [hbm4b:s3+s2], $0x80, $0x38;
	[tilespmem:$0x1F6F8] =	vst v63  }
0xab: {  	s30 =	sadd.s32 $0x1, s30;
	s2 =	smov.u32 s0;
	v1 =	vld.msk [tilespmem:s31+$0x0], $0x1  }
0xac: {  	p2 =	seq.s32 s30, $0x0;
	_ =	sdelay $0x3  }
0xad: {  	(v2sf) =	vpush v1, $0x0;
	_ =	sdelay $0xe  }
0xae: {  	s0 =	spop (v2sf)  }
0xaf: {  	p1 =	seq.s32 s2, s0  }
0xb0: {  	p3 =	sgt.s32 @!p1 s2, $0x0;
	s3 =	sshll.u32 @!p1 s4, $0x9;
	s4 =	sadd.s32 @!p1 $0x1, s4  }
.Ltmp9:
0xb1: {  	p3 =	por !p3, p1;
	s3 =	sshra.s32 @!p1 s3, $0x2;
	(pc) =	sbr.rel @!p2 .LBB2_10-.Ltmp9, $4  }
0xb2: {  	s4 =	smov.u32 @p1 s9;
	s2 =	simm.s32 @p3 $0x0;
	s5 =	sadd.s32 @!p1 $0x7988, s3  }
0xb3: {  	s2 =	smin.u32 @!p1 s2, $0x270F0  }
0xb4: {  	s3 =	sand.u32 @!p1 $0x3FFF8, s2;
	s2 =	sand.u32 @!p1 $0x7, s2  }
0xb5: {  	s31 =	sadd.s32 $0x1, s31;
	s3 =	sadd.s32 @!p1 s1, s3  }
.LBB2_11:
0xb6: {  	[tilespmem:s5], [sflag:$0x2] =	stream.linear.gather @!p1 [hbm4b:s3+s2], $0x80, $0x38;
	[tilespmem:$0x1F6F8] =	vst v63  }
.Ltmp10:
0xb7: {  	s0 =	sshll.u32 s4, $0x7;
	(pc) =	sbr.rel .LBB2_12-.Ltmp10, $4  }
0xb8: {  	s30 =	simm.s32 $0x2;
	s0 =	sand.u32 $0x3FFFFF80, s0  }
0xb9: {  	_ =	swait.ge [sflag:s30], s0  }
0xba: {  	s0 =	ssub.s32 $0x0, s0;
	[sflag:s30] =	ssyncset.done $0x0  }
0xbb: {  	s31 =	simm.s32 $0x0;
	[sflag:s30] =	ssyncadd.s32 s0  }
.LBB2_13:
0xbc: {  	s0 =	sshra.s32 s0, $0x2;
	v1 =	vld [tilespmem:s25+$0xFFFFFFC0]  }
0xbd: {  	v2 =	vld [tilespmem:s0+$0x108];
	_ =	sdelay $0x4  }
0xbe: {  	v1 =	vmax.f32 v1, v2  }
0xbf: {  	v2 =	vld [tilespmem:s0+$0x118];
	[tilespmem:s0+$0x108] =	vst v1  }
0xc0: {  	v1 =	vld [tilespmem:s25+$0xFFFFFFD0];
	_ =	sdelay $0x4  }
0xc1: {  	v1 =	vmax.f32 v1, v2  }
0xc2: {  	v2 =	vld [tilespmem:s0+$0x128];
	[tilespmem:s0+$0x118] =	vst v1  }
0xc3: {  	v1 =	vld [tilespmem:s25+$0xFFFFFFE0];
	_ =	sdelay $0x4  }
0xc4: {  	v1 =	vmax.f32 v1, v2  }
0xc5: {  	v2 =	vld [tilespmem:s0+$0x138];
	[tilespmem:s0+$0x128] =	vst v1  }
0xc6: {  	v1 =	vld [tilespmem:s25+$0xFFFFFFF0];
	_ =	sdelay $0x4  }
0xc7: {  	v1 =	vmax.f32 v1, v2  }
0xc8: {  	v2 =	vld [tilespmem:s0+$0x148];
	[tilespmem:s0+$0x138] =	vst v1  }
0xc9: {  	v1 =	vld [tilespmem:s25+$0x0];
	_ =	sdelay $0x4  }
0xca: {  	v1 =	vmax.f32 v1, v2  }
0xcb: {  	v2 =	vld [tilespmem:s0+$0x158];
	[tilespmem:s0+$0x148] =	vst v1  }
0xcc: {  	v1 =	vld [tilespmem:s25+$0x10];
	_ =	sdelay $0x4  }
0xcd: {  	v1 =	vmax.f32 v1, v2  }
0xce: {  	v2 =	vld [tilespmem:s0+$0x168];
	[tilespmem:s0+$0x158] =	vst v1  }
0xcf: {  	v1 =	vld [tilespmem:s25+$0x20];
	_ =	sdelay $0x4  }
0xd0: {  	v1 =	vmax.f32 v1, v2  }
0xd1: {  	v2 =	vld [tilespmem:s0+$0x178];
	[tilespmem:s0+$0x168] =	vst v1  }
0xd2: {  	v1 =	vld [tilespmem:s25+$0x30];
	_ =	sdelay $0x4  }
0xd3: {  	v1 =	vmax.f32 v1, v2  }
0xd4: {  	[tilespmem:s0+$0x178] =	vst v1  }
.LBB2_17:
0xd5: {  	s26 =	sadd.s32 $0x1, s26  }
0xd6: {  	p1 =	seq.s32 s26, $0x0  }
.Ltmp11:
0xd7: {  	_ = 	snop;
	(pc) =	sbr.rel @p1 .LBB2_18-.Ltmp11, $2  }
0xd8: {  	_ =	sdelay $0x2  }
0xd9: {  	s23 =	sadd.s32 $0x1, s23;
	s25 =	sadd.s32 $0x80, s25;
	s29 =	smov.u32 s30  }
.LBB2_12:
0xda: {  	v1 =	vld.msk [tilespmem:s23+$0x0], $0x1;
	_ =	sdelay $0x4  }
0xdb: {  	(v2sf) =	vpush v1, $0x0;
	_ =	sdelay $0xe  }
0xdc: {  	s30 =	spop (v2sf)  }
0xdd: {  	p1 =	sne.s32 s29, s30  }
.Ltmp12:
0xde: {  	_ = 	snop;
	(pc) =	sbr.rel @!p1 .LBB2_13-.Ltmp12, $2  }
0xdf: {  	_ =	sdelay $0x2  }
0xe0: {  	s0 =	sshll.u32 s22, $0x9  }
0xe1: {  	p1 =	seq.s32 s29, s24  }
.Ltmp13:
0xe2: {  	_ = 	snop;
	(pc) =	sbr.rel @!p1 .LBB2_15-.Ltmp13, $1  }
0xe3: {  	_ =	sdelay $0x3  }
0xe4: {  	s0 =	sshra.s32 s0, $0x2  }
.Ltmp14:
0xe5: {  	s0 =	sadd.s32 $0x108, s0;
	(pc) =	sbr.rel .LBB2_16-.Ltmp14, $4  }
0xe6: {  	[spmem:s16] =	stream.linear.scatter [tilespmem:s0], [sflag:$0x1], $0x80, $0x38;
	[tilespmem:$0x1F6F8] =	vst v63  }
0xe7: {  	_ =	swait.ge [sflag:s12], $0x80  }
0xe8: {  	[sflag:s12] =	ssyncset.done $0x0  }
0xe9: {  	[sflag:s12] =	ssyncadd.s32 $0xFFFFFF80  }
.LBB2_15:
0xea: {  	s2 =	sshll.u32 s28, $0x9;
	s0 =	sshra.s32 s0, $0x2  }
0xeb: {  	s2 =	sshra.s32 s2, $0x2;
	v2 =	vld [tilespmem:s0+$0x108]  }
0xec: {  	v1 =	vld [tilespmem:s2+$0x7988];
	_ =	sdelay $0x4  }
0xed: {  	v1 =	vmax.f32 v1, v2  }
0xee: {  	v2 =	vld [tilespmem:s0+$0x118];
	[tilespmem:s0+$0x108] =	vst v1  }
0xef: {  	v1 =	vld [tilespmem:s2+$0x7998];
	_ =	sdelay $0x4  }
0xf0: {  	v1 =	vmax.f32 v1, v2  }
0xf1: {  	v2 =	vld [tilespmem:s0+$0x128];
	[tilespmem:s0+$0x118] =	vst v1  }
0xf2: {  	v1 =	vld [tilespmem:s2+$0x79A8];
	_ =	sdelay $0x4  }
0xf3: {  	v1 =	vmax.f32 v1, v2  }
0xf4: {  	v2 =	vld [tilespmem:s0+$0x138];
	[tilespmem:s0+$0x128] =	vst v1  }
0xf5: {  	v1 =	vld [tilespmem:s2+$0x79B8];
	_ =	sdelay $0x4  }
0xf6: {  	v1 =	vmax.f32 v1, v2  }
0xf7: {  	v2 =	vld [tilespmem:s0+$0x148];
	[tilespmem:s0+$0x138] =	vst v1  }
0xf8: {  	v1 =	vld [tilespmem:s2+$0x79C8];
	_ =	sdelay $0x4  }
0xf9: {  	v1 =	vmax.f32 v1, v2  }
0xfa: {  	v2 =	vld [tilespmem:s0+$0x158];
	[tilespmem:s0+$0x148] =	vst v1  }
0xfb: {  	v1 =	vld [tilespmem:s2+$0x79D8];
	_ =	sdelay $0x4  }
0xfc: {  	v1 =	vmax.f32 v1, v2  }
0xfd: {  	v2 =	vld [tilespmem:s0+$0x168];
	[tilespmem:s0+$0x158] =	vst v1  }
0xfe: {  	v1 =	vld [tilespmem:s2+$0x79E8];
	_ =	sdelay $0x4  }
0xff: {  	v1 =	vmax.f32 v1, v2  }
0x100: {  	v2 =	vld [tilespmem:s0+$0x178];
	[tilespmem:s0+$0x168] =	vst v1  }
0x101: {  	v1 =	vld [tilespmem:s2+$0x79F8];
	_ =	sdelay $0x3  }
0x102: {  	p1 =	sgt.u32 s29, $0x270F0  }
0x103: {  	s2 =	sand.u32 @!p1 $0x3FFF8, s29;
	v1 =	vmax.f32 v1, v2  }
0x104: {  	s3 =	sadd.s32 $0x108, s0;
	[tilespmem:s0+$0x178] =	vst v1;
	s0 =	sadd.s32 @!p1 s1, s2;
	s2 =	sand.u32 @!p1 $0x7, s29  }
0x105: {  	[hbm4b:s0+s2] =	stream.linear.scatter @!p1 [tilespmem:s3], [sflag:$0xC], $0x80, $0x38;
	[tilespmem:$0x1F6F8] =	vst v63  }
0x106: {  	s0 =	simm.s32 $0x0  }
0x107: {  	s0 =	simm.s32 @!p1 $0x200  }
0x108: {  	s31 =	sadd.s32 s0, s31  }
.LBB2_16:
0x109: {  	s0 =	sadd.s32 $0x1, s22  }
0x10a: {  	s2 =	smulhi.u32 $0x88888889, s0;
	_ =	sdelay $0x1  }
0x10b: {  	v1 =	vld [tilespmem:s25+$0xFFFFFFC0];
	s2 =	sshrl.u32 s2, $0x7  }
0x10c: {  	s2 =	smul.u32 $0xF0, s2;
	_ =	sdelay $0x1  }
0x10d: {  	s22 =	ssub.s32 s0, s2  }
0x10e: {  	s0 =	sshll.u32 s22, $0x7  }
0x10f: {  	[tilespmem:s0+$0x108] =	vst v1  }
0x110: {  	v1 =	vld [tilespmem:s25+$0xFFFFFFD0];
	_ =	sdelay $0x4  }
0x111: {  	[tilespmem:s0+$0x118] =	vst v1  }
0x112: {  	v1 =	vld [tilespmem:s25+$0xFFFFFFE0];
	_ =	sdelay $0x4  }
0x113: {  	[tilespmem:s0+$0x128] =	vst v1  }
0x114: {  	v1 =	vld [tilespmem:s25+$0xFFFFFFF0];
	_ =	sdelay $0x4  }
0x115: {  	[tilespmem:s0+$0x138] =	vst v1  }
0x116: {  	v1 =	vld [tilespmem:s25+$0x0];
	_ =	sdelay $0x4  }
0x117: {  	[tilespmem:s0+$0x148] =	vst v1  }
0x118: {  	v1 =	vld [tilespmem:s25+$0x10];
	_ =	sdelay $0x4  }
0x119: {  	[tilespmem:s0+$0x158] =	vst v1  }
0x11a: {  	v1 =	vld [tilespmem:s25+$0x20];
	_ =	sdelay $0x4  }
0x11b: {  	[tilespmem:s0+$0x168] =	vst v1  }
0x11c: {  	v1 =	vld [tilespmem:s25+$0x30]  }
.Ltmp15:
0x11d: {  	_ = 	snop;
	(pc) =	sbr.rel .LBB2_17-.Ltmp15, $2  }
0x11e: {  	_ =	sdelay $0x2  }
0x11f: {  	s28 =	sadd.s32 $0x1, s28;
	[tilespmem:s0+$0x178] =	vst v1  }
.LBB2_19:
.Ltmp16:
0x120: {  	(pc) =	sbr.rel .LBB2_20-.Ltmp16, $4  }
0x121: {  	_ = 	snop  }
0x122: {  	s0 =	simm.s32 $0x2  }
0x123: {  	_ =	swait.ge [sflag:s0], $0x0  }
0x124: {  	s30 =	smov.u32 s29;
	[sflag:s0] =	ssyncset.done $0x0;
	s0 =	simm.s32 $0x0  }
.LBB2_22:
0x125: {  	_ =	sfence.sel $0x180000  }
0x126: {  	s0 =	simm.s32 $0x9;
	[bflag:$0x0] =	sbarrier.arrive $0xFFFF  }
0x127: {  	s24 =	simm.s32 $0xA;
	[sflag:s0] =	ssyncpa.u1 $0x1  }
0x128: {  	s25 =	simm.s32 $0xB;
	[sflag:s24] =	ssyncpa.u1 $0x1  }
0x129: {  	s26 =	simm.s32 $0x2;
	[sflag:s25] =	ssyncpa.u1 $0x1  }
0x12a: {  	[sflag:s26] =	ssyncpa.u1 $0x1  }
0x12b: {  	v0 =	vld [tilespmem:$0xF208];
	_ =	sdelay $0x4  }
0x12c: {  	(v2sf) =	vpush v0, $0x0  }
0x12d: {  	(v2sf) =	vpush v0, $0x1;
	_ =	sdelay $0x1  }
0x12e: {  	(v2sf) =	vpush v0, $0x2;
	_ =	sdelay $0xb  }
0x12f: {  	s0 =	spop (v2sf)  }
0x130: {  	s2 =	spop (v2sf)  }
0x131: {  	s3 =	smov.u32 s0;
	p0 =	sne.s32 s0, s2  }
0x132: {  	s4 =	spop (v2sf);
	s3 =	simm.s32 @!p0 $0xFFFFFFFF  }
0x133: {  	v2 =	vimm.s32 $0x1;
	v3 =	vlaneseq.u32;
	p0 =	seq.s32 s4, $0xFFFFFFFF;
	v1 =	vmov s3  }
0x134: {  	s16 =	stileid.u32;
	v0 =	vperm.xlane v0, v2;
	p1 =	sne.s32 @!p0 s0, s2;
	v1 =	vperm.xlane v1, v3  }
0x135: {  	vm0 =	vcmask $0x3F04;
	s6 =	simm.s32 $0xF208;
	s0 =	simm.s32 @!p0 $0x1;
	p1 =	por !p1, p0  }
0x136: {  	s3 =	sshll.u32 s16, $0x1;
	s2 =	sshll.u32 @!p0 s4, $0x9;
	s0 =	simm.s32 @p1 $0x0;
	v0 =	vsel vm0, v1, v0  }
0x137: {  	s5 =	sor.u32 $0x1000, s3;
	s2 =	sshra.s32 @!p0 s2, $0x2;
	s0 =	sor.u32 @!p0 s0, s3;
	[tilespmem:$0xF208] =	vst v0  }
0x138: {  	[spmem:s5] =	stream.linear.scatter [tilespmem:s6], [sflag:$0x1], $0x2, $0x38;
	[tilespmem:$0x1F6F8] =	vst v63  }
0x139: {  	s2 =	sadd.s32 @!p0 $0x108, s2;
	s0 =	sshll.u32 @!p0 s0, $0x7  }
0x13a: {  	[spmem:s0] =	stream.linear.scatter @!p0 [tilespmem:s2], [sflag:$0x1], $0x80, $0x38;
	[tilespmem:$0x1F6F8] =	vst v63  }
0x13b: {  	s0 =	simm.s32 @!p0 $0x82  }
0x13c: {  	s28 =	simm.s32 $0x1;
	s0 =	simm.s32 @p0 $0x2  }
0x13d: {  	_ =	swait.ge [sflag:s28], s0  }
0x13e: {  	s0 =	ssub.s32 $0x0, s0;
	[sflag:s28] =	ssyncset.done $0x0  }
0x13f: {  	p0 =	sne.s32 s16, $0x0;
	[sflag:s28] =	ssyncadd.s32 s0  }
.Ltmp17:
0x140: {  	_ =	sfence.stream.spmem;
	(pc) =	sbr.rel @p0 .LBB2_39-.Ltmp17, $4  }
0x141: {  	s29 =	simm.s32 $0x3;
	[bflag:$0x0] =	sbarrier.arrive $0xFFFF  }
0x142: {  	s30 =	simm.s32 $0x4;
	[sflag:s29] =	ssyncpa.u1 $0x1  }
0x143: {  	s31 =	simm.s32 $0x3C;
	[sflag:s30] =	ssyncpa.u1 $0x1  }
0x144: {  	s15 =	rddreg [dreg:$0x4];
	[sflag:s31] =	ssyncpa.u1 $0x1  }
0x145: {  	_ =	sfence.stream.spmem;
	s0 =	simm.s32 $0x5  }
0x146: {  	s2 =	simm.s32 $0x1000;
	s3 =	simm.s32 $0xF218;
	[sflag:s0] =	ssyncpa.u1 $0x0  }
0x147: {  	[tilespmem:s3], [sflag:$0x5] =	stream.linear.gather [spmem:s2], $0x20, $0x38;
	[tilespmem:$0x1F6F8] =	vst v63  }
0x148: {  	s26 =	simm.s32 $0x0;
	s28 =	simm.s32 $0xF238  }
0x149: {  	[tilespmem:s28], [sflag:$0x5] =	stream.linear.gather [spmem:s26], $0x1000, $0x38;
	[tilespmem:$0x1F6F8] =	vst v63  }
0x14a: {  	_ =	swait.ge [sflag:s0], $0x1020  }
0x14b: {  	[sflag:s0] =	ssyncset.done $0x0  }
0x14c: {  	s29 =	simm.s32 $0x0;
	[sflag:s0] =	ssyncadd.s32 $0xFFFFEFE0  }
0x14d: {  	v0 =	vld.msk [tilespmem:s29+$0xF218], $0x1;
	_ =	sdelay $0x1  }
0x14e: {  	s30 =	simm.s32 $0x1  }
0x14f: {  	v1 =	vld.msk [tilespmem:s30+$0xF218], $0x1;
	_ =	sdelay $0x1  }
0x150: {  	(v2sf) =	vpush v0, $0x0;
	_ =	sdelay $0x2  }
0x151: {  	(v2sf) =	vpush v1, $0x0;
	_ =	sdelay $0x2  }
0x152: {  	s31 =	simm.s32 $0x2  }
0x153: {  	v0 =	vld.msk [tilespmem:s31+$0xF218], $0x1;
	_ =	sdelay $0x2  }
0x154: {  	s4 =	simm.s32 $0xFFFFFFFF;
	s5 =	simm.s32 $0xFFFFFFFF;
	s0 =	simm.s32 $0xC  }
.LBB2_24:
0x155: {  	s2 =	smov.u32 s5;
	s3 =	smov.u32 s4  }
0x156: {  	s4 =	sshra.s32 s0, $0x2;
	p1 =	sne.s32 s0, $0x7C;
	s0 =	sadd.s32 $0x4, s0;
	(v2sf) =	vpush v0, $0x0  }
0x157: {  	v0 =	vld.msk [tilespmem:s4+$0xF218], $0x1  }
.Ltmp18:
0x158: {  	(pc) =	sbr.rel @p1 .LBB2_24-.Ltmp18, $4  }
0x159: {  	s5 =	spop (v2sf)  }
0x15a: {  	p2 =	sne.s32 s3, $0xFFFFFFFF;
	s4 =	smov.u32 s5  }
0x15b: {  	p3 =	seq.s32 s5, $0xFFFFFFFF;
	s4 =	smov.u32 @p2 s3  }
0x15c: {  	s5 =	smov.u32 @p3 s2;
	s4 =	smov.u32 @p3 s3  }
0x15d: {  	(v2sf) =	vpush v0, $0x0;
	_ =	sdelay $0x8  }
0x15e: {  	s0 =	spop (v2sf)  }
0x15f: {  	p1 =	sne.s32 s4, $0xFFFFFFFF;
	s2 =	smov.u32 s0  }
0x160: {  	s9 =	simm.s32 $0x6;
	p2 =	seq.s32 s0, $0xFFFFFFFF;
	s2 =	smov.u32 @p1 s4  }
0x161: {  	s6 =	simm.s32 $0x0;
	s2 =	smov.u32 @p2 s4;
	s3 =	spop (v2sf)  }
0x162: {  	s0 =	smov.u32 @p2 s5;
	p1 =	sne.s32 s2, $0xFFFFFFFF;
	s4 =	smov.u32 s3  }
.Ltmp19:
0x163: {  	p2 =	seq.s32 s3, $0xFFFFFFFF;
	s4 =	smov.u32 @p1 s2;
	(pc) =	sbr.rel .LBB2_26-.Ltmp19, $4  }
0x164: {  	s10 =	simm.s32 $0xF188;
	s4 =	smov.u32 @p2 s2;
	s7 =	spop (v2sf)  }
0x165: {  	s11 =	simm.s32 $0x0;
	p1 =	sne.s32 s4, $0xFFFFFFFF;
	s8 =	smov.u32 s7  }
0x166: {  	s3 =	smov.u32 @p2 s0;
	p2 =	seq.s32 s7, $0xFFFFFFFF;
	s8 =	smov.u32 @p1 s4  }
0x167: {  	[sflag:s9] =	ssyncpa.u1 $0x0;
	s7 =	smov.u32 @p2 s3;
	s8 =	smov.u32 @p2 s4  }
.LBB2_32:
0x168: {  	p1 =	sgt.u32 s12, $0x270F0  }
0x169: {  	p2 =	seq.s32 @!p1 s12, s8  }
0x16a: {  	p1 =	por p1, p2  }
0x16b: {  	p2 =	sne.s32 @!p1 s12, s7  }
0x16c: {  	p1 =	por p1, !p2  }
0x16d: {  	s0 =	sshll.u32 @p1 s11, $0x9  }
0x16e: {  	s0 =	sand.u32 @!p1 $0x3FFF8, s12  }
0x16f: {  	s2 =	sand.u32 @!p1 $0x7, s12;
	s0 =	sadd.s32 @!p1 s1, s0  }
0x170: {  	[tilespmem:s10], [sflag:$0x6] =	stream.linear.gather @!p1 [hbm4b:s0+s2], $0x80, $0x38;
	[tilespmem:$0x1F6F8] =	vst v63  }
0x171: {  	_ =	swait.ge @!p1 [sflag:s9], $0x80  }
0x172: {  	[sflag:s9] =	ssyncset.done @!p1 $0x0  }
0x173: {  	s0 =	sshll.u32 @!p1 s11, $0x9;
	[sflag:s9] =	ssyncadd.s32 @!p1 $0xFFFFFF80  }
0x174: {  	s2 =	sshrl.u32 @!p1 s0, $0x2;
	v1 =	vld @!p1 [tilespmem:$0xF188]  }
0x175: {  	v2 =	vld @!p1 [tilespmem:s2+$0xF238];
	_ =	sdelay $0x4  }
0x176: {  	v1 =	vmax.f32 @!p1 v1, v2  }
0x177: {  	v2 =	vld @!p1 [tilespmem:s2+$0xF248];
	[tilespmem:s2+$0xF238] =	vst @!p1 v1  }
0x178: {  	v1 =	vld @!p1 [tilespmem:$0xF198];
	_ =	sdelay $0x4  }
0x179: {  	v1 =	vmax.f32 @!p1 v1, v2  }
0x17a: {  	v2 =	vld @!p1 [tilespmem:s2+$0xF258];
	[tilespmem:s2+$0xF248] =	vst @!p1 v1  }
0x17b: {  	v1 =	vld @!p1 [tilespmem:$0xF1A8];
	_ =	sdelay $0x4  }
0x17c: {  	v1 =	vmax.f32 @!p1 v1, v2  }
0x17d: {  	v2 =	vld @!p1 [tilespmem:s2+$0xF268];
	[tilespmem:s2+$0xF258] =	vst @!p1 v1  }
0x17e: {  	v1 =	vld @!p1 [tilespmem:$0xF1B8];
	_ =	sdelay $0x4  }
0x17f: {  	v1 =	vmax.f32 @!p1 v1, v2  }
0x180: {  	v2 =	vld @!p1 [tilespmem:s2+$0xF278];
	[tilespmem:s2+$0xF268] =	vst @!p1 v1  }
0x181: {  	v1 =	vld @!p1 [tilespmem:$0xF1C8];
	_ =	sdelay $0x4  }
0x182: {  	v1 =	vmax.f32 @!p1 v1, v2  }
0x183: {  	v2 =	vld @!p1 [tilespmem:s2+$0xF288];
	[tilespmem:s2+$0xF278] =	vst @!p1 v1  }
0x184: {  	v1 =	vld @!p1 [tilespmem:$0xF1D8];
	_ =	sdelay $0x4  }
0x185: {  	v1 =	vmax.f32 @!p1 v1, v2  }
0x186: {  	v2 =	vld @!p1 [tilespmem:s2+$0xF298];
	[tilespmem:s2+$0xF288] =	vst @!p1 v1  }
0x187: {  	v1 =	vld @!p1 [tilespmem:$0xF1E8];
	_ =	sdelay $0x4  }
0x188: {  	v1 =	vmax.f32 @!p1 v1, v2  }
0x189: {  	v2 =	vld @!p1 [tilespmem:s2+$0xF2A8];
	[tilespmem:s2+$0xF298] =	vst @!p1 v1  }
0x18a: {  	v1 =	vld @!p1 [tilespmem:$0xF1F8];
	_ =	sdelay $0x4  }
0x18b: {  	v1 =	vmax.f32 @!p1 v1, v2  }
0x18c: {  	[tilespmem:s2+$0xF2A8] =	vst @!p1 v1  }
0x18d: {  	s0 =	sshrl.u32 s0, $0x2;
	[tilespmem:s6+$0xF218] =	vst.msk $0x1, v0  }
0x18e: {  	v0 =	vld [tilespmem:s0+$0xF238];
	_ =	sdelay $0x2  }
0x18f: {  	s31 =	sshll.u32 s6, $0x9  }
0x190: {  	s2 =	sshra.s32 s31, $0x2  }
0x191: {  	[tilespmem:s2+$0xF238] =	vst v0  }
0x192: {  	v0 =	vld [tilespmem:s0+$0xF248];
	_ =	sdelay $0x4  }
0x193: {  	[tilespmem:s2+$0xF248] =	vst v0  }
0x194: {  	v0 =	vld [tilespmem:s0+$0xF258];
	_ =	sdelay $0x4  }
0x195: {  	[tilespmem:s2+$0xF258] =	vst v0  }
0x196: {  	v0 =	vld [tilespmem:s0+$0xF268];
	_ =	sdelay $0x4  }
0x197: {  	[tilespmem:s2+$0xF268] =	vst v0  }
0x198: {  	v0 =	vld [tilespmem:s0+$0xF278];
	_ =	sdelay $0x4  }
0x199: {  	[tilespmem:s2+$0xF278] =	vst v0  }
0x19a: {  	v0 =	vld [tilespmem:s0+$0xF288];
	_ =	sdelay $0x4  }
0x19b: {  	[tilespmem:s2+$0xF288] =	vst v0  }
0x19c: {  	v0 =	vld [tilespmem:s0+$0xF298];
	_ =	sdelay $0x4  }
0x19d: {  	[tilespmem:s2+$0xF298] =	vst v0  }
0x19e: {  	v0 =	vld [tilespmem:s0+$0xF2A8];
	_ =	sdelay $0x4  }
0x19f: {  	s6 =	sadd.s32 $0x1, s6;
	[tilespmem:s2+$0xF2A8] =	vst v0  }
.LBB2_33:
0x1a0: {  	s11 =	sadd.s32 $0x1, s11  }
0x1a1: {  	p1 =	sne.s32 s11, $0x20  }
.Ltmp20:
0x1a2: {  	_ = 	snop;
	(pc) =	sbr.rel @!p1 .LBB2_34-.Ltmp20, $1  }
0x1a3: {  	_ =	sdelay $0x3  }
.LBB2_26:
0x1a4: {  	v0 =	vld.msk [tilespmem:s11+$0xF218], $0x1;
	_ =	sdelay $0x4  }
0x1a5: {  	(v2sf) =	vpush v0, $0x0;
	_ =	sdelay $0xe  }
0x1a6: {  	s12 =	spop (v2sf)  }
0x1a7: {  	p1 =	seq.s32 s12, $0xFFFFFFFF  }
.Ltmp21:
0x1a8: {  	_ = 	snop;
	(pc) =	sbr.rel @p1 .LBB2_33-.Ltmp21, $1  }
0x1a9: {  	_ =	sdelay $0x3  }
0x1aa: {  	p1 =	slt.s32 s6, $0x1  }
.Ltmp22:
0x1ab: {  	_ = 	snop;
	(pc) =	sbr.rel @p1 .LBB2_32-.Ltmp22, $1  }
0x1ac: {  	_ =	sdelay $0x3  }
0x1ad: {  	s13 =	simm.s32 $0xF218;
	p1 =	por $0x0, $0x0  }
0x1ae: {  	v1 =	vld.msk @!p1 [tilespmem:s13+$0x0], $0x1;
	_ =	sdelay $0x4  }
0x1af: {  	(v2sf) =	vpush @!p1 v1, $0x0;
	_ =	sdelay $0xd  }
0x1b0: {  	p3 =	sne.s32 s6, $0x1  }
.Ltmp23:
0x1b1: {  	s0 =	spop @!p1 (v2sf);
	(pc) =	sbr.rel @!p3 .LBB2_30-.Ltmp23, $4  }
0x1b2: {  	p2 =	seq.s32 @!p1 s12, s0  }
0x1b3: {  	s14 =	simm.s32 $0x0;
	p2 =	por !p2, p1  }
0x1b4: {  	s2 =	simm.s32 $0xFFFFFFFF;
	s14 =	simm.s32 @p2 $0xFFFFFFFF  }
0x1b5: {  	s0 =	simm.s32 $0x1;
	s14 =	smov.u32 @p1 s2  }
.LBB2_29:
0x1b6: {  	s2 =	smov.u32 s14;
	p1 =	sne.s32 s14, $0xFFFFFFFF  }
0x1b7: {  	s13 =	sadd.s32 $0x1, s13;
	s14 =	smov.u32 s0;
	s0 =	sadd.s32 $0x1, s0  }
0x1b8: {  	p2 =	sne.s32 s6, s0;
	v1 =	vld.msk @!p1 [tilespmem:s13+$0x0], $0x1;
	_ =	sdelay $0x4  }
0x1b9: {  	(v2sf) =	vpush @!p1 v1, $0x0;
	_ =	sdelay $0xe  }
.Ltmp24:
0x1ba: {  	s3 =	spop @!p1 (v2sf);
	(pc) =	sbr.rel @p2 .LBB2_29-.Ltmp24, $4  }
0x1bb: {  	p3 =	seq.s32 @!p1 s12, s3  }
0x1bc: {  	p3 =	por !p3, p1  }
0x1bd: {  	s14 =	simm.s32 @p3 $0xFFFFFFFF  }
0x1be: {  	s14 =	smov.u32 @p1 s2  }
.LBB2_30:
0x1bf: {  	p1 =	seq.s32 s14, $0xFFFFFFFF  }
.Ltmp25:
0x1c0: {  	_ = 	snop;
	(pc) =	sbr.rel @p1 .LBB2_32-.Ltmp25, $1  }
0x1c1: {  	_ =	sdelay $0x3  }
0x1c2: {  	s0 =	sshll.u32 s11, $0x7  }
0x1c3: {  	s2 =	sshll.u32 s14, $0x9;
	s0 =	sand.u32 $0x3FFFFF80, s0  }
0x1c4: {  	s2 =	sshra.s32 s2, $0x2;
	v0 =	vld [tilespmem:s0+$0xF238]  }
0x1c5: {  	v1 =	vld [tilespmem:s2+$0xF238];
	_ =	sdelay $0x4  }
0x1c6: {  	v0 =	vmax.f32 v0, v1  }
0x1c7: {  	v57 =	vld [tilespmem:s2+$0xF248];
	[tilespmem:s2+$0xF238] =	vst v0  }
0x1c8: {  	v0 =	vld [tilespmem:s0+$0xF248];
	_ =	sdelay $0x4  }
0x1c9: {  	v0 =	vmax.f32 v0, v57  }
0x1ca: {  	v58 =	vld [tilespmem:s2+$0xF258];
	[tilespmem:s2+$0xF248] =	vst v0  }
0x1cb: {  	v0 =	vld [tilespmem:s0+$0xF258];
	_ =	sdelay $0x4  }
0x1cc: {  	v0 =	vmax.f32 v0, v58  }
0x1cd: {  	v59 =	vld [tilespmem:s2+$0xF268];
	[tilespmem:s2+$0xF258] =	vst v0  }
0x1ce: {  	v0 =	vld [tilespmem:s0+$0xF268];
	_ =	sdelay $0x4  }
0x1cf: {  	v0 =	vmax.f32 v0, v59  }
0x1d0: {  	v60 =	vld [tilespmem:s2+$0xF278];
	[tilespmem:s2+$0xF268] =	vst v0  }
0x1d1: {  	v0 =	vld [tilespmem:s0+$0xF278];
	_ =	sdelay $0x4  }
0x1d2: {  	v0 =	vmax.f32 v0, v60  }
0x1d3: {  	v61 =	vld [tilespmem:s2+$0xF288];
	[tilespmem:s2+$0xF278] =	vst v0  }
0x1d4: {  	v0 =	vld [tilespmem:s0+$0xF288];
	_ =	sdelay $0x4  }
0x1d5: {  	v0 =	vmax.f32 v0, v61  }
0x1d6: {  	v62 =	vld [tilespmem:s2+$0xF298];
	[tilespmem:s2+$0xF288] =	vst v0  }
0x1d7: {  	v0 =	vld [tilespmem:s0+$0xF298];
	_ =	sdelay $0x4  }
0x1d8: {  	v0 =	vmax.f32 v0, v62  }
0x1d9: {  	v63 =	vld [tilespmem:s2+$0xF2A8];
	[tilespmem:s2+$0xF298] =	vst v0  }
0x1da: {  	v0 =	vld [tilespmem:s0+$0xF2A8];
	_ =	sdelay $0x1  }
.Ltmp26:
0x1db: {  	_ = 	snop;
	(pc) =	sbr.rel .LBB2_33-.Ltmp26, $3  }
0x1dc: {  	_ =	sdelay $0x1  }
0x1dd: {  	v0 =	vmax.f32 v0, v63  }
0x1de: {  	[tilespmem:s2+$0xF2A8] =	vst v0  }
.LBB2_34:
0x1df: {  	s0 =	simm.s32 $0x6;
	p1 =	seq.s32 s6, $0x0  }
0x1e0: {  	[sflag:s0] =	ssyncpa.u1 $0x1;
	v0 =	vimm.s32 @p1 $0xFFFFFFFF  }
0x1e1: {  	s9 =	sadd.s32 $0xFFFFFFFF, s6;
	[tilespmem:$0x10238] =	vst @p1 v0  }
0x1e2: {  	v0 =	vld.msk @!p1 [tilespmem:s9+$0xF218], $0x1;
	_ =	sdelay $0x1  }
0x1e3: {  	v1 =	vld.msk @!p1 [tilespmem:$0xF218], $0x1;
	_ =	sdelay $0x2  }
0x1e4: {  	p2 =	seq.s32 @!p1 s9, $0x0;
	v0 =	vbroadcast @!p1 v0, $0x0  }
0x1e5: {  	vm0 =	vmmov @!p1 $0x1;
	p2 =	por !p2, p1  }
0x1e6: {  	v1 =	vnsel @!p1 vm0, $0xFFFFFFFF, v1;
	vm0 =	vcmask @!p1 $0x308;
	v0 =	vpsel !p2, $0xFFFFFFFF, v0  }
0x1e7: {  	p2 =	sne.s32 @!p1 s8, s7;
	v0 =	vsel @!p1 vm0, v1, v0  }
0x1e8: {  	s0 =	simm.s32 @!p1 $0xF238;
	s2 =	simm.s32 @!p1 $0x0;
	p3 =	por !p2, p1;
	[tilespmem:$0x10238] =	vst @!p1 v0  }
0x1e9: {  	[spmem:s2] =	stream.linear.scatter @!p1 [tilespmem:s0], [sflag:$0x1], $0x80, $0x38;
	[tilespmem:$0x1F6F8] =	vst v63  }
0x1ea: {  	s0 =	sshll.u32 @!p3 s9, $0x9  }
0x1eb: {  	s0 =	sshra.s32 @!p3 s0, $0x2  }
0x1ec: {  	s2 =	simm.s32 @!p3 $0x80;
	s0 =	sadd.s32 @!p3 $0xF238, s0  }
0x1ed: {  	[spmem:s2] =	stream.linear.scatter @!p3 [tilespmem:s0], [sflag:$0x1], $0x80, $0x38;
	[tilespmem:$0x1F6F8] =	vst v63  }
0x1ee: {  	s0 =	simm.s32 @!p3 $0x1  }
0x1ef: {  	_ =	swait.ge @!p3 [sflag:s0], $0x100  }
0x1f0: {  	p1 =	por p2, p1;
	[sflag:s0] =	ssyncset.done @!p3 $0x0  }
0x1f1: {  	[sflag:s0] =	ssyncadd.s32 @!p3 $0xFFFFFF00;
	s0 =	simm.s32 @!p1 $0x1  }
0x1f2: {  	_ =	swait.ge @!p1 [sflag:s0], $0x80  }
0x1f3: {  	s29 =	simm.s32 $0x10238;
	[sflag:s0] =	ssyncset.done @!p1 $0x0  }
0x1f4: {  	s30 =	simm.s32 $0x1000;
	s31 =	simm.s32 $0x1;
	[sflag:s0] =	ssyncadd.s32 @!p1 $0xFFFFFF80  }
0x1f5: {  	[spmem:s30] =	stream.linear.scatter [tilespmem:s29], [sflag:$0x1], $0x10, $0x38;
	[tilespmem:$0x1F6F8] =	vst v63  }
0x1f6: {  	_ =	swait.ge [sflag:s31], $0x10  }
0x1f7: {  	[sflag:s31] =	ssyncset.done $0x0  }
0x1f8: {  	p1 =	seq.s32 s15, $0x0;
	s8 =	rddreg [dreg:$0x1];
	[sflag:s31] =	ssyncadd.s32 $0xFFFFFFF0  }
0x1f9: {  	s2 =	sshll.u32 @p1 s8, $0xE;
	s7 =	rddreg [dreg:$0x2]  }
0x1fa: {  	s0 =	sadd.s32 @p1 $0x15C3C, s2;
	s2 =	sshll.u32 @p1 s7, $0x11  }
0x1fb: {  	_ =	sfence.stream.spmem;
	s0 =	sor.u32 @p1 s2, s0  }
0x1fc: {  	[sflag:s0] =	ssyncadd.remote.s32 @p1 $0x1;
	s0 =	simm.s32 @p1 $0x4  }
0x1fd: {  	s3 =	simm.s32 @!p1 $0x3C;
	s2 =	sand.u32 $0xFFFFFFFE, s8;
	_ =	swait.ge @p1 [sflag:s0], $0x22  }
0x1fe: {  	s4 =	simm.s32 @!p1 $0x0;
	s2 =	sadd.s32 @!p1 $0x4, s2;
	[sflag:s0] =	ssyncset.done @p1 $0x0  }
0x1ff: {  	s5 =	simm.s32 @!p1 $0x100;
	[sflag:s0] =	ssyncadd.s32 @p1 $0xFFFFFFDE;
	s0 =	sshll.u32 @!p1 s2, $0x1A  }
0x200: {  	s2 =	sshll.u32 @!p1 s2, $0xD;
	s0 =	sor.u32 @!p1 s0, s7;
	_ =	swait.eq @!p1 [sflag:s3], $0x1  }
0x201: {  	s2 =	sor.u32 @!p1 $0x1C04, s2;
	s3 =	simm.s32 @!p1 $0x1C03;
	s0 =	sor.u32 @!p1 $0x80004000, s0  }
0x202: {  	[spmem:s5], [sflag:s2] =	dma.general @!p1 [spmem:s4], [sflag:s3], length:$0x20, [dreg:$0x0], stride_count:$0x0, ici_dest:s0, dma_misc:DstOpCode:WRITE  }
0x203: {  	p2 =	slt.s32 s9, $0x2;
	s4 =	simm.s32 @!p1 $0x200;
	s5 =	simm.s32 @!p1 $0x202  }
0x204: {  	[spmem:s5], [sflag:s2] =	dma.general @!p1 [spmem:s4], [sflag:s3], length:$0x2, [dreg:$0x0], stride_count:$0x0, ici_dest:s0, dma_misc:DstOpCode:WRITE  }
.Ltmp27:
0x205: {  	s0 =	simm.s32 @!p1 $0x3;
	(pc) =	sbr.rel @p2 .LBB2_38-.Ltmp27, $4  }
0x206: {  	s2 =	sshll.u32 @!p1 s8, $0xE;
	_ =	swait.ge @!p1 [sflag:s0], $0x22  }
0x207: {  	s3 =	sshll.u32 @!p1 s7, $0x11;
	s2 =	sadd.s32 @!p1 $0x11C3C, s2;
	[sflag:s0] =	ssyncset.done @!p1 $0x0  }
0x208: {  	[sflag:s0] =	ssyncadd.s32 @!p1 $0xFFFFFFDE;
	s0 =	sor.u32 @!p1 s3, s2  }
0x209: {  	[sflag:s0] =	ssyncadd.remote.s32 @!p1 $0xFFFFFFFF;
	s0 =	simm.s32 $0x0  }
0x20a: {  	s0 =	simm.s32 $0xF219  }
0x20b: {  	v0 =	vld.msk [tilespmem:s0+$0x0], $0x1;
	_ =	sdelay $0x4  }
0x20c: {  	(v2sf) =	vpush v0, $0x0;
	_ =	sdelay $0xb  }
0x20d: {  	s31 =	sadd.s32 $0xFFFFFFFE, s6  }
0x20e: {  	s0 =	sadd.s32 $0xFFFFFFFF, s31  }
0x20f: {  	p2 =	sne.s32 s0, $0x0  }
.Ltmp28:
0x210: {  	s2 =	spop (v2sf);
	(pc) =	sbr.rel @!p2 .LBB2_37-.Ltmp28, $4  }
0x211: {  	s4 =	simm.s32 $0xF2B8;
	s7 =	simm.s32 $0x0;
	p1 =	sgt.u32 s2, $0x270F0  }
0x212: {  	s5 =	simm.s32 $0x0;
	s6 =	simm.s32 $0xF21A;
	s3 =	sand.u32 @!p1 $0x3FFF8, s2  }
0x213: {  	s2 =	sand.u32 @!p1 $0x7, s2;
	s7 =	simm.s32 @!p1 $0x200;
	s3 =	sadd.s32 @!p1 s1, s3  }
0x214: {  	[hbm4b:s3+s2] =	stream.linear.scatter @!p1 [tilespmem:s4], [sflag:$0x5], $0x80, $0x38;
	[tilespmem:$0x1F6F8] =	vst v63  }
.LBB2_36:
0x215: {  	v0 =	vld.msk [tilespmem:s6+$0x0], $0x1;
	s0 =	sadd.s32 $0xFFFFFFFF, s0;
	s5 =	sadd.s32 s5, s7  }
0x216: {  	p1 =	sne.s32 s0, $0x0;
	_ =	sdelay $0x3  }
0x217: {  	(v2sf) =	vpush v0, $0x0;
	_ =	sdelay $0xe  }
.Ltmp29:
0x218: {  	s2 =	spop (v2sf);
	(pc) =	sbr.rel @p1 .LBB2_36-.Ltmp29, $4  }
0x219: {  	s7 =	simm.s32 $0x0;
	p2 =	sgt.u32 s2, $0x270F0  }
0x21a: {  	s4 =	sadd.s32 $0x80, s4;
	s7 =	simm.s32 @!p2 $0x200;
	s3 =	sand.u32 @!p2 $0x3FFF8, s2  }
0x21b: {  	s6 =	sadd.s32 $0x1, s6;
	s2 =	sand.u32 @!p2 $0x7, s2;
	s3 =	sadd.s32 @!p2 s1, s3  }
0x21c: {  	[hbm4b:s3+s2] =	stream.linear.scatter @!p2 [tilespmem:s4], [sflag:$0x5], $0x80, $0x38;
	[tilespmem:$0x1F6F8] =	vst v63  }
.LBB2_37:
0x21d: {  	s0 =	sadd.s32 s5, s7  }
0x21e: {  	s0 =	sshrl.u32 s0, $0x2  }
.LBB2_38:
0x21f: {  	s2 =	simm.s32 $0x5  }
0x220: {  	_ =	swait.ge [sflag:s2], s0  }
0x221: {  	s31 =	ssub.s32 $0x0, s0;
	[sflag:s2] =	ssyncset.done $0x0  }
0x222: {  	[sflag:s2] =	ssyncadd.s32 s31  }
0x223: {  	[sflag:s2] =	ssyncpa.u1 $0x1  }
.LBB2_39:
0x224: {  	s0 =	sor.u32 s15, s16  }
0x225: {  	p1 =	sne.s32 s0, $0x0  }
.Ltmp30:
0x226: {  	_ = 	snop;
	(pc) =	sbr.rel @p1 .LBB2_54-.Ltmp30, $3  }
0x227: {  	_ =	sdelay $0x1  }
0x228: {  	[bflag:$0x0] =	sbarrier.arrive $0xFFFF  }
0x229: {  	_ =	sfence  }
0x22a: {  	s0 =	simm.s32 $0x7  }
0x22b: {  	s2 =	simm.s32 $0x1000;
	s3 =	simm.s32 $0xF218;
	[sflag:s0] =	ssyncpa.u1 $0x0  }
0x22c: {  	[tilespmem:s3], [sflag:$0x7] =	stream.linear.gather [spmem:s2], $0x20, $0x38;
	[tilespmem:$0x1F6F8] =	vst v63  }
0x22d: {  	s30 =	simm.s32 $0xF238;
	s2 =	simm.s32 $0x0  }
0x22e: {  	[tilespmem:s30], [sflag:$0x7] =	stream.linear.gather [spmem:s2], $0x1000, $0x38;
	[tilespmem:$0x1F6F8] =	vst v63  }
.Ltmp31:
0x22f: {  	_ = 	snop;
	(pc) =	sbr.rel .LBB2_41-.Ltmp31, $4  }
0x230: {  	_ =	swait.ge [sflag:s0], $0x1020  }
0x231: {  	[sflag:s0] =	ssyncset.done $0x0  }
0x232: {  	s31 =	simm.s32 $0x8;
	[sflag:s0] =	ssyncadd.s32 $0xFFFFEFE0  }
0x233: {  	s3 =	simm.s32 $0x0;
	[sflag:s31] =	ssyncpa.u1 $0x0  }
.LBB2_47:
0x234: {  	p1 =	slt.u32 s4, $0x270F1  }
0x235: {  	s0 =	sand.u32 @p1 $0x3FFF8, s4  }
0x236: {  	s4 =	sand.u32 @p1 $0x7, s4;
	s5 =	simm.s32 @p1 $0xF188;
	s0 =	sadd.s32 @p1 s1, s0  }
0x237: {  	[tilespmem:s5], [sflag:$0x8] =	stream.linear.gather @p1 [hbm4b:s0+s4], $0x80, $0x38;
	[tilespmem:$0x1F6F8] =	vst v63  }
0x238: {  	s0 =	simm.s32 @p1 $0x8  }
0x239: {  	_ =	swait.ge @p1 [sflag:s0], $0x80  }
0x23a: {  	[sflag:s0] =	ssyncset.done @p1 $0x0  }
0x23b: {  	[sflag:s0] =	ssyncadd.s32 @p1 $0xFFFFFF80;
	s0 =	sshll.u32 @p1 s3, $0x9  }
0x23c: {  	s4 =	sshrl.u32 @p1 s0, $0x2;
	v1 =	vld @p1 [tilespmem:$0xF188]  }
0x23d: {  	v2 =	vld @p1 [tilespmem:s4+$0xF238];
	_ =	sdelay $0x4  }
0x23e: {  	v1 =	vmax.f32 @p1 v1, v2  }
0x23f: {  	v2 =	vld @p1 [tilespmem:s4+$0xF248];
	[tilespmem:s4+$0xF238] =	vst @p1 v1  }
0x240: {  	v1 =	vld @p1 [tilespmem:$0xF198];
	_ =	sdelay $0x4  }
0x241: {  	v1 =	vmax.f32 @p1 v1, v2  }
0x242: {  	v2 =	vld @p1 [tilespmem:s4+$0xF258];
	[tilespmem:s4+$0xF248] =	vst @p1 v1  }
0x243: {  	v1 =	vld @p1 [tilespmem:$0xF1A8];
	_ =	sdelay $0x4  }
0x244: {  	v1 =	vmax.f32 @p1 v1, v2  }
0x245: {  	v2 =	vld @p1 [tilespmem:s4+$0xF268];
	[tilespmem:s4+$0xF258] =	vst @p1 v1  }
0x246: {  	v1 =	vld @p1 [tilespmem:$0xF1B8];
	_ =	sdelay $0x4  }
0x247: {  	v1 =	vmax.f32 @p1 v1, v2  }
0x248: {  	v2 =	vld @p1 [tilespmem:s4+$0xF278];
	[tilespmem:s4+$0xF268] =	vst @p1 v1  }
0x249: {  	v1 =	vld @p1 [tilespmem:$0xF1C8];
	_ =	sdelay $0x4  }
0x24a: {  	v1 =	vmax.f32 @p1 v1, v2  }
0x24b: {  	v2 =	vld @p1 [tilespmem:s4+$0xF288];
	[tilespmem:s4+$0xF278] =	vst @p1 v1  }
0x24c: {  	v1 =	vld @p1 [tilespmem:$0xF1D8];
	_ =	sdelay $0x4  }
0x24d: {  	v1 =	vmax.f32 @p1 v1, v2  }
0x24e: {  	v2 =	vld @p1 [tilespmem:s4+$0xF298];
	[tilespmem:s4+$0xF288] =	vst @p1 v1  }
0x24f: {  	v1 =	vld @p1 [tilespmem:$0xF1E8];
	_ =	sdelay $0x4  }
0x250: {  	v1 =	vmax.f32 @p1 v1, v2  }
0x251: {  	v2 =	vld @p1 [tilespmem:s4+$0xF2A8];
	[tilespmem:s4+$0xF298] =	vst @p1 v1  }
0x252: {  	v1 =	vld @p1 [tilespmem:$0xF1F8];
	_ =	sdelay $0x4  }
0x253: {  	s5 =	sshll.u32 @!p1 s3, $0x9;
	v1 =	vmax.f32 @p1 v1, v2  }
0x254: {  	s5 =	smov.u32 @p1 s0;
	[tilespmem:s4+$0xF2A8] =	vst @p1 v1  }
0x255: {  	s0 =	sshrl.u32 s5, $0x2;
	[tilespmem:s2+$0xF218] =	vst.msk $0x1, v0  }
0x256: {  	v0 =	vld [tilespmem:s0+$0xF238];
	_ =	sdelay $0x2  }
0x257: {  	s31 =	sshll.u32 s2, $0x9  }
0x258: {  	s4 =	sshra.s32 s31, $0x2  }
0x259: {  	[tilespmem:s4+$0xF238] =	vst v0  }
0x25a: {  	v0 =	vld [tilespmem:s0+$0xF248];
	_ =	sdelay $0x4  }
0x25b: {  	[tilespmem:s4+$0xF248] =	vst v0  }
0x25c: {  	v0 =	vld [tilespmem:s0+$0xF258];
	_ =	sdelay $0x4  }
0x25d: {  	[tilespmem:s4+$0xF258] =	vst v0  }
0x25e: {  	v0 =	vld [tilespmem:s0+$0xF268];
	_ =	sdelay $0x4  }
0x25f: {  	[tilespmem:s4+$0xF268] =	vst v0  }
0x260: {  	v0 =	vld [tilespmem:s0+$0xF278];
	_ =	sdelay $0x4  }
0x261: {  	[tilespmem:s4+$0xF278] =	vst v0  }
0x262: {  	v0 =	vld [tilespmem:s0+$0xF288];
	_ =	sdelay $0x4  }
0x263: {  	[tilespmem:s4+$0xF288] =	vst v0  }
0x264: {  	v0 =	vld [tilespmem:s0+$0xF298];
	_ =	sdelay $0x4  }
0x265: {  	[tilespmem:s4+$0xF298] =	vst v0  }
0x266: {  	v0 =	vld [tilespmem:s0+$0xF2A8];
	_ =	sdelay $0x4  }
0x267: {  	s2 =	sadd.s32 $0x1, s2;
	[tilespmem:s4+$0xF2A8] =	vst v0  }
.LBB2_48:
0x268: {  	s3 =	sadd.s32 $0x1, s3  }
0x269: {  	p1 =	sne.s32 s3, $0x20  }
.Ltmp32:
0x26a: {  	_ = 	snop;
	(pc) =	sbr.rel @!p1 .LBB2_49-.Ltmp32, $1  }
0x26b: {  	_ =	sdelay $0x3  }
.LBB2_41:
0x26c: {  	v0 =	vld.msk [tilespmem:s3+$0xF218], $0x1;
	_ =	sdelay $0x4  }
0x26d: {  	(v2sf) =	vpush v0, $0x0;
	_ =	sdelay $0xe  }
0x26e: {  	s4 =	spop (v2sf)  }
0x26f: {  	p1 =	seq.s32 s4, $0xFFFFFFFF  }
.Ltmp33:
0x270: {  	_ = 	snop;
	(pc) =	sbr.rel @p1 .LBB2_48-.Ltmp33, $1  }
0x271: {  	_ =	sdelay $0x3  }
0x272: {  	p1 =	slt.s32 s2, $0x1  }
.Ltmp34:
0x273: {  	_ = 	snop;
	(pc) =	sbr.rel @p1 .LBB2_47-.Ltmp34, $1  }
0x274: {  	_ =	sdelay $0x3  }
0x275: {  	s5 =	simm.s32 $0xF218;
	p1 =	por $0x0, $0x0  }
0x276: {  	v1 =	vld.msk @!p1 [tilespmem:s5+$0x0], $0x1;
	_ =	sdelay $0x4  }
0x277: {  	(v2sf) =	vpush @!p1 v1, $0x0;
	_ =	sdelay $0xd  }
0x278: {  	p3 =	sne.s32 s2, $0x1  }
.Ltmp35:
0x279: {  	s0 =	spop @!p1 (v2sf);
	(pc) =	sbr.rel @!p3 .LBB2_45-.Ltmp35, $4  }
0x27a: {  	p2 =	seq.s32 @!p1 s4, s0  }
0x27b: {  	s6 =	simm.s32 $0x0;
	p2 =	por !p2, p1  }
0x27c: {  	s7 =	simm.s32 $0xFFFFFFFF;
	s6 =	simm.s32 @p2 $0xFFFFFFFF  }
0x27d: {  	s0 =	simm.s32 $0x1;
	s6 =	smov.u32 @p1 s7  }
.LBB2_44:
0x27e: {  	s7 =	smov.u32 s6;
	p1 =	sne.s32 s6, $0xFFFFFFFF  }
0x27f: {  	s5 =	sadd.s32 $0x1, s5;
	s6 =	smov.u32 s0;
	s0 =	sadd.s32 $0x1, s0  }
0x280: {  	p2 =	sne.s32 s2, s0;
	v1 =	vld.msk @!p1 [tilespmem:s5+$0x0], $0x1;
	_ =	sdelay $0x4  }
0x281: {  	(v2sf) =	vpush @!p1 v1, $0x0;
	_ =	sdelay $0xe  }
.Ltmp36:
0x282: {  	s8 =	spop @!p1 (v2sf);
	(pc) =	sbr.rel @p2 .LBB2_44-.Ltmp36, $4  }
0x283: {  	p3 =	seq.s32 @!p1 s4, s8  }
0x284: {  	p3 =	por !p3, p1  }
0x285: {  	s6 =	simm.s32 @p3 $0xFFFFFFFF  }
0x286: {  	s6 =	smov.u32 @p1 s7  }
.LBB2_45:
0x287: {  	p1 =	seq.s32 s6, $0xFFFFFFFF  }
.Ltmp37:
0x288: {  	_ = 	snop;
	(pc) =	sbr.rel @p1 .LBB2_47-.Ltmp37, $1  }
0x289: {  	_ =	sdelay $0x3  }
0x28a: {  	s0 =	sshll.u32 s3, $0x7  }
0x28b: {  	s4 =	sshll.u32 s6, $0x9;
	s0 =	sand.u32 $0x3FFFFF80, s0  }
0x28c: {  	s4 =	sshra.s32 s4, $0x2;
	v0 =	vld [tilespmem:s0+$0xF238]  }
0x28d: {  	v1 =	vld [tilespmem:s4+$0xF238];
	_ =	sdelay $0x4  }
0x28e: {  	v0 =	vmax.f32 v0, v1  }
0x28f: {  	v57 =	vld [tilespmem:s4+$0xF248];
	[tilespmem:s4+$0xF238] =	vst v0  }
0x290: {  	v0 =	vld [tilespmem:s0+$0xF248];
	_ =	sdelay $0x4  }
0x291: {  	v0 =	vmax.f32 v0, v57  }
0x292: {  	v58 =	vld [tilespmem:s4+$0xF258];
	[tilespmem:s4+$0xF248] =	vst v0  }
0x293: {  	v0 =	vld [tilespmem:s0+$0xF258];
	_ =	sdelay $0x4  }
0x294: {  	v0 =	vmax.f32 v0, v58  }
0x295: {  	v59 =	vld [tilespmem:s4+$0xF268];
	[tilespmem:s4+$0xF258] =	vst v0  }
0x296: {  	v0 =	vld [tilespmem:s0+$0xF268];
	_ =	sdelay $0x4  }
0x297: {  	v0 =	vmax.f32 v0, v59  }
0x298: {  	v60 =	vld [tilespmem:s4+$0xF278];
	[tilespmem:s4+$0xF268] =	vst v0  }
0x299: {  	v0 =	vld [tilespmem:s0+$0xF278];
	_ =	sdelay $0x4  }
0x29a: {  	v0 =	vmax.f32 v0, v60  }
0x29b: {  	v61 =	vld [tilespmem:s4+$0xF288];
	[tilespmem:s4+$0xF278] =	vst v0  }
0x29c: {  	v0 =	vld [tilespmem:s0+$0xF288];
	_ =	sdelay $0x4  }
0x29d: {  	v0 =	vmax.f32 v0, v61  }
0x29e: {  	v62 =	vld [tilespmem:s4+$0xF298];
	[tilespmem:s4+$0xF288] =	vst v0  }
0x29f: {  	v0 =	vld [tilespmem:s0+$0xF298];
	_ =	sdelay $0x4  }
0x2a0: {  	v0 =	vmax.f32 v0, v62  }
0x2a1: {  	v63 =	vld [tilespmem:s4+$0xF2A8];
	[tilespmem:s4+$0xF298] =	vst v0  }
0x2a2: {  	v0 =	vld [tilespmem:s0+$0xF2A8];
	_ =	sdelay $0x1  }
.Ltmp38:
0x2a3: {  	_ = 	snop;
	(pc) =	sbr.rel .LBB2_48-.Ltmp38, $3  }
0x2a4: {  	_ =	sdelay $0x1  }
0x2a5: {  	v0 =	vmax.f32 v0, v63  }
0x2a6: {  	[tilespmem:s4+$0xF2A8] =	vst v0  }
.LBB2_49:
0x2a7: {  	p1 =	slt.s32 s2, $0x1  }
.Ltmp39:
0x2a8: {  	_ = 	snop;
	(pc) =	sbr.rel @p1 .LBB2_53-.Ltmp39, $3  }
0x2a9: {  	_ =	sdelay $0x1  }
0x2aa: {  	s0 =	simm.s32 $0x8  }
0x2ab: {  	s3 =	simm.s32 $0x0;
	[sflag:s0] =	ssyncpa.u1 $0x1  }
0x2ac: {  	s0 =	simm.s32 $0xF218  }
0x2ad: {  	v0 =	vld.msk [tilespmem:s0+$0x0], $0x1;
	_ =	sdelay $0x4  }
0x2ae: {  	(v2sf) =	vpush v0, $0x0;
	_ =	sdelay $0xe  }
0x2af: {  	s0 =	sadd.s32 $0xFFFFFFFF, s2;
	s5 =	spop (v2sf)  }
0x2b0: {  	p2 =	sne.s32 s0, $0x0;
	p1 =	sgt.u32 s5, $0x270F0  }
.Ltmp40:
0x2b1: {  	s6 =	sand.u32 @!p1 $0x3FFF8, s5;
	(pc) =	sbr.rel @!p2 .LBB2_52-.Ltmp40, $4  }
0x2b2: {  	s4 =	simm.s32 $0xF238;
	s5 =	sand.u32 @!p1 $0x7, s5;
	s2 =	sadd.s32 @!p1 s1, s6  }
0x2b3: {  	[hbm4b:s2+s5] =	stream.linear.scatter @!p1 [tilespmem:s4], [sflag:$0x7], $0x80, $0x38;
	[tilespmem:$0x1F6F8] =	vst v63  }
0x2b4: {  	s5 =	simm.s32 $0x0  }
0x2b5: {  	s2 =	simm.s32 $0xF219;
	s5 =	simm.s32 @!p1 $0x200  }
.LBB2_51:
0x2b6: {  	v0 =	vld.msk [tilespmem:s2+$0x0], $0x1;
	s0 =	sadd.s32 $0xFFFFFFFF, s0;
	s3 =	sadd.s32 s3, s5  }
0x2b7: {  	p1 =	sne.s32 s0, $0x0;
	_ =	sdelay $0x3  }
0x2b8: {  	(v2sf) =	vpush v0, $0x0;
	_ =	sdelay $0xe  }
.Ltmp41:
0x2b9: {  	s6 =	spop (v2sf);
	(pc) =	sbr.rel @p1 .LBB2_51-.Ltmp41, $4  }
0x2ba: {  	s5 =	simm.s32 $0x0;
	p2 =	sgt.u32 s6, $0x270F0  }
0x2bb: {  	s4 =	sadd.s32 $0x80, s4;
	s5 =	simm.s32 @!p2 $0x200;
	s7 =	sand.u32 @!p2 $0x3FFF8, s6  }
0x2bc: {  	s2 =	sadd.s32 $0x1, s2;
	s6 =	sand.u32 @!p2 $0x7, s6;
	s7 =	sadd.s32 @!p2 s1, s7  }
0x2bd: {  	[hbm4b:s7+s6] =	stream.linear.scatter @!p2 [tilespmem:s4], [sflag:$0x7], $0x80, $0x38;
	[tilespmem:$0x1F6F8] =	vst v63  }
.LBB2_52:
0x2be: {  	s0 =	sadd.s32 s3, s5  }
0x2bf: {  	s3 =	sshrl.u32 s0, $0x2  }
.LBB2_53:
0x2c0: {  	s0 =	simm.s32 $0x7  }
0x2c1: {  	_ =	swait.ge [sflag:s0], s3  }
0x2c2: {  	s1 =	ssub.s32 $0x0, s3;
	[sflag:s0] =	ssyncset.done $0x0  }
0x2c3: {  	[sflag:s0] =	ssyncadd.s32 s1  }
0x2c4: {  	[sflag:s0] =	ssyncpa.u1 $0x1  }
.LBB2_54:
0x2c5: {  	_ =	sfence;
	s0 =	simm.s32 $0x1  }
0x2c6: {  	[sflag:s0] =	ssyncpa.u1 $0x1  }
0x2c7: {  	_ =	strace $0x90000059  }
0x2c8: {  	[bflag:$0x2] =	sbarrier.arrive $0xFFFF  }
0x2c9: {  	s0 =	rddreg [dreg:$0x3]  }
0x2ca: {  	s0 =	sadd.s32 @!p0 $0x100000, s0  }
0x2cb: {  	[sflag:s0] =	ssyncadd.tile.s32 @!p0 $0x1;
	_ =	shalt  }
.Lfunc_end2:
_tile_overlayer_lowered:
.L_overlay_start_2:
0x2cc: {  	(tag) =	ssettag $0x2  }
0x2cd: {  	s0 =	rddreg [dreg:$0x0];
	s2 =	stileid.u32  }
0x2ce: {  	s1 =	rddreg [dreg:$0x1];
	p0 =	sne.s32 s2, $0x0  }
0x2cf: {  	s3 =	rddreg [dreg:$0x2];
	[bflag:$0x3] =	sbarrier.arrive $0xFFFF;
	s2 =	simm.s32 @!p0 $0x1C01  }
0x2d0: {  	[timem:s3], [sflag:s2] =	dma.local @!p0 [hbm:s0], s1  }
0x2d1: {  	s0 =	simm.s32 @!p0 $0x1  }
0x2d2: {  	_ =	swait.ge @!p0 [sflag:s0], s1  }
0x2d3: {  	s1 =	ssub.s32 @!p0 $0x0, s1;
	[sflag:s0] =	ssyncset.done @!p0 $0x0  }
0x2d4: {  	[sflag:s0] =	ssyncadd.s32 @!p0 s1  }
0x2d5: {  	[bflag:$0x3] =	sbarrier.arrive $0xFFFF  }
0x2d6: {  	_ =	shalt  }

// kernel: scatter_offload_async_start.4
scs
__scs_entry_jumppad:
0x0: {  	(pc) =	sbr.rel $0x88, $3  }
0x1: {  	(tag) =	ssettag $0x0;
	lr =	simm.s32 $0x1  }
0x2: {  	[smem:$0x3F8B] =	sst lr;
	_ =	strace $0xD0000000  }
0x3: {  	_ = 	snop  }
0x4: {  	_ = 	snop  }
0x5: {  	_ = 	snop  }
0x6: {  	_ = 	snop  }
0x7: {  	_ = 	snop  }
__scs_overlays_trampoline_lowered:
0x8: {  	[smem:$0x3F9A] =	sst s0  }
0x9: {  	[smem:$0x3F9B] =	sst s1  }
0xa: {  	[smem:$0x3F9C] =	sst s2  }
0xb: {  	[smem:$0x3F9D] =	sst s3  }
0xc: {  	[smem:$0x3F9E] =	sst s4  }
0xd: {  	[smem:$0x3F9F] =	sst s5  }
0xe: {  	[smem:$0x3FA0] =	sst s6  }
0xf: {  	[smem:$0x3FA1] =	sst s7  }
0x10: {  	[smem:$0x3FA2] =	sst s8  }
0x11: {  	[smem:$0x3FA3] =	sst s9;
	s0 =	simm.s32 @!p0 $0x0  }
0x12: {  	s1 =	sld [smem:$0x3F89];
	s0 =	simm.s32 @p0 $0x1  }
0x13: {  	[smem:$0x3FA4] =	sst s0;
	s0 =	simm.s32 @!p1 $0x0  }
0x14: {  	s2 =	sld [smem:$0x3F88];
	s0 =	simm.s32 @p1 $0x1  }
0x15: {  	[smem:$0x3FA5] =	sst s0;
	s0 =	simm.s32 @!p2 $0x0  }
0x16: {  	s3 =	sld [smem:$0x3FDB];
	s0 =	simm.s32 @p2 $0x1  }
0x17: {  	s4 =	simm.s32 $0x1BF5;
	[smem:$0x3FA7] =	sst s0  }
0x18: {  	s0 =	sld [smem:$0x3F8A];
	_ =	swait.ge [sflag:s4], $0x0  }
0x19: {  	s7 =	sld [smem:$0x3F8B]  }
0x1a: {  	s8 =	sadd.s32 $0xFFFFE003, lr  }
0x1b: {  	s9 =	sadd.s32 $0xFFFFFEF7, lr;
	s5 =	simm.s32 $0xFFFFFFFF;
	p2 =	slt.u32 s8, $0xFFFFF086  }
0x1c: {  	p1 =	slt.u32 s9, $0xF7A;
	s5 =	simm.s32 @!p2 $0x0  }
0x1d: {  	s5 =	simm.s32 @p1 $0x1;
	p0 =	seq.s32 s7, s2  }
0x1e: {  	s7 =	smul.u32 @!p0 $0xF7A, s2;
	p2 =	seq.s32 @!p0 s5, $0x0  }
0x1f: {  	s9 =	smul.u32 $0xF7A, s1;
	s8 =	simm.s32 @!p0 $0x1BF5;
	p2 =	por !p2, p0  }
0x20: {  	[sflag:s8] =	ssyncset.s32 @!p0 $0xFFFFF086;
	s6 =	sadd.s32 @!p0 s3, s7;
	s7 =	simm.s32 @!p0 $0x108  }
0x21: {  	s3 =	sadd.s32 s3, s9;
	s6 =	sadd.s32 @!p0 $0x88, s6;
	s7 =	simm.s32 @p2 $0x1082  }
0x22: {  	[simem:s7], [sflag:s8] =	dma.local @!p0 [hbm:s6], $0xF7A  }
0x23: {  	s9 =	sor.u32 $0xD0000000, s2;
	s6 =	simm.s32 $0x108;
	_ =	swait.ge @!p0 [sflag:s8], $0x0  }
0x24: {  	s3 =	sadd.s32 $0x88, s3;
	s6 =	simm.s32 @!p1 $0x1082;
	[sflag:s4] =	ssyncset.s32 $0xFFFFF086  }
0x25: {  	[simem:s6], [sflag:s4] =	dma.local [hbm:s3], $0xF7A  }
0x26: {  	[smem:$0x3F8B] =	sst s1;
	(tag) =	ssettag s2;
	_ =	strace s9  }
0x27: {  	s1 =	sld [smem:$0x3F9B]  }
0x28: {  	s2 =	sld [smem:$0x3F9C]  }
0x29: {  	s4 =	sld [smem:$0x3F9E]  }
0x2a: {  	p0 =	seq.s32 s5, $0x0;
	s5 =	sld [smem:$0x3F9F]  }
0x2b: {  	s6 =	sld [smem:$0x3FA0]  }
0x2c: {  	s7 =	sld [smem:$0x3FA1]  }
0x2d: {  	s3 =	simm.s32 $0x108;
	s8 =	sld [smem:$0x3FA2]  }
0x2e: {  	s3 =	simm.s32 @!p0 $0x1082;
	s9 =	sld [smem:$0x3FA3]  }
0x2f: {  	lr =	sadd.s32 s0, s3;
	s0 =	sld [smem:$0x3F9A]  }
0x30: {  	s3 =	sld [smem:$0x3F9D]  }
0x31: {  	[smem:$0x3FA6] =	sst s10  }
0x32: {  	s10 =	sld [smem:$0x3FA4];
	_ =	sdelay $0x3  }
0x33: {  	p0 =	seq.s32 s10, $0x1;
	s10 =	sld [smem:$0x3FA6];
	_ =	sdelay $0x3  }
0x34: {  	[smem:$0x3FA6] =	sst s10  }
0x35: {  	s10 =	sld [smem:$0x3FA5];
	_ =	sdelay $0x3  }
0x36: {  	p1 =	seq.s32 s10, $0x1;
	s10 =	sld [smem:$0x3FA6];
	_ =	sdelay $0x3  }
0x37: {  	[smem:$0x3FA6] =	sst s10  }
0x38: {  	s10 =	sld [smem:$0x3FA7]  }
0x39: {  	_ = 	snop;
	(pc) =	sbr.ind lr, $3  }
0x3a: {  	_ = 	snop  }
0x3b: {  	_ = 	snop  }
0x3c: {  	p2 =	seq.s32 s10, $0x1;
	s10 =	sld [smem:$0x3FA6]  }
0x3d: {  	_ =	shalt  }
0x3e: {  	_ =	shalt  }
0x3f: {  	_ =	shalt  }
0x40: {  	_ =	shalt  }
0x41: {  	_ =	shalt  }
0x42: {  	_ =	shalt  }
0x43: {  	_ =	shalt  }
0x44: {  	_ =	shalt  }
0x45: {  	_ =	shalt  }
0x46: {  	_ =	shalt  }
0x47: {  	_ =	shalt  }
0x48: {  	_ =	shalt  }
0x49: {  	_ =	shalt  }
0x4a: {  	_ =	shalt  }
0x4b: {  	_ =	shalt  }
0x4c: {  	_ =	shalt  }
0x4d: {  	_ =	shalt  }
0x4e: {  	_ =	shalt  }
0x4f: {  	_ =	shalt  }
0x50: {  	_ =	shalt  }
0x51: {  	_ =	shalt  }
0x52: {  	_ =	shalt  }
0x53: {  	_ =	shalt  }
0x54: {  	_ =	shalt  }
0x55: {  	_ =	shalt  }
0x56: {  	_ =	shalt  }
0x57: {  	_ =	shalt  }
0x58: {  	_ =	shalt  }
0x59: {  	_ =	shalt  }
0x5a: {  	_ =	shalt  }
0x5b: {  	_ =	shalt  }
0x5c: {  	_ =	shalt  }
0x5d: {  	_ =	shalt  }
0x5e: {  	_ =	shalt  }
0x5f: {  	_ =	shalt  }
0x60: {  	_ =	shalt  }
0x61: {  	_ =	shalt  }
0x62: {  	_ =	shalt  }
0x63: {  	_ =	shalt  }
0x64: {  	_ =	shalt  }
0x65: {  	_ =	shalt  }
0x66: {  	_ =	shalt  }
0x67: {  	_ =	shalt  }
0x68: {  	_ =	shalt  }
0x69: {  	_ =	shalt  }
0x6a: {  	_ =	shalt  }
0x6b: {  	_ =	shalt  }
0x6c: {  	_ =	shalt  }
0x6d: {  	_ =	shalt  }
0x6e: {  	_ =	shalt  }
0x6f: {  	_ =	shalt  }
0x70: {  	_ =	shalt  }
0x71: {  	_ =	shalt  }
0x72: {  	_ =	shalt  }
0x73: {  	_ =	shalt  }
0x74: {  	_ =	shalt  }
0x75: {  	_ =	shalt  }
0x76: {  	_ =	shalt  }
0x77: {  	_ =	shalt  }
0x78: {  	_ =	shalt  }
0x79: {  	_ =	shalt  }
0x7a: {  	_ =	shalt  }
0x7b: {  	_ =	shalt  }
0x7c: {  	_ =	shalt  }
0x7d: {  	_ =	shalt  }
0x7e: {  	_ =	shalt  }
0x7f: {  	_ =	shalt  }
0x80: {  	_ =	shalt  }
0x81: {  	_ =	shalt  }
0x82: {  	_ =	shalt  }
0x83: {  	_ =	shalt  }
0x84: {  	_ =	shalt  }
0x85: {  	_ =	shalt  }
0x86: {  	_ =	shalt  }
0x87: {  	_ =	shalt  }
.Lfunc_end0:
.L_simem_size_0:
called_computation.4_lowered:
.L_overlay_start_0:
0x88: {  	s2 =	sld [smem:$0x3FD9]  }
0x89: {  	s3 =	sld [smem:$0x3FFE];
	_ =	sdelay $0x1  }
0x8a: {  	s1 =	srdreg.scid  }
0x8b: {  	s0 =	sand.u32 $0x1, s1  }
0x8c: {  	s15 =	sshll.u32 s0, $0xA;
	s2 =	sadd.s32 s3, s2  }
0x8d: {  	s2 =	sadd.s32 s2, s15  }
0x8e: {  	[smem:$0x3FB2] =	sst s2  }
0x8f: {  	_ = 	snop  }
0x90: {  	(tm) =	ssettm $0x1  }
0x91: {  	s16 =	sld [smem:$0x3FFB];
	_ =	sdelay $0x3  }
0x92: {  	_ =	strace s16  }
0x93: {  	s2 =	sld [smem:$0x3FFC];
	_ =	sdelay $0x3  }
0x94: {  	_ =	strace s2  }
0x95: {  	s2 =	sld [smem:$0x3FFD];
	_ =	sdelay $0x3  }
0x96: {  	_ =	strace s2  }
0x97: {  	_ =	strace $0x8FFFFFFF  }
0x98: {  	s17 =	sld [smem:$0x3FDB];
	_ =	sdelay $0x1  }
0x99: {  	s18 =	simm.s32 $_scs_section_size  }
0x9a: {  	s4 =	simm.s32 $_size__tile_overlayer_lowered;
	s5 =	simm.s32 $_tile_overlayer_lowered  }
0x9b: {  	s21 =	simm.s32 $0x1BFF;
	s20 =	sshll.u32 s5, $0x1;
	s2 =	sadd.s32 s18, s17  }
0x9c: {  	s6 =	simm.s32 $0x0;
	s19 =	sshll.u32 s4, $0x1;
	s4 =	sadd.s32 s20, s2  }
0x9d: {  	[timem:s6], [sflag:s21] =	dma.local [hbm:s4], s19  }
0x9e: {  	_ =	swait.ge [sflag:s21], s19  }
0x9f: {  	s3 =	ssub.s32 $0x0, s19;
	[sflag:s21] =	ssyncset.done $0x0  }
0xa0: {  	[sflag:s21] =	ssyncadd.s32 s3;
	_ =	sdelay $0x1  }
0xa1: {  	s22 =	simm.s32 $0x1B8B  }
0xa2: {  	_ =	swait.ge [sflag:s22], $0x1  }
0xa3: {  	[sflag:s22] =	ssyncset.done $0x0  }
0xa4: {  	s23 =	sld [smem:$0x3FFE];
	[sflag:s22] =	ssyncadd.s32 $0xFFFFFFFF  }
0xa5: {  	s25 =	simm.s32 $0x1B8E;
	s24 =	sld [smem:$0x0]  }
0xa6: {  	s26 =	simm.s32 $execute0_lowered;
	[smem:$0x3FD2] =	sst s25  }
0xa7: {  	s5 =	sshll.u32 s26, $0x1;
	_ =	strace $0x8000005B;
	[dreg:$0x1] =	wrdreg $0xFFFFFFFF  }
0xa8: {  	s28 =	simm.s32 $_size_execute0_lowered;
	s2 =	sadd.s32 s2, s5;
	[dreg:$0x0] =	wrdreg $0x0  }
0xa9: {  	s5 =	sshll.u32 s28, $0x1;
	[dreg:$0x2] =	wrdreg s2  }
0xaa: {  	[dreg:$0x3] =	wrdreg s5  }
0xab: {  	[dreg:$0x4] =	wrdreg $0xC0  }
0xac: {  	_ =	task [dreg:s6], $0x5FFFF  }
0xad: {  	[dreg:$0x1] =	wrdreg $0xFFFFFFFF  }
0xae: {  	[dreg:$0x0] =	wrdreg $0x60  }
0xaf: {  	[dreg:$0x2] =	wrdreg s23  }
0xb0: {  	[dreg:$0x3] =	wrdreg s1  }
0xb1: {  	[dreg:$0x4] =	wrdreg s24  }
0xb2: {  	[dreg:$0x5] =	wrdreg $0x9  }
0xb3: {  	_ =	task.clear_ibuf [dreg:s6], $0x6FFFF;
	_ =	strace $0x9000005B  }
0xb4: {  	s29 =	simm.s32 $0x9;
	_ =	strace $0x8000005D  }
0xb5: {  	_ =	swait.ge [sflag:s29], $0x1  }
0xb6: {  	[sflag:s29] =	ssyncadd.s32 $0xFFFFFFFF  }
0xb7: {  	_ =	strace $0x9000005D  }
0xb8: {  	_ =	sfence  }
0xb9: {  	s30 =	sld [smem:$0x0];
	_ =	sdelay $0x2  }
0xba: {  	s31 =	sshll.u32 s1, $0xD;
	s1 =	sshrl.u32 s1, $0x2  }
0xbb: {  	s3 =	sand.u32 $0x4000, s31;
	s1 =	sadd.s32 s1, s30  }
0xbc: {  	s0 =	sor.u32 s3, s0;
	s1 =	sshll.u32 s1, $0x11  }
0xbd: {  	s0 =	sor.u32 s1, s0  }
0xbe: {  	s0 =	sadd.s32 $0x8F2B, s0  }
0xbf: {  	[sflag:s0] =	ssyncadd.remote.s32 $0x1  }
0xc0: {  	_ =	sfence.sel $0xFFFF  }
0xc1: {  	[dreg:$0x0] =	wrdreg $0xFFFFFFFF;
	(pc) =	sbr.abs _section_cstart, $3  }
0xc2: {  	[dreg:$0x1] =	wrdreg $0xFFFFFFFF  }
0xc3: {  	_ =	task.clear_ibuf [dreg:s6], $0x2FFFF;
	_ =	strace $0x9FFFFFFF  }
0xc4: {  	(tm) =	ssettm $0x7FFFFFFF  }
0xc5: {  	_ =	shalt  }
tec
execute0_lowered:
.L_overlay_start_1:
0x0: {  	(tag) =	ssettag $0x1  }
0x1: {  	s2 =	rddreg [dreg:$0x0]  }
0x2: {  	s3 =	rddreg [dreg:$0x1];
	_ =	strace $0x8000005C;
	s0 =	simm.s32 $0x1  }
0x3: {  	v0 =	vimm.s32 $0x0;
	[sflag:s0] =	ssyncpa.u1 $0x0;
	s0 =	simm.s32 $0x108  }
0x4: {  	[tilespmem:s0+$0x70] =	vst v0  }
0x5: {  	[tilespmem:s0+$0x60] =	vst v0  }
0x6: {  	[tilespmem:s0+$0x50] =	vst v0  }
0x7: {  	[tilespmem:s0+$0x40] =	vst v0  }
0x8: {  	s1 =	sadd.s32 $0x9E1A00, s2;
	[tilespmem:s0+$0x30] =	vst v0  }
0x9: {  	s15 =	sadd.s32 $0x4EBE00, s2;
	s6 =	sadd.s32 $0x4FFA00, s2;
	[tilespmem:s0+$0x20] =	vst v0  }
0xa: {  	s14 =	sadd.s32 $0x4F5C00, s2;
	s5 =	sand.u32 $0x1, s3;
	s3 =	simm.s32 $0x40;
	[tilespmem:s0+$0x10] =	vst v0  }
.LBB2_1:
0xb: {  	s3 =	sadd.s32 $0x40, s3;
	[tilespmem:s0+$0x0] =	vst v0;
	s0 =	sadd.s32 $0x80, s0  }
0xc: {  	p0 =	slt.u32 s3, $0x3C40;
	[tilespmem:s0+$0x70] =	vst v0  }
0xd: {  	[tilespmem:s0+$0x60] =	vst v0  }
.Ltmp0:
0xe: {  	[tilespmem:s0+$0x50] =	vst v0;
	(pc) =	sbr.rel @p0 .LBB2_1-.Ltmp0, $4  }
0xf: {  	[tilespmem:s0+$0x40] =	vst v0  }
0x10: {  	[tilespmem:s0+$0x30] =	vst v0  }
0x11: {  	[tilespmem:s0+$0x20] =	vst v0  }
0x12: {  	[tilespmem:s0+$0x10] =	vst v0  }
0x13: {  	s9 =	stileid.u32  }
0x14: {  	s2 =	smul.u32 $0x29, s9  }
0x15: {  	s3 =	smin.u32 s9, $0xB  }
0x16: {  	s2 =	sadd.s32 s3, s2  }
0x17: {  	p0 =	slt.u32 s9, $0xB;
	s7 =	smul.u32 $0xF0, s2;
	s2 =	simm.s32 $0x2760  }
0x18: {  	s2 =	simm.s32 @!p0 $0x2670  }
0x19: {  	s2 =	sadd.s32 s2, s7  }
0x1a: {  	s8 =	smin.u32 s2, $0x27100  }
0x1b: {  	s2 =	ssub.s32 s8, s7  }
0x1c: {  	p0 =	sgt.s32 s2, $0x0  }
0x1d: {  	s29 =	simm.s32 $0x2;
	s10 =	simm.s32 $0x9;
	s2 =	simm.s32 @!p0 $0x0  }
0x1e: {  	s4 =	simm.s32 $0xA;
	s11 =	simm.s32 $0xB;
	s28 =	smulhi.u32 $0x88888889, s2  }
0x1f: {  	[dreg:$0x4] =	wrdreg s5;
	s31 =	smul.u32 $0x4E20, s5;
	s12 =	simm.s32 $0x1  }
0x20: {  	s22 =	simm.s32 $0x0;
	s18 =	simm.s32 $0xC;
	s30 =	sshrl.u32 s28, $0x7  }
0x21: {  	s20 =	simm.s32 $0x0;
	s21 =	simm.s32 $0x0;
	s3 =	smul.u32 $0xF0, s30  }
.Ltmp1:
0x22: {  	[tilespmem:s0+$0x0] =	vst v0;
	v0 =	vimm.s32 $0xFFFFFFFF;
	[sflag:s29] =	ssyncpa.u1 $0x0;
	s16 =	sshll.u32 s9, $0x8;
	(pc) =	sbr.rel .LBB2_3-.Ltmp1, $4  }
0x23: {  	[tilespmem:$0xF208] =	vst v0;
	[sflag:s10] =	ssyncpa.u1 $0x0;
	p0 =	sne.s32 s2, s3;
	s2 =	simm.s32 $0x1  }
0x24: {  	s14 =	sadd.s32 s31, s14;
	[sflag:s4] =	ssyncpa.u1 $0x0;
	s2 =	simm.s32 @!p0 $0x0  }
0x25: {  	s15 =	sadd.s32 s31, s15;
	[sflag:s11] =	ssyncpa.u1 $0x0;
	s13 =	sadd.s32 s2, s30  }
0x26: {  	v0 =	vlaneseq.u32;
	s19 =	smov.u32 s7;
	p0 =	por $0x0, $0x0;
	s17 =	sadd.s32 $0x1, s13  }
.LBB2_18:
0x27: {  	s0 =	sshrl.u32 s31, $0x2  }
.LBB2_20:
0x28: {  	_ =	swait.ge [sflag:s18], s0  }
0x29: {  	s31 =	ssub.s32 $0x0, s0;
	v1 =	vmov s24;
	vm0 =	veq.s32 v0, $0x0;
	[sflag:s18] =	ssyncset.done $0x0  }
0x2a: {  	vm15 =	veq.s32 v0, $0x2;
	v1 =	vsel vm0, s30, v1;
	[sflag:s18] =	ssyncadd.s32 s31  }
0x2b: {  	v1 =	vsel vm15, s22, v1;
	[sflag:s18] =	ssyncpa.u1 $0x1  }
0x2c: {  	[tilespmem:$0xF208] =	vst v1  }
.LBB2_21:
0x2d: {  	s0 =	sadd.s32 $0xF0, s19  }
0x2e: {  	s2 =	smov.u32 s7;
	p1 =	slt.s32 s0, s8  }
0x2f: {  	s2 =	smov.u32 @p1 s0;
	p1 =	sne.s32 s21, s17  }
.Ltmp2:
0x30: {  	_ = 	snop;
	(pc) =	sbr.rel @!p1 .LBB2_22-.Ltmp2, $3  }
0x31: {  	_ =	sdelay $0x1  }
0x32: {  	s22 =	smov.u32 s20;
	s31 =	sadd.s32 $0x1, s21;
	s20 =	smov.u32 s19  }
0x33: {  	p0 =	por !p0, !p0;
	s21 =	smov.u32 s31;
	s19 =	smov.u32 s2  }
.LBB2_3:
0x34: {  	p1 =	sge.u32 s21, s13  }
0x35: {  	s0 =	smulhi.u32 @!p1 $0xAAAAAAAB, s21  }
0x36: {  	s2 =	smov.u32 s19;
	p2 =	sgt.s32 @!p1 s19, $0x27010  }
0x37: {  	s3 =	sshra.s32 @!p1 s19, $0x1F;
	p2 =	por !p2, p1;
	s0 =	sshrl.u32 @!p1 s0, $0x1  }
0x38: {  	s3 =	sand.u32 @!p1 s3, s19;
	s2 =	simm.s32 @p2 $0x27010;
	s0 =	smul.u32 @!p1 $0x3, s0  }
0x39: {  	s2 =	ssub.s32 @!p1 s2, s3  }
0x3a: {  	s2 =	sadd.s32 @!p1 $0xFFFD8FF0, s2;
	s0 =	ssub.s32 @!p1 s21, s0  }
0x3b: {  	s3 =	sshll.u32 @!p1 s2, $0x2;
	p2 =	sgt.s32 @!p1 s2, $0xEF;
	s0 =	smul.u32 @!p1 $0x3C0, s0  }
0x3c: {  	s4 =	sand.u32 @!p1 $0x7, s19;
	s2 =	ssub.s32 @!p1 $0x3C0, s3;
	p2 =	por !p2, p1  }
0x3d: {  	s3 =	sshrl.u32 @!p1 s19, $0x3;
	s2 =	sshrl.u32 @!p1 s2, $0x2;
	s0 =	sshrl.u32 @!p1 s0, $0x2  }
0x3e: {  	s3 =	sadd.s32 @!p1 s3, s14;
	s2 =	simm.s32 @!p2 $0x0;
	s0 =	sadd.s32 @!p1 $0x10248, s0  }
0x3f: {  	[tilespmem:s0], [sflag:$0xA] =	stream.linear.gather @!p1 [hbm4b:s3+s4], s2, $0x38;
	[tilespmem:$0x1F6F8] =	vst v63  }
0x40: {  	s0 =	sadd.s32 $0xFFFFFFFF, s21  }
0x41: {  	p1 =	sge.u32 s0, s13  }
0x42: {  	p2 =	sgt.s32 @!p1 s20, $0x27010  }
0x43: {  	s2 =	smov.u32 s20;
	s3 =	sshra.s32 @!p1 s20, $0x1F;
	p2 =	por !p2, p1  }
0x44: {  	s3 =	sand.u32 @!p1 s3, s20;
	s2 =	simm.s32 @p2 $0x27010  }
0x45: {  	s2 =	ssub.s32 @!p1 s2, s3  }
0x46: {  	s2 =	sadd.s32 @!p1 $0xFFFD8FF0, s2  }
0x47: {  	s4 =	sand.u32 @!p1 $0x1, s0;
	s3 =	sshll.u32 @!p1 s2, $0x2  }
0x48: {  	p2 =	sgt.s32 @!p1 s2, $0xEF;
	s2 =	ssub.s32 @!p1 $0x3C0, s3;
	s3 =	smulhi.u32 @!p1 $0xAAAAAAAB, s0  }
0x49: {  	s23 =	smul.u32 @!p1 $0x3C0, s4;
	p2 =	por !p2, p1;
	s2 =	sshrl.u32 @!p1 s2, $0x2  }
0x4a: {  	s5 =	simm.s32 @!p1 $0xA;
	s2 =	simm.s32 @!p2 $0x0;
	s3 =	sshrl.u32 @!p1 s3, $0x1  }
0x4b: {  	s23 =	sshrl.u32 @!p1 s23, $0x2;
	_ =	swait.ge @!p1 [sflag:s5], s2;
	s3 =	smul.u32 @!p1 $0x3, s3  }
0x4c: {  	s23 =	sadd.s32 @!p1 $0x10518, s23;
	s24 =	ssub.s32 @!p1 $0x0, s2;
	[sflag:s5] =	ssyncset.done @!p1 $0x0  }
0x4d: {  	[sflag:s5] =	ssyncadd.s32 @!p1 s24;
	s5 =	sshrl.u32 @!p1 s20, $0x3;
	s0 =	ssub.s32 @!p1 s0, s3  }
0x4e: {  	s24 =	sand.u32 @!p1 $0x7, s20;
	s5 =	sadd.s32 @!p1 s5, s15;
	s0 =	smul.u32 @!p1 $0x3C0, s0  }
0x4f: {  	[tilespmem:s23], [sflag:$0xB] =	stream.linear.gather @!p1 [hbm4b:s5+s24], s2, $0x38;
	[tilespmem:$0x1F6F8] =	vst v63  }
0x50: {  	s3 =	ssub.s32 @!p1 $0x27100, s20;
	s2 =	smul.u32 @!p1 $0x1E000, s4  }
0x51: {  	p2 =	slt.s32 @!p1 s3, $0xF0  }
0x52: {  	p2 =	por !p2, p1;
	s0 =	sshrl.u32 @!p1 s0, $0x2;
	s2 =	sshrl.u32 @!p1 s2, $0x2  }
0x53: {  	s3 =	simm.s32 @p2 $0xF0;
	s0 =	sadd.s32 @!p1 $0x10248, s0;
	s2 =	sor.u32 @!p1 $0x106F8, s2  }
0x54: {  	[tilespmem:s2], [sflag:$0x9] =	stream.indirect.gather @!p1 [hbm4b:s6+s3], $0x80, s0, s3, $0xb8;
	[tilespmem:$0x1F6F8] =	vst v63  }
0x55: {  	p1 =	slt.u32 s21, $0x2  }
.Ltmp3:
0x56: {  	_ = 	snop;
	(pc) =	sbr.rel @p1 .LBB2_21-.Ltmp3, $1  }
0x57: {  	_ =	sdelay $0x3  }
0x58: {  	p1 =	sgt.s32 s22, $0x27010  }
0x59: {  	s0 =	smov.u32 s22;
	s2 =	sshra.s32 s22, $0x1F;
	s3 =	ssub.s32 $0x27100, s22  }
0x5a: {  	s0 =	simm.s32 @!p1 $0x27010;
	s2 =	sand.u32 s2, s22;
	p1 =	slt.s32 s3, $0xF0  }
0x5b: {  	s0 =	ssub.s32 s0, s2;
	s3 =	simm.s32 @!p1 $0xF0  }
0x5c: {  	s0 =	sadd.s32 $0xFFFD8FF0, s0;
	s25 =	sshll.u32 s3, $0x7  }
0x5d: {  	s26 =	sshll.u32 s0, $0x2;
	s2 =	sand.u32 $0x3FFFFF80, s25  }
0x5e: {  	p1 =	sgt.s32 s0, $0xEF;
	s29 =	ssub.s32 $0x3C0, s26;
	_ =	swait.ge [sflag:s10], s2  }
0x5f: {  	s2 =	ssub.s32 $0x0, s2;
	[sflag:s10] =	ssyncset.done $0x0;
	s0 =	sshrl.u32 s29, $0x2  }
0x60: {  	[sflag:s10] =	ssyncadd.s32 s2;
	s0 =	simm.s32 @p1 $0x0  }
0x61: {  	_ =	swait.ge [sflag:s11], s0  }
0x62: {  	s0 =	ssub.s32 $0x0, s0;
	[sflag:s11] =	ssyncset.done $0x0  }
0x63: {  	[sflag:s11] =	ssyncadd.s32 s0  }
0x64: {  	v1 =	vld [tilespmem:$0xF208];
	_ =	sdelay $0x4  }
0x65: {  	(v2sf) =	vpush v1, $0x0  }
0x66: {  	(v2sf) =	vpush v1, $0x1  }
0x67: {  	(v2sf) =	vpush v1, $0x2;
	_ =	sdelay $0x3  }
0x68: {  	s0 =	sadd.s32 $0xF0, s22  }
0x69: {  	s2 =	ssub.s32 $0x4E200, s22;
	p1 =	slt.s32 s8, s0  }
0x6a: {  	s0 =	smov.u32 @p1 s8;
	p1 =	sgt.s32 s2, $0x0  }
0x6b: {  	s26 =	ssub.s32 s0, s22;
	s2 =	simm.s32 @!p1 $0x0  }
0x6c: {  	p1 =	slt.s32 s2, s26  }
0x6d: {  	s26 =	smov.u32 @p1 s2  }
0x6e: {  	s25 =	simm.s32 $0x1;
	p1 =	slt.s32 s26, $0x1  }
.Ltmp4:
0x6f: {  	s25 =	simm.s32 @!p0 $0x0;
	(pc) =	sbr.rel @p1 .LBB2_8-.Ltmp4, $4  }
0x70: {  	s31 =	smul.u32 $0x3C0, s25  }
0x71: {  	s28 =	spop (v2sf)  }
0x72: {  	s0 =	sshrl.u32 s31, $0x2;
	s30 =	spop (v2sf)  }
0x73: {  	s23 =	sadd.s32 $0x10518, s0;
	s22 =	spop (v2sf)  }
0x74: {  	s0 =	smin.u32 s26, $0x10  }
0x75: {  	v1 =	vmov s0  }
0x76: {  	p2 =	sgt.s32 s26, $0x10;
	vm1 =	vgt.u32 v1, v0  }
.Ltmp5:
0x77: {  	_ = 	snop;
	(pc) =	sbr.rel @!p2 .LBB2_7-.Ltmp5, $2  }
0x78: {  	_ =	sdelay $0x2  }
0x79: {  	s4 =	simm.s32 $0x10;
	s24 =	sadd.s32 $0xFFFFFFF0, s26;
	s0 =	smov.u32 s23;
	vm0 =	vmmov vm1  }
.LBB2_6:
0x7a: {  	s2 =	smin.u32 s24, $0x10;
	s4 =	sadd.s32 $0x10, s4;
	v1 =	vld.msk [tilespmem:s0+$0x0 ss:$0x1], vm1  }
0x7b: {  	v2 =	vmov s2;
	p2 =	slt.s32 s4, s26  }
0x7c: {  	vm1 =	vgt.u32 v2, v0  }
.Ltmp6:
0x7d: {  	(pc) =	sbr.rel @p2 .LBB2_6-.Ltmp6, $3  }
0x7e: {  	_ =	sdelay $0x1  }
0x7f: {  	v1 =	vshll.u32 v1, $0x4  }
0x80: {  	s24 =	sadd.s32 $0xFFFFFFF0, s24;
	[tilespmem:s0+$0x0] =	vst.msk vm0, v1;
	s0 =	sadd.s32 $0x10, s0;
	vm0 =	vmmov vm1  }
.LBB2_7:
0x81: {  	_ =	sdelay $0x4  }
0x82: {  	v1 =	vld.msk [tilespmem:s0+$0x0 ss:$0x1], vm1;
	_ =	sdelay $0x4  }
0x83: {  	v1 =	vshll.u32 v1, $0x4  }
0x84: {  	[tilespmem:s0+$0x0] =	vst.msk vm0, v1  }
.LBB2_8:
0x85: {  	s0 =	sand.u32 $0x1, s21  }
0x86: {  	s0 =	smul.u32 $0xF0, s0  }
0x87: {  	p2 =	sne.s32 s30, $0xFFFFFFFF  }
0x88: {  	v1 =	vld.msk @!p2 [tilespmem:s0+$0x10518], $0x1;
	_ =	sdelay $0x4  }
0x89: {  	(v2sf) =	vpush @!p2 v1, $0x0;
	_ =	sdelay $0xc  }
.Ltmp7:
0x8a: {  	_ = 	snop;
	(pc) =	sbr.rel @p1 .LBB2_19-.Ltmp7, $4  }
0x8b: {  	_ = 	snop  }
0x8c: {  	s29 =	spop @!p2 (v2sf)  }
0x8d: {  	s22 =	simm.s32 @!p2 $0x0;
	s24 =	smov.u32 s29  }
0x8e: {  	[sflag:s18] =	ssyncpa.u1 $0x0;
	s29 =	smov.u32 @p2 s28;
	s24 =	smov.u32 @p2 s30  }
0x8f: {  	v1 =	vld.msk [tilespmem:s23+$0x0], $0x1;
	_ =	sdelay $0x4  }
0x90: {  	(v2sf) =	vpush v1, $0x0;
	_ =	sdelay $0xe  }
0x91: {  	s2 =	smul.u32 $0x1E000, s25;
	s0 =	spop (v2sf)  }
0x92: {  	s26 =	ssub.s32 $0x0, s26;
	p1 =	seq.s32 s29, s0  }
0x93: {  	s30 =	sadd.s32 $0x1, s26;
	s2 =	sshrl.u32 s2, $0x2;
	p2 =	sgt.s32 @!p1 s29, $0x0  }
0x94: {  	s25 =	sor.u32 $0x10738, s2;
	s2 =	smov.u32 s29;
	p2 =	por !p2, p1  }
0x95: {  	s2 =	simm.s32 @p2 $0x0;
	p2 =	seq.s32 s30, $0x0  }
.Ltmp8:
0x96: {  	_ = 	snop;
	(pc) =	sbr.rel @p2 .LBB2_11-.Ltmp8, $4  }
0x97: {  	_ = 	snop  }
0x98: {  	s28 =	simm.s32 $0x0;
	s31 =	sadd.s32 $0x1, s23;
	s2 =	smin.u32 @!p1 s2, $0x270F0  }
0x99: {  	s4 =	simm.s32 @!p1 $0x1;
	s5 =	simm.s32 @!p1 $0x7988;
	s3 =	sand.u32 @!p1 $0x3FFF8, s2  }
0x9a: {  	s4 =	smov.u32 @p1 s28;
	s2 =	sand.u32 @!p1 $0x7, s2;
	s3 =	sadd.s32 @!p1 s1, s3  }
.LBB2_10:
0x9b: {  	s9 =	smov.u32 s4  }
0x9c: {  	[tilespmem:s5], [sflag:$0x2] =	stream.linear.gather @!p1 [hbm4b:s3+s2], $0x80, $0x38;
	[tilespmem:$0x1F6F8] =	vst v63  }
0x9d: {  	s30 =	sadd.s32 $0x1, s30;
	s2 =	smov.u32 s0;
	v1 =	vld.msk [tilespmem:s31+$0x0], $0x1  }
0x9e: {  	p2 =	seq.s32 s30, $0x0;
	_ =	sdelay $0x3  }
0x9f: {  	(v2sf) =	vpush v1, $0x0;
	_ =	sdelay $0xe  }
0xa0: {  	s0 =	spop (v2sf)  }
0xa1: {  	p1 =	seq.s32 s2, s0  }
0xa2: {  	p3 =	sgt.s32 @!p1 s2, $0x0;
	s3 =	sshll.u32 @!p1 s4, $0x9;
	s4 =	sadd.s32 @!p1 $0x1, s4  }
.Ltmp9:
0xa3: {  	p3 =	por !p3, p1;
	s3 =	sshra.s32 @!p1 s3, $0x2;
	(pc) =	sbr.rel @!p2 .LBB2_10-.Ltmp9, $4  }
0xa4: {  	s4 =	smov.u32 @p1 s9;
	s2 =	simm.s32 @p3 $0x0;
	s5 =	sadd.s32 @!p1 $0x7988, s3  }
0xa5: {  	s2 =	smin.u32 @!p1 s2, $0x270F0  }
0xa6: {  	s3 =	sand.u32 @!p1 $0x3FFF8, s2;
	s2 =	sand.u32 @!p1 $0x7, s2  }
0xa7: {  	s31 =	sadd.s32 $0x1, s31;
	s3 =	sadd.s32 @!p1 s1, s3  }
.LBB2_11:
0xa8: {  	[tilespmem:s5], [sflag:$0x2] =	stream.linear.gather @!p1 [hbm4b:s3+s2], $0x80, $0x38;
	[tilespmem:$0x1F6F8] =	vst v63  }
.Ltmp10:
0xa9: {  	s0 =	sshll.u32 s4, $0x7;
	(pc) =	sbr.rel .LBB2_12-.Ltmp10, $4  }
0xaa: {  	s30 =	simm.s32 $0x2;
	s0 =	sand.u32 $0x3FFFFF80, s0  }
0xab: {  	_ =	swait.ge [sflag:s30], s0  }
0xac: {  	s0 =	ssub.s32 $0x0, s0;
	[sflag:s30] =	ssyncset.done $0x0  }
0xad: {  	s31 =	simm.s32 $0x0;
	[sflag:s30] =	ssyncadd.s32 s0  }
.LBB2_13:
0xae: {  	v1 =	vld [tilespmem:s25+$0xFFFFFFC0];
	_ =	sdelay $0x3  }
0xaf: {  	s0 =	sshra.s32 s0, $0x2  }
0xb0: {  	[tilespmem:s0+$0x108] =	vst.add.f32.msk $0xffff, v1  }
0xb1: {  	v1 =	vld [tilespmem:s25+$0xFFFFFFD0];
	_ =	sdelay $0x4  }
0xb2: {  	[tilespmem:s0+$0x118] =	vst.add.f32.msk $0xffff, v1  }
0xb3: {  	v1 =	vld [tilespmem:s25+$0xFFFFFFE0];
	_ =	sdelay $0x4  }
0xb4: {  	[tilespmem:s0+$0x128] =	vst.add.f32.msk $0xffff, v1  }
0xb5: {  	v1 =	vld [tilespmem:s25+$0xFFFFFFF0];
	_ =	sdelay $0x4  }
0xb6: {  	[tilespmem:s0+$0x138] =	vst.add.f32.msk $0xffff, v1  }
0xb7: {  	v1 =	vld [tilespmem:s25+$0x0];
	_ =	sdelay $0x4  }
0xb8: {  	[tilespmem:s0+$0x148] =	vst.add.f32.msk $0xffff, v1  }
0xb9: {  	v1 =	vld [tilespmem:s25+$0x10];
	_ =	sdelay $0x4  }
0xba: {  	[tilespmem:s0+$0x158] =	vst.add.f32.msk $0xffff, v1  }
0xbb: {  	v1 =	vld [tilespmem:s25+$0x20];
	_ =	sdelay $0x4  }
0xbc: {  	[tilespmem:s0+$0x168] =	vst.add.f32.msk $0xffff, v1  }
0xbd: {  	v1 =	vld [tilespmem:s25+$0x30];
	_ =	sdelay $0x4  }
0xbe: {  	[tilespmem:s0+$0x178] =	vst.add.f32.msk $0xffff, v1  }
.LBB2_17:
0xbf: {  	s26 =	sadd.s32 $0x1, s26  }
0xc0: {  	p1 =	seq.s32 s26, $0x0  }
.Ltmp11:
0xc1: {  	_ = 	snop;
	(pc) =	sbr.rel @p1 .LBB2_18-.Ltmp11, $2  }
0xc2: {  	_ =	sdelay $0x2  }
0xc3: {  	s23 =	sadd.s32 $0x1, s23;
	s25 =	sadd.s32 $0x80, s25;
	s29 =	smov.u32 s30  }
.LBB2_12:
0xc4: {  	v1 =	vld.msk [tilespmem:s23+$0x0], $0x1;
	_ =	sdelay $0x4  }
0xc5: {  	(v2sf) =	vpush v1, $0x0;
	_ =	sdelay $0xe  }
0xc6: {  	s30 =	spop (v2sf)  }
0xc7: {  	p1 =	sne.s32 s29, s30  }
.Ltmp12:
0xc8: {  	_ = 	snop;
	(pc) =	sbr.rel @!p1 .LBB2_13-.Ltmp12, $2  }
0xc9: {  	_ =	sdelay $0x2  }
0xca: {  	s0 =	sshll.u32 s22, $0x9  }
0xcb: {  	p1 =	seq.s32 s29, s24  }
.Ltmp13:
0xcc: {  	_ = 	snop;
	(pc) =	sbr.rel @!p1 .LBB2_15-.Ltmp13, $1  }
0xcd: {  	_ =	sdelay $0x3  }
0xce: {  	s0 =	sshra.s32 s0, $0x2  }
.Ltmp14:
0xcf: {  	s0 =	sadd.s32 $0x108, s0;
	(pc) =	sbr.rel .LBB2_16-.Ltmp14, $4  }
0xd0: {  	[spmem:s16] =	stream.linear.scatter [tilespmem:s0], [sflag:$0x1], $0x80, $0x38;
	[tilespmem:$0x1F6F8] =	vst v63  }
0xd1: {  	_ =	swait.ge [sflag:s12], $0x80  }
0xd2: {  	[sflag:s12] =	ssyncset.done $0x0  }
0xd3: {  	[sflag:s12] =	ssyncadd.s32 $0xFFFFFF80  }
.LBB2_15:
0xd4: {  	s2 =	sshll.u32 s28, $0x9  }
0xd5: {  	s2 =	sshra.s32 s2, $0x2  }
0xd6: {  	v1 =	vld [tilespmem:s2+$0x7988];
	_ =	sdelay $0x3  }
0xd7: {  	s0 =	sshra.s32 s0, $0x2  }
0xd8: {  	[tilespmem:s0+$0x108] =	vst.add.f32.msk $0xffff, v1  }
0xd9: {  	v1 =	vld [tilespmem:s2+$0x7998];
	_ =	sdelay $0x4  }
0xda: {  	[tilespmem:s0+$0x118] =	vst.add.f32.msk $0xffff, v1  }
0xdb: {  	v1 =	vld [tilespmem:s2+$0x79A8];
	_ =	sdelay $0x4  }
0xdc: {  	[tilespmem:s0+$0x128] =	vst.add.f32.msk $0xffff, v1  }
0xdd: {  	v1 =	vld [tilespmem:s2+$0x79B8];
	_ =	sdelay $0x4  }
0xde: {  	[tilespmem:s0+$0x138] =	vst.add.f32.msk $0xffff, v1  }
0xdf: {  	v1 =	vld [tilespmem:s2+$0x79C8];
	_ =	sdelay $0x4  }
0xe0: {  	[tilespmem:s0+$0x148] =	vst.add.f32.msk $0xffff, v1  }
0xe1: {  	v1 =	vld [tilespmem:s2+$0x79D8];
	_ =	sdelay $0x4  }
0xe2: {  	[tilespmem:s0+$0x158] =	vst.add.f32.msk $0xffff, v1  }
0xe3: {  	v1 =	vld [tilespmem:s2+$0x79E8];
	_ =	sdelay $0x4  }
0xe4: {  	[tilespmem:s0+$0x168] =	vst.add.f32.msk $0xffff, v1  }
0xe5: {  	v1 =	vld [tilespmem:s2+$0x79F8];
	_ =	sdelay $0x2  }
0xe6: {  	p1 =	sgt.u32 s29, $0x270F0  }
0xe7: {  	s2 =	sand.u32 @!p1 $0x3FFF8, s29  }
0xe8: {  	s3 =	sadd.s32 $0x108, s0;
	[tilespmem:s0+$0x178] =	vst.add.f32.msk $0xffff, v1;
	s0 =	sadd.s32 @!p1 s1, s2;
	s2 =	sand.u32 @!p1 $0x7, s29  }
0xe9: {  	[hbm4b:s0+s2] =	stream.linear.scatter @!p1 [tilespmem:s3], [sflag:$0xC], $0x80, $0x38;
	[tilespmem:$0x1F6F8] =	vst v63  }
0xea: {  	s0 =	simm.s32 $0x0  }
0xeb: {  	s0 =	simm.s32 @!p1 $0x200  }
0xec: {  	s31 =	sadd.s32 s0, s31  }
.LBB2_16:
0xed: {  	s0 =	sadd.s32 $0x1, s22  }
0xee: {  	s2 =	smulhi.u32 $0x88888889, s0;
	_ =	sdelay $0x1  }
0xef: {  	v1 =	vld [tilespmem:s25+$0xFFFFFFC0];
	s2 =	sshrl.u32 s2, $0x7  }
0xf0: {  	s2 =	smul.u32 $0xF0, s2;
	_ =	sdelay $0x1  }
0xf1: {  	s22 =	ssub.s32 s0, s2  }
0xf2: {  	s0 =	sshll.u32 s22, $0x7  }
0xf3: {  	[tilespmem:s0+$0x108] =	vst v1  }
0xf4: {  	v1 =	vld [tilespmem:s25+$0xFFFFFFD0];
	_ =	sdelay $0x4  }
0xf5: {  	[tilespmem:s0+$0x118] =	vst v1  }
0xf6: {  	v1 =	vld [tilespmem:s25+$0xFFFFFFE0];
	_ =	sdelay $0x4  }
0xf7: {  	[tilespmem:s0+$0x128] =	vst v1  }
0xf8: {  	v1 =	vld [tilespmem:s25+$0xFFFFFFF0];
	_ =	sdelay $0x4  }
0xf9: {  	[tilespmem:s0+$0x138] =	vst v1  }
0xfa: {  	v1 =	vld [tilespmem:s25+$0x0];
	_ =	sdelay $0x4  }
0xfb: {  	[tilespmem:s0+$0x148] =	vst v1  }
0xfc: {  	v1 =	vld [tilespmem:s25+$0x10];
	_ =	sdelay $0x4  }
0xfd: {  	[tilespmem:s0+$0x158] =	vst v1  }
0xfe: {  	v1 =	vld [tilespmem:s25+$0x20];
	_ =	sdelay $0x4  }
0xff: {  	[tilespmem:s0+$0x168] =	vst v1  }
0x100: {  	v1 =	vld [tilespmem:s25+$0x30]  }
.Ltmp15:
0x101: {  	_ = 	snop;
	(pc) =	sbr.rel .LBB2_17-.Ltmp15, $2  }
0x102: {  	_ =	sdelay $0x2  }
0x103: {  	s28 =	sadd.s32 $0x1, s28;
	[tilespmem:s0+$0x178] =	vst v1  }
.LBB2_19:
.Ltmp16:
0x104: {  	(pc) =	sbr.rel .LBB2_20-.Ltmp16, $4  }
0x105: {  	_ = 	snop  }
0x106: {  	s0 =	simm.s32 $0x2  }
0x107: {  	_ =	swait.ge [sflag:s0], $0x0  }
0x108: {  	s30 =	smov.u32 s29;
	[sflag:s0] =	ssyncset.done $0x0;
	s0 =	simm.s32 $0x0  }
.LBB2_22:
0x109: {  	_ =	sfence.sel $0x180000  }
0x10a: {  	s0 =	simm.s32 $0x9;
	[bflag:$0x0] =	sbarrier.arrive $0xFFFF  }
0x10b: {  	s24 =	simm.s32 $0xA;
	[sflag:s0] =	ssyncpa.u1 $0x1  }
0x10c: {  	s25 =	simm.s32 $0xB;
	[sflag:s24] =	ssyncpa.u1 $0x1  }
0x10d: {  	s26 =	simm.s32 $0x2;
	[sflag:s25] =	ssyncpa.u1 $0x1  }
0x10e: {  	[sflag:s26] =	ssyncpa.u1 $0x1  }
0x10f: {  	v0 =	vld [tilespmem:$0xF208];
	_ =	sdelay $0x4  }
0x110: {  	(v2sf) =	vpush v0, $0x0  }
0x111: {  	(v2sf) =	vpush v0, $0x1;
	_ =	sdelay $0x1  }
0x112: {  	(v2sf) =	vpush v0, $0x2;
	_ =	sdelay $0xb  }
0x113: {  	s0 =	spop (v2sf)  }
0x114: {  	s2 =	spop (v2sf)  }
0x115: {  	s3 =	smov.u32 s0;
	p0 =	sne.s32 s0, s2  }
0x116: {  	s4 =	spop (v2sf);
	s3 =	simm.s32 @!p0 $0xFFFFFFFF  }
0x117: {  	v2 =	vimm.s32 $0x1;
	v3 =	vlaneseq.u32;
	p0 =	seq.s32 s4, $0xFFFFFFFF;
	v1 =	vmov s3  }
0x118: {  	s16 =	stileid.u32;
	v0 =	vperm.xlane v0, v2;
	p1 =	sne.s32 @!p0 s0, s2;
	v1 =	vperm.xlane v1, v3  }
0x119: {  	vm0 =	vcmask $0x3F04;
	s6 =	simm.s32 $0xF208;
	s0 =	simm.s32 @!p0 $0x1;
	p1 =	por !p1, p0  }
0x11a: {  	s3 =	sshll.u32 s16, $0x1;
	s2 =	sshll.u32 @!p0 s4, $0x9;
	s0 =	simm.s32 @p1 $0x0;
	v0 =	vsel vm0, v1, v0  }
0x11b: {  	s5 =	sor.u32 $0x1000, s3;
	s2 =	sshra.s32 @!p0 s2, $0x2;
	s0 =	sor.u32 @!p0 s0, s3;
	[tilespmem:$0xF208] =	vst v0  }
0x11c: {  	[spmem:s5] =	stream.linear.scatter [tilespmem:s6], [sflag:$0x1], $0x2, $0x38;
	[tilespmem:$0x1F6F8] =	vst v63  }
0x11d: {  	s2 =	sadd.s32 @!p0 $0x108, s2;
	s0 =	sshll.u32 @!p0 s0, $0x7  }
0x11e: {  	[spmem:s0] =	stream.linear.scatter @!p0 [tilespmem:s2], [sflag:$0x1], $0x80, $0x38;
	[tilespmem:$0x1F6F8] =	vst v63  }
0x11f: {  	s0 =	simm.s32 @!p0 $0x82  }
0x120: {  	s28 =	simm.s32 $0x1;
	s0 =	simm.s32 @p0 $0x2  }
0x121: {  	_ =	swait.ge [sflag:s28], s0  }
0x122: {  	s0 =	ssub.s32 $0x0, s0;
	[sflag:s28] =	ssyncset.done $0x0  }
0x123: {  	p0 =	sne.s32 s16, $0x0;
	[sflag:s28] =	ssyncadd.s32 s0  }
.Ltmp17:
0x124: {  	_ =	sfence.stream.spmem;
	(pc) =	sbr.rel @p0 .LBB2_39-.Ltmp17, $4  }
0x125: {  	s29 =	simm.s32 $0x3;
	[bflag:$0x0] =	sbarrier.arrive $0xFFFF  }
0x126: {  	s30 =	simm.s32 $0x4;
	[sflag:s29] =	ssyncpa.u1 $0x1  }
0x127: {  	s31 =	simm.s32 $0x3C;
	[sflag:s30] =	ssyncpa.u1 $0x1  }
0x128: {  	s15 =	rddreg [dreg:$0x4];
	[sflag:s31] =	ssyncpa.u1 $0x1  }
0x129: {  	_ =	sfence.stream.spmem;
	s0 =	simm.s32 $0x5  }
0x12a: {  	s2 =	simm.s32 $0x1000;
	s3 =	simm.s32 $0xF218;
	[sflag:s0] =	ssyncpa.u1 $0x0  }
0x12b: {  	[tilespmem:s3], [sflag:$0x5] =	stream.linear.gather [spmem:s2], $0x20, $0x38;
	[tilespmem:$0x1F6F8] =	vst v63  }
0x12c: {  	s26 =	simm.s32 $0x0;
	s28 =	simm.s32 $0xF238  }
0x12d: {  	[tilespmem:s28], [sflag:$0x5] =	stream.linear.gather [spmem:s26], $0x1000, $0x38;
	[tilespmem:$0x1F6F8] =	vst v63  }
0x12e: {  	_ =	swait.ge [sflag:s0], $0x1020  }
0x12f: {  	[sflag:s0] =	ssyncset.done $0x0  }
0x130: {  	s29 =	simm.s32 $0x0;
	[sflag:s0] =	ssyncadd.s32 $0xFFFFEFE0  }
0x131: {  	v0 =	vld.msk [tilespmem:s29+$0xF218], $0x1;
	_ =	sdelay $0x1  }
0x132: {  	s30 =	simm.s32 $0x1  }
0x133: {  	v1 =	vld.msk [tilespmem:s30+$0xF218], $0x1;
	_ =	sdelay $0x1  }
0x134: {  	(v2sf) =	vpush v0, $0x0;
	_ =	sdelay $0x2  }
0x135: {  	(v2sf) =	vpush v1, $0x0;
	_ =	sdelay $0x2  }
0x136: {  	s31 =	simm.s32 $0x2  }
0x137: {  	v0 =	vld.msk [tilespmem:s31+$0xF218], $0x1;
	_ =	sdelay $0x2  }
0x138: {  	s4 =	simm.s32 $0xFFFFFFFF;
	s5 =	simm.s32 $0xFFFFFFFF;
	s0 =	simm.s32 $0xC  }
.LBB2_24:
0x139: {  	s2 =	smov.u32 s5;
	s3 =	smov.u32 s4  }
0x13a: {  	s4 =	sshra.s32 s0, $0x2;
	p1 =	sne.s32 s0, $0x7C;
	s0 =	sadd.s32 $0x4, s0;
	(v2sf) =	vpush v0, $0x0  }
0x13b: {  	v0 =	vld.msk [tilespmem:s4+$0xF218], $0x1  }
.Ltmp18:
0x13c: {  	(pc) =	sbr.rel @p1 .LBB2_24-.Ltmp18, $4  }
0x13d: {  	s5 =	spop (v2sf)  }
0x13e: {  	p2 =	sne.s32 s3, $0xFFFFFFFF;
	s4 =	smov.u32 s5  }
0x13f: {  	p3 =	seq.s32 s5, $0xFFFFFFFF;
	s4 =	smov.u32 @p2 s3  }
0x140: {  	s5 =	smov.u32 @p3 s2;
	s4 =	smov.u32 @p3 s3  }
0x141: {  	(v2sf) =	vpush v0, $0x0;
	_ =	sdelay $0x8  }
0x142: {  	s0 =	spop (v2sf)  }
0x143: {  	p1 =	sne.s32 s4, $0xFFFFFFFF;
	s2 =	smov.u32 s0  }
0x144: {  	s9 =	simm.s32 $0x6;
	p2 =	seq.s32 s0, $0xFFFFFFFF;
	s2 =	smov.u32 @p1 s4  }
0x145: {  	s6 =	simm.s32 $0x0;
	s2 =	smov.u32 @p2 s4;
	s3 =	spop (v2sf)  }
0x146: {  	s0 =	smov.u32 @p2 s5;
	p1 =	sne.s32 s2, $0xFFFFFFFF;
	s4 =	smov.u32 s3  }
.Ltmp19:
0x147: {  	p2 =	seq.s32 s3, $0xFFFFFFFF;
	s4 =	smov.u32 @p1 s2;
	(pc) =	sbr.rel .LBB2_26-.Ltmp19, $4  }
0x148: {  	s10 =	simm.s32 $0xF188;
	s4 =	smov.u32 @p2 s2;
	s7 =	spop (v2sf)  }
0x149: {  	s11 =	simm.s32 $0x0;
	p1 =	sne.s32 s4, $0xFFFFFFFF;
	s8 =	smov.u32 s7  }
0x14a: {  	s3 =	smov.u32 @p2 s0;
	p2 =	seq.s32 s7, $0xFFFFFFFF;
	s8 =	smov.u32 @p1 s4  }
0x14b: {  	[sflag:s9] =	ssyncpa.u1 $0x0;
	s7 =	smov.u32 @p2 s3;
	s8 =	smov.u32 @p2 s4  }
.LBB2_32:
0x14c: {  	p1 =	sgt.u32 s12, $0x270F0  }
0x14d: {  	p2 =	seq.s32 @!p1 s12, s8  }
0x14e: {  	p1 =	por p1, p2  }
0x14f: {  	p2 =	sne.s32 @!p1 s12, s7  }
0x150: {  	p1 =	por p1, !p2  }
0x151: {  	s0 =	sshll.u32 @p1 s11, $0x9  }
0x152: {  	s0 =	sand.u32 @!p1 $0x3FFF8, s12  }
0x153: {  	s2 =	sand.u32 @!p1 $0x7, s12;
	s0 =	sadd.s32 @!p1 s1, s0  }
0x154: {  	[tilespmem:s10], [sflag:$0x6] =	stream.linear.gather @!p1 [hbm4b:s0+s2], $0x80, $0x38;
	[tilespmem:$0x1F6F8] =	vst v63  }
0x155: {  	_ =	swait.ge @!p1 [sflag:s9], $0x80  }
0x156: {  	[sflag:s9] =	ssyncset.done @!p1 $0x0  }
0x157: {  	[sflag:s9] =	ssyncadd.s32 @!p1 $0xFFFFFF80  }
0x158: {  	v1 =	vld @!p1 [tilespmem:$0xF188];
	_ =	sdelay $0x2  }
0x159: {  	s0 =	sshll.u32 @!p1 s11, $0x9  }
0x15a: {  	s2 =	sshrl.u32 @!p1 s0, $0x2  }
0x15b: {  	[tilespmem:s2+$0xF238] =	vst.add.f32.msk @!p1 $0xffff, v1  }
0x15c: {  	v1 =	vld @!p1 [tilespmem:$0xF198];
	_ =	sdelay $0x4  }
0x15d: {  	[tilespmem:s2+$0xF248] =	vst.add.f32.msk @!p1 $0xffff, v1  }
0x15e: {  	v1 =	vld @!p1 [tilespmem:$0xF1A8];
	_ =	sdelay $0x4  }
0x15f: {  	[tilespmem:s2+$0xF258] =	vst.add.f32.msk @!p1 $0xffff, v1  }
0x160: {  	v1 =	vld @!p1 [tilespmem:$0xF1B8];
	_ =	sdelay $0x4  }
0x161: {  	[tilespmem:s2+$0xF268] =	vst.add.f32.msk @!p1 $0xffff, v1  }
0x162: {  	v1 =	vld @!p1 [tilespmem:$0xF1C8];
	_ =	sdelay $0x4  }
0x163: {  	[tilespmem:s2+$0xF278] =	vst.add.f32.msk @!p1 $0xffff, v1  }
0x164: {  	v1 =	vld @!p1 [tilespmem:$0xF1D8];
	_ =	sdelay $0x4  }
0x165: {  	[tilespmem:s2+$0xF288] =	vst.add.f32.msk @!p1 $0xffff, v1  }
0x166: {  	v1 =	vld @!p1 [tilespmem:$0xF1E8];
	_ =	sdelay $0x4  }
0x167: {  	[tilespmem:s2+$0xF298] =	vst.add.f32.msk @!p1 $0xffff, v1  }
0x168: {  	v1 =	vld @!p1 [tilespmem:$0xF1F8];
	_ =	sdelay $0x4  }
0x169: {  	[tilespmem:s2+$0xF2A8] =	vst.add.f32.msk @!p1 $0xffff, v1  }
0x16a: {  	s0 =	sshrl.u32 s0, $0x2;
	[tilespmem:s6+$0xF218] =	vst.msk $0x1, v0  }
0x16b: {  	v0 =	vld [tilespmem:s0+$0xF238];
	_ =	sdelay $0x2  }
0x16c: {  	s31 =	sshll.u32 s6, $0x9  }
0x16d: {  	s2 =	sshra.s32 s31, $0x2  }
0x16e: {  	[tilespmem:s2+$0xF238] =	vst v0  }
0x16f: {  	v0 =	vld [tilespmem:s0+$0xF248];
	_ =	sdelay $0x4  }
0x170: {  	[tilespmem:s2+$0xF248] =	vst v0  }
0x171: {  	v0 =	vld [tilespmem:s0+$0xF258];
	_ =	sdelay $0x4  }
0x172: {  	[tilespmem:s2+$0xF258] =	vst v0  }
0x173: {  	v0 =	vld [tilespmem:s0+$0xF268];
	_ =	sdelay $0x4  }
0x174: {  	[tilespmem:s2+$0xF268] =	vst v0  }
0x175: {  	v0 =	vld [tilespmem:s0+$0xF278];
	_ =	sdelay $0x4  }
0x176: {  	[tilespmem:s2+$0xF278] =	vst v0  }
0x177: {  	v0 =	vld [tilespmem:s0+$0xF288];
	_ =	sdelay $0x4  }
0x178: {  	[tilespmem:s2+$0xF288] =	vst v0  }
0x179: {  	v0 =	vld [tilespmem:s0+$0xF298];
	_ =	sdelay $0x4  }
0x17a: {  	[tilespmem:s2+$0xF298] =	vst v0  }
0x17b: {  	v0 =	vld [tilespmem:s0+$0xF2A8];
	_ =	sdelay $0x4  }
0x17c: {  	s6 =	sadd.s32 $0x1, s6;
	[tilespmem:s2+$0xF2A8] =	vst v0  }
.LBB2_33:
0x17d: {  	s11 =	sadd.s32 $0x1, s11  }
0x17e: {  	p1 =	sne.s32 s11, $0x20  }
.Ltmp20:
0x17f: {  	_ = 	snop;
	(pc) =	sbr.rel @!p1 .LBB2_34-.Ltmp20, $1  }
0x180: {  	_ =	sdelay $0x3  }
.LBB2_26:
0x181: {  	v0 =	vld.msk [tilespmem:s11+$0xF218], $0x1;
	_ =	sdelay $0x4  }
0x182: {  	(v2sf) =	vpush v0, $0x0;
	_ =	sdelay $0xe  }
0x183: {  	s12 =	spop (v2sf)  }
0x184: {  	p1 =	seq.s32 s12, $0xFFFFFFFF  }
.Ltmp21:
0x185: {  	_ = 	snop;
	(pc) =	sbr.rel @p1 .LBB2_33-.Ltmp21, $1  }
0x186: {  	_ =	sdelay $0x3  }
0x187: {  	p1 =	slt.s32 s6, $0x1  }
.Ltmp22:
0x188: {  	_ = 	snop;
	(pc) =	sbr.rel @p1 .LBB2_32-.Ltmp22, $1  }
0x189: {  	_ =	sdelay $0x3  }
0x18a: {  	s13 =	simm.s32 $0xF218;
	p1 =	por $0x0, $0x0  }
0x18b: {  	v1 =	vld.msk @!p1 [tilespmem:s13+$0x0], $0x1;
	_ =	sdelay $0x4  }
0x18c: {  	(v2sf) =	vpush @!p1 v1, $0x0;
	_ =	sdelay $0xd  }
0x18d: {  	p3 =	sne.s32 s6, $0x1  }
.Ltmp23:
0x18e: {  	s0 =	spop @!p1 (v2sf);
	(pc) =	sbr.rel @!p3 .LBB2_30-.Ltmp23, $4  }
0x18f: {  	p2 =	seq.s32 @!p1 s12, s0  }
0x190: {  	s14 =	simm.s32 $0x0;
	p2 =	por !p2, p1  }
0x191: {  	s2 =	simm.s32 $0xFFFFFFFF;
	s14 =	simm.s32 @p2 $0xFFFFFFFF  }
0x192: {  	s0 =	simm.s32 $0x1;
	s14 =	smov.u32 @p1 s2  }
.LBB2_29:
0x193: {  	s2 =	smov.u32 s14;
	p1 =	sne.s32 s14, $0xFFFFFFFF  }
0x194: {  	s13 =	sadd.s32 $0x1, s13;
	s14 =	smov.u32 s0;
	s0 =	sadd.s32 $0x1, s0  }
0x195: {  	p2 =	sne.s32 s6, s0;
	v1 =	vld.msk @!p1 [tilespmem:s13+$0x0], $0x1;
	_ =	sdelay $0x4  }
0x196: {  	(v2sf) =	vpush @!p1 v1, $0x0;
	_ =	sdelay $0xe  }
.Ltmp24:
0x197: {  	s3 =	spop @!p1 (v2sf);
	(pc) =	sbr.rel @p2 .LBB2_29-.Ltmp24, $4  }
0x198: {  	p3 =	seq.s32 @!p1 s12, s3  }
0x199: {  	p3 =	por !p3, p1  }
0x19a: {  	s14 =	simm.s32 @p3 $0xFFFFFFFF  }
0x19b: {  	s14 =	smov.u32 @p1 s2  }
.LBB2_30:
0x19c: {  	p1 =	seq.s32 s14, $0xFFFFFFFF  }
.Ltmp25:
0x19d: {  	_ = 	snop;
	(pc) =	sbr.rel @p1 .LBB2_32-.Ltmp25, $1  }
0x19e: {  	_ =	sdelay $0x3  }
0x19f: {  	s0 =	sshll.u32 s11, $0x7  }
0x1a0: {  	s0 =	sand.u32 $0x3FFFFF80, s0  }
0x1a1: {  	v0 =	vld [tilespmem:s0+$0xF238];
	_ =	sdelay $0x2  }
0x1a2: {  	s2 =	sshll.u32 s14, $0x9  }
0x1a3: {  	s2 =	sshra.s32 s2, $0x2  }
0x1a4: {  	[tilespmem:s2+$0xF238] =	vst.add.f32.msk $0xffff, v0  }
0x1a5: {  	v0 =	vld [tilespmem:s0+$0xF248];
	_ =	sdelay $0x4  }
0x1a6: {  	[tilespmem:s2+$0xF248] =	vst.add.f32.msk $0xffff, v0  }
0x1a7: {  	v0 =	vld [tilespmem:s0+$0xF258];
	_ =	sdelay $0x4  }
0x1a8: {  	[tilespmem:s2+$0xF258] =	vst.add.f32.msk $0xffff, v0  }
0x1a9: {  	v0 =	vld [tilespmem:s0+$0xF268];
	_ =	sdelay $0x4  }
0x1aa: {  	[tilespmem:s2+$0xF268] =	vst.add.f32.msk $0xffff, v0  }
0x1ab: {  	v0 =	vld [tilespmem:s0+$0xF278];
	_ =	sdelay $0x4  }
0x1ac: {  	[tilespmem:s2+$0xF278] =	vst.add.f32.msk $0xffff, v0  }
0x1ad: {  	v0 =	vld [tilespmem:s0+$0xF288];
	_ =	sdelay $0x4  }
0x1ae: {  	[tilespmem:s2+$0xF288] =	vst.add.f32.msk $0xffff, v0  }
0x1af: {  	v0 =	vld [tilespmem:s0+$0xF298];
	_ =	sdelay $0x4  }
0x1b0: {  	[tilespmem:s2+$0xF298] =	vst.add.f32.msk $0xffff, v0  }
0x1b1: {  	v0 =	vld [tilespmem:s0+$0xF2A8]  }
.Ltmp26:
0x1b2: {  	_ = 	snop;
	(pc) =	sbr.rel .LBB2_33-.Ltmp26, $2  }
0x1b3: {  	_ =	sdelay $0x2  }
0x1b4: {  	[tilespmem:s2+$0xF2A8] =	vst.add.f32.msk $0xffff, v0  }
.LBB2_34:
0x1b5: {  	s0 =	simm.s32 $0x6;
	p1 =	seq.s32 s6, $0x0  }
0x1b6: {  	[sflag:s0] =	ssyncpa.u1 $0x1;
	v0 =	vimm.s32 @p1 $0xFFFFFFFF  }
0x1b7: {  	s9 =	sadd.s32 $0xFFFFFFFF, s6;
	[tilespmem:$0x10238] =	vst @p1 v0  }
0x1b8: {  	v0 =	vld.msk @!p1 [tilespmem:s9+$0xF218], $0x1;
	_ =	sdelay $0x1  }
0x1b9: {  	v1 =	vld.msk @!p1 [tilespmem:$0xF218], $0x1;
	_ =	sdelay $0x2  }
0x1ba: {  	p2 =	seq.s32 @!p1 s9, $0x0;
	v0 =	vbroadcast @!p1 v0, $0x0  }
0x1bb: {  	vm0 =	vmmov @!p1 $0x1;
	p2 =	por !p2, p1  }
0x1bc: {  	v1 =	vnsel @!p1 vm0, $0xFFFFFFFF, v1;
	vm0 =	vcmask @!p1 $0x308;
	v0 =	vpsel !p2, $0xFFFFFFFF, v0  }
0x1bd: {  	p2 =	sne.s32 @!p1 s8, s7;
	v0 =	vsel @!p1 vm0, v1, v0  }
0x1be: {  	s0 =	simm.s32 @!p1 $0xF238;
	s2 =	simm.s32 @!p1 $0x0;
	p3 =	por !p2, p1;
	[tilespmem:$0x10238] =	vst @!p1 v0  }
0x1bf: {  	[spmem:s2] =	stream.linear.scatter @!p1 [tilespmem:s0], [sflag:$0x1], $0x80, $0x38;
	[tilespmem:$0x1F6F8] =	vst v63  }
0x1c0: {  	s0 =	sshll.u32 @!p3 s9, $0x9  }
0x1c1: {  	s0 =	sshra.s32 @!p3 s0, $0x2  }
0x1c2: {  	s2 =	simm.s32 @!p3 $0x80;
	s0 =	sadd.s32 @!p3 $0xF238, s0  }
0x1c3: {  	[spmem:s2] =	stream.linear.scatter @!p3 [tilespmem:s0], [sflag:$0x1], $0x80, $0x38;
	[tilespmem:$0x1F6F8] =	vst v63  }
0x1c4: {  	s0 =	simm.s32 @!p3 $0x1  }
0x1c5: {  	_ =	swait.ge @!p3 [sflag:s0], $0x100  }
0x1c6: {  	p1 =	por p2, p1;
	[sflag:s0] =	ssyncset.done @!p3 $0x0  }
0x1c7: {  	[sflag:s0] =	ssyncadd.s32 @!p3 $0xFFFFFF00;
	s0 =	simm.s32 @!p1 $0x1  }
0x1c8: {  	_ =	swait.ge @!p1 [sflag:s0], $0x80  }
0x1c9: {  	s29 =	simm.s32 $0x10238;
	[sflag:s0] =	ssyncset.done @!p1 $0x0  }
0x1ca: {  	s30 =	simm.s32 $0x1000;
	s31 =	simm.s32 $0x1;
	[sflag:s0] =	ssyncadd.s32 @!p1 $0xFFFFFF80  }
0x1cb: {  	[spmem:s30] =	stream.linear.scatter [tilespmem:s29], [sflag:$0x1], $0x10, $0x38;
	[tilespmem:$0x1F6F8] =	vst v63  }
0x1cc: {  	_ =	swait.ge [sflag:s31], $0x10  }
0x1cd: {  	[sflag:s31] =	ssyncset.done $0x0  }
0x1ce: {  	p1 =	seq.s32 s15, $0x0;
	s8 =	rddreg [dreg:$0x1];
	[sflag:s31] =	ssyncadd.s32 $0xFFFFFFF0  }
0x1cf: {  	s2 =	sshll.u32 @p1 s8, $0xE;
	s7 =	rddreg [dreg:$0x2]  }
0x1d0: {  	s0 =	sadd.s32 @p1 $0x15C3C, s2;
	s2 =	sshll.u32 @p1 s7, $0x11  }
0x1d1: {  	_ =	sfence.stream.spmem;
	s0 =	sor.u32 @p1 s2, s0  }
0x1d2: {  	[sflag:s0] =	ssyncadd.remote.s32 @p1 $0x1;
	s0 =	simm.s32 @p1 $0x4  }
0x1d3: {  	s3 =	simm.s32 @!p1 $0x3C;
	s2 =	sand.u32 $0xFFFFFFFE, s8;
	_ =	swait.ge @p1 [sflag:s0], $0x22  }
0x1d4: {  	s4 =	simm.s32 @!p1 $0x0;
	s2 =	sadd.s32 @!p1 $0x4, s2;
	[sflag:s0] =	ssyncset.done @p1 $0x0  }
0x1d5: {  	s5 =	simm.s32 @!p1 $0x100;
	[sflag:s0] =	ssyncadd.s32 @p1 $0xFFFFFFDE;
	s0 =	sshll.u32 @!p1 s2, $0x1A  }
0x1d6: {  	s2 =	sshll.u32 @!p1 s2, $0xD;
	s0 =	sor.u32 @!p1 s0, s7;
	_ =	swait.eq @!p1 [sflag:s3], $0x1  }
0x1d7: {  	s2 =	sor.u32 @!p1 $0x1C04, s2;
	s3 =	simm.s32 @!p1 $0x1C03;
	s0 =	sor.u32 @!p1 $0x80004000, s0  }
0x1d8: {  	[spmem:s5], [sflag:s2] =	dma.general @!p1 [spmem:s4], [sflag:s3], length:$0x20, [dreg:$0x0], stride_count:$0x0, ici_dest:s0, dma_misc:DstOpCode:WRITE  }
0x1d9: {  	p2 =	slt.s32 s9, $0x2;
	s4 =	simm.s32 @!p1 $0x200;
	s5 =	simm.s32 @!p1 $0x202  }
0x1da: {  	[spmem:s5], [sflag:s2] =	dma.general @!p1 [spmem:s4], [sflag:s3], length:$0x2, [dreg:$0x0], stride_count:$0x0, ici_dest:s0, dma_misc:DstOpCode:WRITE  }
.Ltmp27:
0x1db: {  	s0 =	simm.s32 @!p1 $0x3;
	(pc) =	sbr.rel @p2 .LBB2_38-.Ltmp27, $4  }
0x1dc: {  	s2 =	sshll.u32 @!p1 s8, $0xE;
	_ =	swait.ge @!p1 [sflag:s0], $0x22  }
0x1dd: {  	s3 =	sshll.u32 @!p1 s7, $0x11;
	s2 =	sadd.s32 @!p1 $0x11C3C, s2;
	[sflag:s0] =	ssyncset.done @!p1 $0x0  }
0x1de: {  	[sflag:s0] =	ssyncadd.s32 @!p1 $0xFFFFFFDE;
	s0 =	sor.u32 @!p1 s3, s2  }
0x1df: {  	[sflag:s0] =	ssyncadd.remote.s32 @!p1 $0xFFFFFFFF;
	s0 =	simm.s32 $0x0  }
0x1e0: {  	s0 =	simm.s32 $0xF219  }
0x1e1: {  	v0 =	vld.msk [tilespmem:s0+$0x0], $0x1;
	_ =	sdelay $0x4  }
0x1e2: {  	(v2sf) =	vpush v0, $0x0;
	_ =	sdelay $0xb  }
0x1e3: {  	s31 =	sadd.s32 $0xFFFFFFFE, s6  }
0x1e4: {  	s0 =	sadd.s32 $0xFFFFFFFF, s31  }
0x1e5: {  	p2 =	sne.s32 s0, $0x0  }
.Ltmp28:
0x1e6: {  	s2 =	spop (v2sf);
	(pc) =	sbr.rel @!p2 .LBB2_37-.Ltmp28, $4  }
0x1e7: {  	s4 =	simm.s32 $0xF2B8;
	s7 =	simm.s32 $0x0;
	p1 =	sgt.u32 s2, $0x270F0  }
0x1e8: {  	s5 =	simm.s32 $0x0;
	s6 =	simm.s32 $0xF21A;
	s3 =	sand.u32 @!p1 $0x3FFF8, s2  }
0x1e9: {  	s2 =	sand.u32 @!p1 $0x7, s2;
	s7 =	simm.s32 @!p1 $0x200;
	s3 =	sadd.s32 @!p1 s1, s3  }
0x1ea: {  	[hbm4b:s3+s2] =	stream.linear.scatter @!p1 [tilespmem:s4], [sflag:$0x5], $0x80, $0x38;
	[tilespmem:$0x1F6F8] =	vst v63  }
.LBB2_36:
0x1eb: {  	v0 =	vld.msk [tilespmem:s6+$0x0], $0x1;
	s0 =	sadd.s32 $0xFFFFFFFF, s0;
	s5 =	sadd.s32 s5, s7  }
0x1ec: {  	p1 =	sne.s32 s0, $0x0;
	_ =	sdelay $0x3  }
0x1ed: {  	(v2sf) =	vpush v0, $0x0;
	_ =	sdelay $0xe  }
.Ltmp29:
0x1ee: {  	s2 =	spop (v2sf);
	(pc) =	sbr.rel @p1 .LBB2_36-.Ltmp29, $4  }
0x1ef: {  	s7 =	simm.s32 $0x0;
	p2 =	sgt.u32 s2, $0x270F0  }
0x1f0: {  	s4 =	sadd.s32 $0x80, s4;
	s7 =	simm.s32 @!p2 $0x200;
	s3 =	sand.u32 @!p2 $0x3FFF8, s2  }
0x1f1: {  	s6 =	sadd.s32 $0x1, s6;
	s2 =	sand.u32 @!p2 $0x7, s2;
	s3 =	sadd.s32 @!p2 s1, s3  }
0x1f2: {  	[hbm4b:s3+s2] =	stream.linear.scatter @!p2 [tilespmem:s4], [sflag:$0x5], $0x80, $0x38;
	[tilespmem:$0x1F6F8] =	vst v63  }
.LBB2_37:
0x1f3: {  	s0 =	sadd.s32 s5, s7  }
0x1f4: {  	s0 =	sshrl.u32 s0, $0x2  }
.LBB2_38:
0x1f5: {  	s2 =	simm.s32 $0x5  }
0x1f6: {  	_ =	swait.ge [sflag:s2], s0  }
0x1f7: {  	s31 =	ssub.s32 $0x0, s0;
	[sflag:s2] =	ssyncset.done $0x0  }
0x1f8: {  	[sflag:s2] =	ssyncadd.s32 s31  }
0x1f9: {  	[sflag:s2] =	ssyncpa.u1 $0x1  }
.LBB2_39:
0x1fa: {  	s0 =	sor.u32 s15, s16  }
0x1fb: {  	p1 =	sne.s32 s0, $0x0  }
.Ltmp30:
0x1fc: {  	_ = 	snop;
	(pc) =	sbr.rel @p1 .LBB2_54-.Ltmp30, $3  }
0x1fd: {  	_ =	sdelay $0x1  }
0x1fe: {  	[bflag:$0x0] =	sbarrier.arrive $0xFFFF  }
0x1ff: {  	_ =	sfence  }
0x200: {  	s0 =	simm.s32 $0x7  }
0x201: {  	s2 =	simm.s32 $0x1000;
	s3 =	simm.s32 $0xF218;
	[sflag:s0] =	ssyncpa.u1 $0x0  }
0x202: {  	[tilespmem:s3], [sflag:$0x7] =	stream.linear.gather [spmem:s2], $0x20, $0x38;
	[tilespmem:$0x1F6F8] =	vst v63  }
0x203: {  	s30 =	simm.s32 $0xF238;
	s2 =	simm.s32 $0x0  }
0x204: {  	[tilespmem:s30], [sflag:$0x7] =	stream.linear.gather [spmem:s2], $0x1000, $0x38;
	[tilespmem:$0x1F6F8] =	vst v63  }
.Ltmp31:
0x205: {  	_ = 	snop;
	(pc) =	sbr.rel .LBB2_41-.Ltmp31, $4  }
0x206: {  	_ =	swait.ge [sflag:s0], $0x1020  }
0x207: {  	[sflag:s0] =	ssyncset.done $0x0  }
0x208: {  	s31 =	simm.s32 $0x8;
	[sflag:s0] =	ssyncadd.s32 $0xFFFFEFE0  }
0x209: {  	s3 =	simm.s32 $0x0;
	[sflag:s31] =	ssyncpa.u1 $0x0  }
.LBB2_47:
0x20a: {  	p1 =	slt.u32 s4, $0x270F1  }
0x20b: {  	s0 =	sand.u32 @p1 $0x3FFF8, s4  }
0x20c: {  	s4 =	sand.u32 @p1 $0x7, s4;
	s5 =	simm.s32 @p1 $0xF188;
	s0 =	sadd.s32 @p1 s1, s0  }
0x20d: {  	[tilespmem:s5], [sflag:$0x8] =	stream.linear.gather @p1 [hbm4b:s0+s4], $0x80, $0x38;
	[tilespmem:$0x1F6F8] =	vst v63  }
0x20e: {  	s0 =	simm.s32 @p1 $0x8  }
0x20f: {  	_ =	swait.ge @p1 [sflag:s0], $0x80  }
0x210: {  	[sflag:s0] =	ssyncset.done @p1 $0x0  }
0x211: {  	[sflag:s0] =	ssyncadd.s32 @p1 $0xFFFFFF80  }
0x212: {  	v1 =	vld @p1 [tilespmem:$0xF188];
	_ =	sdelay $0x2  }
0x213: {  	s0 =	sshll.u32 @p1 s3, $0x9  }
0x214: {  	s4 =	sshrl.u32 @p1 s0, $0x2  }
0x215: {  	[tilespmem:s4+$0xF238] =	vst.add.f32.msk @p1 $0xffff, v1  }
0x216: {  	v1 =	vld @p1 [tilespmem:$0xF198];
	_ =	sdelay $0x4  }
0x217: {  	[tilespmem:s4+$0xF248] =	vst.add.f32.msk @p1 $0xffff, v1  }
0x218: {  	v1 =	vld @p1 [tilespmem:$0xF1A8];
	_ =	sdelay $0x4  }
0x219: {  	[tilespmem:s4+$0xF258] =	vst.add.f32.msk @p1 $0xffff, v1  }
0x21a: {  	v1 =	vld @p1 [tilespmem:$0xF1B8];
	_ =	sdelay $0x4  }
0x21b: {  	[tilespmem:s4+$0xF268] =	vst.add.f32.msk @p1 $0xffff, v1  }
0x21c: {  	v1 =	vld @p1 [tilespmem:$0xF1C8];
	_ =	sdelay $0x4  }
0x21d: {  	[tilespmem:s4+$0xF278] =	vst.add.f32.msk @p1 $0xffff, v1  }
0x21e: {  	v1 =	vld @p1 [tilespmem:$0xF1D8];
	_ =	sdelay $0x4  }
0x21f: {  	[tilespmem:s4+$0xF288] =	vst.add.f32.msk @p1 $0xffff, v1  }
0x220: {  	v1 =	vld @p1 [tilespmem:$0xF1E8];
	_ =	sdelay $0x4  }
0x221: {  	[tilespmem:s4+$0xF298] =	vst.add.f32.msk @p1 $0xffff, v1  }
0x222: {  	v1 =	vld @p1 [tilespmem:$0xF1F8];
	_ =	sdelay $0x3  }
0x223: {  	s5 =	sshll.u32 @!p1 s3, $0x9  }
0x224: {  	s5 =	smov.u32 @p1 s0;
	[tilespmem:s4+$0xF2A8] =	vst.add.f32.msk @p1 $0xffff, v1  }
0x225: {  	s0 =	sshrl.u32 s5, $0x2;
	[tilespmem:s2+$0xF218] =	vst.msk $0x1, v0  }
0x226: {  	v0 =	vld [tilespmem:s0+$0xF238];
	_ =	sdelay $0x2  }
0x227: {  	s31 =	sshll.u32 s2, $0x9  }
0x228: {  	s4 =	sshra.s32 s31, $0x2  }
0x229: {  	[tilespmem:s4+$0xF238] =	vst v0  }
0x22a: {  	v0 =	vld [tilespmem:s0+$0xF248];
	_ =	sdelay $0x4  }
0x22b: {  	[tilespmem:s4+$0xF248] =	vst v0  }
0x22c: {  	v0 =	vld [tilespmem:s0+$0xF258];
	_ =	sdelay $0x4  }
0x22d: {  	[tilespmem:s4+$0xF258] =	vst v0  }
0x22e: {  	v0 =	vld [tilespmem:s0+$0xF268];
	_ =	sdelay $0x4  }
0x22f: {  	[tilespmem:s4+$0xF268] =	vst v0  }
0x230: {  	v0 =	vld [tilespmem:s0+$0xF278];
	_ =	sdelay $0x4  }
0x231: {  	[tilespmem:s4+$0xF278] =	vst v0  }
0x232: {  	v0 =	vld [tilespmem:s0+$0xF288];
	_ =	sdelay $0x4  }
0x233: {  	[tilespmem:s4+$0xF288] =	vst v0  }
0x234: {  	v0 =	vld [tilespmem:s0+$0xF298];
	_ =	sdelay $0x4  }
0x235: {  	[tilespmem:s4+$0xF298] =	vst v0  }
0x236: {  	v0 =	vld [tilespmem:s0+$0xF2A8];
	_ =	sdelay $0x4  }
0x237: {  	s2 =	sadd.s32 $0x1, s2;
	[tilespmem:s4+$0xF2A8] =	vst v0  }
.LBB2_48:
0x238: {  	s3 =	sadd.s32 $0x1, s3  }
0x239: {  	p1 =	sne.s32 s3, $0x20  }
.Ltmp32:
0x23a: {  	_ = 	snop;
	(pc) =	sbr.rel @!p1 .LBB2_49-.Ltmp32, $1  }
0x23b: {  	_ =	sdelay $0x3  }
.LBB2_41:
0x23c: {  	v0 =	vld.msk [tilespmem:s3+$0xF218], $0x1;
	_ =	sdelay $0x4  }
0x23d: {  	(v2sf) =	vpush v0, $0x0;
	_ =	sdelay $0xe  }
0x23e: {  	s4 =	spop (v2sf)  }
0x23f: {  	p1 =	seq.s32 s4, $0xFFFFFFFF  }
.Ltmp33:
0x240: {  	_ = 	snop;
	(pc) =	sbr.rel @p1 .LBB2_48-.Ltmp33, $1  }
0x241: {  	_ =	sdelay $0x3  }
0x242: {  	p1 =	slt.s32 s2, $0x1  }
.Ltmp34:
0x243: {  	_ = 	snop;
	(pc) =	sbr.rel @p1 .LBB2_47-.Ltmp34, $1  }
0x244: {  	_ =	sdelay $0x3  }
0x245: {  	s5 =	simm.s32 $0xF218;
	p1 =	por $0x0, $0x0  }
0x246: {  	v1 =	vld.msk @!p1 [tilespmem:s5+$0x0], $0x1;
	_ =	sdelay $0x4  }
0x247: {  	(v2sf) =	vpush @!p1 v1, $0x0;
	_ =	sdelay $0xd  }
0x248: {  	p3 =	sne.s32 s2, $0x1  }
.Ltmp35:
0x249: {  	s0 =	spop @!p1 (v2sf);
	(pc) =	sbr.rel @!p3 .LBB2_45-.Ltmp35, $4  }
0x24a: {  	p2 =	seq.s32 @!p1 s4, s0  }
0x24b: {  	s6 =	simm.s32 $0x0;
	p2 =	por !p2, p1  }
0x24c: {  	s7 =	simm.s32 $0xFFFFFFFF;
	s6 =	simm.s32 @p2 $0xFFFFFFFF  }
0x24d: {  	s0 =	simm.s32 $0x1;
	s6 =	smov.u32 @p1 s7  }
.LBB2_44:
0x24e: {  	s7 =	smov.u32 s6;
	p1 =	sne.s32 s6, $0xFFFFFFFF  }
0x24f: {  	s5 =	sadd.s32 $0x1, s5;
	s6 =	smov.u32 s0;
	s0 =	sadd.s32 $0x1, s0  }
0x250: {  	p2 =	sne.s32 s2, s0;
	v1 =	vld.msk @!p1 [tilespmem:s5+$0x0], $0x1;
	_ =	sdelay $0x4  }
0x251: {  	(v2sf) =	vpush @!p1 v1, $0x0;
	_ =	sdelay $0xe  }
.Ltmp36:
0x252: {  	s8 =	spop @!p1 (v2sf);
	(pc) =	sbr.rel @p2 .LBB2_44-.Ltmp36, $4  }
0x253: {  	p3 =	seq.s32 @!p1 s4, s8  }
0x254: {  	p3 =	por !p3, p1  }
0x255: {  	s6 =	simm.s32 @p3 $0xFFFFFFFF  }
0x256: {  	s6 =	smov.u32 @p1 s7  }
.LBB2_45:
0x257: {  	p1 =	seq.s32 s6, $0xFFFFFFFF  }
.Ltmp37:
0x258: {  	_ = 	snop;
	(pc) =	sbr.rel @p1 .LBB2_47-.Ltmp37, $1  }
0x259: {  	_ =	sdelay $0x3  }
0x25a: {  	s0 =	sshll.u32 s3, $0x7  }
0x25b: {  	s0 =	sand.u32 $0x3FFFFF80, s0  }
0x25c: {  	v0 =	vld [tilespmem:s0+$0xF238];
	_ =	sdelay $0x2  }
0x25d: {  	s4 =	sshll.u32 s6, $0x9  }
0x25e: {  	s4 =	sshra.s32 s4, $0x2  }
0x25f: {  	[tilespmem:s4+$0xF238] =	vst.add.f32.msk $0xffff, v0  }
0x260: {  	v0 =	vld [tilespmem:s0+$0xF248];
	_ =	sdelay $0x4  }
0x261: {  	[tilespmem:s4+$0xF248] =	vst.add.f32.msk $0xffff, v0  }
0x262: {  	v0 =	vld [tilespmem:s0+$0xF258];
	_ =	sdelay $0x4  }
0x263: {  	[tilespmem:s4+$0xF258] =	vst.add.f32.msk $0xffff, v0  }
0x264: {  	v0 =	vld [tilespmem:s0+$0xF268];
	_ =	sdelay $0x4  }
0x265: {  	[tilespmem:s4+$0xF268] =	vst.add.f32.msk $0xffff, v0  }
0x266: {  	v0 =	vld [tilespmem:s0+$0xF278];
	_ =	sdelay $0x4  }
0x267: {  	[tilespmem:s4+$0xF278] =	vst.add.f32.msk $0xffff, v0  }
0x268: {  	v0 =	vld [tilespmem:s0+$0xF288];
	_ =	sdelay $0x4  }
0x269: {  	[tilespmem:s4+$0xF288] =	vst.add.f32.msk $0xffff, v0  }
0x26a: {  	v0 =	vld [tilespmem:s0+$0xF298];
	_ =	sdelay $0x4  }
0x26b: {  	[tilespmem:s4+$0xF298] =	vst.add.f32.msk $0xffff, v0  }
0x26c: {  	v0 =	vld [tilespmem:s0+$0xF2A8]  }
.Ltmp38:
0x26d: {  	_ = 	snop;
	(pc) =	sbr.rel .LBB2_48-.Ltmp38, $2  }
0x26e: {  	_ =	sdelay $0x2  }
0x26f: {  	[tilespmem:s4+$0xF2A8] =	vst.add.f32.msk $0xffff, v0  }
.LBB2_49:
0x270: {  	p1 =	slt.s32 s2, $0x1  }
.Ltmp39:
0x271: {  	_ = 	snop;
	(pc) =	sbr.rel @p1 .LBB2_53-.Ltmp39, $3  }
0x272: {  	_ =	sdelay $0x1  }
0x273: {  	s0 =	simm.s32 $0x8  }
0x274: {  	s3 =	simm.s32 $0x0;
	[sflag:s0] =	ssyncpa.u1 $0x1  }
0x275: {  	s0 =	simm.s32 $0xF218  }
0x276: {  	v0 =	vld.msk [tilespmem:s0+$0x0], $0x1;
	_ =	sdelay $0x4  }
0x277: {  	(v2sf) =	vpush v0, $0x0;
	_ =	sdelay $0xe  }
0x278: {  	s0 =	sadd.s32 $0xFFFFFFFF, s2;
	s5 =	spop (v2sf)  }
0x279: {  	p2 =	sne.s32 s0, $0x0;
	p1 =	sgt.u32 s5, $0x270F0  }
.Ltmp40:
0x27a: {  	s6 =	sand.u32 @!p1 $0x3FFF8, s5;
	(pc) =	sbr.rel @!p2 .LBB2_52-.Ltmp40, $4  }
0x27b: {  	s4 =	simm.s32 $0xF238;
	s5 =	sand.u32 @!p1 $0x7, s5;
	s2 =	sadd.s32 @!p1 s1, s6  }
0x27c: {  	[hbm4b:s2+s5] =	stream.linear.scatter @!p1 [tilespmem:s4], [sflag:$0x7], $0x80, $0x38;
	[tilespmem:$0x1F6F8] =	vst v63  }
0x27d: {  	s5 =	simm.s32 $0x0  }
0x27e: {  	s2 =	simm.s32 $0xF219;
	s5 =	simm.s32 @!p1 $0x200  }
.LBB2_51:
0x27f: {  	v0 =	vld.msk [tilespmem:s2+$0x0], $0x1;
	s0 =	sadd.s32 $0xFFFFFFFF, s0;
	s3 =	sadd.s32 s3, s5  }
0x280: {  	p1 =	sne.s32 s0, $0x0;
	_ =	sdelay $0x3  }
0x281: {  	(v2sf) =	vpush v0, $0x0;
	_ =	sdelay $0xe  }
.Ltmp41:
0x282: {  	s6 =	spop (v2sf);
	(pc) =	sbr.rel @p1 .LBB2_51-.Ltmp41, $4  }
0x283: {  	s5 =	simm.s32 $0x0;
	p2 =	sgt.u32 s6, $0x270F0  }
0x284: {  	s4 =	sadd.s32 $0x80, s4;
	s5 =	simm.s32 @!p2 $0x200;
	s7 =	sand.u32 @!p2 $0x3FFF8, s6  }
0x285: {  	s2 =	sadd.s32 $0x1, s2;
	s6 =	sand.u32 @!p2 $0x7, s6;
	s7 =	sadd.s32 @!p2 s1, s7  }
0x286: {  	[hbm4b:s7+s6] =	stream.linear.scatter @!p2 [tilespmem:s4], [sflag:$0x7], $0x80, $0x38;
	[tilespmem:$0x1F6F8] =	vst v63  }
.LBB2_52:
0x287: {  	s0 =	sadd.s32 s3, s5  }
0x288: {  	s3 =	sshrl.u32 s0, $0x2  }
.LBB2_53:
0x289: {  	s0 =	simm.s32 $0x7  }
0x28a: {  	_ =	swait.ge [sflag:s0], s3  }
0x28b: {  	s1 =	ssub.s32 $0x0, s3;
	[sflag:s0] =	ssyncset.done $0x0  }
0x28c: {  	[sflag:s0] =	ssyncadd.s32 s1  }
0x28d: {  	[sflag:s0] =	ssyncpa.u1 $0x1  }
.LBB2_54:
0x28e: {  	_ =	sfence;
	s0 =	simm.s32 $0x1  }
0x28f: {  	[sflag:s0] =	ssyncpa.u1 $0x1  }
0x290: {  	_ =	strace $0x9000005C  }
0x291: {  	[bflag:$0x2] =	sbarrier.arrive $0xFFFF  }
0x292: {  	s0 =	rddreg [dreg:$0x3]  }
0x293: {  	s0 =	sadd.s32 @!p0 $0x100000, s0  }
0x294: {  	[sflag:s0] =	ssyncadd.tile.s32 @!p0 $0x1;
	_ =	shalt  }
.Lfunc_end2:
_tile_overlayer_lowered:
.L_overlay_start_2:
0x295: {  	(tag) =	ssettag $0x2  }
0x296: {  	s0 =	rddreg [dreg:$0x0];
	s2 =	stileid.u32  }
0x297: {  	s1 =	rddreg [dreg:$0x1];
	p0 =	sne.s32 s2, $0x0  }
0x298: {  	s3 =	rddreg [dreg:$0x2];
	[bflag:$0x3] =	sbarrier.arrive $0xFFFF;
	s2 =	simm.s32 @!p0 $0x1C01  }
0x299: {  	[timem:s3], [sflag:s2] =	dma.local @!p0 [hbm:s0], s1  }
0x29a: {  	s0 =	simm.s32 @!p0 $0x1  }
0x29b: {  	_ =	swait.ge @!p0 [sflag:s0], s1  }
0x29c: {  	s1 =	ssub.s32 @!p0 $0x0, s1;
	[sflag:s0] =	ssyncset.done @!p0 $0x0  }
0x29d: {  	[sflag:s0] =	ssyncadd.s32 @!p0 s1  }
0x29e: {  	[bflag:$0x3] =	sbarrier.arrive $0xFFFF  }
0x29f: {  	_ =	shalt  }

// kernel: scatter_offload_async_start.5
scs
__scs_entry_jumppad:
0x0: {  	(pc) =	sbr.rel $0x88, $3  }
0x1: {  	(tag) =	ssettag $0x0;
	lr =	simm.s32 $0x1  }
0x2: {  	[smem:$0x3F8B] =	sst lr;
	_ =	strace $0xD0000000  }
0x3: {  	_ = 	snop  }
0x4: {  	_ = 	snop  }
0x5: {  	_ = 	snop  }
0x6: {  	_ = 	snop  }
0x7: {  	_ = 	snop  }
__scs_overlays_trampoline_lowered:
0x8: {  	[smem:$0x3F9A] =	sst s0  }
0x9: {  	[smem:$0x3F9B] =	sst s1  }
0xa: {  	[smem:$0x3F9C] =	sst s2  }
0xb: {  	[smem:$0x3F9D] =	sst s3  }
0xc: {  	[smem:$0x3F9E] =	sst s4  }
0xd: {  	[smem:$0x3F9F] =	sst s5  }
0xe: {  	[smem:$0x3FA0] =	sst s6  }
0xf: {  	[smem:$0x3FA1] =	sst s7  }
0x10: {  	[smem:$0x3FA2] =	sst s8  }
0x11: {  	[smem:$0x3FA3] =	sst s9;
	s0 =	simm.s32 @!p0 $0x0  }
0x12: {  	s1 =	sld [smem:$0x3F89];
	s0 =	simm.s32 @p0 $0x1  }
0x13: {  	[smem:$0x3FA4] =	sst s0;
	s0 =	simm.s32 @!p1 $0x0  }
0x14: {  	s2 =	sld [smem:$0x3F88];
	s0 =	simm.s32 @p1 $0x1  }
0x15: {  	[smem:$0x3FA5] =	sst s0;
	s0 =	simm.s32 @!p2 $0x0  }
0x16: {  	s3 =	sld [smem:$0x3FDB];
	s0 =	simm.s32 @p2 $0x1  }
0x17: {  	s4 =	simm.s32 $0x1BF5;
	[smem:$0x3FA7] =	sst s0  }
0x18: {  	s0 =	sld [smem:$0x3F8A];
	_ =	swait.ge [sflag:s4], $0x0  }
0x19: {  	s7 =	sld [smem:$0x3F8B]  }
0x1a: {  	s8 =	sadd.s32 $0xFFFFE003, lr  }
0x1b: {  	s9 =	sadd.s32 $0xFFFFFEF7, lr;
	s5 =	simm.s32 $0xFFFFFFFF;
	p2 =	slt.u32 s8, $0xFFFFF086  }
0x1c: {  	p1 =	slt.u32 s9, $0xF7A;
	s5 =	simm.s32 @!p2 $0x0  }
0x1d: {  	s5 =	simm.s32 @p1 $0x1;
	p0 =	seq.s32 s7, s2  }
0x1e: {  	s7 =	smul.u32 @!p0 $0xF7A, s2;
	p2 =	seq.s32 @!p0 s5, $0x0  }
0x1f: {  	s9 =	smul.u32 $0xF7A, s1;
	s8 =	simm.s32 @!p0 $0x1BF5;
	p2 =	por !p2, p0  }
0x20: {  	[sflag:s8] =	ssyncset.s32 @!p0 $0xFFFFF086;
	s6 =	sadd.s32 @!p0 s3, s7;
	s7 =	simm.s32 @!p0 $0x108  }
0x21: {  	s3 =	sadd.s32 s3, s9;
	s6 =	sadd.s32 @!p0 $0x88, s6;
	s7 =	simm.s32 @p2 $0x1082  }
0x22: {  	[simem:s7], [sflag:s8] =	dma.local @!p0 [hbm:s6], $0xF7A  }
0x23: {  	s9 =	sor.u32 $0xD0000000, s2;
	s6 =	simm.s32 $0x108;
	_ =	swait.ge @!p0 [sflag:s8], $0x0  }
0x24: {  	s3 =	sadd.s32 $0x88, s3;
	s6 =	simm.s32 @!p1 $0x1082;
	[sflag:s4] =	ssyncset.s32 $0xFFFFF086  }
0x25: {  	[simem:s6], [sflag:s4] =	dma.local [hbm:s3], $0xF7A  }
0x26: {  	[smem:$0x3F8B] =	sst s1;
	(tag) =	ssettag s2;
	_ =	strace s9  }
0x27: {  	s1 =	sld [smem:$0x3F9B]  }
0x28: {  	s2 =	sld [smem:$0x3F9C]  }
0x29: {  	s4 =	sld [smem:$0x3F9E]  }
0x2a: {  	p0 =	seq.s32 s5, $0x0;
	s5 =	sld [smem:$0x3F9F]  }
0x2b: {  	s6 =	sld [smem:$0x3FA0]  }
0x2c: {  	s7 =	sld [smem:$0x3FA1]  }
0x2d: {  	s3 =	simm.s32 $0x108;
	s8 =	sld [smem:$0x3FA2]  }
0x2e: {  	s3 =	simm.s32 @!p0 $0x1082;
	s9 =	sld [smem:$0x3FA3]  }
0x2f: {  	lr =	sadd.s32 s0, s3;
	s0 =	sld [smem:$0x3F9A]  }
0x30: {  	s3 =	sld [smem:$0x3F9D]  }
0x31: {  	[smem:$0x3FA6] =	sst s10  }
0x32: {  	s10 =	sld [smem:$0x3FA4];
	_ =	sdelay $0x3  }
0x33: {  	p0 =	seq.s32 s10, $0x1;
	s10 =	sld [smem:$0x3FA6];
	_ =	sdelay $0x3  }
0x34: {  	[smem:$0x3FA6] =	sst s10  }
0x35: {  	s10 =	sld [smem:$0x3FA5];
	_ =	sdelay $0x3  }
0x36: {  	p1 =	seq.s32 s10, $0x1;
	s10 =	sld [smem:$0x3FA6];
	_ =	sdelay $0x3  }
0x37: {  	[smem:$0x3FA6] =	sst s10  }
0x38: {  	s10 =	sld [smem:$0x3FA7]  }
0x39: {  	_ = 	snop;
	(pc) =	sbr.ind lr, $3  }
0x3a: {  	_ = 	snop  }
0x3b: {  	_ = 	snop  }
0x3c: {  	p2 =	seq.s32 s10, $0x1;
	s10 =	sld [smem:$0x3FA6]  }
0x3d: {  	_ =	shalt  }
0x3e: {  	_ =	shalt  }
0x3f: {  	_ =	shalt  }
0x40: {  	_ =	shalt  }
0x41: {  	_ =	shalt  }
0x42: {  	_ =	shalt  }
0x43: {  	_ =	shalt  }
0x44: {  	_ =	shalt  }
0x45: {  	_ =	shalt  }
0x46: {  	_ =	shalt  }
0x47: {  	_ =	shalt  }
0x48: {  	_ =	shalt  }
0x49: {  	_ =	shalt  }
0x4a: {  	_ =	shalt  }
0x4b: {  	_ =	shalt  }
0x4c: {  	_ =	shalt  }
0x4d: {  	_ =	shalt  }
0x4e: {  	_ =	shalt  }
0x4f: {  	_ =	shalt  }
0x50: {  	_ =	shalt  }
0x51: {  	_ =	shalt  }
0x52: {  	_ =	shalt  }
0x53: {  	_ =	shalt  }
0x54: {  	_ =	shalt  }
0x55: {  	_ =	shalt  }
0x56: {  	_ =	shalt  }
0x57: {  	_ =	shalt  }
0x58: {  	_ =	shalt  }
0x59: {  	_ =	shalt  }
0x5a: {  	_ =	shalt  }
0x5b: {  	_ =	shalt  }
0x5c: {  	_ =	shalt  }
0x5d: {  	_ =	shalt  }
0x5e: {  	_ =	shalt  }
0x5f: {  	_ =	shalt  }
0x60: {  	_ =	shalt  }
0x61: {  	_ =	shalt  }
0x62: {  	_ =	shalt  }
0x63: {  	_ =	shalt  }
0x64: {  	_ =	shalt  }
0x65: {  	_ =	shalt  }
0x66: {  	_ =	shalt  }
0x67: {  	_ =	shalt  }
0x68: {  	_ =	shalt  }
0x69: {  	_ =	shalt  }
0x6a: {  	_ =	shalt  }
0x6b: {  	_ =	shalt  }
0x6c: {  	_ =	shalt  }
0x6d: {  	_ =	shalt  }
0x6e: {  	_ =	shalt  }
0x6f: {  	_ =	shalt  }
0x70: {  	_ =	shalt  }
0x71: {  	_ =	shalt  }
0x72: {  	_ =	shalt  }
0x73: {  	_ =	shalt  }
0x74: {  	_ =	shalt  }
0x75: {  	_ =	shalt  }
0x76: {  	_ =	shalt  }
0x77: {  	_ =	shalt  }
0x78: {  	_ =	shalt  }
0x79: {  	_ =	shalt  }
0x7a: {  	_ =	shalt  }
0x7b: {  	_ =	shalt  }
0x7c: {  	_ =	shalt  }
0x7d: {  	_ =	shalt  }
0x7e: {  	_ =	shalt  }
0x7f: {  	_ =	shalt  }
0x80: {  	_ =	shalt  }
0x81: {  	_ =	shalt  }
0x82: {  	_ =	shalt  }
0x83: {  	_ =	shalt  }
0x84: {  	_ =	shalt  }
0x85: {  	_ =	shalt  }
0x86: {  	_ =	shalt  }
0x87: {  	_ =	shalt  }
.Lfunc_end0:
.L_simem_size_0:
called_computation.5_lowered:
.L_overlay_start_0:
0x88: {  	s2 =	sld [smem:$0x3FD9]  }
0x89: {  	s3 =	sld [smem:$0x3FFE];
	_ =	sdelay $0x1  }
0x8a: {  	s1 =	srdreg.scid  }
0x8b: {  	s0 =	sand.u32 $0x1, s1  }
0x8c: {  	s13 =	sshll.u32 s0, $0xA;
	s2 =	sadd.s32 s3, s2  }
0x8d: {  	s2 =	sadd.s32 s2, s13  }
0x8e: {  	[smem:$0x3FB2] =	sst s2  }
0x8f: {  	_ = 	snop  }
0x90: {  	s2 =	sld [smem:$0x3FD0];
	_ =	sdelay $0x2  }
0x91: {  	s14 =	simm.s32 $0xA;
	s4 =	simm.s32 $0x10  }
0x92: {  	[smem:s4], [sflag:s14] =	dma.local [hbm:s2], $0x1  }
0x93: {  	_ =	swait.eq [sflag:s14], $0x1  }
0x94: {  	[sflag:s14] =	ssyncset.done $0x0  }
0x95: {  	[sflag:s14] =	ssyncadd.s32 $0xFFFFFFFF  }
0x96: {  	s15 =	sld [smem:$0x10];
	(tm) =	ssettm $0x1  }
0x97: {  	s16 =	sld [smem:$0x3FFB];
	_ =	sdelay $0x3  }
0x98: {  	_ =	strace s16  }
0x99: {  	s3 =	sld [smem:$0x3FFC];
	_ =	sdelay $0x3  }
0x9a: {  	_ =	strace s3  }
0x9b: {  	s3 =	sld [smem:$0x3FFD];
	_ =	sdelay $0x3  }
0x9c: {  	_ =	strace s3  }
0x9d: {  	_ =	strace $0x8FFFFFFF  }
0x9e: {  	s17 =	sld [smem:$0x3FDB];
	_ =	sdelay $0x1  }
0x9f: {  	s18 =	simm.s32 $_scs_section_size  }
0xa0: {  	s5 =	simm.s32 $_size__tile_overlayer_lowered;
	s6 =	simm.s32 $_tile_overlayer_lowered  }
0xa1: {  	s21 =	simm.s32 $0x1BFF;
	s20 =	sshll.u32 s6, $0x1;
	s3 =	sadd.s32 s18, s17  }
0xa2: {  	s7 =	simm.s32 $0x0;
	s19 =	sshll.u32 s5, $0x1;
	s5 =	sadd.s32 s20, s3  }
0xa3: {  	[timem:s7], [sflag:s21] =	dma.local [hbm:s5], s19  }
0xa4: {  	_ =	swait.ge [sflag:s21], s19  }
0xa5: {  	s4 =	ssub.s32 $0x0, s19;
	[sflag:s21] =	ssyncset.done $0x0  }
0xa6: {  	[sflag:s21] =	ssyncadd.s32 s4;
	_ =	sdelay $0x1  }
0xa7: {  	s22 =	simm.s32 $0x1B8B  }
0xa8: {  	_ =	swait.ge [sflag:s22], $0x1  }
0xa9: {  	[sflag:s22] =	ssyncset.done $0x0  }
0xaa: {  	s23 =	sld [smem:$0x3FFE];
	[sflag:s22] =	ssyncadd.s32 $0xFFFFFFFF  }
0xab: {  	s25 =	simm.s32 $0x1B8E;
	s24 =	sld [smem:$0x0]  }
0xac: {  	s26 =	simm.s32 $execute0_lowered;
	[smem:$0x3FD2] =	sst s25  }
0xad: {  	s6 =	sshll.u32 s26, $0x1;
	_ =	strace $0x8000005E;
	[dreg:$0x1] =	wrdreg $0xFFFFFFFF  }
0xae: {  	s28 =	simm.s32 $_size_execute0_lowered;
	s3 =	sadd.s32 s3, s6;
	[dreg:$0x0] =	wrdreg $0x0  }
0xaf: {  	s6 =	sshll.u32 s28, $0x1;
	[dreg:$0x2] =	wrdreg s3  }
0xb0: {  	[dreg:$0x3] =	wrdreg s6  }
0xb1: {  	[dreg:$0x4] =	wrdreg $0xC0  }
0xb2: {  	_ =	task [dreg:s7], $0x5FFFF  }
0xb3: {  	[dreg:$0x1] =	wrdreg $0xFFFFFFFF  }
0xb4: {  	[dreg:$0x0] =	wrdreg $0x60  }
0xb5: {  	[dreg:$0x2] =	wrdreg s15  }
0xb6: {  	[dreg:$0x3] =	wrdreg s23  }
0xb7: {  	[dreg:$0x4] =	wrdreg s1  }
0xb8: {  	[dreg:$0x5] =	wrdreg s24  }
0xb9: {  	[dreg:$0x6] =	wrdreg $0x9  }
0xba: {  	_ =	task.clear_ibuf [dreg:s7], $0x7FFFF;
	_ =	strace $0x9000005E  }
0xbb: {  	s29 =	simm.s32 $0x9;
	_ =	strace $0x80000060  }
0xbc: {  	_ =	swait.ge [sflag:s29], $0x1  }
0xbd: {  	[sflag:s29] =	ssyncadd.s32 $0xFFFFFFFF  }
0xbe: {  	_ =	strace $0x90000060  }
0xbf: {  	_ =	sfence  }
0xc0: {  	s30 =	sld [smem:$0x0];
	_ =	sdelay $0x2  }
0xc1: {  	s31 =	sshll.u32 s1, $0xD;
	s1 =	sshrl.u32 s1, $0x2  }
0xc2: {  	s3 =	sand.u32 $0x4000, s31;
	s1 =	sadd.s32 s1, s30  }
0xc3: {  	s0 =	sor.u32 s3, s0;
	s1 =	sshll.u32 s1, $0x11  }
0xc4: {  	s0 =	sor.u32 s1, s0  }
0xc5: {  	s0 =	sadd.s32 $0x8F2B, s0  }
0xc6: {  	[sflag:s0] =	ssyncadd.remote.s32 $0x1  }
0xc7: {  	_ =	sfence.sel $0xFFFF  }
0xc8: {  	[dreg:$0x0] =	wrdreg $0xFFFFFFFF;
	(pc) =	sbr.abs _section_cstart, $3  }
0xc9: {  	[dreg:$0x1] =	wrdreg $0xFFFFFFFF  }
0xca: {  	_ =	task.clear_ibuf [dreg:s7], $0x2FFFF;
	_ =	strace $0x9FFFFFFF  }
0xcb: {  	(tm) =	ssettm $0x7FFFFFFF  }
tec
execute0_lowered:
.L_overlay_start_1:
0x0: {  	(tag) =	ssettag $0x1  }
0x1: {  	s1 =	rddreg [dreg:$0x0]  }
0x2: {  	s2 =	rddreg [dreg:$0x1]  }
0x3: {  	s3 =	rddreg [dreg:$0x2];
	_ =	strace $0x8000005F;
	s0 =	simm.s32 $0x1  }
0x4: {  	v0 =	vimm.s32 $0x0;
	[sflag:s0] =	ssyncpa.u1 $0x0;
	s0 =	simm.s32 $0x108  }
0x5: {  	[tilespmem:s0+$0x70] =	vst v0  }
0x6: {  	[tilespmem:s0+$0x60] =	vst v0  }
0x7: {  	[tilespmem:s0+$0x50] =	vst v0  }
0x8: {  	[tilespmem:s0+$0x40] =	vst v0  }
0x9: {  	[tilespmem:s0+$0x30] =	vst v0  }
0xa: {  	s15 =	sadd.s32 $0x4EBE00, s2;
	s6 =	sadd.s32 $0x4FFA00, s2;
	[tilespmem:s0+$0x20] =	vst v0  }
0xb: {  	s14 =	sadd.s32 $0x4F5C00, s2;
	s5 =	sand.u32 $0x1, s3;
	s3 =	simm.s32 $0x40;
	[tilespmem:s0+$0x10] =	vst v0  }
.LBB2_1:
0xc: {  	s3 =	sadd.s32 $0x40, s3;
	[tilespmem:s0+$0x0] =	vst v0;
	s0 =	sadd.s32 $0x80, s0  }
0xd: {  	p0 =	slt.u32 s3, $0x3C40;
	[tilespmem:s0+$0x70] =	vst v0  }
0xe: {  	[tilespmem:s0+$0x60] =	vst v0  }
.Ltmp0:
0xf: {  	[tilespmem:s0+$0x50] =	vst v0;
	(pc) =	sbr.rel @p0 .LBB2_1-.Ltmp0, $4  }
0x10: {  	[tilespmem:s0+$0x40] =	vst v0  }
0x11: {  	[tilespmem:s0+$0x30] =	vst v0  }
0x12: {  	[tilespmem:s0+$0x20] =	vst v0  }
0x13: {  	[tilespmem:s0+$0x10] =	vst v0  }
0x14: {  	s9 =	stileid.u32  }
0x15: {  	s2 =	smul.u32 $0x29, s9  }
0x16: {  	s3 =	smin.u32 s9, $0xB  }
0x17: {  	s2 =	sadd.s32 s3, s2  }
0x18: {  	p0 =	slt.u32 s9, $0xB;
	s7 =	smul.u32 $0xF0, s2;
	s2 =	simm.s32 $0x2760  }
0x19: {  	s2 =	simm.s32 @!p0 $0x2670  }
0x1a: {  	s2 =	sadd.s32 s2, s7  }
0x1b: {  	s8 =	smin.u32 s2, $0x27100  }
0x1c: {  	s2 =	ssub.s32 s8, s7  }
0x1d: {  	p0 =	sgt.s32 s2, $0x0  }
0x1e: {  	s29 =	simm.s32 $0x2;
	s10 =	simm.s32 $0x9;
	s2 =	simm.s32 @!p0 $0x0  }
0x1f: {  	s4 =	simm.s32 $0xA;
	s11 =	simm.s32 $0xB;
	s28 =	smulhi.u32 $0x88888889, s2  }
0x20: {  	[dreg:$0x5] =	wrdreg s5;
	s31 =	smul.u32 $0x4E20, s5;
	s12 =	simm.s32 $0x1  }
0x21: {  	s22 =	simm.s32 $0x0;
	s18 =	simm.s32 $0xC;
	s30 =	sshrl.u32 s28, $0x7  }
0x22: {  	s20 =	simm.s32 $0x0;
	s21 =	simm.s32 $0x0;
	s3 =	smul.u32 $0xF0, s30  }
.Ltmp1:
0x23: {  	[tilespmem:s0+$0x0] =	vst v0;
	v0 =	vimm.s32 $0xFFFFFFFF;
	[sflag:s29] =	ssyncpa.u1 $0x0;
	s16 =	sshll.u32 s9, $0x8;
	(pc) =	sbr.rel .LBB2_3-.Ltmp1, $4  }
0x24: {  	[tilespmem:$0xF208] =	vst v0;
	[sflag:s10] =	ssyncpa.u1 $0x0;
	p0 =	sne.s32 s2, s3;
	s2 =	simm.s32 $0x1  }
0x25: {  	s14 =	sadd.s32 s31, s14;
	[sflag:s4] =	ssyncpa.u1 $0x0;
	s2 =	simm.s32 @!p0 $0x0  }
0x26: {  	s15 =	sadd.s32 s31, s15;
	[sflag:s11] =	ssyncpa.u1 $0x0;
	s13 =	sadd.s32 s2, s30  }
0x27: {  	v0 =	vlaneseq.u32;
	s19 =	smov.u32 s7;
	p0 =	por $0x0, $0x0;
	s17 =	sadd.s32 $0x1, s13  }
.LBB2_18:
0x28: {  	s0 =	sshrl.u32 s31, $0x2  }
.LBB2_20:
0x29: {  	_ =	swait.ge [sflag:s18], s0  }
0x2a: {  	s31 =	ssub.s32 $0x0, s0;
	v1 =	vmov s24;
	vm0 =	veq.s32 v0, $0x0;
	[sflag:s18] =	ssyncset.done $0x0  }
0x2b: {  	vm15 =	veq.s32 v0, $0x2;
	v1 =	vsel vm0, s30, v1;
	[sflag:s18] =	ssyncadd.s32 s31  }
0x2c: {  	v1 =	vsel vm15, s22, v1;
	[sflag:s18] =	ssyncpa.u1 $0x1  }
0x2d: {  	[tilespmem:$0xF208] =	vst v1  }
.LBB2_21:
0x2e: {  	s0 =	sadd.s32 $0xF0, s19  }
0x2f: {  	s2 =	smov.u32 s7;
	p1 =	slt.s32 s0, s8  }
0x30: {  	s2 =	smov.u32 @p1 s0;
	p1 =	sne.s32 s21, s17  }
.Ltmp2:
0x31: {  	_ = 	snop;
	(pc) =	sbr.rel @!p1 .LBB2_22-.Ltmp2, $3  }
0x32: {  	_ =	sdelay $0x1  }
0x33: {  	s22 =	smov.u32 s20;
	s31 =	sadd.s32 $0x1, s21;
	s20 =	smov.u32 s19  }
0x34: {  	p0 =	por !p0, !p0;
	s21 =	smov.u32 s31;
	s19 =	smov.u32 s2  }
.LBB2_3:
0x35: {  	p1 =	sge.u32 s21, s13  }
0x36: {  	s0 =	smulhi.u32 @!p1 $0xAAAAAAAB, s21  }
0x37: {  	s2 =	smov.u32 s19;
	p2 =	sgt.s32 @!p1 s19, $0x27010  }
0x38: {  	s3 =	sshra.s32 @!p1 s19, $0x1F;
	p2 =	por !p2, p1;
	s0 =	sshrl.u32 @!p1 s0, $0x1  }
0x39: {  	s3 =	sand.u32 @!p1 s3, s19;
	s2 =	simm.s32 @p2 $0x27010;
	s0 =	smul.u32 @!p1 $0x3, s0  }
0x3a: {  	s2 =	ssub.s32 @!p1 s2, s3  }
0x3b: {  	s2 =	sadd.s32 @!p1 $0xFFFD8FF0, s2;
	s0 =	ssub.s32 @!p1 s21, s0  }
0x3c: {  	s3 =	sshll.u32 @!p1 s2, $0x2;
	p2 =	sgt.s32 @!p1 s2, $0xEF;
	s0 =	smul.u32 @!p1 $0x3C0, s0  }
0x3d: {  	s4 =	sand.u32 @!p1 $0x7, s19;
	s2 =	ssub.s32 @!p1 $0x3C0, s3;
	p2 =	por !p2, p1  }
0x3e: {  	s3 =	sshrl.u32 @!p1 s19, $0x3;
	s2 =	sshrl.u32 @!p1 s2, $0x2;
	s0 =	sshrl.u32 @!p1 s0, $0x2  }
0x3f: {  	s3 =	sadd.s32 @!p1 s3, s14;
	s2 =	simm.s32 @!p2 $0x0;
	s0 =	sadd.s32 @!p1 $0x10248, s0  }
0x40: {  	[tilespmem:s0], [sflag:$0xA] =	stream.linear.gather @!p1 [hbm4b:s3+s4], s2, $0x38;
	[tilespmem:$0x1F6F8] =	vst v63  }
0x41: {  	s0 =	sadd.s32 $0xFFFFFFFF, s21  }
0x42: {  	p1 =	sge.u32 s0, s13  }
0x43: {  	p2 =	sgt.s32 @!p1 s20, $0x27010  }
0x44: {  	s2 =	smov.u32 s20;
	s3 =	sshra.s32 @!p1 s20, $0x1F;
	p2 =	por !p2, p1  }
0x45: {  	s3 =	sand.u32 @!p1 s3, s20;
	s2 =	simm.s32 @p2 $0x27010  }
0x46: {  	s2 =	ssub.s32 @!p1 s2, s3  }
0x47: {  	s2 =	sadd.s32 @!p1 $0xFFFD8FF0, s2  }
0x48: {  	s4 =	sand.u32 @!p1 $0x1, s0;
	s3 =	sshll.u32 @!p1 s2, $0x2  }
0x49: {  	p2 =	sgt.s32 @!p1 s2, $0xEF;
	s2 =	ssub.s32 @!p1 $0x3C0, s3;
	s3 =	smulhi.u32 @!p1 $0xAAAAAAAB, s0  }
0x4a: {  	s23 =	smul.u32 @!p1 $0x3C0, s4;
	p2 =	por !p2, p1;
	s2 =	sshrl.u32 @!p1 s2, $0x2  }
0x4b: {  	s5 =	simm.s32 @!p1 $0xA;
	s2 =	simm.s32 @!p2 $0x0;
	s3 =	sshrl.u32 @!p1 s3, $0x1  }
0x4c: {  	s23 =	sshrl.u32 @!p1 s23, $0x2;
	_ =	swait.ge @!p1 [sflag:s5], s2;
	s3 =	smul.u32 @!p1 $0x3, s3  }
0x4d: {  	s23 =	sadd.s32 @!p1 $0x10518, s23;
	s24 =	ssub.s32 @!p1 $0x0, s2;
	[sflag:s5] =	ssyncset.done @!p1 $0x0  }
0x4e: {  	[sflag:s5] =	ssyncadd.s32 @!p1 s24;
	s5 =	sshrl.u32 @!p1 s20, $0x3;
	s0 =	ssub.s32 @!p1 s0, s3  }
0x4f: {  	s24 =	sand.u32 @!p1 $0x7, s20;
	s5 =	sadd.s32 @!p1 s5, s15;
	s0 =	smul.u32 @!p1 $0x3C0, s0  }
0x50: {  	[tilespmem:s23], [sflag:$0xB] =	stream.linear.gather @!p1 [hbm4b:s5+s24], s2, $0x38;
	[tilespmem:$0x1F6F8] =	vst v63  }
0x51: {  	s3 =	ssub.s32 @!p1 $0x27100, s20;
	s2 =	smul.u32 @!p1 $0x1E000, s4  }
0x52: {  	p2 =	slt.s32 @!p1 s3, $0xF0  }
0x53: {  	p2 =	por !p2, p1;
	s0 =	sshrl.u32 @!p1 s0, $0x2;
	s2 =	sshrl.u32 @!p1 s2, $0x2  }
0x54: {  	s3 =	simm.s32 @p2 $0xF0;
	s0 =	sadd.s32 @!p1 $0x10248, s0;
	s2 =	sor.u32 @!p1 $0x106F8, s2  }
0x55: {  	[tilespmem:s2], [sflag:$0x9] =	stream.indirect.gather @!p1 [hbm4b:s6+s3], $0x80, s0, s3, $0xb8;
	[tilespmem:$0x1F6F8] =	vst v63  }
0x56: {  	p1 =	slt.u32 s21, $0x2  }
.Ltmp3:
0x57: {  	_ = 	snop;
	(pc) =	sbr.rel @p1 .LBB2_21-.Ltmp3, $1  }
0x58: {  	_ =	sdelay $0x3  }
0x59: {  	p1 =	sgt.s32 s22, $0x27010  }
0x5a: {  	s0 =	smov.u32 s22;
	s2 =	sshra.s32 s22, $0x1F;
	s3 =	ssub.s32 $0x27100, s22  }
0x5b: {  	s0 =	simm.s32 @!p1 $0x27010;
	s2 =	sand.u32 s2, s22;
	p1 =	slt.s32 s3, $0xF0  }
0x5c: {  	s0 =	ssub.s32 s0, s2;
	s3 =	simm.s32 @!p1 $0xF0  }
0x5d: {  	s0 =	sadd.s32 $0xFFFD8FF0, s0;
	s25 =	sshll.u32 s3, $0x7  }
0x5e: {  	s26 =	sshll.u32 s0, $0x2;
	s2 =	sand.u32 $0x3FFFFF80, s25  }
0x5f: {  	p1 =	sgt.s32 s0, $0xEF;
	s29 =	ssub.s32 $0x3C0, s26;
	_ =	swait.ge [sflag:s10], s2  }
0x60: {  	s2 =	ssub.s32 $0x0, s2;
	[sflag:s10] =	ssyncset.done $0x0;
	s0 =	sshrl.u32 s29, $0x2  }
0x61: {  	[sflag:s10] =	ssyncadd.s32 s2;
	s0 =	simm.s32 @p1 $0x0  }
0x62: {  	_ =	swait.ge [sflag:s11], s0  }
0x63: {  	s0 =	ssub.s32 $0x0, s0;
	[sflag:s11] =	ssyncset.done $0x0  }
0x64: {  	[sflag:s11] =	ssyncadd.s32 s0  }
0x65: {  	v1 =	vld [tilespmem:$0xF208];
	_ =	sdelay $0x4  }
0x66: {  	(v2sf) =	vpush v1, $0x0  }
0x67: {  	(v2sf) =	vpush v1, $0x1  }
0x68: {  	(v2sf) =	vpush v1, $0x2;
	_ =	sdelay $0x3  }
0x69: {  	s0 =	sadd.s32 $0xF0, s22  }
0x6a: {  	s2 =	ssub.s32 $0x4E200, s22;
	p1 =	slt.s32 s8, s0  }
0x6b: {  	s0 =	smov.u32 @p1 s8;
	p1 =	sgt.s32 s2, $0x0  }
0x6c: {  	s26 =	ssub.s32 s0, s22;
	s2 =	simm.s32 @!p1 $0x0  }
0x6d: {  	p1 =	slt.s32 s2, s26  }
0x6e: {  	s26 =	smov.u32 @p1 s2  }
0x6f: {  	s25 =	simm.s32 $0x1;
	p1 =	slt.s32 s26, $0x1  }
.Ltmp4:
0x70: {  	s25 =	simm.s32 @!p0 $0x0;
	(pc) =	sbr.rel @p1 .LBB2_8-.Ltmp4, $4  }
0x71: {  	s31 =	smul.u32 $0x3C0, s25  }
0x72: {  	s28 =	spop (v2sf)  }
0x73: {  	s0 =	sshrl.u32 s31, $0x2;
	s30 =	spop (v2sf)  }
0x74: {  	s23 =	sadd.s32 $0x10518, s0;
	s22 =	spop (v2sf)  }
0x75: {  	s0 =	smin.u32 s26, $0x10  }
0x76: {  	v1 =	vmov s0  }
0x77: {  	p2 =	sgt.s32 s26, $0x10;
	vm1 =	vgt.u32 v1, v0  }
.Ltmp5:
0x78: {  	_ = 	snop;
	(pc) =	sbr.rel @!p2 .LBB2_7-.Ltmp5, $2  }
0x79: {  	_ =	sdelay $0x2  }
0x7a: {  	s4 =	simm.s32 $0x10;
	s24 =	sadd.s32 $0xFFFFFFF0, s26;
	s0 =	smov.u32 s23;
	vm0 =	vmmov vm1  }
.LBB2_6:
0x7b: {  	s2 =	smin.u32 s24, $0x10;
	s4 =	sadd.s32 $0x10, s4;
	v1 =	vld.msk [tilespmem:s0+$0x0 ss:$0x1], vm1  }
0x7c: {  	v2 =	vmov s2;
	p2 =	slt.s32 s4, s26  }
0x7d: {  	vm1 =	vgt.u32 v2, v0  }
.Ltmp6:
0x7e: {  	(pc) =	sbr.rel @p2 .LBB2_6-.Ltmp6, $3  }
0x7f: {  	_ =	sdelay $0x1  }
0x80: {  	v1 =	vshll.u32 v1, $0x4  }
0x81: {  	s24 =	sadd.s32 $0xFFFFFFF0, s24;
	[tilespmem:s0+$0x0] =	vst.msk vm0, v1;
	s0 =	sadd.s32 $0x10, s0;
	vm0 =	vmmov vm1  }
.LBB2_7:
0x82: {  	_ =	sdelay $0x4  }
0x83: {  	v1 =	vld.msk [tilespmem:s0+$0x0 ss:$0x1], vm1;
	_ =	sdelay $0x4  }
0x84: {  	v1 =	vshll.u32 v1, $0x4  }
0x85: {  	[tilespmem:s0+$0x0] =	vst.msk vm0, v1  }
.LBB2_8:
0x86: {  	s0 =	sand.u32 $0x1, s21  }
0x87: {  	s0 =	smul.u32 $0xF0, s0  }
0x88: {  	p2 =	sne.s32 s30, $0xFFFFFFFF  }
0x89: {  	v1 =	vld.msk @!p2 [tilespmem:s0+$0x10518], $0x1;
	_ =	sdelay $0x4  }
0x8a: {  	(v2sf) =	vpush @!p2 v1, $0x0;
	_ =	sdelay $0xc  }
.Ltmp7:
0x8b: {  	_ = 	snop;
	(pc) =	sbr.rel @p1 .LBB2_19-.Ltmp7, $4  }
0x8c: {  	_ = 	snop  }
0x8d: {  	s29 =	spop @!p2 (v2sf)  }
0x8e: {  	s22 =	simm.s32 @!p2 $0x0;
	s24 =	smov.u32 s29  }
0x8f: {  	[sflag:s18] =	ssyncpa.u1 $0x0;
	s29 =	smov.u32 @p2 s28;
	s24 =	smov.u32 @p2 s30  }
0x90: {  	v1 =	vld.msk [tilespmem:s23+$0x0], $0x1;
	_ =	sdelay $0x4  }
0x91: {  	(v2sf) =	vpush v1, $0x0;
	_ =	sdelay $0xe  }
0x92: {  	s2 =	smul.u32 $0x1E000, s25;
	s0 =	spop (v2sf)  }
0x93: {  	s26 =	ssub.s32 $0x0, s26;
	p1 =	seq.s32 s29, s0  }
0x94: {  	s30 =	sadd.s32 $0x1, s26;
	s2 =	sshrl.u32 s2, $0x2;
	p2 =	sgt.s32 @!p1 s29, $0x0  }
0x95: {  	s25 =	sor.u32 $0x10738, s2;
	s2 =	smov.u32 s29;
	p2 =	por !p2, p1  }
0x96: {  	s2 =	simm.s32 @p2 $0x0;
	p2 =	seq.s32 s30, $0x0  }
.Ltmp8:
0x97: {  	_ = 	snop;
	(pc) =	sbr.rel @p2 .LBB2_11-.Ltmp8, $4  }
0x98: {  	_ = 	snop  }
0x99: {  	s28 =	simm.s32 $0x0;
	s31 =	sadd.s32 $0x1, s23;
	s2 =	smin.u32 @!p1 s2, $0x270F0  }
0x9a: {  	s4 =	simm.s32 @!p1 $0x1;
	s5 =	simm.s32 @!p1 $0x7988;
	s3 =	sand.u32 @!p1 $0x3FFF8, s2  }
0x9b: {  	s4 =	smov.u32 @p1 s28;
	s2 =	sand.u32 @!p1 $0x7, s2;
	s3 =	sadd.s32 @!p1 s1, s3  }
.LBB2_10:
0x9c: {  	s9 =	smov.u32 s4  }
0x9d: {  	[tilespmem:s5], [sflag:$0x2] =	stream.linear.gather @!p1 [hbm4b:s3+s2], $0x80, $0x38;
	[tilespmem:$0x1F6F8] =	vst v63  }
0x9e: {  	s30 =	sadd.s32 $0x1, s30;
	s2 =	smov.u32 s0;
	v1 =	vld.msk [tilespmem:s31+$0x0], $0x1  }
0x9f: {  	p2 =	seq.s32 s30, $0x0;
	_ =	sdelay $0x3  }
0xa0: {  	(v2sf) =	vpush v1, $0x0;
	_ =	sdelay $0xe  }
0xa1: {  	s0 =	spop (v2sf)  }
0xa2: {  	p1 =	seq.s32 s2, s0  }
0xa3: {  	p3 =	sgt.s32 @!p1 s2, $0x0;
	s3 =	sshll.u32 @!p1 s4, $0x9;
	s4 =	sadd.s32 @!p1 $0x1, s4  }
.Ltmp9:
0xa4: {  	p3 =	por !p3, p1;
	s3 =	sshra.s32 @!p1 s3, $0x2;
	(pc) =	sbr.rel @!p2 .LBB2_10-.Ltmp9, $4  }
0xa5: {  	s4 =	smov.u32 @p1 s9;
	s2 =	simm.s32 @p3 $0x0;
	s5 =	sadd.s32 @!p1 $0x7988, s3  }
0xa6: {  	s2 =	smin.u32 @!p1 s2, $0x270F0  }
0xa7: {  	s3 =	sand.u32 @!p1 $0x3FFF8, s2;
	s2 =	sand.u32 @!p1 $0x7, s2  }
0xa8: {  	s31 =	sadd.s32 $0x1, s31;
	s3 =	sadd.s32 @!p1 s1, s3  }
.LBB2_11:
0xa9: {  	[tilespmem:s5], [sflag:$0x2] =	stream.linear.gather @!p1 [hbm4b:s3+s2], $0x80, $0x38;
	[tilespmem:$0x1F6F8] =	vst v63  }
.Ltmp10:
0xaa: {  	s0 =	sshll.u32 s4, $0x7;
	(pc) =	sbr.rel .LBB2_12-.Ltmp10, $4  }
0xab: {  	s30 =	simm.s32 $0x2;
	s0 =	sand.u32 $0x3FFFFF80, s0  }
0xac: {  	_ =	swait.ge [sflag:s30], s0  }
0xad: {  	s0 =	ssub.s32 $0x0, s0;
	[sflag:s30] =	ssyncset.done $0x0  }
0xae: {  	s31 =	simm.s32 $0x0;
	[sflag:s30] =	ssyncadd.s32 s0  }
.LBB2_13:
0xaf: {  	v1 =	vld [tilespmem:s25+$0xFFFFFFC0];
	_ =	sdelay $0x3  }
0xb0: {  	s0 =	sshra.s32 s0, $0x2  }
0xb1: {  	[tilespmem:s0+$0x108] =	vst.add.f32.msk $0xffff, v1  }
0xb2: {  	v1 =	vld [tilespmem:s25+$0xFFFFFFD0];
	_ =	sdelay $0x4  }
0xb3: {  	[tilespmem:s0+$0x118] =	vst.add.f32.msk $0xffff, v1  }
0xb4: {  	v1 =	vld [tilespmem:s25+$0xFFFFFFE0];
	_ =	sdelay $0x4  }
0xb5: {  	[tilespmem:s0+$0x128] =	vst.add.f32.msk $0xffff, v1  }
0xb6: {  	v1 =	vld [tilespmem:s25+$0xFFFFFFF0];
	_ =	sdelay $0x4  }
0xb7: {  	[tilespmem:s0+$0x138] =	vst.add.f32.msk $0xffff, v1  }
0xb8: {  	v1 =	vld [tilespmem:s25+$0x0];
	_ =	sdelay $0x4  }
0xb9: {  	[tilespmem:s0+$0x148] =	vst.add.f32.msk $0xffff, v1  }
0xba: {  	v1 =	vld [tilespmem:s25+$0x10];
	_ =	sdelay $0x4  }
0xbb: {  	[tilespmem:s0+$0x158] =	vst.add.f32.msk $0xffff, v1  }
0xbc: {  	v1 =	vld [tilespmem:s25+$0x20];
	_ =	sdelay $0x4  }
0xbd: {  	[tilespmem:s0+$0x168] =	vst.add.f32.msk $0xffff, v1  }
0xbe: {  	v1 =	vld [tilespmem:s25+$0x30];
	_ =	sdelay $0x4  }
0xbf: {  	[tilespmem:s0+$0x178] =	vst.add.f32.msk $0xffff, v1  }
.LBB2_17:
0xc0: {  	s26 =	sadd.s32 $0x1, s26  }
0xc1: {  	p1 =	seq.s32 s26, $0x0  }
.Ltmp11:
0xc2: {  	_ = 	snop;
	(pc) =	sbr.rel @p1 .LBB2_18-.Ltmp11, $2  }
0xc3: {  	_ =	sdelay $0x2  }
0xc4: {  	s23 =	sadd.s32 $0x1, s23;
	s25 =	sadd.s32 $0x80, s25;
	s29 =	smov.u32 s30  }
.LBB2_12:
0xc5: {  	v1 =	vld.msk [tilespmem:s23+$0x0], $0x1;
	_ =	sdelay $0x4  }
0xc6: {  	(v2sf) =	vpush v1, $0x0;
	_ =	sdelay $0xe  }
0xc7: {  	s30 =	spop (v2sf)  }
0xc8: {  	p1 =	sne.s32 s29, s30  }
.Ltmp12:
0xc9: {  	_ = 	snop;
	(pc) =	sbr.rel @!p1 .LBB2_13-.Ltmp12, $2  }
0xca: {  	_ =	sdelay $0x2  }
0xcb: {  	s0 =	sshll.u32 s22, $0x9  }
0xcc: {  	p1 =	seq.s32 s29, s24  }
.Ltmp13:
0xcd: {  	_ = 	snop;
	(pc) =	sbr.rel @!p1 .LBB2_15-.Ltmp13, $1  }
0xce: {  	_ =	sdelay $0x3  }
0xcf: {  	s0 =	sshra.s32 s0, $0x2  }
.Ltmp14:
0xd0: {  	s0 =	sadd.s32 $0x108, s0;
	(pc) =	sbr.rel .LBB2_16-.Ltmp14, $4  }
0xd1: {  	[spmem:s16] =	stream.linear.scatter [tilespmem:s0], [sflag:$0x1], $0x80, $0x38;
	[tilespmem:$0x1F6F8] =	vst v63  }
0xd2: {  	_ =	swait.ge [sflag:s12], $0x80  }
0xd3: {  	[sflag:s12] =	ssyncset.done $0x0  }
0xd4: {  	[sflag:s12] =	ssyncadd.s32 $0xFFFFFF80  }
.LBB2_15:
0xd5: {  	s2 =	sshll.u32 s28, $0x9  }
0xd6: {  	s2 =	sshra.s32 s2, $0x2  }
0xd7: {  	v1 =	vld [tilespmem:s2+$0x7988];
	_ =	sdelay $0x3  }
0xd8: {  	s0 =	sshra.s32 s0, $0x2  }
0xd9: {  	[tilespmem:s0+$0x108] =	vst.add.f32.msk $0xffff, v1  }
0xda: {  	v1 =	vld [tilespmem:s2+$0x7998];
	_ =	sdelay $0x4  }
0xdb: {  	[tilespmem:s0+$0x118] =	vst.add.f32.msk $0xffff, v1  }
0xdc: {  	v1 =	vld [tilespmem:s2+$0x79A8];
	_ =	sdelay $0x4  }
0xdd: {  	[tilespmem:s0+$0x128] =	vst.add.f32.msk $0xffff, v1  }
0xde: {  	v1 =	vld [tilespmem:s2+$0x79B8];
	_ =	sdelay $0x4  }
0xdf: {  	[tilespmem:s0+$0x138] =	vst.add.f32.msk $0xffff, v1  }
0xe0: {  	v1 =	vld [tilespmem:s2+$0x79C8];
	_ =	sdelay $0x4  }
0xe1: {  	[tilespmem:s0+$0x148] =	vst.add.f32.msk $0xffff, v1  }
0xe2: {  	v1 =	vld [tilespmem:s2+$0x79D8];
	_ =	sdelay $0x4  }
0xe3: {  	[tilespmem:s0+$0x158] =	vst.add.f32.msk $0xffff, v1  }
0xe4: {  	v1 =	vld [tilespmem:s2+$0x79E8];
	_ =	sdelay $0x4  }
0xe5: {  	[tilespmem:s0+$0x168] =	vst.add.f32.msk $0xffff, v1  }
0xe6: {  	v1 =	vld [tilespmem:s2+$0x79F8];
	_ =	sdelay $0x2  }
0xe7: {  	p1 =	sgt.u32 s29, $0x270F0  }
0xe8: {  	s2 =	sand.u32 @!p1 $0x3FFF8, s29  }
0xe9: {  	s3 =	sadd.s32 $0x108, s0;
	[tilespmem:s0+$0x178] =	vst.add.f32.msk $0xffff, v1;
	s0 =	sadd.s32 @!p1 s1, s2;
	s2 =	sand.u32 @!p1 $0x7, s29  }
0xea: {  	[hbm4b:s0+s2] =	stream.linear.scatter @!p1 [tilespmem:s3], [sflag:$0xC], $0x80, $0x38;
	[tilespmem:$0x1F6F8] =	vst v63  }
0xeb: {  	s0 =	simm.s32 $0x0  }
0xec: {  	s0 =	simm.s32 @!p1 $0x200  }
0xed: {  	s31 =	sadd.s32 s0, s31  }
.LBB2_16:
0xee: {  	s0 =	sadd.s32 $0x1, s22  }
0xef: {  	s2 =	smulhi.u32 $0x88888889, s0;
	_ =	sdelay $0x1  }
0xf0: {  	v1 =	vld [tilespmem:s25+$0xFFFFFFC0];
	s2 =	sshrl.u32 s2, $0x7  }
0xf1: {  	s2 =	smul.u32 $0xF0, s2;
	_ =	sdelay $0x1  }
0xf2: {  	s22 =	ssub.s32 s0, s2  }
0xf3: {  	s0 =	sshll.u32 s22, $0x7  }
0xf4: {  	[tilespmem:s0+$0x108] =	vst v1  }
0xf5: {  	v1 =	vld [tilespmem:s25+$0xFFFFFFD0];
	_ =	sdelay $0x4  }
0xf6: {  	[tilespmem:s0+$0x118] =	vst v1  }
0xf7: {  	v1 =	vld [tilespmem:s25+$0xFFFFFFE0];
	_ =	sdelay $0x4  }
0xf8: {  	[tilespmem:s0+$0x128] =	vst v1  }
0xf9: {  	v1 =	vld [tilespmem:s25+$0xFFFFFFF0];
	_ =	sdelay $0x4  }
0xfa: {  	[tilespmem:s0+$0x138] =	vst v1  }
0xfb: {  	v1 =	vld [tilespmem:s25+$0x0];
	_ =	sdelay $0x4  }
0xfc: {  	[tilespmem:s0+$0x148] =	vst v1  }
0xfd: {  	v1 =	vld [tilespmem:s25+$0x10];
	_ =	sdelay $0x4  }
0xfe: {  	[tilespmem:s0+$0x158] =	vst v1  }
0xff: {  	v1 =	vld [tilespmem:s25+$0x20];
	_ =	sdelay $0x4  }
0x100: {  	[tilespmem:s0+$0x168] =	vst v1  }
0x101: {  	v1 =	vld [tilespmem:s25+$0x30]  }
.Ltmp15:
0x102: {  	_ = 	snop;
	(pc) =	sbr.rel .LBB2_17-.Ltmp15, $2  }
0x103: {  	_ =	sdelay $0x2  }
0x104: {  	s28 =	sadd.s32 $0x1, s28;
	[tilespmem:s0+$0x178] =	vst v1  }
.LBB2_19:
.Ltmp16:
0x105: {  	(pc) =	sbr.rel .LBB2_20-.Ltmp16, $4  }
0x106: {  	_ = 	snop  }
0x107: {  	s0 =	simm.s32 $0x2  }
0x108: {  	_ =	swait.ge [sflag:s0], $0x0  }
0x109: {  	s30 =	smov.u32 s29;
	[sflag:s0] =	ssyncset.done $0x0;
	s0 =	simm.s32 $0x0  }
.LBB2_22:
0x10a: {  	_ =	sfence.sel $0x180000  }
0x10b: {  	s0 =	simm.s32 $0x9;
	[bflag:$0x0] =	sbarrier.arrive $0xFFFF  }
0x10c: {  	s24 =	simm.s32 $0xA;
	[sflag:s0] =	ssyncpa.u1 $0x1  }
0x10d: {  	s25 =	simm.s32 $0xB;
	[sflag:s24] =	ssyncpa.u1 $0x1  }
0x10e: {  	s26 =	simm.s32 $0x2;
	[sflag:s25] =	ssyncpa.u1 $0x1  }
0x10f: {  	[sflag:s26] =	ssyncpa.u1 $0x1  }
0x110: {  	v0 =	vld [tilespmem:$0xF208];
	_ =	sdelay $0x4  }
0x111: {  	(v2sf) =	vpush v0, $0x0  }
0x112: {  	(v2sf) =	vpush v0, $0x1;
	_ =	sdelay $0x1  }
0x113: {  	(v2sf) =	vpush v0, $0x2;
	_ =	sdelay $0xb  }
0x114: {  	s0 =	spop (v2sf)  }
0x115: {  	s2 =	spop (v2sf)  }
0x116: {  	s3 =	smov.u32 s0;
	p0 =	sne.s32 s0, s2  }
0x117: {  	s4 =	spop (v2sf);
	s3 =	simm.s32 @!p0 $0xFFFFFFFF  }
0x118: {  	v2 =	vimm.s32 $0x1;
	v3 =	vlaneseq.u32;
	p0 =	seq.s32 s4, $0xFFFFFFFF;
	v1 =	vmov s3  }
0x119: {  	s16 =	stileid.u32;
	v0 =	vperm.xlane v0, v2;
	p1 =	sne.s32 @!p0 s0, s2;
	v1 =	vperm.xlane v1, v3  }
0x11a: {  	vm0 =	vcmask $0x3F04;
	s6 =	simm.s32 $0xF208;
	s0 =	simm.s32 @!p0 $0x1;
	p1 =	por !p1, p0  }
0x11b: {  	s3 =	sshll.u32 s16, $0x1;
	s2 =	sshll.u32 @!p0 s4, $0x9;
	s0 =	simm.s32 @p1 $0x0;
	v0 =	vsel vm0, v1, v0  }
0x11c: {  	s5 =	sor.u32 $0x1000, s3;
	s2 =	sshra.s32 @!p0 s2, $0x2;
	s0 =	sor.u32 @!p0 s0, s3;
	[tilespmem:$0xF208] =	vst v0  }
0x11d: {  	[spmem:s5] =	stream.linear.scatter [tilespmem:s6], [sflag:$0x1], $0x2, $0x38;
	[tilespmem:$0x1F6F8] =	vst v63  }
0x11e: {  	s2 =	sadd.s32 @!p0 $0x108, s2;
	s0 =	sshll.u32 @!p0 s0, $0x7  }
0x11f: {  	[spmem:s0] =	stream.linear.scatter @!p0 [tilespmem:s2], [sflag:$0x1], $0x80, $0x38;
	[tilespmem:$0x1F6F8] =	vst v63  }
0x120: {  	s0 =	simm.s32 @!p0 $0x82  }
0x121: {  	s28 =	simm.s32 $0x1;
	s0 =	simm.s32 @p0 $0x2  }
0x122: {  	_ =	swait.ge [sflag:s28], s0  }
0x123: {  	s0 =	ssub.s32 $0x0, s0;
	[sflag:s28] =	ssyncset.done $0x0  }
0x124: {  	p0 =	sne.s32 s16, $0x0;
	[sflag:s28] =	ssyncadd.s32 s0  }
.Ltmp17:
0x125: {  	_ =	sfence.stream.spmem;
	(pc) =	sbr.rel @p0 .LBB2_39-.Ltmp17, $4  }
0x126: {  	s29 =	simm.s32 $0x3;
	[bflag:$0x0] =	sbarrier.arrive $0xFFFF  }
0x127: {  	s30 =	simm.s32 $0x4;
	[sflag:s29] =	ssyncpa.u1 $0x1  }
0x128: {  	s31 =	simm.s32 $0x3C;
	[sflag:s30] =	ssyncpa.u1 $0x1  }
0x129: {  	s15 =	rddreg [dreg:$0x5];
	[sflag:s31] =	ssyncpa.u1 $0x1  }
0x12a: {  	_ =	sfence.stream.spmem;
	s0 =	simm.s32 $0x5  }
0x12b: {  	s2 =	simm.s32 $0x1000;
	s3 =	simm.s32 $0xF218;
	[sflag:s0] =	ssyncpa.u1 $0x0  }
0x12c: {  	[tilespmem:s3], [sflag:$0x5] =	stream.linear.gather [spmem:s2], $0x20, $0x38;
	[tilespmem:$0x1F6F8] =	vst v63  }
0x12d: {  	s26 =	simm.s32 $0x0;
	s28 =	simm.s32 $0xF238  }
0x12e: {  	[tilespmem:s28], [sflag:$0x5] =	stream.linear.gather [spmem:s26], $0x1000, $0x38;
	[tilespmem:$0x1F6F8] =	vst v63  }
0x12f: {  	_ =	swait.ge [sflag:s0], $0x1020  }
0x130: {  	[sflag:s0] =	ssyncset.done $0x0  }
0x131: {  	s29 =	simm.s32 $0x0;
	[sflag:s0] =	ssyncadd.s32 $0xFFFFEFE0  }
0x132: {  	v0 =	vld.msk [tilespmem:s29+$0xF218], $0x1;
	_ =	sdelay $0x1  }
0x133: {  	s30 =	simm.s32 $0x1  }
0x134: {  	v1 =	vld.msk [tilespmem:s30+$0xF218], $0x1;
	_ =	sdelay $0x1  }
0x135: {  	(v2sf) =	vpush v0, $0x0;
	_ =	sdelay $0x2  }
0x136: {  	(v2sf) =	vpush v1, $0x0;
	_ =	sdelay $0x2  }
0x137: {  	s31 =	simm.s32 $0x2  }
0x138: {  	v0 =	vld.msk [tilespmem:s31+$0xF218], $0x1;
	_ =	sdelay $0x2  }
0x139: {  	s4 =	simm.s32 $0xFFFFFFFF;
	s5 =	simm.s32 $0xFFFFFFFF;
	s0 =	simm.s32 $0xC  }
.LBB2_24:
0x13a: {  	s2 =	smov.u32 s5;
	s3 =	smov.u32 s4  }
0x13b: {  	s4 =	sshra.s32 s0, $0x2;
	p1 =	sne.s32 s0, $0x7C;
	s0 =	sadd.s32 $0x4, s0;
	(v2sf) =	vpush v0, $0x0  }
0x13c: {  	v0 =	vld.msk [tilespmem:s4+$0xF218], $0x1  }
.Ltmp18:
0x13d: {  	(pc) =	sbr.rel @p1 .LBB2_24-.Ltmp18, $4  }
0x13e: {  	s5 =	spop (v2sf)  }
0x13f: {  	p2 =	sne.s32 s3, $0xFFFFFFFF;
	s4 =	smov.u32 s5  }
0x140: {  	p3 =	seq.s32 s5, $0xFFFFFFFF;
	s4 =	smov.u32 @p2 s3  }
0x141: {  	s5 =	smov.u32 @p3 s2;
	s4 =	smov.u32 @p3 s3  }
0x142: {  	(v2sf) =	vpush v0, $0x0;
	_ =	sdelay $0x8  }
0x143: {  	s0 =	spop (v2sf)  }
0x144: {  	p1 =	sne.s32 s4, $0xFFFFFFFF;
	s2 =	smov.u32 s0  }
0x145: {  	s9 =	simm.s32 $0x6;
	p2 =	seq.s32 s0, $0xFFFFFFFF;
	s2 =	smov.u32 @p1 s4  }
0x146: {  	s6 =	simm.s32 $0x0;
	s2 =	smov.u32 @p2 s4;
	s3 =	spop (v2sf)  }
0x147: {  	s0 =	smov.u32 @p2 s5;
	p1 =	sne.s32 s2, $0xFFFFFFFF;
	s4 =	smov.u32 s3  }
.Ltmp19:
0x148: {  	p2 =	seq.s32 s3, $0xFFFFFFFF;
	s4 =	smov.u32 @p1 s2;
	(pc) =	sbr.rel .LBB2_26-.Ltmp19, $4  }
0x149: {  	s10 =	simm.s32 $0xF188;
	s4 =	smov.u32 @p2 s2;
	s7 =	spop (v2sf)  }
0x14a: {  	s11 =	simm.s32 $0x0;
	p1 =	sne.s32 s4, $0xFFFFFFFF;
	s8 =	smov.u32 s7  }
0x14b: {  	s3 =	smov.u32 @p2 s0;
	p2 =	seq.s32 s7, $0xFFFFFFFF;
	s8 =	smov.u32 @p1 s4  }
0x14c: {  	[sflag:s9] =	ssyncpa.u1 $0x0;
	s7 =	smov.u32 @p2 s3;
	s8 =	smov.u32 @p2 s4  }
.LBB2_32:
0x14d: {  	p1 =	sgt.u32 s12, $0x270F0  }
0x14e: {  	p2 =	seq.s32 @!p1 s12, s8  }
0x14f: {  	p1 =	por p1, p2  }
0x150: {  	p2 =	sne.s32 @!p1 s12, s7  }
0x151: {  	p1 =	por p1, !p2  }
0x152: {  	s0 =	sshll.u32 @p1 s11, $0x9  }
0x153: {  	s0 =	sand.u32 @!p1 $0x3FFF8, s12  }
0x154: {  	s2 =	sand.u32 @!p1 $0x7, s12;
	s0 =	sadd.s32 @!p1 s1, s0  }
0x155: {  	[tilespmem:s10], [sflag:$0x6] =	stream.linear.gather @!p1 [hbm4b:s0+s2], $0x80, $0x38;
	[tilespmem:$0x1F6F8] =	vst v63  }
0x156: {  	_ =	swait.ge @!p1 [sflag:s9], $0x80  }
0x157: {  	[sflag:s9] =	ssyncset.done @!p1 $0x0  }
0x158: {  	[sflag:s9] =	ssyncadd.s32 @!p1 $0xFFFFFF80  }
0x159: {  	v1 =	vld @!p1 [tilespmem:$0xF188];
	_ =	sdelay $0x2  }
0x15a: {  	s0 =	sshll.u32 @!p1 s11, $0x9  }
0x15b: {  	s2 =	sshrl.u32 @!p1 s0, $0x2  }
0x15c: {  	[tilespmem:s2+$0xF238] =	vst.add.f32.msk @!p1 $0xffff, v1  }
0x15d: {  	v1 =	vld @!p1 [tilespmem:$0xF198];
	_ =	sdelay $0x4  }
0x15e: {  	[tilespmem:s2+$0xF248] =	vst.add.f32.msk @!p1 $0xffff, v1  }
0x15f: {  	v1 =	vld @!p1 [tilespmem:$0xF1A8];
	_ =	sdelay $0x4  }
0x160: {  	[tilespmem:s2+$0xF258] =	vst.add.f32.msk @!p1 $0xffff, v1  }
0x161: {  	v1 =	vld @!p1 [tilespmem:$0xF1B8];
	_ =	sdelay $0x4  }
0x162: {  	[tilespmem:s2+$0xF268] =	vst.add.f32.msk @!p1 $0xffff, v1  }
0x163: {  	v1 =	vld @!p1 [tilespmem:$0xF1C8];
	_ =	sdelay $0x4  }
0x164: {  	[tilespmem:s2+$0xF278] =	vst.add.f32.msk @!p1 $0xffff, v1  }
0x165: {  	v1 =	vld @!p1 [tilespmem:$0xF1D8];
	_ =	sdelay $0x4  }
0x166: {  	[tilespmem:s2+$0xF288] =	vst.add.f32.msk @!p1 $0xffff, v1  }
0x167: {  	v1 =	vld @!p1 [tilespmem:$0xF1E8];
	_ =	sdelay $0x4  }
0x168: {  	[tilespmem:s2+$0xF298] =	vst.add.f32.msk @!p1 $0xffff, v1  }
0x169: {  	v1 =	vld @!p1 [tilespmem:$0xF1F8];
	_ =	sdelay $0x4  }
0x16a: {  	[tilespmem:s2+$0xF2A8] =	vst.add.f32.msk @!p1 $0xffff, v1  }
0x16b: {  	s0 =	sshrl.u32 s0, $0x2;
	[tilespmem:s6+$0xF218] =	vst.msk $0x1, v0  }
0x16c: {  	v0 =	vld [tilespmem:s0+$0xF238];
	_ =	sdelay $0x2  }
0x16d: {  	s31 =	sshll.u32 s6, $0x9  }
0x16e: {  	s2 =	sshra.s32 s31, $0x2  }
0x16f: {  	[tilespmem:s2+$0xF238] =	vst v0  }
0x170: {  	v0 =	vld [tilespmem:s0+$0xF248];
	_ =	sdelay $0x4  }
0x171: {  	[tilespmem:s2+$0xF248] =	vst v0  }
0x172: {  	v0 =	vld [tilespmem:s0+$0xF258];
	_ =	sdelay $0x4  }
0x173: {  	[tilespmem:s2+$0xF258] =	vst v0  }
0x174: {  	v0 =	vld [tilespmem:s0+$0xF268];
	_ =	sdelay $0x4  }
0x175: {  	[tilespmem:s2+$0xF268] =	vst v0  }
0x176: {  	v0 =	vld [tilespmem:s0+$0xF278];
	_ =	sdelay $0x4  }
0x177: {  	[tilespmem:s2+$0xF278] =	vst v0  }
0x178: {  	v0 =	vld [tilespmem:s0+$0xF288];
	_ =	sdelay $0x4  }
0x179: {  	[tilespmem:s2+$0xF288] =	vst v0  }
0x17a: {  	v0 =	vld [tilespmem:s0+$0xF298];
	_ =	sdelay $0x4  }
0x17b: {  	[tilespmem:s2+$0xF298] =	vst v0  }
0x17c: {  	v0 =	vld [tilespmem:s0+$0xF2A8];
	_ =	sdelay $0x4  }
0x17d: {  	s6 =	sadd.s32 $0x1, s6;
	[tilespmem:s2+$0xF2A8] =	vst v0  }
.LBB2_33:
0x17e: {  	s11 =	sadd.s32 $0x1, s11  }
0x17f: {  	p1 =	sne.s32 s11, $0x20  }
.Ltmp20:
0x180: {  	_ = 	snop;
	(pc) =	sbr.rel @!p1 .LBB2_34-.Ltmp20, $1  }
0x181: {  	_ =	sdelay $0x3  }
.LBB2_26:
0x182: {  	v0 =	vld.msk [tilespmem:s11+$0xF218], $0x1;
	_ =	sdelay $0x4  }
0x183: {  	(v2sf) =	vpush v0, $0x0;
	_ =	sdelay $0xe  }
0x184: {  	s12 =	spop (v2sf)  }
0x185: {  	p1 =	seq.s32 s12, $0xFFFFFFFF  }
.Ltmp21:
0x186: {  	_ = 	snop;
	(pc) =	sbr.rel @p1 .LBB2_33-.Ltmp21, $1  }
0x187: {  	_ =	sdelay $0x3  }
0x188: {  	p1 =	slt.s32 s6, $0x1  }
.Ltmp22:
0x189: {  	_ = 	snop;
	(pc) =	sbr.rel @p1 .LBB2_32-.Ltmp22, $1  }
0x18a: {  	_ =	sdelay $0x3  }
0x18b: {  	s13 =	simm.s32 $0xF218;
	p1 =	por $0x0, $0x0  }
0x18c: {  	v1 =	vld.msk @!p1 [tilespmem:s13+$0x0], $0x1;
	_ =	sdelay $0x4  }
0x18d: {  	(v2sf) =	vpush @!p1 v1, $0x0;
	_ =	sdelay $0xd  }
0x18e: {  	p3 =	sne.s32 s6, $0x1  }
.Ltmp23:
0x18f: {  	s0 =	spop @!p1 (v2sf);
	(pc) =	sbr.rel @!p3 .LBB2_30-.Ltmp23, $4  }
0x190: {  	p2 =	seq.s32 @!p1 s12, s0  }
0x191: {  	s14 =	simm.s32 $0x0;
	p2 =	por !p2, p1  }
0x192: {  	s2 =	simm.s32 $0xFFFFFFFF;
	s14 =	simm.s32 @p2 $0xFFFFFFFF  }
0x193: {  	s0 =	simm.s32 $0x1;
	s14 =	smov.u32 @p1 s2  }
.LBB2_29:
0x194: {  	s2 =	smov.u32 s14;
	p1 =	sne.s32 s14, $0xFFFFFFFF  }
0x195: {  	s13 =	sadd.s32 $0x1, s13;
	s14 =	smov.u32 s0;
	s0 =	sadd.s32 $0x1, s0  }
0x196: {  	p2 =	sne.s32 s6, s0;
	v1 =	vld.msk @!p1 [tilespmem:s13+$0x0], $0x1;
	_ =	sdelay $0x4  }
0x197: {  	(v2sf) =	vpush @!p1 v1, $0x0;
	_ =	sdelay $0xe  }
.Ltmp24:
0x198: {  	s3 =	spop @!p1 (v2sf);
	(pc) =	sbr.rel @p2 .LBB2_29-.Ltmp24, $4  }
0x199: {  	p3 =	seq.s32 @!p1 s12, s3  }
0x19a: {  	p3 =	por !p3, p1  }
0x19b: {  	s14 =	simm.s32 @p3 $0xFFFFFFFF  }
0x19c: {  	s14 =	smov.u32 @p1 s2  }
.LBB2_30:
0x19d: {  	p1 =	seq.s32 s14, $0xFFFFFFFF  }
.Ltmp25:
0x19e: {  	_ = 	snop;
	(pc) =	sbr.rel @p1 .LBB2_32-.Ltmp25, $1  }
0x19f: {  	_ =	sdelay $0x3  }
0x1a0: {  	s0 =	sshll.u32 s11, $0x7  }
0x1a1: {  	s0 =	sand.u32 $0x3FFFFF80, s0  }
0x1a2: {  	v0 =	vld [tilespmem:s0+$0xF238];
	_ =	sdelay $0x2  }
0x1a3: {  	s2 =	sshll.u32 s14, $0x9  }
0x1a4: {  	s2 =	sshra.s32 s2, $0x2  }
0x1a5: {  	[tilespmem:s2+$0xF238] =	vst.add.f32.msk $0xffff, v0  }
0x1a6: {  	v0 =	vld [tilespmem:s0+$0xF248];
	_ =	sdelay $0x4  }
0x1a7: {  	[tilespmem:s2+$0xF248] =	vst.add.f32.msk $0xffff, v0  }
0x1a8: {  	v0 =	vld [tilespmem:s0+$0xF258];
	_ =	sdelay $0x4  }
0x1a9: {  	[tilespmem:s2+$0xF258] =	vst.add.f32.msk $0xffff, v0  }
0x1aa: {  	v0 =	vld [tilespmem:s0+$0xF268];
	_ =	sdelay $0x4  }
0x1ab: {  	[tilespmem:s2+$0xF268] =	vst.add.f32.msk $0xffff, v0  }
0x1ac: {  	v0 =	vld [tilespmem:s0+$0xF278];
	_ =	sdelay $0x4  }
0x1ad: {  	[tilespmem:s2+$0xF278] =	vst.add.f32.msk $0xffff, v0  }
0x1ae: {  	v0 =	vld [tilespmem:s0+$0xF288];
	_ =	sdelay $0x4  }
0x1af: {  	[tilespmem:s2+$0xF288] =	vst.add.f32.msk $0xffff, v0  }
0x1b0: {  	v0 =	vld [tilespmem:s0+$0xF298];
	_ =	sdelay $0x4  }
0x1b1: {  	[tilespmem:s2+$0xF298] =	vst.add.f32.msk $0xffff, v0  }
0x1b2: {  	v0 =	vld [tilespmem:s0+$0xF2A8]  }
.Ltmp26:
0x1b3: {  	_ = 	snop;
	(pc) =	sbr.rel .LBB2_33-.Ltmp26, $2  }
0x1b4: {  	_ =	sdelay $0x2  }
0x1b5: {  	[tilespmem:s2+$0xF2A8] =	vst.add.f32.msk $0xffff, v0  }
.LBB2_34:
0x1b6: {  	s0 =	simm.s32 $0x6;
	p1 =	seq.s32 s6, $0x0  }
0x1b7: {  	[sflag:s0] =	ssyncpa.u1 $0x1;
	v0 =	vimm.s32 @p1 $0xFFFFFFFF  }
0x1b8: {  	s9 =	sadd.s32 $0xFFFFFFFF, s6;
	[tilespmem:$0x10238] =	vst @p1 v0  }
0x1b9: {  	v0 =	vld.msk @!p1 [tilespmem:s9+$0xF218], $0x1;
	_ =	sdelay $0x1  }
0x1ba: {  	v1 =	vld.msk @!p1 [tilespmem:$0xF218], $0x1;
	_ =	sdelay $0x2  }
0x1bb: {  	p2 =	seq.s32 @!p1 s9, $0x0;
	v0 =	vbroadcast @!p1 v0, $0x0  }
0x1bc: {  	vm0 =	vmmov @!p1 $0x1;
	p2 =	por !p2, p1  }
0x1bd: {  	v1 =	vnsel @!p1 vm0, $0xFFFFFFFF, v1;
	vm0 =	vcmask @!p1 $0x308;
	v0 =	vpsel !p2, $0xFFFFFFFF, v0  }
0x1be: {  	p2 =	sne.s32 @!p1 s8, s7;
	v0 =	vsel @!p1 vm0, v1, v0  }
0x1bf: {  	s0 =	simm.s32 @!p1 $0xF238;
	s2 =	simm.s32 @!p1 $0x0;
	p3 =	por !p2, p1;
	[tilespmem:$0x10238] =	vst @!p1 v0  }
0x1c0: {  	[spmem:s2] =	stream.linear.scatter @!p1 [tilespmem:s0], [sflag:$0x1], $0x80, $0x38;
	[tilespmem:$0x1F6F8] =	vst v63  }
0x1c1: {  	s0 =	sshll.u32 @!p3 s9, $0x9  }
0x1c2: {  	s0 =	sshra.s32 @!p3 s0, $0x2  }
0x1c3: {  	s2 =	simm.s32 @!p3 $0x80;
	s0 =	sadd.s32 @!p3 $0xF238, s0  }
0x1c4: {  	[spmem:s2] =	stream.linear.scatter @!p3 [tilespmem:s0], [sflag:$0x1], $0x80, $0x38;
	[tilespmem:$0x1F6F8] =	vst v63  }
0x1c5: {  	s0 =	simm.s32 @!p3 $0x1  }
0x1c6: {  	_ =	swait.ge @!p3 [sflag:s0], $0x100  }
0x1c7: {  	p1 =	por p2, p1;
	[sflag:s0] =	ssyncset.done @!p3 $0x0  }
0x1c8: {  	[sflag:s0] =	ssyncadd.s32 @!p3 $0xFFFFFF00;
	s0 =	simm.s32 @!p1 $0x1  }
0x1c9: {  	_ =	swait.ge @!p1 [sflag:s0], $0x80  }
0x1ca: {  	s29 =	simm.s32 $0x10238;
	[sflag:s0] =	ssyncset.done @!p1 $0x0  }
0x1cb: {  	s30 =	simm.s32 $0x1000;
	s31 =	simm.s32 $0x1;
	[sflag:s0] =	ssyncadd.s32 @!p1 $0xFFFFFF80  }
0x1cc: {  	[spmem:s30] =	stream.linear.scatter [tilespmem:s29], [sflag:$0x1], $0x10, $0x38;
	[tilespmem:$0x1F6F8] =	vst v63  }
0x1cd: {  	_ =	swait.ge [sflag:s31], $0x10  }
0x1ce: {  	[sflag:s31] =	ssyncset.done $0x0  }
0x1cf: {  	p1 =	seq.s32 s15, $0x0;
	s8 =	rddreg [dreg:$0x2];
	[sflag:s31] =	ssyncadd.s32 $0xFFFFFFF0  }
0x1d0: {  	s2 =	sshll.u32 @p1 s8, $0xE;
	s7 =	rddreg [dreg:$0x3]  }
0x1d1: {  	s0 =	sadd.s32 @p1 $0x15C3C, s2;
	s2 =	sshll.u32 @p1 s7, $0x11  }
0x1d2: {  	_ =	sfence.stream.spmem;
	s0 =	sor.u32 @p1 s2, s0  }
0x1d3: {  	[sflag:s0] =	ssyncadd.remote.s32 @p1 $0x1;
	s0 =	simm.s32 @p1 $0x4  }
0x1d4: {  	s3 =	simm.s32 @!p1 $0x3C;
	s2 =	sand.u32 $0xFFFFFFFE, s8;
	_ =	swait.ge @p1 [sflag:s0], $0x22  }
0x1d5: {  	s4 =	simm.s32 @!p1 $0x0;
	s2 =	sadd.s32 @!p1 $0x4, s2;
	[sflag:s0] =	ssyncset.done @p1 $0x0  }
0x1d6: {  	s5 =	simm.s32 @!p1 $0x100;
	[sflag:s0] =	ssyncadd.s32 @p1 $0xFFFFFFDE;
	s0 =	sshll.u32 @!p1 s2, $0x1A  }
0x1d7: {  	s2 =	sshll.u32 @!p1 s2, $0xD;
	s0 =	sor.u32 @!p1 s0, s7;
	_ =	swait.eq @!p1 [sflag:s3], $0x1  }
0x1d8: {  	s2 =	sor.u32 @!p1 $0x1C04, s2;
	s3 =	simm.s32 @!p1 $0x1C03;
	s0 =	sor.u32 @!p1 $0x80004000, s0  }
0x1d9: {  	[spmem:s5], [sflag:s2] =	dma.general @!p1 [spmem:s4], [sflag:s3], length:$0x20, [dreg:$0x0], stride_count:$0x0, ici_dest:s0, dma_misc:DstOpCode:WRITE  }
0x1da: {  	p2 =	slt.s32 s9, $0x2;
	s4 =	simm.s32 @!p1 $0x200;
	s5 =	simm.s32 @!p1 $0x202  }
0x1db: {  	[spmem:s5], [sflag:s2] =	dma.general @!p1 [spmem:s4], [sflag:s3], length:$0x2, [dreg:$0x0], stride_count:$0x0, ici_dest:s0, dma_misc:DstOpCode:WRITE  }
.Ltmp27:
0x1dc: {  	s0 =	simm.s32 @!p1 $0x3;
	(pc) =	sbr.rel @p2 .LBB2_38-.Ltmp27, $4  }
0x1dd: {  	s2 =	sshll.u32 @!p1 s8, $0xE;
	_ =	swait.ge @!p1 [sflag:s0], $0x22  }
0x1de: {  	s3 =	sshll.u32 @!p1 s7, $0x11;
	s2 =	sadd.s32 @!p1 $0x11C3C, s2;
	[sflag:s0] =	ssyncset.done @!p1 $0x0  }
0x1df: {  	[sflag:s0] =	ssyncadd.s32 @!p1 $0xFFFFFFDE;
	s0 =	sor.u32 @!p1 s3, s2  }
0x1e0: {  	[sflag:s0] =	ssyncadd.remote.s32 @!p1 $0xFFFFFFFF;
	s0 =	simm.s32 $0x0  }
0x1e1: {  	s0 =	simm.s32 $0xF219  }
0x1e2: {  	v0 =	vld.msk [tilespmem:s0+$0x0], $0x1;
	_ =	sdelay $0x4  }
0x1e3: {  	(v2sf) =	vpush v0, $0x0;
	_ =	sdelay $0xb  }
0x1e4: {  	s31 =	sadd.s32 $0xFFFFFFFE, s6  }
0x1e5: {  	s0 =	sadd.s32 $0xFFFFFFFF, s31  }
0x1e6: {  	p2 =	sne.s32 s0, $0x0  }
.Ltmp28:
0x1e7: {  	s2 =	spop (v2sf);
	(pc) =	sbr.rel @!p2 .LBB2_37-.Ltmp28, $4  }
0x1e8: {  	s4 =	simm.s32 $0xF2B8;
	s7 =	simm.s32 $0x0;
	p1 =	sgt.u32 s2, $0x270F0  }
0x1e9: {  	s5 =	simm.s32 $0x0;
	s6 =	simm.s32 $0xF21A;
	s3 =	sand.u32 @!p1 $0x3FFF8, s2  }
0x1ea: {  	s2 =	sand.u32 @!p1 $0x7, s2;
	s7 =	simm.s32 @!p1 $0x200;
	s3 =	sadd.s32 @!p1 s1, s3  }
0x1eb: {  	[hbm4b:s3+s2] =	stream.linear.scatter @!p1 [tilespmem:s4], [sflag:$0x5], $0x80, $0x38;
	[tilespmem:$0x1F6F8] =	vst v63  }
.LBB2_36:
0x1ec: {  	v0 =	vld.msk [tilespmem:s6+$0x0], $0x1;
	s0 =	sadd.s32 $0xFFFFFFFF, s0;
	s5 =	sadd.s32 s5, s7  }
0x1ed: {  	p1 =	sne.s32 s0, $0x0;
	_ =	sdelay $0x3  }
0x1ee: {  	(v2sf) =	vpush v0, $0x0;
	_ =	sdelay $0xe  }
.Ltmp29:
0x1ef: {  	s2 =	spop (v2sf);
	(pc) =	sbr.rel @p1 .LBB2_36-.Ltmp29, $4  }
0x1f0: {  	s7 =	simm.s32 $0x0;
	p2 =	sgt.u32 s2, $0x270F0  }
0x1f1: {  	s4 =	sadd.s32 $0x80, s4;
	s7 =	simm.s32 @!p2 $0x200;
	s3 =	sand.u32 @!p2 $0x3FFF8, s2  }
0x1f2: {  	s6 =	sadd.s32 $0x1, s6;
	s2 =	sand.u32 @!p2 $0x7, s2;
	s3 =	sadd.s32 @!p2 s1, s3  }
0x1f3: {  	[hbm4b:s3+s2] =	stream.linear.scatter @!p2 [tilespmem:s4], [sflag:$0x5], $0x80, $0x38;
	[tilespmem:$0x1F6F8] =	vst v63  }
.LBB2_37:
0x1f4: {  	s0 =	sadd.s32 s5, s7  }
0x1f5: {  	s0 =	sshrl.u32 s0, $0x2  }
.LBB2_38:
0x1f6: {  	s2 =	simm.s32 $0x5  }
0x1f7: {  	_ =	swait.ge [sflag:s2], s0  }
0x1f8: {  	s31 =	ssub.s32 $0x0, s0;
	[sflag:s2] =	ssyncset.done $0x0  }
0x1f9: {  	[sflag:s2] =	ssyncadd.s32 s31  }
0x1fa: {  	[sflag:s2] =	ssyncpa.u1 $0x1  }
.LBB2_39:
0x1fb: {  	s0 =	sor.u32 s15, s16  }
0x1fc: {  	p1 =	sne.s32 s0, $0x0  }
.Ltmp30:
0x1fd: {  	_ = 	snop;
	(pc) =	sbr.rel @p1 .LBB2_54-.Ltmp30, $3  }
0x1fe: {  	_ =	sdelay $0x1  }
0x1ff: {  	[bflag:$0x0] =	sbarrier.arrive $0xFFFF  }
0x200: {  	_ =	sfence  }
0x201: {  	s0 =	simm.s32 $0x7  }
0x202: {  	s2 =	simm.s32 $0x1000;
	s3 =	simm.s32 $0xF218;
	[sflag:s0] =	ssyncpa.u1 $0x0  }
0x203: {  	[tilespmem:s3], [sflag:$0x7] =	stream.linear.gather [spmem:s2], $0x20, $0x38;
	[tilespmem:$0x1F6F8] =	vst v63  }
0x204: {  	s30 =	simm.s32 $0xF238;
	s2 =	simm.s32 $0x0  }
0x205: {  	[tilespmem:s30], [sflag:$0x7] =	stream.linear.gather [spmem:s2], $0x1000, $0x38;
	[tilespmem:$0x1F6F8] =	vst v63  }
.Ltmp31:
0x206: {  	_ = 	snop;
	(pc) =	sbr.rel .LBB2_41-.Ltmp31, $4  }
0x207: {  	_ =	swait.ge [sflag:s0], $0x1020  }
0x208: {  	[sflag:s0] =	ssyncset.done $0x0  }
0x209: {  	s31 =	simm.s32 $0x8;
	[sflag:s0] =	ssyncadd.s32 $0xFFFFEFE0  }
0x20a: {  	s3 =	simm.s32 $0x0;
	[sflag:s31] =	ssyncpa.u1 $0x0  }
.LBB2_47:
0x20b: {  	p1 =	slt.u32 s4, $0x270F1  }
0x20c: {  	s0 =	sand.u32 @p1 $0x3FFF8, s4  }
0x20d: {  	s4 =	sand.u32 @p1 $0x7, s4;
	s5 =	simm.s32 @p1 $0xF188;
	s0 =	sadd.s32 @p1 s1, s0  }
0x20e: {  	[tilespmem:s5], [sflag:$0x8] =	stream.linear.gather @p1 [hbm4b:s0+s4], $0x80, $0x38;
	[tilespmem:$0x1F6F8] =	vst v63  }
0x20f: {  	s0 =	simm.s32 @p1 $0x8  }
0x210: {  	_ =	swait.ge @p1 [sflag:s0], $0x80  }
0x211: {  	[sflag:s0] =	ssyncset.done @p1 $0x0  }
0x212: {  	[sflag:s0] =	ssyncadd.s32 @p1 $0xFFFFFF80  }
0x213: {  	v1 =	vld @p1 [tilespmem:$0xF188];
	_ =	sdelay $0x2  }
0x214: {  	s0 =	sshll.u32 @p1 s3, $0x9  }
0x215: {  	s4 =	sshrl.u32 @p1 s0, $0x2  }
0x216: {  	[tilespmem:s4+$0xF238] =	vst.add.f32.msk @p1 $0xffff, v1  }
0x217: {  	v1 =	vld @p1 [tilespmem:$0xF198];
	_ =	sdelay $0x4  }
0x218: {  	[tilespmem:s4+$0xF248] =	vst.add.f32.msk @p1 $0xffff, v1  }
0x219: {  	v1 =	vld @p1 [tilespmem:$0xF1A8];
	_ =	sdelay $0x4  }
0x21a: {  	[tilespmem:s4+$0xF258] =	vst.add.f32.msk @p1 $0xffff, v1  }
0x21b: {  	v1 =	vld @p1 [tilespmem:$0xF1B8];
	_ =	sdelay $0x4  }
0x21c: {  	[tilespmem:s4+$0xF268] =	vst.add.f32.msk @p1 $0xffff, v1  }
0x21d: {  	v1 =	vld @p1 [tilespmem:$0xF1C8];
	_ =	sdelay $0x4  }
0x21e: {  	[tilespmem:s4+$0xF278] =	vst.add.f32.msk @p1 $0xffff, v1  }
0x21f: {  	v1 =	vld @p1 [tilespmem:$0xF1D8];
	_ =	sdelay $0x4  }
0x220: {  	[tilespmem:s4+$0xF288] =	vst.add.f32.msk @p1 $0xffff, v1  }
0x221: {  	v1 =	vld @p1 [tilespmem:$0xF1E8];
	_ =	sdelay $0x4  }
0x222: {  	[tilespmem:s4+$0xF298] =	vst.add.f32.msk @p1 $0xffff, v1  }
0x223: {  	v1 =	vld @p1 [tilespmem:$0xF1F8];
	_ =	sdelay $0x3  }
0x224: {  	s5 =	sshll.u32 @!p1 s3, $0x9  }
0x225: {  	s5 =	smov.u32 @p1 s0;
	[tilespmem:s4+$0xF2A8] =	vst.add.f32.msk @p1 $0xffff, v1  }
0x226: {  	s0 =	sshrl.u32 s5, $0x2;
	[tilespmem:s2+$0xF218] =	vst.msk $0x1, v0  }
0x227: {  	v0 =	vld [tilespmem:s0+$0xF238];
	_ =	sdelay $0x2  }
0x228: {  	s31 =	sshll.u32 s2, $0x9  }
0x229: {  	s4 =	sshra.s32 s31, $0x2  }
0x22a: {  	[tilespmem:s4+$0xF238] =	vst v0  }
0x22b: {  	v0 =	vld [tilespmem:s0+$0xF248];
	_ =	sdelay $0x4  }
0x22c: {  	[tilespmem:s4+$0xF248] =	vst v0  }
0x22d: {  	v0 =	vld [tilespmem:s0+$0xF258];
	_ =	sdelay $0x4  }
0x22e: {  	[tilespmem:s4+$0xF258] =	vst v0  }
0x22f: {  	v0 =	vld [tilespmem:s0+$0xF268];
	_ =	sdelay $0x4  }
0x230: {  	[tilespmem:s4+$0xF268] =	vst v0  }
0x231: {  	v0 =	vld [tilespmem:s0+$0xF278];
	_ =	sdelay $0x4  }
0x232: {  	[tilespmem:s4+$0xF278] =	vst v0  }
0x233: {  	v0 =	vld [tilespmem:s0+$0xF288];
	_ =	sdelay $0x4  }
0x234: {  	[tilespmem:s4+$0xF288] =	vst v0  }
0x235: {  	v0 =	vld [tilespmem:s0+$0xF298];
	_ =	sdelay $0x4  }
0x236: {  	[tilespmem:s4+$0xF298] =	vst v0  }
0x237: {  	v0 =	vld [tilespmem:s0+$0xF2A8];
	_ =	sdelay $0x4  }
0x238: {  	s2 =	sadd.s32 $0x1, s2;
	[tilespmem:s4+$0xF2A8] =	vst v0  }
.LBB2_48:
0x239: {  	s3 =	sadd.s32 $0x1, s3  }
0x23a: {  	p1 =	sne.s32 s3, $0x20  }
.Ltmp32:
0x23b: {  	_ = 	snop;
	(pc) =	sbr.rel @!p1 .LBB2_49-.Ltmp32, $1  }
0x23c: {  	_ =	sdelay $0x3  }
.LBB2_41:
0x23d: {  	v0 =	vld.msk [tilespmem:s3+$0xF218], $0x1;
	_ =	sdelay $0x4  }
0x23e: {  	(v2sf) =	vpush v0, $0x0;
	_ =	sdelay $0xe  }
0x23f: {  	s4 =	spop (v2sf)  }
0x240: {  	p1 =	seq.s32 s4, $0xFFFFFFFF  }
.Ltmp33:
0x241: {  	_ = 	snop;
	(pc) =	sbr.rel @p1 .LBB2_48-.Ltmp33, $1  }
0x242: {  	_ =	sdelay $0x3  }
0x243: {  	p1 =	slt.s32 s2, $0x1  }
.Ltmp34:
0x244: {  	_ = 	snop;
	(pc) =	sbr.rel @p1 .LBB2_47-.Ltmp34, $1  }
0x245: {  	_ =	sdelay $0x3  }
0x246: {  	s5 =	simm.s32 $0xF218;
	p1 =	por $0x0, $0x0  }
0x247: {  	v1 =	vld.msk @!p1 [tilespmem:s5+$0x0], $0x1;
	_ =	sdelay $0x4  }
0x248: {  	(v2sf) =	vpush @!p1 v1, $0x0;
	_ =	sdelay $0xd  }
0x249: {  	p3 =	sne.s32 s2, $0x1  }
.Ltmp35:
0x24a: {  	s0 =	spop @!p1 (v2sf);
	(pc) =	sbr.rel @!p3 .LBB2_45-.Ltmp35, $4  }
0x24b: {  	p2 =	seq.s32 @!p1 s4, s0  }
0x24c: {  	s6 =	simm.s32 $0x0;
	p2 =	por !p2, p1  }
0x24d: {  	s7 =	simm.s32 $0xFFFFFFFF;
	s6 =	simm.s32 @p2 $0xFFFFFFFF  }
0x24e: {  	s0 =	simm.s32 $0x1;
	s6 =	smov.u32 @p1 s7  }
.LBB2_44:
0x24f: {  	s7 =	smov.u32 s6;
	p1 =	sne.s32 s6, $0xFFFFFFFF  }
0x250: {  	s5 =	sadd.s32 $0x1, s5;
	s6 =	smov.u32 s0;
	s0 =	sadd.s32 $0x1, s0  }
0x251: {  	p2 =	sne.s32 s2, s0;
	v1 =	vld.msk @!p1 [tilespmem:s5+$0x0], $0x1;
	_ =	sdelay $0x4  }
0x252: {  	(v2sf) =	vpush @!p1 v1, $0x0;
	_ =	sdelay $0xe  }
.Ltmp36:
0x253: {  	s8 =	spop @!p1 (v2sf);
	(pc) =	sbr.rel @p2 .LBB2_44-.Ltmp36, $4  }
0x254: {  	p3 =	seq.s32 @!p1 s4, s8  }
0x255: {  	p3 =	por !p3, p1  }
0x256: {  	s6 =	simm.s32 @p3 $0xFFFFFFFF  }
0x257: {  	s6 =	smov.u32 @p1 s7  }
.LBB2_45:
0x258: {  	p1 =	seq.s32 s6, $0xFFFFFFFF  }
.Ltmp37:
0x259: {  	_ = 	snop;
	(pc) =	sbr.rel @p1 .LBB2_47-.Ltmp37, $1  }
0x25a: {  	_ =	sdelay $0x3  }
0x25b: {  	s0 =	sshll.u32 s3, $0x7  }
0x25c: {  	s0 =	sand.u32 $0x3FFFFF80, s0  }
0x25d: {  	v0 =	vld [tilespmem:s0+$0xF238];
	_ =	sdelay $0x2  }
0x25e: {  	s4 =	sshll.u32 s6, $0x9  }
0x25f: {  	s4 =	sshra.s32 s4, $0x2  }
0x260: {  	[tilespmem:s4+$0xF238] =	vst.add.f32.msk $0xffff, v0  }
0x261: {  	v0 =	vld [tilespmem:s0+$0xF248];
	_ =	sdelay $0x4  }
0x262: {  	[tilespmem:s4+$0xF248] =	vst.add.f32.msk $0xffff, v0  }
0x263: {  	v0 =	vld [tilespmem:s0+$0xF258];
	_ =	sdelay $0x4  }
0x264: {  	[tilespmem:s4+$0xF258] =	vst.add.f32.msk $0xffff, v0  }
0x265: {  	v0 =	vld [tilespmem:s0+$0xF268];
	_ =	sdelay $0x4  }
0x266: {  	[tilespmem:s4+$0xF268] =	vst.add.f32.msk $0xffff, v0  }
0x267: {  	v0 =	vld [tilespmem:s0+$0xF278];
	_ =	sdelay $0x4  }
0x268: {  	[tilespmem:s4+$0xF278] =	vst.add.f32.msk $0xffff, v0  }
0x269: {  	v0 =	vld [tilespmem:s0+$0xF288];
	_ =	sdelay $0x4  }
0x26a: {  	[tilespmem:s4+$0xF288] =	vst.add.f32.msk $0xffff, v0  }
0x26b: {  	v0 =	vld [tilespmem:s0+$0xF298];
	_ =	sdelay $0x4  }
0x26c: {  	[tilespmem:s4+$0xF298] =	vst.add.f32.msk $0xffff, v0  }
0x26d: {  	v0 =	vld [tilespmem:s0+$0xF2A8]  }
.Ltmp38:
0x26e: {  	_ = 	snop;
	(pc) =	sbr.rel .LBB2_48-.Ltmp38, $2  }
0x26f: {  	_ =	sdelay $0x2  }
0x270: {  	[tilespmem:s4+$0xF2A8] =	vst.add.f32.msk $0xffff, v0  }
.LBB2_49:
0x271: {  	p1 =	slt.s32 s2, $0x1  }
.Ltmp39:
0x272: {  	_ = 	snop;
	(pc) =	sbr.rel @p1 .LBB2_53-.Ltmp39, $3  }
0x273: {  	_ =	sdelay $0x1  }
0x274: {  	s0 =	simm.s32 $0x8  }
0x275: {  	s3 =	simm.s32 $0x0;
	[sflag:s0] =	ssyncpa.u1 $0x1  }
0x276: {  	s0 =	simm.s32 $0xF218  }
0x277: {  	v0 =	vld.msk [tilespmem:s0+$0x0], $0x1;
	_ =	sdelay $0x4  }
0x278: {  	(v2sf) =	vpush v0, $0x0;
	_ =	sdelay $0xe  }
0x279: {  	s0 =	sadd.s32 $0xFFFFFFFF, s2;
	s5 =	spop (v2sf)  }
0x27a: {  	p2 =	sne.s32 s0, $0x0;
	p1 =	sgt.u32 s5, $0x270F0  }
.Ltmp40:
0x27b: {  	s6 =	sand.u32 @!p1 $0x3FFF8, s5;
	(pc) =	sbr.rel @!p2 .LBB2_52-.Ltmp40, $4  }
0x27c: {  	s4 =	simm.s32 $0xF238;
	s5 =	sand.u32 @!p1 $0x7, s5;
	s2 =	sadd.s32 @!p1 s1, s6  }
0x27d: {  	[hbm4b:s2+s5] =	stream.linear.scatter @!p1 [tilespmem:s4], [sflag:$0x7], $0x80, $0x38;
	[tilespmem:$0x1F6F8] =	vst v63  }
0x27e: {  	s5 =	simm.s32 $0x0  }
0x27f: {  	s2 =	simm.s32 $0xF219;
	s5 =	simm.s32 @!p1 $0x200  }
.LBB2_51:
0x280: {  	v0 =	vld.msk [tilespmem:s2+$0x0], $0x1;
	s0 =	sadd.s32 $0xFFFFFFFF, s0;
	s3 =	sadd.s32 s3, s5  }
0x281: {  	p1 =	sne.s32 s0, $0x0;
	_ =	sdelay $0x3  }
0x282: {  	(v2sf) =	vpush v0, $0x0;
	_ =	sdelay $0xe  }
.Ltmp41:
0x283: {  	s6 =	spop (v2sf);
	(pc) =	sbr.rel @p1 .LBB2_51-.Ltmp41, $4  }
0x284: {  	s5 =	simm.s32 $0x0;
	p2 =	sgt.u32 s6, $0x270F0  }
0x285: {  	s4 =	sadd.s32 $0x80, s4;
	s5 =	simm.s32 @!p2 $0x200;
	s7 =	sand.u32 @!p2 $0x3FFF8, s6  }
0x286: {  	s2 =	sadd.s32 $0x1, s2;
	s6 =	sand.u32 @!p2 $0x7, s6;
	s7 =	sadd.s32 @!p2 s1, s7  }
0x287: {  	[hbm4b:s7+s6] =	stream.linear.scatter @!p2 [tilespmem:s4], [sflag:$0x7], $0x80, $0x38;
	[tilespmem:$0x1F6F8] =	vst v63  }
.LBB2_52:
0x288: {  	s0 =	sadd.s32 s3, s5  }
0x289: {  	s3 =	sshrl.u32 s0, $0x2  }
.LBB2_53:
0x28a: {  	s0 =	simm.s32 $0x7  }
0x28b: {  	_ =	swait.ge [sflag:s0], s3  }
0x28c: {  	s1 =	ssub.s32 $0x0, s3;
	[sflag:s0] =	ssyncset.done $0x0  }
0x28d: {  	[sflag:s0] =	ssyncadd.s32 s1  }
0x28e: {  	[sflag:s0] =	ssyncpa.u1 $0x1  }
.LBB2_54:
0x28f: {  	_ =	sfence;
	s0 =	simm.s32 $0x1  }
0x290: {  	[sflag:s0] =	ssyncpa.u1 $0x1  }
0x291: {  	_ =	strace $0x9000005F  }
0x292: {  	[bflag:$0x2] =	sbarrier.arrive $0xFFFF  }
0x293: {  	s0 =	rddreg [dreg:$0x4]  }
0x294: {  	s0 =	sadd.s32 @!p0 $0x100000, s0  }
0x295: {  	[sflag:s0] =	ssyncadd.tile.s32 @!p0 $0x1;
	_ =	shalt  }
.Lfunc_end2:
_tile_overlayer_lowered:
.L_overlay_start_2:
0x296: {  	(tag) =	ssettag $0x2  }
0x297: {  	s0 =	rddreg [dreg:$0x0];
	s2 =	stileid.u32  }
0x298: {  	s1 =	rddreg [dreg:$0x1];
	p0 =	sne.s32 s2, $0x0  }
0x299: {  	s3 =	rddreg [dreg:$0x2];
	[bflag:$0x3] =	sbarrier.arrive $0xFFFF;
	s2 =	simm.s32 @!p0 $0x1C01  }
0x29a: {  	[timem:s3], [sflag:s2] =	dma.local @!p0 [hbm:s0], s1  }
0x29b: {  	s0 =	simm.s32 @!p0 $0x1  }
0x29c: {  	_ =	swait.ge @!p0 [sflag:s0], s1  }
0x29d: {  	s1 =	ssub.s32 @!p0 $0x0, s1;
	[sflag:s0] =	ssyncset.done @!p0 $0x0  }
0x29e: {  	[sflag:s0] =	ssyncadd.s32 @!p0 s1  }
0x29f: {  	[bflag:$0x3] =	sbarrier.arrive $0xFFFF  }
0x2a0: {  	_ =	shalt  }

// kernel: scatter_offload_async_start
scs
__scs_entry_jumppad:
0x0: {  	(pc) =	sbr.rel $0x88, $3  }
0x1: {  	(tag) =	ssettag $0x0;
	lr =	simm.s32 $0x1  }
0x2: {  	[smem:$0x3F8B] =	sst lr;
	_ =	strace $0xD0000000  }
0x3: {  	_ = 	snop  }
0x4: {  	_ = 	snop  }
0x5: {  	_ = 	snop  }
0x6: {  	_ = 	snop  }
0x7: {  	_ = 	snop  }
__scs_overlays_trampoline_lowered:
0x8: {  	[smem:$0x3F9A] =	sst s0  }
0x9: {  	[smem:$0x3F9B] =	sst s1  }
0xa: {  	[smem:$0x3F9C] =	sst s2  }
0xb: {  	[smem:$0x3F9D] =	sst s3  }
0xc: {  	[smem:$0x3F9E] =	sst s4  }
0xd: {  	[smem:$0x3F9F] =	sst s5  }
0xe: {  	[smem:$0x3FA0] =	sst s6  }
0xf: {  	[smem:$0x3FA1] =	sst s7  }
0x10: {  	[smem:$0x3FA2] =	sst s8  }
0x11: {  	[smem:$0x3FA3] =	sst s9;
	s0 =	simm.s32 @!p0 $0x0  }
0x12: {  	s1 =	sld [smem:$0x3F89];
	s0 =	simm.s32 @p0 $0x1  }
0x13: {  	[smem:$0x3FA4] =	sst s0;
	s0 =	simm.s32 @!p1 $0x0  }
0x14: {  	s2 =	sld [smem:$0x3F88];
	s0 =	simm.s32 @p1 $0x1  }
0x15: {  	[smem:$0x3FA5] =	sst s0;
	s0 =	simm.s32 @!p2 $0x0  }
0x16: {  	s3 =	sld [smem:$0x3FDB];
	s0 =	simm.s32 @p2 $0x1  }
0x17: {  	s4 =	simm.s32 $0x1BF5;
	[smem:$0x3FA7] =	sst s0  }
0x18: {  	s0 =	sld [smem:$0x3F8A];
	_ =	swait.ge [sflag:s4], $0x0  }
0x19: {  	s7 =	sld [smem:$0x3F8B]  }
0x1a: {  	s8 =	sadd.s32 $0xFFFFE003, lr  }
0x1b: {  	s9 =	sadd.s32 $0xFFFFFEF7, lr;
	s5 =	simm.s32 $0xFFFFFFFF;
	p2 =	slt.u32 s8, $0xFFFFF086  }
0x1c: {  	p1 =	slt.u32 s9, $0xF7A;
	s5 =	simm.s32 @!p2 $0x0  }
0x1d: {  	s5 =	simm.s32 @p1 $0x1;
	p0 =	seq.s32 s7, s2  }
0x1e: {  	s7 =	smul.u32 @!p0 $0xF7A, s2;
	p2 =	seq.s32 @!p0 s5, $0x0  }
0x1f: {  	s9 =	smul.u32 $0xF7A, s1;
	s8 =	simm.s32 @!p0 $0x1BF5;
	p2 =	por !p2, p0  }
0x20: {  	[sflag:s8] =	ssyncset.s32 @!p0 $0xFFFFF086;
	s6 =	sadd.s32 @!p0 s3, s7;
	s7 =	simm.s32 @!p0 $0x108  }
0x21: {  	s3 =	sadd.s32 s3, s9;
	s6 =	sadd.s32 @!p0 $0x88, s6;
	s7 =	simm.s32 @p2 $0x1082  }
0x22: {  	[simem:s7], [sflag:s8] =	dma.local @!p0 [hbm:s6], $0xF7A  }
0x23: {  	s9 =	sor.u32 $0xD0000000, s2;
	s6 =	simm.s32 $0x108;
	_ =	swait.ge @!p0 [sflag:s8], $0x0  }
0x24: {  	s3 =	sadd.s32 $0x88, s3;
	s6 =	simm.s32 @!p1 $0x1082;
	[sflag:s4] =	ssyncset.s32 $0xFFFFF086  }
0x25: {  	[simem:s6], [sflag:s4] =	dma.local [hbm:s3], $0xF7A  }
0x26: {  	[smem:$0x3F8B] =	sst s1;
	(tag) =	ssettag s2;
	_ =	strace s9  }
0x27: {  	s1 =	sld [smem:$0x3F9B]  }
0x28: {  	s2 =	sld [smem:$0x3F9C]  }
0x29: {  	s4 =	sld [smem:$0x3F9E]  }
0x2a: {  	p0 =	seq.s32 s5, $0x0;
	s5 =	sld [smem:$0x3F9F]  }
0x2b: {  	s6 =	sld [smem:$0x3FA0]  }
0x2c: {  	s7 =	sld [smem:$0x3FA1]  }
0x2d: {  	s3 =	simm.s32 $0x108;
	s8 =	sld [smem:$0x3FA2]  }
0x2e: {  	s3 =	simm.s32 @!p0 $0x1082;
	s9 =	sld [smem:$0x3FA3]  }
0x2f: {  	lr =	sadd.s32 s0, s3;
	s0 =	sld [smem:$0x3F9A]  }
0x30: {  	s3 =	sld [smem:$0x3F9D]  }
0x31: {  	[smem:$0x3FA6] =	sst s10  }
0x32: {  	s10 =	sld [smem:$0x3FA4];
	_ =	sdelay $0x3  }
0x33: {  	p0 =	seq.s32 s10, $0x1;
	s10 =	sld [smem:$0x3FA6];
	_ =	sdelay $0x3  }
0x34: {  	[smem:$0x3FA6] =	sst s10  }
0x35: {  	s10 =	sld [smem:$0x3FA5];
	_ =	sdelay $0x3  }
0x36: {  	p1 =	seq.s32 s10, $0x1;
	s10 =	sld [smem:$0x3FA6];
	_ =	sdelay $0x3  }
0x37: {  	[smem:$0x3FA6] =	sst s10  }
0x38: {  	s10 =	sld [smem:$0x3FA7]  }
0x39: {  	_ = 	snop;
	(pc) =	sbr.ind lr, $3  }
0x3a: {  	_ = 	snop  }
0x3b: {  	_ = 	snop  }
0x3c: {  	p2 =	seq.s32 s10, $0x1;
	s10 =	sld [smem:$0x3FA6]  }
0x3d: {  	_ =	shalt  }
0x3e: {  	_ =	shalt  }
0x3f: {  	_ =	shalt  }
0x40: {  	_ =	shalt  }
0x41: {  	_ =	shalt  }
0x42: {  	_ =	shalt  }
0x43: {  	_ =	shalt  }
0x44: {  	_ =	shalt  }
0x45: {  	_ =	shalt  }
0x46: {  	_ =	shalt  }
0x47: {  	_ =	shalt  }
0x48: {  	_ =	shalt  }
0x49: {  	_ =	shalt  }
0x4a: {  	_ =	shalt  }
0x4b: {  	_ =	shalt  }
0x4c: {  	_ =	shalt  }
0x4d: {  	_ =	shalt  }
0x4e: {  	_ =	shalt  }
0x4f: {  	_ =	shalt  }
0x50: {  	_ =	shalt  }
0x51: {  	_ =	shalt  }
0x52: {  	_ =	shalt  }
0x53: {  	_ =	shalt  }
0x54: {  	_ =	shalt  }
0x55: {  	_ =	shalt  }
0x56: {  	_ =	shalt  }
0x57: {  	_ =	shalt  }
0x58: {  	_ =	shalt  }
0x59: {  	_ =	shalt  }
0x5a: {  	_ =	shalt  }
0x5b: {  	_ =	shalt  }
0x5c: {  	_ =	shalt  }
0x5d: {  	_ =	shalt  }
0x5e: {  	_ =	shalt  }
0x5f: {  	_ =	shalt  }
0x60: {  	_ =	shalt  }
0x61: {  	_ =	shalt  }
0x62: {  	_ =	shalt  }
0x63: {  	_ =	shalt  }
0x64: {  	_ =	shalt  }
0x65: {  	_ =	shalt  }
0x66: {  	_ =	shalt  }
0x67: {  	_ =	shalt  }
0x68: {  	_ =	shalt  }
0x69: {  	_ =	shalt  }
0x6a: {  	_ =	shalt  }
0x6b: {  	_ =	shalt  }
0x6c: {  	_ =	shalt  }
0x6d: {  	_ =	shalt  }
0x6e: {  	_ =	shalt  }
0x6f: {  	_ =	shalt  }
0x70: {  	_ =	shalt  }
0x71: {  	_ =	shalt  }
0x72: {  	_ =	shalt  }
0x73: {  	_ =	shalt  }
0x74: {  	_ =	shalt  }
0x75: {  	_ =	shalt  }
0x76: {  	_ =	shalt  }
0x77: {  	_ =	shalt  }
0x78: {  	_ =	shalt  }
0x79: {  	_ =	shalt  }
0x7a: {  	_ =	shalt  }
0x7b: {  	_ =	shalt  }
0x7c: {  	_ =	shalt  }
0x7d: {  	_ =	shalt  }
0x7e: {  	_ =	shalt  }
0x7f: {  	_ =	shalt  }
0x80: {  	_ =	shalt  }
0x81: {  	_ =	shalt  }
0x82: {  	_ =	shalt  }
0x83: {  	_ =	shalt  }
0x84: {  	_ =	shalt  }
0x85: {  	_ =	shalt  }
0x86: {  	_ =	shalt  }
0x87: {  	_ =	shalt  }
.Lfunc_end0:
.L_simem_size_0:
called_computation_lowered:
.L_overlay_start_0:
0x88: {  	s2 =	sld [smem:$0x3FD9]  }
0x89: {  	s3 =	sld [smem:$0x3FFE];
	_ =	sdelay $0x1  }
0x8a: {  	s1 =	srdreg.scid  }
0x8b: {  	s0 =	sand.u32 $0x1, s1  }
0x8c: {  	s15 =	sshll.u32 s0, $0xA;
	s2 =	sadd.s32 s3, s2  }
0x8d: {  	s2 =	sadd.s32 s2, s15  }
0x8e: {  	[smem:$0x3FB2] =	sst s2  }
0x8f: {  	_ = 	snop  }
0x90: {  	(tm) =	ssettm $0x1  }
0x91: {  	s16 =	sld [smem:$0x3FFB];
	_ =	sdelay $0x3  }
0x92: {  	_ =	strace s16  }
0x93: {  	s2 =	sld [smem:$0x3FFC];
	_ =	sdelay $0x3  }
0x94: {  	_ =	strace s2  }
0x95: {  	s2 =	sld [smem:$0x3FFD];
	_ =	sdelay $0x3  }
0x96: {  	_ =	strace s2  }
0x97: {  	_ =	strace $0x8FFFFFFF  }
0x98: {  	s17 =	sld [smem:$0x3FDB];
	_ =	sdelay $0x1  }
0x99: {  	s18 =	simm.s32 $_scs_section_size  }
0x9a: {  	s4 =	simm.s32 $_size__tile_overlayer_lowered;
	s5 =	simm.s32 $_tile_overlayer_lowered  }
0x9b: {  	s21 =	simm.s32 $0x1BFF;
	s20 =	sshll.u32 s5, $0x1;
	s2 =	sadd.s32 s18, s17  }
0x9c: {  	s6 =	simm.s32 $0x0;
	s19 =	sshll.u32 s4, $0x1;
	s4 =	sadd.s32 s20, s2  }
0x9d: {  	[timem:s6], [sflag:s21] =	dma.local [hbm:s4], s19  }
0x9e: {  	_ =	swait.ge [sflag:s21], s19  }
0x9f: {  	s3 =	ssub.s32 $0x0, s19;
	[sflag:s21] =	ssyncset.done $0x0  }
0xa0: {  	[sflag:s21] =	ssyncadd.s32 s3;
	_ =	sdelay $0x1  }
0xa1: {  	s22 =	simm.s32 $0x1B8B  }
0xa2: {  	_ =	swait.ge [sflag:s22], $0x1  }
0xa3: {  	[sflag:s22] =	ssyncset.done $0x0  }
0xa4: {  	s23 =	sld [smem:$0x3FFE];
	[sflag:s22] =	ssyncadd.s32 $0xFFFFFFFF  }
0xa5: {  	s25 =	simm.s32 $0x1B8E;
	s24 =	sld [smem:$0x0]  }
0xa6: {  	s26 =	simm.s32 $execute0_lowered;
	[smem:$0x3FD2] =	sst s25  }
0xa7: {  	s5 =	sshll.u32 s26, $0x1;
	_ =	strace $0x80000049;
	[dreg:$0x1] =	wrdreg $0xFFFFFFFF  }
0xa8: {  	s28 =	simm.s32 $_size_execute0_lowered;
	s2 =	sadd.s32 s2, s5;
	[dreg:$0x0] =	wrdreg $0x0  }
0xa9: {  	s5 =	sshll.u32 s28, $0x1;
	[dreg:$0x2] =	wrdreg s2  }
0xaa: {  	[dreg:$0x3] =	wrdreg s5  }
0xab: {  	[dreg:$0x4] =	wrdreg $0xC0  }
0xac: {  	_ =	task [dreg:s6], $0x5FFFF  }
0xad: {  	[dreg:$0x1] =	wrdreg $0xFFFFFFFF  }
0xae: {  	[dreg:$0x0] =	wrdreg $0x60  }
0xaf: {  	[dreg:$0x2] =	wrdreg s23  }
0xb0: {  	[dreg:$0x3] =	wrdreg s1  }
0xb1: {  	[dreg:$0x4] =	wrdreg s24  }
0xb2: {  	[dreg:$0x5] =	wrdreg $0x9  }
0xb3: {  	_ =	task.clear_ibuf [dreg:s6], $0x6FFFF;
	_ =	strace $0x90000049  }
0xb4: {  	s29 =	simm.s32 $0x9;
	_ =	strace $0x8000004B  }
0xb5: {  	_ =	swait.ge [sflag:s29], $0x1  }
0xb6: {  	[sflag:s29] =	ssyncadd.s32 $0xFFFFFFFF  }
0xb7: {  	_ =	strace $0x9000004B  }
0xb8: {  	_ =	sfence  }
0xb9: {  	s30 =	sld [smem:$0x0];
	_ =	sdelay $0x2  }
0xba: {  	s31 =	sshll.u32 s1, $0xD;
	s1 =	sshrl.u32 s1, $0x2  }
0xbb: {  	s3 =	sand.u32 $0x4000, s31;
	s1 =	sadd.s32 s1, s30  }
0xbc: {  	s0 =	sor.u32 s3, s0;
	s1 =	sshll.u32 s1, $0x11  }
0xbd: {  	s0 =	sor.u32 s1, s0  }
0xbe: {  	s0 =	sadd.s32 $0x8F2B, s0  }
0xbf: {  	[sflag:s0] =	ssyncadd.remote.s32 $0x1  }
0xc0: {  	_ =	sfence.sel $0xFFFF  }
0xc1: {  	[dreg:$0x0] =	wrdreg $0xFFFFFFFF;
	(pc) =	sbr.abs _section_cstart, $3  }
0xc2: {  	[dreg:$0x1] =	wrdreg $0xFFFFFFFF  }
0xc3: {  	_ =	task.clear_ibuf [dreg:s6], $0x2FFFF;
	_ =	strace $0x9FFFFFFF  }
0xc4: {  	(tm) =	ssettm $0x7FFFFFFF  }
0xc5: {  	_ =	shalt  }
tec
execute0_lowered:
.L_overlay_start_1:
0x0: {  	(tag) =	ssettag $0x1  }
0x1: {  	s2 =	rddreg [dreg:$0x0]  }
0x2: {  	s3 =	rddreg [dreg:$0x1];
	_ =	strace $0x8000004A;
	s0 =	simm.s32 $0x1  }
0x3: {  	v0 =	vimm.s32 $0x0;
	[sflag:s0] =	ssyncpa.u1 $0x0;
	s0 =	simm.s32 $0x108  }
0x4: {  	[tilespmem:s0+$0x70] =	vst v0  }
0x5: {  	[tilespmem:s0+$0x60] =	vst v0  }
0x6: {  	[tilespmem:s0+$0x50] =	vst v0  }
0x7: {  	[tilespmem:s0+$0x40] =	vst v0  }
0x8: {  	s1 =	sadd.s32 $0x13C2E00, s2;
	[tilespmem:s0+$0x30] =	vst v0  }
0x9: {  	s15 =	sadd.s32 $0x9D7A00, s2;
	s6 =	sadd.s32 $0x9FEE00, s2;
	[tilespmem:s0+$0x20] =	vst v0  }
0xa: {  	s14 =	sadd.s32 $0x9EB400, s2;
	s5 =	sand.u32 $0x1, s3;
	s3 =	simm.s32 $0x40;
	[tilespmem:s0+$0x10] =	vst v0  }
.LBB2_1:
0xb: {  	s3 =	sadd.s32 $0x40, s3;
	[tilespmem:s0+$0x0] =	vst v0;
	s0 =	sadd.s32 $0x80, s0  }
0xc: {  	p0 =	slt.u32 s3, $0x3C40;
	[tilespmem:s0+$0x70] =	vst v0  }
0xd: {  	[tilespmem:s0+$0x60] =	vst v0  }
.Ltmp0:
0xe: {  	[tilespmem:s0+$0x50] =	vst v0;
	(pc) =	sbr.rel @p0 .LBB2_1-.Ltmp0, $4  }
0xf: {  	[tilespmem:s0+$0x40] =	vst v0  }
0x10: {  	[tilespmem:s0+$0x30] =	vst v0  }
0x11: {  	[tilespmem:s0+$0x20] =	vst v0  }
0x12: {  	[tilespmem:s0+$0x10] =	vst v0  }
0x13: {  	s9 =	stileid.u32  }
0x14: {  	s2 =	smul.u32 $0x53, s9  }
0x15: {  	s3 =	smin.u32 s9, $0x6  }
0x16: {  	s2 =	sadd.s32 s3, s2  }
0x17: {  	p0 =	slt.u32 s9, $0x6;
	s7 =	smul.u32 $0xF0, s2;
	s2 =	simm.s32 $0x4EC0  }
0x18: {  	s2 =	simm.s32 @!p0 $0x4DD0  }
0x19: {  	s2 =	sadd.s32 s2, s7  }
0x1a: {  	s8 =	smin.u32 s2, $0x4E200  }
0x1b: {  	s2 =	ssub.s32 s8, s7  }
0x1c: {  	p0 =	sgt.s32 s2, $0x0  }
0x1d: {  	s29 =	simm.s32 $0x2;
	s10 =	simm.s32 $0x9;
	s2 =	simm.s32 @!p0 $0x0  }
0x1e: {  	s4 =	simm.s32 $0xA;
	s11 =	simm.s32 $0xB;
	s28 =	smulhi.u32 $0x88888889, s2  }
0x1f: {  	[dreg:$0x4] =	wrdreg s5;
	s31 =	smul.u32 $0x9C40, s5;
	s12 =	simm.s32 $0x1  }
0x20: {  	s22 =	simm.s32 $0x0;
	s18 =	simm.s32 $0xC;
	s30 =	sshrl.u32 s28, $0x7  }
0x21: {  	s20 =	simm.s32 $0x0;
	s21 =	simm.s32 $0x0;
	s3 =	smul.u32 $0xF0, s30  }
.Ltmp1:
0x22: {  	[tilespmem:s0+$0x0] =	vst v0;
	v0 =	vimm.s32 $0xFFFFFFFF;
	[sflag:s29] =	ssyncpa.u1 $0x0;
	s16 =	sshll.u32 s9, $0x8;
	(pc) =	sbr.rel .LBB2_3-.Ltmp1, $4  }
0x23: {  	[tilespmem:$0xF208] =	vst v0;
	[sflag:s10] =	ssyncpa.u1 $0x0;
	p0 =	sne.s32 s2, s3;
	s2 =	simm.s32 $0x1  }
0x24: {  	s14 =	sadd.s32 s31, s14;
	[sflag:s4] =	ssyncpa.u1 $0x0;
	s2 =	simm.s32 @!p0 $0x0  }
0x25: {  	s15 =	sadd.s32 s31, s15;
	[sflag:s11] =	ssyncpa.u1 $0x0;
	s13 =	sadd.s32 s2, s30  }
0x26: {  	v0 =	vlaneseq.u32;
	s19 =	smov.u32 s7;
	p0 =	por $0x0, $0x0;
	s17 =	sadd.s32 $0x1, s13  }
.LBB2_18:
0x27: {  	s0 =	sshrl.u32 s31, $0x2  }
.LBB2_20:
0x28: {  	_ =	swait.ge [sflag:s18], s0  }
0x29: {  	s31 =	ssub.s32 $0x0, s0;
	v1 =	vmov s24;
	vm0 =	veq.s32 v0, $0x0;
	[sflag:s18] =	ssyncset.done $0x0  }
0x2a: {  	vm15 =	veq.s32 v0, $0x2;
	v1 =	vsel vm0, s30, v1;
	[sflag:s18] =	ssyncadd.s32 s31  }
0x2b: {  	v1 =	vsel vm15, s22, v1;
	[sflag:s18] =	ssyncpa.u1 $0x1  }
0x2c: {  	[tilespmem:$0xF208] =	vst v1  }
.LBB2_21:
0x2d: {  	s0 =	sadd.s32 $0xF0, s19  }
0x2e: {  	s2 =	smov.u32 s7;
	p1 =	slt.s32 s0, s8  }
0x2f: {  	s2 =	smov.u32 @p1 s0;
	p1 =	sne.s32 s21, s17  }
.Ltmp2:
0x30: {  	_ = 	snop;
	(pc) =	sbr.rel @!p1 .LBB2_22-.Ltmp2, $3  }
0x31: {  	_ =	sdelay $0x1  }
0x32: {  	s22 =	smov.u32 s20;
	s31 =	sadd.s32 $0x1, s21;
	s20 =	smov.u32 s19  }
0x33: {  	p0 =	por !p0, !p0;
	s21 =	smov.u32 s31;
	s19 =	smov.u32 s2  }
.LBB2_3:
0x34: {  	p1 =	sge.u32 s21, s13  }
0x35: {  	s0 =	smulhi.u32 @!p1 $0xAAAAAAAB, s21  }
0x36: {  	s2 =	smov.u32 s19;
	p2 =	sgt.s32 @!p1 s19, $0x4E110  }
0x37: {  	s3 =	sshra.s32 @!p1 s19, $0x1F;
	p2 =	por !p2, p1;
	s0 =	sshrl.u32 @!p1 s0, $0x1  }
0x38: {  	s3 =	sand.u32 @!p1 s3, s19;
	s2 =	simm.s32 @p2 $0x4E110;
	s0 =	smul.u32 @!p1 $0x3, s0  }
0x39: {  	s2 =	ssub.s32 @!p1 s2, s3  }
0x3a: {  	s2 =	sadd.s32 @!p1 $0xFFFB1EF0, s2;
	s0 =	ssub.s32 @!p1 s21, s0  }
0x3b: {  	s3 =	sshll.u32 @!p1 s2, $0x2;
	p2 =	sgt.s32 @!p1 s2, $0xEF;
	s0 =	smul.u32 @!p1 $0x3C0, s0  }
0x3c: {  	s4 =	sand.u32 @!p1 $0x7, s19;
	s2 =	ssub.s32 @!p1 $0x3C0, s3;
	p2 =	por !p2, p1  }
0x3d: {  	s3 =	sshrl.u32 @!p1 s19, $0x3;
	s2 =	sshrl.u32 @!p1 s2, $0x2;
	s0 =	sshrl.u32 @!p1 s0, $0x2  }
0x3e: {  	s3 =	sadd.s32 @!p1 s3, s14;
	s2 =	simm.s32 @!p2 $0x0;
	s0 =	sadd.s32 @!p1 $0x10248, s0  }
0x3f: {  	[tilespmem:s0], [sflag:$0xA] =	stream.linear.gather @!p1 [hbm4b:s3+s4], s2, $0x38;
	[tilespmem:$0x1F6F8] =	vst v63  }
0x40: {  	s0 =	sadd.s32 $0xFFFFFFFF, s21  }
0x41: {  	p1 =	sge.u32 s0, s13  }
0x42: {  	p2 =	sgt.s32 @!p1 s20, $0x4E110  }
0x43: {  	s2 =	smov.u32 s20;
	s3 =	sshra.s32 @!p1 s20, $0x1F;
	p2 =	por !p2, p1  }
0x44: {  	s3 =	sand.u32 @!p1 s3, s20;
	s2 =	simm.s32 @p2 $0x4E110  }
0x45: {  	s2 =	ssub.s32 @!p1 s2, s3  }
0x46: {  	s2 =	sadd.s32 @!p1 $0xFFFB1EF0, s2  }
0x47: {  	s4 =	sand.u32 @!p1 $0x1, s0;
	s3 =	sshll.u32 @!p1 s2, $0x2  }
0x48: {  	p2 =	sgt.s32 @!p1 s2, $0xEF;
	s2 =	ssub.s32 @!p1 $0x3C0, s3;
	s3 =	smulhi.u32 @!p1 $0xAAAAAAAB, s0  }
0x49: {  	s23 =	smul.u32 @!p1 $0x3C0, s4;
	p2 =	por !p2, p1;
	s2 =	sshrl.u32 @!p1 s2, $0x2  }
0x4a: {  	s5 =	simm.s32 @!p1 $0xA;
	s2 =	simm.s32 @!p2 $0x0;
	s3 =	sshrl.u32 @!p1 s3, $0x1  }
0x4b: {  	s23 =	sshrl.u32 @!p1 s23, $0x2;
	_ =	swait.ge @!p1 [sflag:s5], s2;
	s3 =	smul.u32 @!p1 $0x3, s3  }
0x4c: {  	s23 =	sadd.s32 @!p1 $0x10518, s23;
	s24 =	ssub.s32 @!p1 $0x0, s2;
	[sflag:s5] =	ssyncset.done @!p1 $0x0  }
0x4d: {  	[sflag:s5] =	ssyncadd.s32 @!p1 s24;
	s5 =	sshrl.u32 @!p1 s20, $0x3;
	s0 =	ssub.s32 @!p1 s0, s3  }
0x4e: {  	s24 =	sand.u32 @!p1 $0x7, s20;
	s5 =	sadd.s32 @!p1 s5, s15;
	s0 =	smul.u32 @!p1 $0x3C0, s0  }
0x4f: {  	[tilespmem:s23], [sflag:$0xB] =	stream.linear.gather @!p1 [hbm4b:s5+s24], s2, $0x38;
	[tilespmem:$0x1F6F8] =	vst v63  }
0x50: {  	s3 =	ssub.s32 @!p1 $0x4E200, s20;
	s2 =	smul.u32 @!p1 $0x1E000, s4  }
0x51: {  	p2 =	slt.s32 @!p1 s3, $0xF0  }
0x52: {  	p2 =	por !p2, p1;
	s0 =	sshrl.u32 @!p1 s0, $0x2;
	s2 =	sshrl.u32 @!p1 s2, $0x2  }
0x53: {  	s3 =	simm.s32 @p2 $0xF0;
	s0 =	sadd.s32 @!p1 $0x10248, s0;
	s2 =	sor.u32 @!p1 $0x106F8, s2  }
0x54: {  	[tilespmem:s2], [sflag:$0x9] =	stream.indirect.gather @!p1 [hbm4b:s6+s3], $0x80, s0, s3, $0xb8;
	[tilespmem:$0x1F6F8] =	vst v63  }
0x55: {  	p1 =	slt.u32 s21, $0x2  }
.Ltmp3:
0x56: {  	_ = 	snop;
	(pc) =	sbr.rel @p1 .LBB2_21-.Ltmp3, $1  }
0x57: {  	_ =	sdelay $0x3  }
0x58: {  	p1 =	sgt.s32 s22, $0x4E110  }
0x59: {  	s0 =	smov.u32 s22;
	s2 =	sshra.s32 s22, $0x1F;
	s3 =	ssub.s32 $0x4E200, s22  }
0x5a: {  	s0 =	simm.s32 @!p1 $0x4E110;
	s2 =	sand.u32 s2, s22;
	p1 =	slt.s32 s3, $0xF0  }
0x5b: {  	s0 =	ssub.s32 s0, s2;
	s3 =	simm.s32 @!p1 $0xF0  }
0x5c: {  	s0 =	sadd.s32 $0xFFFB1EF0, s0;
	s25 =	sshll.u32 s3, $0x7  }
0x5d: {  	s26 =	sshll.u32 s0, $0x2;
	s2 =	sand.u32 $0x3FFFFF80, s25  }
0x5e: {  	p1 =	sgt.s32 s0, $0xEF;
	s29 =	ssub.s32 $0x3C0, s26;
	_ =	swait.ge [sflag:s10], s2  }
0x5f: {  	s2 =	ssub.s32 $0x0, s2;
	[sflag:s10] =	ssyncset.done $0x0;
	s0 =	sshrl.u32 s29, $0x2  }
0x60: {  	[sflag:s10] =	ssyncadd.s32 s2;
	s0 =	simm.s32 @p1 $0x0  }
0x61: {  	_ =	swait.ge [sflag:s11], s0  }
0x62: {  	s0 =	ssub.s32 $0x0, s0;
	[sflag:s11] =	ssyncset.done $0x0  }
0x63: {  	[sflag:s11] =	ssyncadd.s32 s0  }
0x64: {  	v1 =	vld [tilespmem:$0xF208];
	_ =	sdelay $0x4  }
0x65: {  	(v2sf) =	vpush v1, $0x0  }
0x66: {  	(v2sf) =	vpush v1, $0x1  }
0x67: {  	(v2sf) =	vpush v1, $0x2;
	_ =	sdelay $0x3  }
0x68: {  	s0 =	sadd.s32 $0xF0, s22  }
0x69: {  	s2 =	ssub.s32 $0x9C400, s22;
	p1 =	slt.s32 s8, s0  }
0x6a: {  	s0 =	smov.u32 @p1 s8;
	p1 =	sgt.s32 s2, $0x0  }
0x6b: {  	s26 =	ssub.s32 s0, s22;
	s2 =	simm.s32 @!p1 $0x0  }
0x6c: {  	p1 =	slt.s32 s2, s26  }
0x6d: {  	s26 =	smov.u32 @p1 s2  }
0x6e: {  	s25 =	simm.s32 $0x1;
	p1 =	slt.s32 s26, $0x1  }
.Ltmp4:
0x6f: {  	s25 =	simm.s32 @!p0 $0x0;
	(pc) =	sbr.rel @p1 .LBB2_8-.Ltmp4, $4  }
0x70: {  	s31 =	smul.u32 $0x3C0, s25  }
0x71: {  	s28 =	spop (v2sf)  }
0x72: {  	s0 =	sshrl.u32 s31, $0x2;
	s30 =	spop (v2sf)  }
0x73: {  	s23 =	sadd.s32 $0x10518, s0;
	s22 =	spop (v2sf)  }
0x74: {  	s0 =	smin.u32 s26, $0x10  }
0x75: {  	v1 =	vmov s0  }
0x76: {  	p2 =	sgt.s32 s26, $0x10;
	vm1 =	vgt.u32 v1, v0  }
.Ltmp5:
0x77: {  	_ = 	snop;
	(pc) =	sbr.rel @!p2 .LBB2_7-.Ltmp5, $2  }
0x78: {  	_ =	sdelay $0x2  }
0x79: {  	s4 =	simm.s32 $0x10;
	s24 =	sadd.s32 $0xFFFFFFF0, s26;
	s0 =	smov.u32 s23;
	vm0 =	vmmov vm1  }
.LBB2_6:
0x7a: {  	s2 =	smin.u32 s24, $0x10;
	s4 =	sadd.s32 $0x10, s4;
	v1 =	vld.msk [tilespmem:s0+$0x0 ss:$0x1], vm1  }
0x7b: {  	v2 =	vmov s2;
	p2 =	slt.s32 s4, s26  }
0x7c: {  	vm1 =	vgt.u32 v2, v0  }
.Ltmp6:
0x7d: {  	(pc) =	sbr.rel @p2 .LBB2_6-.Ltmp6, $3  }
0x7e: {  	_ =	sdelay $0x1  }
0x7f: {  	v1 =	vshll.u32 v1, $0x4  }
0x80: {  	s24 =	sadd.s32 $0xFFFFFFF0, s24;
	[tilespmem:s0+$0x0] =	vst.msk vm0, v1;
	s0 =	sadd.s32 $0x10, s0;
	vm0 =	vmmov vm1  }
.LBB2_7:
0x81: {  	_ =	sdelay $0x4  }
0x82: {  	v1 =	vld.msk [tilespmem:s0+$0x0 ss:$0x1], vm1;
	_ =	sdelay $0x4  }
0x83: {  	v1 =	vshll.u32 v1, $0x4  }
0x84: {  	[tilespmem:s0+$0x0] =	vst.msk vm0, v1  }
.LBB2_8:
0x85: {  	s0 =	sand.u32 $0x1, s21  }
0x86: {  	s2 =	smul.u32 $0x7800, s0  }
0x87: {  	p2 =	sne.s32 s30, $0xFFFFFFFF  }
0x88: {  	v1 =	vld @!p2 [tilespmem:s2+$0x106F8];
	_ =	sdelay $0x2  }
0x89: {  	s0 =	smul.u32 $0xF0, s0;
	_ =	sdelay $0x1  }
0x8a: {  	v2 =	vld.msk @!p2 [tilespmem:s0+$0x10518], $0x1;
	[tilespmem:$0x108] =	vst @!p2 v1  }
0x8b: {  	v1 =	vld @!p2 [tilespmem:s2+$0x10708];
	_ =	sdelay $0x4  }
0x8c: {  	[tilespmem:$0x118] =	vst @!p2 v1  }
0x8d: {  	v1 =	vld @!p2 [tilespmem:s2+$0x10718];
	_ =	sdelay $0x4  }
0x8e: {  	[tilespmem:$0x128] =	vst @!p2 v1  }
0x8f: {  	v1 =	vld @!p2 [tilespmem:s2+$0x10728];
	_ =	sdelay $0x4  }
0x90: {  	[tilespmem:$0x138] =	vst @!p2 v1  }
0x91: {  	v1 =	vld @!p2 [tilespmem:s2+$0x10738];
	_ =	sdelay $0x4  }
0x92: {  	[tilespmem:$0x148] =	vst @!p2 v1  }
0x93: {  	(v2sf) =	vpush @!p2 v2, $0x0;
	v1 =	vld @!p2 [tilespmem:s2+$0x10748];
	_ =	sdelay $0x4  }
0x94: {  	[tilespmem:$0x158] =	vst @!p2 v1  }
0x95: {  	v1 =	vld @!p2 [tilespmem:s2+$0x10758];
	_ =	sdelay $0x4  }
0x96: {  	[tilespmem:$0x168] =	vst @!p2 v1  }
0x97: {  	v1 =	vld @!p2 [tilespmem:s2+$0x10768]  }
.Ltmp7:
0x98: {  	_ = 	snop;
	(pc) =	sbr.rel @p1 .LBB2_19-.Ltmp7, $4  }
0x99: {  	_ = 	snop  }
0x9a: {  	s29 =	spop @!p2 (v2sf)  }
0x9b: {  	s22 =	simm.s32 @!p2 $0x0;
	s24 =	smov.u32 s29  }
0x9c: {  	s29 =	smov.u32 @p2 s28;
	s24 =	smov.u32 @p2 s30;
	[tilespmem:$0x178] =	vst @!p2 v1;
	[sflag:s18] =	ssyncpa.u1 $0x0  }
0x9d: {  	v1 =	vld.msk [tilespmem:s23+$0x0], $0x1;
	_ =	sdelay $0x4  }
0x9e: {  	(v2sf) =	vpush v1, $0x0;
	_ =	sdelay $0xe  }
0x9f: {  	s2 =	smul.u32 $0x1E000, s25;
	s0 =	spop (v2sf)  }
0xa0: {  	s26 =	ssub.s32 $0x0, s26;
	p1 =	seq.s32 s29, s0  }
0xa1: {  	s30 =	sadd.s32 $0x1, s26;
	s2 =	sshrl.u32 s2, $0x2;
	p2 =	sgt.s32 @!p1 s29, $0x0  }
0xa2: {  	s25 =	sor.u32 $0x10738, s2;
	s2 =	smov.u32 s29;
	p2 =	por !p2, p1  }
0xa3: {  	s2 =	simm.s32 @p2 $0x0;
	p2 =	seq.s32 s30, $0x0  }
.Ltmp8:
0xa4: {  	_ = 	snop;
	(pc) =	sbr.rel @p2 .LBB2_11-.Ltmp8, $4  }
0xa5: {  	_ = 	snop  }
0xa6: {  	s28 =	simm.s32 $0x0;
	s31 =	sadd.s32 $0x1, s23;
	s2 =	smin.u32 @!p1 s2, $0x4E1FF0  }
0xa7: {  	s4 =	simm.s32 @!p1 $0x1;
	s5 =	simm.s32 @!p1 $0x7988;
	s3 =	sand.u32 @!p1 $0x7FFFF8, s2  }
0xa8: {  	s4 =	smov.u32 @p1 s28;
	s2 =	sand.u32 @!p1 $0x7, s2;
	s3 =	sadd.s32 @!p1 s1, s3  }
.LBB2_10:
0xa9: {  	s9 =	smov.u32 s4  }
0xaa: {  	[tilespmem:s5], [sflag:$0x2] =	stream.linear.gather @!p1 [hbm4b:s3+s2], $0x80, $0x38;
	[tilespmem:$0x1F6F8] =	vst v63  }
0xab: {  	s30 =	sadd.s32 $0x1, s30;
	s2 =	smov.u32 s0;
	v1 =	vld.msk [tilespmem:s31+$0x0], $0x1  }
0xac: {  	p2 =	seq.s32 s30, $0x0;
	_ =	sdelay $0x3  }
0xad: {  	(v2sf) =	vpush v1, $0x0;
	_ =	sdelay $0xe  }
0xae: {  	s0 =	spop (v2sf)  }
0xaf: {  	p1 =	seq.s32 s2, s0  }
0xb0: {  	p3 =	sgt.s32 @!p1 s2, $0x0;
	s3 =	sshll.u32 @!p1 s4, $0x9;
	s4 =	sadd.s32 @!p1 $0x1, s4  }
.Ltmp9:
0xb1: {  	p3 =	por !p3, p1;
	s3 =	sshra.s32 @!p1 s3, $0x2;
	(pc) =	sbr.rel @!p2 .LBB2_10-.Ltmp9, $4  }
0xb2: {  	s4 =	smov.u32 @p1 s9;
	s2 =	simm.s32 @p3 $0x0;
	s5 =	sadd.s32 @!p1 $0x7988, s3  }
0xb3: {  	s2 =	smin.u32 @!p1 s2, $0x4E1FF0  }
0xb4: {  	s3 =	sand.u32 @!p1 $0x7FFFF8, s2;
	s2 =	sand.u32 @!p1 $0x7, s2  }
0xb5: {  	s31 =	sadd.s32 $0x1, s31;
	s3 =	sadd.s32 @!p1 s1, s3  }
.LBB2_11:
0xb6: {  	[tilespmem:s5], [sflag:$0x2] =	stream.linear.gather @!p1 [hbm4b:s3+s2], $0x80, $0x38;
	[tilespmem:$0x1F6F8] =	vst v63  }
.Ltmp10:
0xb7: {  	s0 =	sshll.u32 s4, $0x7;
	(pc) =	sbr.rel .LBB2_12-.Ltmp10, $4  }
0xb8: {  	s30 =	simm.s32 $0x2;
	s0 =	sand.u32 $0x3FFFFF80, s0  }
0xb9: {  	_ =	swait.ge [sflag:s30], s0  }
0xba: {  	s0 =	ssub.s32 $0x0, s0;
	[sflag:s30] =	ssyncset.done $0x0  }
0xbb: {  	s31 =	simm.s32 $0x0;
	[sflag:s30] =	ssyncadd.s32 s0  }
.LBB2_13:
0xbc: {  	s0 =	sshra.s32 s0, $0x2;
	v1 =	vld [tilespmem:s25+$0xFFFFFFC0]  }
0xbd: {  	v2 =	vld [tilespmem:s0+$0x108];
	_ =	sdelay $0x4  }
0xbe: {  	v1 =	vmax.f32 v1, v2  }
0xbf: {  	v2 =	vld [tilespmem:s0+$0x118];
	[tilespmem:s0+$0x108] =	vst v1  }
0xc0: {  	v1 =	vld [tilespmem:s25+$0xFFFFFFD0];
	_ =	sdelay $0x4  }
0xc1: {  	v1 =	vmax.f32 v1, v2  }
0xc2: {  	v2 =	vld [tilespmem:s0+$0x128];
	[tilespmem:s0+$0x118] =	vst v1  }
0xc3: {  	v1 =	vld [tilespmem:s25+$0xFFFFFFE0];
	_ =	sdelay $0x4  }
0xc4: {  	v1 =	vmax.f32 v1, v2  }
0xc5: {  	v2 =	vld [tilespmem:s0+$0x138];
	[tilespmem:s0+$0x128] =	vst v1  }
0xc6: {  	v1 =	vld [tilespmem:s25+$0xFFFFFFF0];
	_ =	sdelay $0x4  }
0xc7: {  	v1 =	vmax.f32 v1, v2  }
0xc8: {  	v2 =	vld [tilespmem:s0+$0x148];
	[tilespmem:s0+$0x138] =	vst v1  }
0xc9: {  	v1 =	vld [tilespmem:s25+$0x0];
	_ =	sdelay $0x4  }
0xca: {  	v1 =	vmax.f32 v1, v2  }
0xcb: {  	v2 =	vld [tilespmem:s0+$0x158];
	[tilespmem:s0+$0x148] =	vst v1  }
0xcc: {  	v1 =	vld [tilespmem:s25+$0x10];
	_ =	sdelay $0x4  }
0xcd: {  	v1 =	vmax.f32 v1, v2  }
0xce: {  	v2 =	vld [tilespmem:s0+$0x168];
	[tilespmem:s0+$0x158] =	vst v1  }
0xcf: {  	v1 =	vld [tilespmem:s25+$0x20];
	_ =	sdelay $0x4  }
0xd0: {  	v1 =	vmax.f32 v1, v2  }
0xd1: {  	v2 =	vld [tilespmem:s0+$0x178];
	[tilespmem:s0+$0x168] =	vst v1  }
0xd2: {  	v1 =	vld [tilespmem:s25+$0x30];
	_ =	sdelay $0x4  }
0xd3: {  	v1 =	vmax.f32 v1, v2  }
0xd4: {  	[tilespmem:s0+$0x178] =	vst v1  }
.LBB2_17:
0xd5: {  	s26 =	sadd.s32 $0x1, s26  }
0xd6: {  	p1 =	seq.s32 s26, $0x0  }
.Ltmp11:
0xd7: {  	_ = 	snop;
	(pc) =	sbr.rel @p1 .LBB2_18-.Ltmp11, $2  }
0xd8: {  	_ =	sdelay $0x2  }
0xd9: {  	s23 =	sadd.s32 $0x1, s23;
	s25 =	sadd.s32 $0x80, s25;
	s29 =	smov.u32 s30  }
.LBB2_12:
0xda: {  	v1 =	vld.msk [tilespmem:s23+$0x0], $0x1;
	_ =	sdelay $0x4  }
0xdb: {  	(v2sf) =	vpush v1, $0x0;
	_ =	sdelay $0xe  }
0xdc: {  	s30 =	spop (v2sf)  }
0xdd: {  	p1 =	sne.s32 s29, s30  }
.Ltmp12:
0xde: {  	_ = 	snop;
	(pc) =	sbr.rel @!p1 .LBB2_13-.Ltmp12, $2  }
0xdf: {  	_ =	sdelay $0x2  }
0xe0: {  	s0 =	sshll.u32 s22, $0x9  }
0xe1: {  	p1 =	seq.s32 s29, s24  }
.Ltmp13:
0xe2: {  	_ = 	snop;
	(pc) =	sbr.rel @!p1 .LBB2_15-.Ltmp13, $1  }
0xe3: {  	_ =	sdelay $0x3  }
0xe4: {  	s0 =	sshra.s32 s0, $0x2  }
.Ltmp14:
0xe5: {  	s0 =	sadd.s32 $0x108, s0;
	(pc) =	sbr.rel .LBB2_16-.Ltmp14, $4  }
0xe6: {  	[spmem:s16] =	stream.linear.scatter [tilespmem:s0], [sflag:$0x1], $0x80, $0x38;
	[tilespmem:$0x1F6F8] =	vst v63  }
0xe7: {  	_ =	swait.ge [sflag:s12], $0x80  }
0xe8: {  	[sflag:s12] =	ssyncset.done $0x0  }
0xe9: {  	[sflag:s12] =	ssyncadd.s32 $0xFFFFFF80  }
.LBB2_15:
0xea: {  	s2 =	sshll.u32 s28, $0x9;
	s0 =	sshra.s32 s0, $0x2  }
0xeb: {  	s2 =	sshra.s32 s2, $0x2;
	v2 =	vld [tilespmem:s0+$0x108]  }
0xec: {  	v1 =	vld [tilespmem:s2+$0x7988];
	_ =	sdelay $0x4  }
0xed: {  	v1 =	vmax.f32 v1, v2  }
0xee: {  	v2 =	vld [tilespmem:s0+$0x118];
	[tilespmem:s0+$0x108] =	vst v1  }
0xef: {  	v1 =	vld [tilespmem:s2+$0x7998];
	_ =	sdelay $0x4  }
0xf0: {  	v1 =	vmax.f32 v1, v2  }
0xf1: {  	v2 =	vld [tilespmem:s0+$0x128];
	[tilespmem:s0+$0x118] =	vst v1  }
0xf2: {  	v1 =	vld [tilespmem:s2+$0x79A8];
	_ =	sdelay $0x4  }
0xf3: {  	v1 =	vmax.f32 v1, v2  }
0xf4: {  	v2 =	vld [tilespmem:s0+$0x138];
	[tilespmem:s0+$0x128] =	vst v1  }
0xf5: {  	v1 =	vld [tilespmem:s2+$0x79B8];
	_ =	sdelay $0x4  }
0xf6: {  	v1 =	vmax.f32 v1, v2  }
0xf7: {  	v2 =	vld [tilespmem:s0+$0x148];
	[tilespmem:s0+$0x138] =	vst v1  }
0xf8: {  	v1 =	vld [tilespmem:s2+$0x79C8];
	_ =	sdelay $0x4  }
0xf9: {  	v1 =	vmax.f32 v1, v2  }
0xfa: {  	v2 =	vld [tilespmem:s0+$0x158];
	[tilespmem:s0+$0x148] =	vst v1  }
0xfb: {  	v1 =	vld [tilespmem:s2+$0x79D8];
	_ =	sdelay $0x4  }
0xfc: {  	v1 =	vmax.f32 v1, v2  }
0xfd: {  	v2 =	vld [tilespmem:s0+$0x168];
	[tilespmem:s0+$0x158] =	vst v1  }
0xfe: {  	v1 =	vld [tilespmem:s2+$0x79E8];
	_ =	sdelay $0x4  }
0xff: {  	v1 =	vmax.f32 v1, v2  }
0x100: {  	v2 =	vld [tilespmem:s0+$0x178];
	[tilespmem:s0+$0x168] =	vst v1  }
0x101: {  	v1 =	vld [tilespmem:s2+$0x79F8];
	_ =	sdelay $0x3  }
0x102: {  	p1 =	sgt.u32 s29, $0x4E1FF0  }
0x103: {  	s2 =	sand.u32 @!p1 $0x7FFFF8, s29;
	v1 =	vmax.f32 v1, v2  }
0x104: {  	s3 =	sadd.s32 $0x108, s0;
	[tilespmem:s0+$0x178] =	vst v1;
	s0 =	sadd.s32 @!p1 s1, s2;
	s2 =	sand.u32 @!p1 $0x7, s29  }
0x105: {  	[hbm4b:s0+s2] =	stream.linear.scatter @!p1 [tilespmem:s3], [sflag:$0xC], $0x80, $0x38;
	[tilespmem:$0x1F6F8] =	vst v63  }
0x106: {  	s0 =	simm.s32 $0x0  }
0x107: {  	s0 =	simm.s32 @!p1 $0x200  }
0x108: {  	s31 =	sadd.s32 s0, s31  }
.LBB2_16:
0x109: {  	s0 =	sadd.s32 $0x1, s22  }
0x10a: {  	s2 =	smulhi.u32 $0x88888889, s0;
	_ =	sdelay $0x1  }
0x10b: {  	v1 =	vld [tilespmem:s25+$0xFFFFFFC0];
	s2 =	sshrl.u32 s2, $0x7  }
0x10c: {  	s2 =	smul.u32 $0xF0, s2;
	_ =	sdelay $0x1  }
0x10d: {  	s22 =	ssub.s32 s0, s2  }
0x10e: {  	s0 =	sshll.u32 s22, $0x7  }
0x10f: {  	[tilespmem:s0+$0x108] =	vst v1  }
0x110: {  	v1 =	vld [tilespmem:s25+$0xFFFFFFD0];
	_ =	sdelay $0x4  }
0x111: {  	[tilespmem:s0+$0x118] =	vst v1  }
0x112: {  	v1 =	vld [tilespmem:s25+$0xFFFFFFE0];
	_ =	sdelay $0x4  }
0x113: {  	[tilespmem:s0+$0x128] =	vst v1  }
0x114: {  	v1 =	vld [tilespmem:s25+$0xFFFFFFF0];
	_ =	sdelay $0x4  }
0x115: {  	[tilespmem:s0+$0x138] =	vst v1  }
0x116: {  	v1 =	vld [tilespmem:s25+$0x0];
	_ =	sdelay $0x4  }
0x117: {  	[tilespmem:s0+$0x148] =	vst v1  }
0x118: {  	v1 =	vld [tilespmem:s25+$0x10];
	_ =	sdelay $0x4  }
0x119: {  	[tilespmem:s0+$0x158] =	vst v1  }
0x11a: {  	v1 =	vld [tilespmem:s25+$0x20];
	_ =	sdelay $0x4  }
0x11b: {  	[tilespmem:s0+$0x168] =	vst v1  }
0x11c: {  	v1 =	vld [tilespmem:s25+$0x30]  }
.Ltmp15:
0x11d: {  	_ = 	snop;
	(pc) =	sbr.rel .LBB2_17-.Ltmp15, $2  }
0x11e: {  	_ =	sdelay $0x2  }
0x11f: {  	s28 =	sadd.s32 $0x1, s28;
	[tilespmem:s0+$0x178] =	vst v1  }
.LBB2_19:
.Ltmp16:
0x120: {  	(pc) =	sbr.rel .LBB2_20-.Ltmp16, $4  }
0x121: {  	_ = 	snop  }
0x122: {  	s0 =	simm.s32 $0x2  }
0x123: {  	_ =	swait.ge [sflag:s0], $0x0  }
0x124: {  	s30 =	smov.u32 s29;
	[sflag:s0] =	ssyncset.done $0x0;
	s0 =	simm.s32 $0x0  }
.LBB2_22:
0x125: {  	_ =	sfence.sel $0x180000  }
0x126: {  	s0 =	simm.s32 $0x9;
	[bflag:$0x0] =	sbarrier.arrive $0xFFFF  }
0x127: {  	s24 =	simm.s32 $0xA;
	[sflag:s0] =	ssyncpa.u1 $0x1  }
0x128: {  	s25 =	simm.s32 $0xB;
	[sflag:s24] =	ssyncpa.u1 $0x1  }
0x129: {  	s26 =	simm.s32 $0x2;
	[sflag:s25] =	ssyncpa.u1 $0x1  }
0x12a: {  	[sflag:s26] =	ssyncpa.u1 $0x1  }
0x12b: {  	v0 =	vld [tilespmem:$0xF208];
	_ =	sdelay $0x4  }
0x12c: {  	(v2sf) =	vpush v0, $0x0  }
0x12d: {  	(v2sf) =	vpush v0, $0x1;
	_ =	sdelay $0x1  }
0x12e: {  	(v2sf) =	vpush v0, $0x2;
	_ =	sdelay $0xb  }
0x12f: {  	s0 =	spop (v2sf)  }
0x130: {  	s2 =	spop (v2sf)  }
0x131: {  	s3 =	smov.u32 s0;
	p0 =	sne.s32 s0, s2  }
0x132: {  	s4 =	spop (v2sf);
	s3 =	simm.s32 @!p0 $0xFFFFFFFF  }
0x133: {  	v2 =	vimm.s32 $0x1;
	v3 =	vlaneseq.u32;
	p0 =	seq.s32 s4, $0xFFFFFFFF;
	v1 =	vmov s3  }
0x134: {  	s16 =	stileid.u32;
	v0 =	vperm.xlane v0, v2;
	p1 =	sne.s32 @!p0 s0, s2;
	v1 =	vperm.xlane v1, v3  }
0x135: {  	vm0 =	vcmask $0x3F04;
	s6 =	simm.s32 $0xF208;
	s0 =	simm.s32 @!p0 $0x1;
	p1 =	por !p1, p0  }
0x136: {  	s3 =	sshll.u32 s16, $0x1;
	s2 =	sshll.u32 @!p0 s4, $0x9;
	s0 =	simm.s32 @p1 $0x0;
	v0 =	vsel vm0, v1, v0  }
0x137: {  	s5 =	sor.u32 $0x1000, s3;
	s2 =	sshra.s32 @!p0 s2, $0x2;
	s0 =	sor.u32 @!p0 s0, s3;
	[tilespmem:$0xF208] =	vst v0  }
0x138: {  	[spmem:s5] =	stream.linear.scatter [tilespmem:s6], [sflag:$0x1], $0x2, $0x38;
	[tilespmem:$0x1F6F8] =	vst v63  }
0x139: {  	s2 =	sadd.s32 @!p0 $0x108, s2;
	s0 =	sshll.u32 @!p0 s0, $0x7  }
0x13a: {  	[spmem:s0] =	stream.linear.scatter @!p0 [tilespmem:s2], [sflag:$0x1], $0x80, $0x38;
	[tilespmem:$0x1F6F8] =	vst v63  }
0x13b: {  	s0 =	simm.s32 @!p0 $0x82  }
0x13c: {  	s28 =	simm.s32 $0x1;
	s0 =	simm.s32 @p0 $0x2  }
0x13d: {  	_ =	swait.ge [sflag:s28], s0  }
0x13e: {  	s0 =	ssub.s32 $0x0, s0;
	[sflag:s28] =	ssyncset.done $0x0  }
0x13f: {  	p0 =	sne.s32 s16, $0x0;
	[sflag:s28] =	ssyncadd.s32 s0  }
.Ltmp17:
0x140: {  	_ =	sfence.stream.spmem;
	(pc) =	sbr.rel @p0 .LBB2_39-.Ltmp17, $4  }
0x141: {  	s29 =	simm.s32 $0x3;
	[bflag:$0x0] =	sbarrier.arrive $0xFFFF  }
0x142: {  	s30 =	simm.s32 $0x4;
	[sflag:s29] =	ssyncpa.u1 $0x1  }
0x143: {  	s31 =	simm.s32 $0x3C;
	[sflag:s30] =	ssyncpa.u1 $0x1  }
0x144: {  	s15 =	rddreg [dreg:$0x4];
	[sflag:s31] =	ssyncpa.u1 $0x1  }
0x145: {  	_ =	sfence.stream.spmem;
	s0 =	simm.s32 $0x5  }
0x146: {  	s2 =	simm.s32 $0x1000;
	s3 =	simm.s32 $0xF218;
	[sflag:s0] =	ssyncpa.u1 $0x0  }
0x147: {  	[tilespmem:s3], [sflag:$0x5] =	stream.linear.gather [spmem:s2], $0x20, $0x38;
	[tilespmem:$0x1F6F8] =	vst v63  }
0x148: {  	s26 =	simm.s32 $0x0;
	s28 =	simm.s32 $0xF238  }
0x149: {  	[tilespmem:s28], [sflag:$0x5] =	stream.linear.gather [spmem:s26], $0x1000, $0x38;
	[tilespmem:$0x1F6F8] =	vst v63  }
0x14a: {  	_ =	swait.ge [sflag:s0], $0x1020  }
0x14b: {  	[sflag:s0] =	ssyncset.done $0x0  }
0x14c: {  	s29 =	simm.s32 $0x0;
	[sflag:s0] =	ssyncadd.s32 $0xFFFFEFE0  }
0x14d: {  	v0 =	vld.msk [tilespmem:s29+$0xF218], $0x1;
	_ =	sdelay $0x1  }
0x14e: {  	s30 =	simm.s32 $0x1  }
0x14f: {  	v1 =	vld.msk [tilespmem:s30+$0xF218], $0x1;
	_ =	sdelay $0x1  }
0x150: {  	(v2sf) =	vpush v0, $0x0;
	_ =	sdelay $0x2  }
0x151: {  	(v2sf) =	vpush v1, $0x0;
	_ =	sdelay $0x2  }
0x152: {  	s31 =	simm.s32 $0x2  }
0x153: {  	v0 =	vld.msk [tilespmem:s31+$0xF218], $0x1;
	_ =	sdelay $0x2  }
0x154: {  	s4 =	simm.s32 $0xFFFFFFFF;
	s5 =	simm.s32 $0xFFFFFFFF;
	s0 =	simm.s32 $0xC  }
.LBB2_24:
0x155: {  	s2 =	smov.u32 s5;
	s3 =	smov.u32 s4  }
0x156: {  	s4 =	sshra.s32 s0, $0x2;
	p1 =	sne.s32 s0, $0x7C;
	s0 =	sadd.s32 $0x4, s0;
	(v2sf) =	vpush v0, $0x0  }
0x157: {  	v0 =	vld.msk [tilespmem:s4+$0xF218], $0x1  }
.Ltmp18:
0x158: {  	(pc) =	sbr.rel @p1 .LBB2_24-.Ltmp18, $4  }
0x159: {  	s5 =	spop (v2sf)  }
0x15a: {  	p2 =	sne.s32 s3, $0xFFFFFFFF;
	s4 =	smov.u32 s5  }
0x15b: {  	p3 =	seq.s32 s5, $0xFFFFFFFF;
	s4 =	smov.u32 @p2 s3  }
0x15c: {  	s5 =	smov.u32 @p3 s2;
	s4 =	smov.u32 @p3 s3  }
0x15d: {  	(v2sf) =	vpush v0, $0x0;
	_ =	sdelay $0x8  }
0x15e: {  	s0 =	spop (v2sf)  }
0x15f: {  	p1 =	sne.s32 s4, $0xFFFFFFFF;
	s2 =	smov.u32 s0  }
0x160: {  	s9 =	simm.s32 $0x6;
	p2 =	seq.s32 s0, $0xFFFFFFFF;
	s2 =	smov.u32 @p1 s4  }
0x161: {  	s6 =	simm.s32 $0x0;
	s2 =	smov.u32 @p2 s4;
	s3 =	spop (v2sf)  }
0x162: {  	s0 =	smov.u32 @p2 s5;
	p1 =	sne.s32 s2, $0xFFFFFFFF;
	s4 =	smov.u32 s3  }
.Ltmp19:
0x163: {  	p2 =	seq.s32 s3, $0xFFFFFFFF;
	s4 =	smov.u32 @p1 s2;
	(pc) =	sbr.rel .LBB2_26-.Ltmp19, $4  }
0x164: {  	s10 =	simm.s32 $0xF188;
	s4 =	smov.u32 @p2 s2;
	s7 =	spop (v2sf)  }
0x165: {  	s11 =	simm.s32 $0x0;
	p1 =	sne.s32 s4, $0xFFFFFFFF;
	s8 =	smov.u32 s7  }
0x166: {  	s3 =	smov.u32 @p2 s0;
	p2 =	seq.s32 s7, $0xFFFFFFFF;
	s8 =	smov.u32 @p1 s4  }
0x167: {  	[sflag:s9] =	ssyncpa.u1 $0x0;
	s7 =	smov.u32 @p2 s3;
	s8 =	smov.u32 @p2 s4  }
.LBB2_32:
0x168: {  	p1 =	sgt.u32 s12, $0x4E1FF0  }
0x169: {  	p2 =	seq.s32 @!p1 s12, s8  }
0x16a: {  	p1 =	por p1, p2  }
0x16b: {  	p2 =	sne.s32 @!p1 s12, s7  }
0x16c: {  	p1 =	por p1, !p2  }
0x16d: {  	s0 =	sshll.u32 @p1 s11, $0x9  }
0x16e: {  	s0 =	sand.u32 @!p1 $0x7FFFF8, s12  }
0x16f: {  	s2 =	sand.u32 @!p1 $0x7, s12;
	s0 =	sadd.s32 @!p1 s1, s0  }
0x170: {  	[tilespmem:s10], [sflag:$0x6] =	stream.linear.gather @!p1 [hbm4b:s0+s2], $0x80, $0x38;
	[tilespmem:$0x1F6F8] =	vst v63  }
0x171: {  	_ =	swait.ge @!p1 [sflag:s9], $0x80  }
0x172: {  	[sflag:s9] =	ssyncset.done @!p1 $0x0  }
0x173: {  	s0 =	sshll.u32 @!p1 s11, $0x9;
	[sflag:s9] =	ssyncadd.s32 @!p1 $0xFFFFFF80  }
0x174: {  	s2 =	sshrl.u32 @!p1 s0, $0x2;
	v1 =	vld @!p1 [tilespmem:$0xF188]  }
0x175: {  	v2 =	vld @!p1 [tilespmem:s2+$0xF238];
	_ =	sdelay $0x4  }
0x176: {  	v1 =	vmax.f32 @!p1 v1, v2  }
0x177: {  	v2 =	vld @!p1 [tilespmem:s2+$0xF248];
	[tilespmem:s2+$0xF238] =	vst @!p1 v1  }
0x178: {  	v1 =	vld @!p1 [tilespmem:$0xF198];
	_ =	sdelay $0x4  }
0x179: {  	v1 =	vmax.f32 @!p1 v1, v2  }
0x17a: {  	v2 =	vld @!p1 [tilespmem:s2+$0xF258];
	[tilespmem:s2+$0xF248] =	vst @!p1 v1  }
0x17b: {  	v1 =	vld @!p1 [tilespmem:$0xF1A8];
	_ =	sdelay $0x4  }
0x17c: {  	v1 =	vmax.f32 @!p1 v1, v2  }
0x17d: {  	v2 =	vld @!p1 [tilespmem:s2+$0xF268];
	[tilespmem:s2+$0xF258] =	vst @!p1 v1  }
0x17e: {  	v1 =	vld @!p1 [tilespmem:$0xF1B8];
	_ =	sdelay $0x4  }
0x17f: {  	v1 =	vmax.f32 @!p1 v1, v2  }
0x180: {  	v2 =	vld @!p1 [tilespmem:s2+$0xF278];
	[tilespmem:s2+$0xF268] =	vst @!p1 v1  }
0x181: {  	v1 =	vld @!p1 [tilespmem:$0xF1C8];
	_ =	sdelay $0x4  }
0x182: {  	v1 =	vmax.f32 @!p1 v1, v2  }
0x183: {  	v2 =	vld @!p1 [tilespmem:s2+$0xF288];
	[tilespmem:s2+$0xF278] =	vst @!p1 v1  }
0x184: {  	v1 =	vld @!p1 [tilespmem:$0xF1D8];
	_ =	sdelay $0x4  }
0x185: {  	v1 =	vmax.f32 @!p1 v1, v2  }
0x186: {  	v2 =	vld @!p1 [tilespmem:s2+$0xF298];
	[tilespmem:s2+$0xF288] =	vst @!p1 v1  }
0x187: {  	v1 =	vld @!p1 [tilespmem:$0xF1E8];
	_ =	sdelay $0x4  }
0x188: {  	v1 =	vmax.f32 @!p1 v1, v2  }
0x189: {  	v2 =	vld @!p1 [tilespmem:s2+$0xF2A8];
	[tilespmem:s2+$0xF298] =	vst @!p1 v1  }
0x18a: {  	v1 =	vld @!p1 [tilespmem:$0xF1F8];
	_ =	sdelay $0x4  }
0x18b: {  	v1 =	vmax.f32 @!p1 v1, v2  }
0x18c: {  	[tilespmem:s2+$0xF2A8] =	vst @!p1 v1  }
0x18d: {  	s0 =	sshrl.u32 s0, $0x2;
	[tilespmem:s6+$0xF218] =	vst.msk $0x1, v0  }
0x18e: {  	v0 =	vld [tilespmem:s0+$0xF238];
	_ =	sdelay $0x2  }
0x18f: {  	s31 =	sshll.u32 s6, $0x9  }
0x190: {  	s2 =	sshra.s32 s31, $0x2  }
0x191: {  	[tilespmem:s2+$0xF238] =	vst v0  }
0x192: {  	v0 =	vld [tilespmem:s0+$0xF248];
	_ =	sdelay $0x4  }
0x193: {  	[tilespmem:s2+$0xF248] =	vst v0  }
0x194: {  	v0 =	vld [tilespmem:s0+$0xF258];
	_ =	sdelay $0x4  }
0x195: {  	[tilespmem:s2+$0xF258] =	vst v0  }
0x196: {  	v0 =	vld [tilespmem:s0+$0xF268];
	_ =	sdelay $0x4  }
0x197: {  	[tilespmem:s2+$0xF268] =	vst v0  }
0x198: {  	v0 =	vld [tilespmem:s0+$0xF278];
	_ =	sdelay $0x4  }
0x199: {  	[tilespmem:s2+$0xF278] =	vst v0  }
0x19a: {  	v0 =	vld [tilespmem:s0+$0xF288];
	_ =	sdelay $0x4  }
0x19b: {  	[tilespmem:s2+$0xF288] =	vst v0  }
0x19c: {  	v0 =	vld [tilespmem:s0+$0xF298];
	_ =	sdelay $0x4  }
0x19d: {  	[tilespmem:s2+$0xF298] =	vst v0  }
0x19e: {  	v0 =	vld [tilespmem:s0+$0xF2A8];
	_ =	sdelay $0x4  }
0x19f: {  	s6 =	sadd.s32 $0x1, s6;
	[tilespmem:s2+$0xF2A8] =	vst v0  }
.LBB2_33:
0x1a0: {  	s11 =	sadd.s32 $0x1, s11  }
0x1a1: {  	p1 =	sne.s32 s11, $0x20  }
.Ltmp20:
0x1a2: {  	_ = 	snop;
	(pc) =	sbr.rel @!p1 .LBB2_34-.Ltmp20, $1  }
0x1a3: {  	_ =	sdelay $0x3  }
.LBB2_26:
0x1a4: {  	v0 =	vld.msk [tilespmem:s11+$0xF218], $0x1;
	_ =	sdelay $0x4  }
0x1a5: {  	(v2sf) =	vpush v0, $0x0;
	_ =	sdelay $0xe  }
0x1a6: {  	s12 =	spop (v2sf)  }
0x1a7: {  	p1 =	seq.s32 s12, $0xFFFFFFFF  }
.Ltmp21:
0x1a8: {  	_ = 	snop;
	(pc) =	sbr.rel @p1 .LBB2_33-.Ltmp21, $1  }
0x1a9: {  	_ =	sdelay $0x3  }
0x1aa: {  	p1 =	slt.s32 s6, $0x1  }
.Ltmp22:
0x1ab: {  	_ = 	snop;
	(pc) =	sbr.rel @p1 .LBB2_32-.Ltmp22, $1  }
0x1ac: {  	_ =	sdelay $0x3  }
0x1ad: {  	s13 =	simm.s32 $0xF218;
	p1 =	por $0x0, $0x0  }
0x1ae: {  	v1 =	vld.msk @!p1 [tilespmem:s13+$0x0], $0x1;
	_ =	sdelay $0x4  }
0x1af: {  	(v2sf) =	vpush @!p1 v1, $0x0;
	_ =	sdelay $0xd  }
0x1b0: {  	p3 =	sne.s32 s6, $0x1  }
.Ltmp23:
0x1b1: {  	s0 =	spop @!p1 (v2sf);
	(pc) =	sbr.rel @!p3 .LBB2_30-.Ltmp23, $4  }
0x1b2: {  	p2 =	seq.s32 @!p1 s12, s0  }
0x1b3: {  	s14 =	simm.s32 $0x0;
	p2 =	por !p2, p1  }
0x1b4: {  	s2 =	simm.s32 $0xFFFFFFFF;
	s14 =	simm.s32 @p2 $0xFFFFFFFF  }
0x1b5: {  	s0 =	simm.s32 $0x1;
	s14 =	smov.u32 @p1 s2  }
.LBB2_29:
0x1b6: {  	s2 =	smov.u32 s14;
	p1 =	sne.s32 s14, $0xFFFFFFFF  }
0x1b7: {  	s13 =	sadd.s32 $0x1, s13;
	s14 =	smov.u32 s0;
	s0 =	sadd.s32 $0x1, s0  }
0x1b8: {  	p2 =	sne.s32 s6, s0;
	v1 =	vld.msk @!p1 [tilespmem:s13+$0x0], $0x1;
	_ =	sdelay $0x4  }
0x1b9: {  	(v2sf) =	vpush @!p1 v1, $0x0;
	_ =	sdelay $0xe  }
.Ltmp24:
0x1ba: {  	s3 =	spop @!p1 (v2sf);
	(pc) =	sbr.rel @p2 .LBB2_29-.Ltmp24, $4  }
0x1bb: {  	p3 =	seq.s32 @!p1 s12, s3  }
0x1bc: {  	p3 =	por !p3, p1  }
0x1bd: {  	s14 =	simm.s32 @p3 $0xFFFFFFFF  }
0x1be: {  	s14 =	smov.u32 @p1 s2  }
.LBB2_30:
0x1bf: {  	p1 =	seq.s32 s14, $0xFFFFFFFF  }
.Ltmp25:
0x1c0: {  	_ = 	snop;
	(pc) =	sbr.rel @p1 .LBB2_32-.Ltmp25, $1  }
0x1c1: {  	_ =	sdelay $0x3  }
0x1c2: {  	s0 =	sshll.u32 s11, $0x7  }
0x1c3: {  	s2 =	sshll.u32 s14, $0x9;
	s0 =	sand.u32 $0x3FFFFF80, s0  }
0x1c4: {  	s2 =	sshra.s32 s2, $0x2;
	v0 =	vld [tilespmem:s0+$0xF238]  }
0x1c5: {  	v1 =	vld [tilespmem:s2+$0xF238];
	_ =	sdelay $0x4  }
0x1c6: {  	v0 =	vmax.f32 v0, v1  }
0x1c7: {  	v57 =	vld [tilespmem:s2+$0xF248];
	[tilespmem:s2+$0xF238] =	vst v0  }
0x1c8: {  	v0 =	vld [tilespmem:s0+$0xF248];
	_ =	sdelay $0x4  }
0x1c9: {  	v0 =	vmax.f32 v0, v57  }
0x1ca: {  	v58 =	vld [tilespmem:s2+$0xF258];
	[tilespmem:s2+$0xF248] =	vst v0  }
0x1cb: {  	v0 =	vld [tilespmem:s0+$0xF258];
	_ =	sdelay $0x4  }
0x1cc: {  	v0 =	vmax.f32 v0, v58  }
0x1cd: {  	v59 =	vld [tilespmem:s2+$0xF268];
	[tilespmem:s2+$0xF258] =	vst v0  }
0x1ce: {  	v0 =	vld [tilespmem:s0+$0xF268];
	_ =	sdelay $0x4  }
0x1cf: {  	v0 =	vmax.f32 v0, v59  }
0x1d0: {  	v60 =	vld [tilespmem:s2+$0xF278];
	[tilespmem:s2+$0xF268] =	vst v0  }
0x1d1: {  	v0 =	vld [tilespmem:s0+$0xF278];
	_ =	sdelay $0x4  }
0x1d2: {  	v0 =	vmax.f32 v0, v60  }
0x1d3: {  	v61 =	vld [tilespmem:s2+$0xF288];
	[tilespmem:s2+$0xF278] =	vst v0  }
0x1d4: {  	v0 =	vld [tilespmem:s0+$0xF288];
	_ =	sdelay $0x4  }
0x1d5: {  	v0 =	vmax.f32 v0, v61  }
0x1d6: {  	v62 =	vld [tilespmem:s2+$0xF298];
	[tilespmem:s2+$0xF288] =	vst v0  }
0x1d7: {  	v0 =	vld [tilespmem:s0+$0xF298];
	_ =	sdelay $0x4  }
0x1d8: {  	v0 =	vmax.f32 v0, v62  }
0x1d9: {  	v63 =	vld [tilespmem:s2+$0xF2A8];
	[tilespmem:s2+$0xF298] =	vst v0  }
0x1da: {  	v0 =	vld [tilespmem:s0+$0xF2A8];
	_ =	sdelay $0x1  }
.Ltmp26:
0x1db: {  	_ = 	snop;
	(pc) =	sbr.rel .LBB2_33-.Ltmp26, $3  }
0x1dc: {  	_ =	sdelay $0x1  }
0x1dd: {  	v0 =	vmax.f32 v0, v63  }
0x1de: {  	[tilespmem:s2+$0xF2A8] =	vst v0  }
.LBB2_34:
0x1df: {  	s0 =	simm.s32 $0x6;
	p1 =	seq.s32 s6, $0x0  }
0x1e0: {  	[sflag:s0] =	ssyncpa.u1 $0x1;
	v0 =	vimm.s32 @p1 $0xFFFFFFFF  }
0x1e1: {  	s9 =	sadd.s32 $0xFFFFFFFF, s6;
	[tilespmem:$0x10238] =	vst @p1 v0  }
0x1e2: {  	v0 =	vld.msk @!p1 [tilespmem:s9+$0xF218], $0x1;
	_ =	sdelay $0x1  }
0x1e3: {  	v1 =	vld.msk @!p1 [tilespmem:$0xF218], $0x1;
	_ =	sdelay $0x2  }
0x1e4: {  	p2 =	seq.s32 @!p1 s9, $0x0;
	v0 =	vbroadcast @!p1 v0, $0x0  }
0x1e5: {  	vm0 =	vmmov @!p1 $0x1;
	p2 =	por !p2, p1  }
0x1e6: {  	v1 =	vnsel @!p1 vm0, $0xFFFFFFFF, v1;
	vm0 =	vcmask @!p1 $0x308;
	v0 =	vpsel !p2, $0xFFFFFFFF, v0  }
0x1e7: {  	p2 =	sne.s32 @!p1 s8, s7;
	v0 =	vsel @!p1 vm0, v1, v0  }
0x1e8: {  	s0 =	simm.s32 @!p1 $0xF238;
	s2 =	simm.s32 @!p1 $0x0;
	p3 =	por !p2, p1;
	[tilespmem:$0x10238] =	vst @!p1 v0  }
0x1e9: {  	[spmem:s2] =	stream.linear.scatter @!p1 [tilespmem:s0], [sflag:$0x1], $0x80, $0x38;
	[tilespmem:$0x1F6F8] =	vst v63  }
0x1ea: {  	s0 =	sshll.u32 @!p3 s9, $0x9  }
0x1eb: {  	s0 =	sshra.s32 @!p3 s0, $0x2  }
0x1ec: {  	s2 =	simm.s32 @!p3 $0x80;
	s0 =	sadd.s32 @!p3 $0xF238, s0  }
0x1ed: {  	[spmem:s2] =	stream.linear.scatter @!p3 [tilespmem:s0], [sflag:$0x1], $0x80, $0x38;
	[tilespmem:$0x1F6F8] =	vst v63  }
0x1ee: {  	s0 =	simm.s32 @!p3 $0x1  }
0x1ef: {  	_ =	swait.ge @!p3 [sflag:s0], $0x100  }
0x1f0: {  	p1 =	por p2, p1;
	[sflag:s0] =	ssyncset.done @!p3 $0x0  }
0x1f1: {  	[sflag:s0] =	ssyncadd.s32 @!p3 $0xFFFFFF00;
	s0 =	simm.s32 @!p1 $0x1  }
0x1f2: {  	_ =	swait.ge @!p1 [sflag:s0], $0x80  }
0x1f3: {  	s29 =	simm.s32 $0x10238;
	[sflag:s0] =	ssyncset.done @!p1 $0x0  }
0x1f4: {  	s30 =	simm.s32 $0x1000;
	s31 =	simm.s32 $0x1;
	[sflag:s0] =	ssyncadd.s32 @!p1 $0xFFFFFF80  }
0x1f5: {  	[spmem:s30] =	stream.linear.scatter [tilespmem:s29], [sflag:$0x1], $0x10, $0x38;
	[tilespmem:$0x1F6F8] =	vst v63  }
0x1f6: {  	_ =	swait.ge [sflag:s31], $0x10  }
0x1f7: {  	[sflag:s31] =	ssyncset.done $0x0  }
0x1f8: {  	p1 =	seq.s32 s15, $0x0;
	s8 =	rddreg [dreg:$0x1];
	[sflag:s31] =	ssyncadd.s32 $0xFFFFFFF0  }
0x1f9: {  	s2 =	sshll.u32 @p1 s8, $0xE;
	s7 =	rddreg [dreg:$0x2]  }
0x1fa: {  	s0 =	sadd.s32 @p1 $0x15C3C, s2;
	s2 =	sshll.u32 @p1 s7, $0x11  }
0x1fb: {  	_ =	sfence.stream.spmem;
	s0 =	sor.u32 @p1 s2, s0  }
0x1fc: {  	[sflag:s0] =	ssyncadd.remote.s32 @p1 $0x1;
	s0 =	simm.s32 @p1 $0x4  }
0x1fd: {  	s3 =	simm.s32 @!p1 $0x3C;
	s2 =	sand.u32 $0xFFFFFFFE, s8;
	_ =	swait.ge @p1 [sflag:s0], $0x22  }
0x1fe: {  	s4 =	simm.s32 @!p1 $0x0;
	s2 =	sadd.s32 @!p1 $0x4, s2;
	[sflag:s0] =	ssyncset.done @p1 $0x0  }
0x1ff: {  	s5 =	simm.s32 @!p1 $0x100;
	[sflag:s0] =	ssyncadd.s32 @p1 $0xFFFFFFDE;
	s0 =	sshll.u32 @!p1 s2, $0x1A  }
0x200: {  	s2 =	sshll.u32 @!p1 s2, $0xD;
	s0 =	sor.u32 @!p1 s0, s7;
	_ =	swait.eq @!p1 [sflag:s3], $0x1  }
0x201: {  	s2 =	sor.u32 @!p1 $0x1C04, s2;
	s3 =	simm.s32 @!p1 $0x1C03;
	s0 =	sor.u32 @!p1 $0x80004000, s0  }
0x202: {  	[spmem:s5], [sflag:s2] =	dma.general @!p1 [spmem:s4], [sflag:s3], length:$0x20, [dreg:$0x0], stride_count:$0x0, ici_dest:s0, dma_misc:DstOpCode:WRITE  }
0x203: {  	p2 =	slt.s32 s9, $0x2;
	s4 =	simm.s32 @!p1 $0x200;
	s5 =	simm.s32 @!p1 $0x202  }
0x204: {  	[spmem:s5], [sflag:s2] =	dma.general @!p1 [spmem:s4], [sflag:s3], length:$0x2, [dreg:$0x0], stride_count:$0x0, ici_dest:s0, dma_misc:DstOpCode:WRITE  }
.Ltmp27:
0x205: {  	s0 =	simm.s32 @!p1 $0x3;
	(pc) =	sbr.rel @p2 .LBB2_38-.Ltmp27, $4  }
0x206: {  	s2 =	sshll.u32 @!p1 s8, $0xE;
	_ =	swait.ge @!p1 [sflag:s0], $0x22  }
0x207: {  	s3 =	sshll.u32 @!p1 s7, $0x11;
	s2 =	sadd.s32 @!p1 $0x11C3C, s2;
	[sflag:s0] =	ssyncset.done @!p1 $0x0  }
0x208: {  	[sflag:s0] =	ssyncadd.s32 @!p1 $0xFFFFFFDE;
	s0 =	sor.u32 @!p1 s3, s2  }
0x209: {  	[sflag:s0] =	ssyncadd.remote.s32 @!p1 $0xFFFFFFFF;
	s0 =	simm.s32 $0x0  }
0x20a: {  	s0 =	simm.s32 $0xF219  }
0x20b: {  	v0 =	vld.msk [tilespmem:s0+$0x0], $0x1;
	_ =	sdelay $0x4  }
0x20c: {  	(v2sf) =	vpush v0, $0x0;
	_ =	sdelay $0xb  }
0x20d: {  	s31 =	sadd.s32 $0xFFFFFFFE, s6  }
0x20e: {  	s0 =	sadd.s32 $0xFFFFFFFF, s31  }
0x20f: {  	p2 =	sne.s32 s0, $0x0  }
.Ltmp28:
0x210: {  	s2 =	spop (v2sf);
	(pc) =	sbr.rel @!p2 .LBB2_37-.Ltmp28, $4  }
0x211: {  	s4 =	simm.s32 $0xF2B8;
	s7 =	simm.s32 $0x0;
	p1 =	sgt.u32 s2, $0x4E1FF0  }
0x212: {  	s5 =	simm.s32 $0x0;
	s6 =	simm.s32 $0xF21A;
	s3 =	sand.u32 @!p1 $0x7FFFF8, s2  }
0x213: {  	s2 =	sand.u32 @!p1 $0x7, s2;
	s7 =	simm.s32 @!p1 $0x200;
	s3 =	sadd.s32 @!p1 s1, s3  }
0x214: {  	[hbm4b:s3+s2] =	stream.linear.scatter @!p1 [tilespmem:s4], [sflag:$0x5], $0x80, $0x38;
	[tilespmem:$0x1F6F8] =	vst v63  }
.LBB2_36:
0x215: {  	v0 =	vld.msk [tilespmem:s6+$0x0], $0x1;
	s0 =	sadd.s32 $0xFFFFFFFF, s0;
	s5 =	sadd.s32 s5, s7  }
0x216: {  	p1 =	sne.s32 s0, $0x0;
	_ =	sdelay $0x3  }
0x217: {  	(v2sf) =	vpush v0, $0x0;
	_ =	sdelay $0xe  }
.Ltmp29:
0x218: {  	s2 =	spop (v2sf);
	(pc) =	sbr.rel @p1 .LBB2_36-.Ltmp29, $4  }
0x219: {  	s7 =	simm.s32 $0x0;
	p2 =	sgt.u32 s2, $0x4E1FF0  }
0x21a: {  	s4 =	sadd.s32 $0x80, s4;
	s7 =	simm.s32 @!p2 $0x200;
	s3 =	sand.u32 @!p2 $0x7FFFF8, s2  }
0x21b: {  	s6 =	sadd.s32 $0x1, s6;
	s2 =	sand.u32 @!p2 $0x7, s2;
	s3 =	sadd.s32 @!p2 s1, s3  }
0x21c: {  	[hbm4b:s3+s2] =	stream.linear.scatter @!p2 [tilespmem:s4], [sflag:$0x5], $0x80, $0x38;
	[tilespmem:$0x1F6F8] =	vst v63  }
.LBB2_37:
0x21d: {  	s0 =	sadd.s32 s5, s7  }
0x21e: {  	s0 =	sshrl.u32 s0, $0x2  }
.LBB2_38:
0x21f: {  	s2 =	simm.s32 $0x5  }
0x220: {  	_ =	swait.ge [sflag:s2], s0  }
0x221: {  	s31 =	ssub.s32 $0x0, s0;
	[sflag:s2] =	ssyncset.done $0x0  }
0x222: {  	[sflag:s2] =	ssyncadd.s32 s31  }
0x223: {  	[sflag:s2] =	ssyncpa.u1 $0x1  }
.LBB2_39:
0x224: {  	s0 =	sor.u32 s15, s16  }
0x225: {  	p1 =	sne.s32 s0, $0x0  }
.Ltmp30:
0x226: {  	_ = 	snop;
	(pc) =	sbr.rel @p1 .LBB2_54-.Ltmp30, $3  }
0x227: {  	_ =	sdelay $0x1  }
0x228: {  	[bflag:$0x0] =	sbarrier.arrive $0xFFFF  }
0x229: {  	_ =	sfence  }
0x22a: {  	s0 =	simm.s32 $0x7  }
0x22b: {  	s2 =	simm.s32 $0x1000;
	s3 =	simm.s32 $0xF218;
	[sflag:s0] =	ssyncpa.u1 $0x0  }
0x22c: {  	[tilespmem:s3], [sflag:$0x7] =	stream.linear.gather [spmem:s2], $0x20, $0x38;
	[tilespmem:$0x1F6F8] =	vst v63  }
0x22d: {  	s30 =	simm.s32 $0xF238;
	s2 =	simm.s32 $0x0  }
0x22e: {  	[tilespmem:s30], [sflag:$0x7] =	stream.linear.gather [spmem:s2], $0x1000, $0x38;
	[tilespmem:$0x1F6F8] =	vst v63  }
.Ltmp31:
0x22f: {  	_ = 	snop;
	(pc) =	sbr.rel .LBB2_41-.Ltmp31, $4  }
0x230: {  	_ =	swait.ge [sflag:s0], $0x1020  }
0x231: {  	[sflag:s0] =	ssyncset.done $0x0  }
0x232: {  	s31 =	simm.s32 $0x8;
	[sflag:s0] =	ssyncadd.s32 $0xFFFFEFE0  }
0x233: {  	s3 =	simm.s32 $0x0;
	[sflag:s31] =	ssyncpa.u1 $0x0  }
.LBB2_47:
0x234: {  	p1 =	slt.u32 s4, $0x4E1FF1  }
0x235: {  	s0 =	sand.u32 @p1 $0x7FFFF8, s4  }
0x236: {  	s4 =	sand.u32 @p1 $0x7, s4;
	s5 =	simm.s32 @p1 $0xF188;
	s0 =	sadd.s32 @p1 s1, s0  }
0x237: {  	[tilespmem:s5], [sflag:$0x8] =	stream.linear.gather @p1 [hbm4b:s0+s4], $0x80, $0x38;
	[tilespmem:$0x1F6F8] =	vst v63  }
0x238: {  	s0 =	simm.s32 @p1 $0x8  }
0x239: {  	_ =	swait.ge @p1 [sflag:s0], $0x80  }
0x23a: {  	[sflag:s0] =	ssyncset.done @p1 $0x0  }
0x23b: {  	[sflag:s0] =	ssyncadd.s32 @p1 $0xFFFFFF80;
	s0 =	sshll.u32 @p1 s3, $0x9  }
0x23c: {  	s4 =	sshrl.u32 @p1 s0, $0x2;
	v1 =	vld @p1 [tilespmem:$0xF188]  }
0x23d: {  	v2 =	vld @p1 [tilespmem:s4+$0xF238];
	_ =	sdelay $0x4  }
0x23e: {  	v1 =	vmax.f32 @p1 v1, v2  }
0x23f: {  	v2 =	vld @p1 [tilespmem:s4+$0xF248];
	[tilespmem:s4+$0xF238] =	vst @p1 v1  }
0x240: {  	v1 =	vld @p1 [tilespmem:$0xF198];
	_ =	sdelay $0x4  }
0x241: {  	v1 =	vmax.f32 @p1 v1, v2  }
0x242: {  	v2 =	vld @p1 [tilespmem:s4+$0xF258];
	[tilespmem:s4+$0xF248] =	vst @p1 v1  }
0x243: {  	v1 =	vld @p1 [tilespmem:$0xF1A8];
	_ =	sdelay $0x4  }
0x244: {  	v1 =	vmax.f32 @p1 v1, v2  }
0x245: {  	v2 =	vld @p1 [tilespmem:s4+$0xF268];
	[tilespmem:s4+$0xF258] =	vst @p1 v1  }
0x246: {  	v1 =	vld @p1 [tilespmem:$0xF1B8];
	_ =	sdelay $0x4  }
0x247: {  	v1 =	vmax.f32 @p1 v1, v2  }
0x248: {  	v2 =	vld @p1 [tilespmem:s4+$0xF278];
	[tilespmem:s4+$0xF268] =	vst @p1 v1  }
0x249: {  	v1 =	vld @p1 [tilespmem:$0xF1C8];
	_ =	sdelay $0x4  }
0x24a: {  	v1 =	vmax.f32 @p1 v1, v2  }
0x24b: {  	v2 =	vld @p1 [tilespmem:s4+$0xF288];
	[tilespmem:s4+$0xF278] =	vst @p1 v1  }
0x24c: {  	v1 =	vld @p1 [tilespmem:$0xF1D8];
	_ =	sdelay $0x4  }
0x24d: {  	v1 =	vmax.f32 @p1 v1, v2  }
0x24e: {  	v2 =	vld @p1 [tilespmem:s4+$0xF298];
	[tilespmem:s4+$0xF288] =	vst @p1 v1  }
0x24f: {  	v1 =	vld @p1 [tilespmem:$0xF1E8];
	_ =	sdelay $0x4  }
0x250: {  	v1 =	vmax.f32 @p1 v1, v2  }
0x251: {  	v2 =	vld @p1 [tilespmem:s4+$0xF2A8];
	[tilespmem:s4+$0xF298] =	vst @p1 v1  }
0x252: {  	v1 =	vld @p1 [tilespmem:$0xF1F8];
	_ =	sdelay $0x4  }
0x253: {  	s5 =	sshll.u32 @!p1 s3, $0x9;
	v1 =	vmax.f32 @p1 v1, v2  }
0x254: {  	s5 =	smov.u32 @p1 s0;
	[tilespmem:s4+$0xF2A8] =	vst @p1 v1  }
0x255: {  	s0 =	sshrl.u32 s5, $0x2;
	[tilespmem:s2+$0xF218] =	vst.msk $0x1, v0  }
0x256: {  	v0 =	vld [tilespmem:s0+$0xF238];
	_ =	sdelay $0x2  }
0x257: {  	s31 =	sshll.u32 s2, $0x9  }
0x258: {  	s4 =	sshra.s32 s31, $0x2  }
0x259: {  	[tilespmem:s4+$0xF238] =	vst v0  }
0x25a: {  	v0 =	vld [tilespmem:s0+$0xF248];
	_ =	sdelay $0x4  }
0x25b: {  	[tilespmem:s4+$0xF248] =	vst v0  }
0x25c: {  	v0 =	vld [tilespmem:s0+$0xF258];
	_ =	sdelay $0x4  }
0x25d: {  	[tilespmem:s4+$0xF258] =	vst v0  }
0x25e: {  	v0 =	vld [tilespmem:s0+$0xF268];
	_ =	sdelay $0x4  }
0x25f: {  	[tilespmem:s4+$0xF268] =	vst v0  }
0x260: {  	v0 =	vld [tilespmem:s0+$0xF278];
	_ =	sdelay $0x4  }
0x261: {  	[tilespmem:s4+$0xF278] =	vst v0  }
0x262: {  	v0 =	vld [tilespmem:s0+$0xF288];
	_ =	sdelay $0x4  }
0x263: {  	[tilespmem:s4+$0xF288] =	vst v0  }
0x264: {  	v0 =	vld [tilespmem:s0+$0xF298];
	_ =	sdelay $0x4  }
0x265: {  	[tilespmem:s4+$0xF298] =	vst v0  }
0x266: {  	v0 =	vld [tilespmem:s0+$0xF2A8];
	_ =	sdelay $0x4  }
0x267: {  	s2 =	sadd.s32 $0x1, s2;
	[tilespmem:s4+$0xF2A8] =	vst v0  }
.LBB2_48:
0x268: {  	s3 =	sadd.s32 $0x1, s3  }
0x269: {  	p1 =	sne.s32 s3, $0x20  }
.Ltmp32:
0x26a: {  	_ = 	snop;
	(pc) =	sbr.rel @!p1 .LBB2_49-.Ltmp32, $1  }
0x26b: {  	_ =	sdelay $0x3  }
.LBB2_41:
0x26c: {  	v0 =	vld.msk [tilespmem:s3+$0xF218], $0x1;
	_ =	sdelay $0x4  }
0x26d: {  	(v2sf) =	vpush v0, $0x0;
	_ =	sdelay $0xe  }
0x26e: {  	s4 =	spop (v2sf)  }
0x26f: {  	p1 =	seq.s32 s4, $0xFFFFFFFF  }
.Ltmp33:
0x270: {  	_ = 	snop;
	(pc) =	sbr.rel @p1 .LBB2_48-.Ltmp33, $1  }
0x271: {  	_ =	sdelay $0x3  }
0x272: {  	p1 =	slt.s32 s2, $0x1  }
.Ltmp34:
0x273: {  	_ = 	snop;
	(pc) =	sbr.rel @p1 .LBB2_47-.Ltmp34, $1  }
0x274: {  	_ =	sdelay $0x3  }
0x275: {  	s5 =	simm.s32 $0xF218;
	p1 =	por $0x0, $0x0  }
0x276: {  	v1 =	vld.msk @!p1 [tilespmem:s5+$0x0], $0x1;
	_ =	sdelay $0x4  }
0x277: {  	(v2sf) =	vpush @!p1 v1, $0x0;
	_ =	sdelay $0xd  }
0x278: {  	p3 =	sne.s32 s2, $0x1  }
.Ltmp35:
0x279: {  	s0 =	spop @!p1 (v2sf);
	(pc) =	sbr.rel @!p3 .LBB2_45-.Ltmp35, $4  }
0x27a: {  	p2 =	seq.s32 @!p1 s4, s0  }
0x27b: {  	s6 =	simm.s32 $0x0;
	p2 =	por !p2, p1  }
0x27c: {  	s7 =	simm.s32 $0xFFFFFFFF;
	s6 =	simm.s32 @p2 $0xFFFFFFFF  }
0x27d: {  	s0 =	simm.s32 $0x1;
	s6 =	smov.u32 @p1 s7  }
.LBB2_44:
0x27e: {  	s7 =	smov.u32 s6;
	p1 =	sne.s32 s6, $0xFFFFFFFF  }
0x27f: {  	s5 =	sadd.s32 $0x1, s5;
	s6 =	smov.u32 s0;
	s0 =	sadd.s32 $0x1, s0  }
0x280: {  	p2 =	sne.s32 s2, s0;
	v1 =	vld.msk @!p1 [tilespmem:s5+$0x0], $0x1;
	_ =	sdelay $0x4  }
0x281: {  	(v2sf) =	vpush @!p1 v1, $0x0;
	_ =	sdelay $0xe  }
.Ltmp36:
0x282: {  	s8 =	spop @!p1 (v2sf);
	(pc) =	sbr.rel @p2 .LBB2_44-.Ltmp36, $4  }
0x283: {  	p3 =	seq.s32 @!p1 s4, s8  }
0x284: {  	p3 =	por !p3, p1  }
0x285: {  	s6 =	simm.s32 @p3 $0xFFFFFFFF  }
0x286: {  	s6 =	smov.u32 @p1 s7  }
.LBB2_45:
0x287: {  	p1 =	seq.s32 s6, $0xFFFFFFFF  }
.Ltmp37:
0x288: {  	_ = 	snop;
	(pc) =	sbr.rel @p1 .LBB2_47-.Ltmp37, $1  }
0x289: {  	_ =	sdelay $0x3  }
0x28a: {  	s0 =	sshll.u32 s3, $0x7  }
0x28b: {  	s4 =	sshll.u32 s6, $0x9;
	s0 =	sand.u32 $0x3FFFFF80, s0  }
0x28c: {  	s4 =	sshra.s32 s4, $0x2;
	v0 =	vld [tilespmem:s0+$0xF238]  }
0x28d: {  	v1 =	vld [tilespmem:s4+$0xF238];
	_ =	sdelay $0x4  }
0x28e: {  	v0 =	vmax.f32 v0, v1  }
0x28f: {  	v57 =	vld [tilespmem:s4+$0xF248];
	[tilespmem:s4+$0xF238] =	vst v0  }
0x290: {  	v0 =	vld [tilespmem:s0+$0xF248];
	_ =	sdelay $0x4  }
0x291: {  	v0 =	vmax.f32 v0, v57  }
0x292: {  	v58 =	vld [tilespmem:s4+$0xF258];
	[tilespmem:s4+$0xF248] =	vst v0  }
0x293: {  	v0 =	vld [tilespmem:s0+$0xF258];
	_ =	sdelay $0x4  }
0x294: {  	v0 =	vmax.f32 v0, v58  }
0x295: {  	v59 =	vld [tilespmem:s4+$0xF268];
	[tilespmem:s4+$0xF258] =	vst v0  }
0x296: {  	v0 =	vld [tilespmem:s0+$0xF268];
	_ =	sdelay $0x4  }
0x297: {  	v0 =	vmax.f32 v0, v59  }
0x298: {  	v60 =	vld [tilespmem:s4+$0xF278];
	[tilespmem:s4+$0xF268] =	vst v0  }
0x299: {  	v0 =	vld [tilespmem:s0+$0xF278];
	_ =	sdelay $0x4  }
0x29a: {  	v0 =	vmax.f32 v0, v60  }
0x29b: {  	v61 =	vld [tilespmem:s4+$0xF288];
	[tilespmem:s4+$0xF278] =	vst v0  }
0x29c: {  	v0 =	vld [tilespmem:s0+$0xF288];
	_ =	sdelay $0x4  }
0x29d: {  	v0 =	vmax.f32 v0, v61  }
0x29e: {  	v62 =	vld [tilespmem:s4+$0xF298];
	[tilespmem:s4+$0xF288] =	vst v0  }
0x29f: {  	v0 =	vld [tilespmem:s0+$0xF298];
	_ =	sdelay $0x4  }
0x2a0: {  	v0 =	vmax.f32 v0, v62  }
0x2a1: {  	v63 =	vld [tilespmem:s4+$0xF2A8];
	[tilespmem:s4+$0xF298] =	vst v0  }
0x2a2: {  	v0 =	vld [tilespmem:s0+$0xF2A8];
	_ =	sdelay $0x1  }
.Ltmp38:
0x2a3: {  	_ = 	snop;
	(pc) =	sbr.rel .LBB2_48-.Ltmp38, $3  }
0x2a4: {  	_ =	sdelay $0x1  }
0x2a5: {  	v0 =	vmax.f32 v0, v63  }
0x2a6: {  	[tilespmem:s4+$0xF2A8] =	vst v0  }
.LBB2_49:
0x2a7: {  	p1 =	slt.s32 s2, $0x1  }
.Ltmp39:
0x2a8: {  	_ = 	snop;
	(pc) =	sbr.rel @p1 .LBB2_53-.Ltmp39, $3  }
0x2a9: {  	_ =	sdelay $0x1  }
0x2aa: {  	s0 =	simm.s32 $0x8  }
0x2ab: {  	s3 =	simm.s32 $0x0;
	[sflag:s0] =	ssyncpa.u1 $0x1  }
0x2ac: {  	s0 =	simm.s32 $0xF218  }
0x2ad: {  	v0 =	vld.msk [tilespmem:s0+$0x0], $0x1;
	_ =	sdelay $0x4  }
0x2ae: {  	(v2sf) =	vpush v0, $0x0;
	_ =	sdelay $0xe  }
0x2af: {  	s0 =	sadd.s32 $0xFFFFFFFF, s2;
	s5 =	spop (v2sf)  }
0x2b0: {  	p2 =	sne.s32 s0, $0x0;
	p1 =	sgt.u32 s5, $0x4E1FF0  }
.Ltmp40:
0x2b1: {  	s6 =	sand.u32 @!p1 $0x7FFFF8, s5;
	(pc) =	sbr.rel @!p2 .LBB2_52-.Ltmp40, $4  }
0x2b2: {  	s4 =	simm.s32 $0xF238;
	s5 =	sand.u32 @!p1 $0x7, s5;
	s2 =	sadd.s32 @!p1 s1, s6  }
0x2b3: {  	[hbm4b:s2+s5] =	stream.linear.scatter @!p1 [tilespmem:s4], [sflag:$0x7], $0x80, $0x38;
	[tilespmem:$0x1F6F8] =	vst v63  }
0x2b4: {  	s5 =	simm.s32 $0x0  }
0x2b5: {  	s2 =	simm.s32 $0xF219;
	s5 =	simm.s32 @!p1 $0x200  }
.LBB2_51:
0x2b6: {  	v0 =	vld.msk [tilespmem:s2+$0x0], $0x1;
	s0 =	sadd.s32 $0xFFFFFFFF, s0;
	s3 =	sadd.s32 s3, s5  }
0x2b7: {  	p1 =	sne.s32 s0, $0x0;
	_ =	sdelay $0x3  }
0x2b8: {  	(v2sf) =	vpush v0, $0x0;
	_ =	sdelay $0xe  }
.Ltmp41:
0x2b9: {  	s6 =	spop (v2sf);
	(pc) =	sbr.rel @p1 .LBB2_51-.Ltmp41, $4  }
0x2ba: {  	s5 =	simm.s32 $0x0;
	p2 =	sgt.u32 s6, $0x4E1FF0  }
0x2bb: {  	s4 =	sadd.s32 $0x80, s4;
	s5 =	simm.s32 @!p2 $0x200;
	s7 =	sand.u32 @!p2 $0x7FFFF8, s6  }
0x2bc: {  	s2 =	sadd.s32 $0x1, s2;
	s6 =	sand.u32 @!p2 $0x7, s6;
	s7 =	sadd.s32 @!p2 s1, s7  }
0x2bd: {  	[hbm4b:s7+s6] =	stream.linear.scatter @!p2 [tilespmem:s4], [sflag:$0x7], $0x80, $0x38;
	[tilespmem:$0x1F6F8] =	vst v63  }
.LBB2_52:
0x2be: {  	s0 =	sadd.s32 s3, s5  }
0x2bf: {  	s3 =	sshrl.u32 s0, $0x2  }
.LBB2_53:
0x2c0: {  	s0 =	simm.s32 $0x7  }
0x2c1: {  	_ =	swait.ge [sflag:s0], s3  }
0x2c2: {  	s1 =	ssub.s32 $0x0, s3;
	[sflag:s0] =	ssyncset.done $0x0  }
0x2c3: {  	[sflag:s0] =	ssyncadd.s32 s1  }
0x2c4: {  	[sflag:s0] =	ssyncpa.u1 $0x1  }
.LBB2_54:
0x2c5: {  	_ =	sfence;
	s0 =	simm.s32 $0x1  }
0x2c6: {  	[sflag:s0] =	ssyncpa.u1 $0x1  }
0x2c7: {  	_ =	strace $0x9000004A  }
0x2c8: {  	[bflag:$0x2] =	sbarrier.arrive $0xFFFF  }
0x2c9: {  	s0 =	rddreg [dreg:$0x3]  }
0x2ca: {  	s0 =	sadd.s32 @!p0 $0x100000, s0  }
0x2cb: {  	[sflag:s0] =	ssyncadd.tile.s32 @!p0 $0x1;
	_ =	shalt  }
.Lfunc_end2:
_tile_overlayer_lowered:
.L_overlay_start_2:
0x2cc: {  	(tag) =	ssettag $0x2  }
0x2cd: {  	s0 =	rddreg [dreg:$0x0];
	s2 =	stileid.u32  }
0x2ce: {  	s1 =	rddreg [dreg:$0x1];
	p0 =	sne.s32 s2, $0x0  }
0x2cf: {  	s3 =	rddreg [dreg:$0x2];
	[bflag:$0x3] =	sbarrier.arrive $0xFFFF;
	s2 =	simm.s32 @!p0 $0x1C01  }
0x2d0: {  	[timem:s3], [sflag:s2] =	dma.local @!p0 [hbm:s0], s1  }
0x2d1: {  	s0 =	simm.s32 @!p0 $0x1  }
0x2d2: {  	_ =	swait.ge @!p0 [sflag:s0], s1  }
0x2d3: {  	s1 =	ssub.s32 @!p0 $0x0, s1;
	[sflag:s0] =	ssyncset.done @!p0 $0x0  }
0x2d4: {  	[sflag:s0] =	ssyncadd.s32 @!p0 s1  }
0x2d5: {  	[bflag:$0x3] =	sbarrier.arrive $0xFFFF  }
0x2d6: {  	_ =	shalt  }

</sc_bundles>
